<compile_context>
chip_gen: v7x
topology: tpu7x:2x2x1
jax: 0.10.2.dev20260603
libtpu: 0.0.44.dev20260713+nightly
codegen_flags: <defaults>
</compile_context>

<pallas_src>
import jax
import jax.numpy as jnp
from jax import lax
from jax.experimental import pallas as pl
from jax.experimental.pallas import tpu as pltpu
from jax.experimental.pallas import tpu_sc as plsc

T = 4096
D = 2048
R = 4
L = 4096
B = R * L
NC, NS = 2, 16
NW = NC * NS
RPT = T // NW
C = 16
NSL = RPT // C
CAP = B + 16


def _routed_body(idx_hbm, table_hbm, out_hbm,
                 idx_v, own_l, slice_l, buf0, buf1,
                 isem, gsem0, gsem1, ssem):
    wid = lax.axis_index("s") * NC + lax.axis_index("c")
    tbase = wid * RPT

    bufs = (buf0, buf1)
    gsems = (gsem0, gsem1)

    pltpu.async_copy(table_hbm.at[pl.ds(tbase, C)], buf0, gsem0)
    pltpu.async_copy(table_hbm.at[pl.ds(tbase + C, C)], buf1, gsem1)
    pltpu.async_copy(idx_hbm, idx_v, isem)
    pltpu.make_async_copy(idx_hbm, idx_v, isem).wait()

    lanes = lax.iota(jnp.int32, 16)
    row_consts = [
        lax.shift_left(r * L + lanes, 7) for r in range(R)
    ]

    ones = jnp.full((16,), 1, jnp.int32)
    zeros = jnp.full((16,), 0, jnp.int32)

    def scan_step(i, off_vec):
        ibits = lax.shift_left(i, 11)
        for r in range(R):
            x = idx_v[r, pl.ds(i * 16, 16)]
            rel = x - tbase
            m = (rel >= 0) & (rel < RPT)
            mi = lax.select(m, ones, zeros)
            rank = plsc.cumsum(mi) - mi
            packed = (row_consts[r] | rel) + ibits
            plsc.store_scatter(own_l, [off_vec + rank], packed, mask=m)
            off_vec = off_vec + plsc.all_reduce_population_count(m)
        return off_vec

    n_own = lax.fori_loop(0, L // 16, scan_step, zeros)[0]

    def do_slice(sl, buf, gsem):
        lo = sl * C

        def filt_step(k, off_vec):
            v = own_l[pl.ds(k * 16, 16)]
            r = v & (RPT - 1)
            m = (r >= lo) & (r < lo + C) & (k * 16 + lanes < n_own)
            mi = lax.select(m, ones, zeros)
            rank = plsc.cumsum(mi) - mi
            plsc.store_scatter(slice_l, [off_vec + rank], v, mask=m)
            return off_vec + plsc.all_reduce_population_count(m)

        n_sl = lax.fori_loop(0, (n_own + 15) // 16, filt_step, zeros)[0]

        pltpu.make_async_copy(
            table_hbm.at[pl.ds(tbase + lo, C)], buf, gsem).wait()

        def fire(k, carry):
            v16 = slice_l[pl.ds(k * 16, 16)]
            for j in range(16):
                @pl.when(k * 16 + j < n_sl)
                def _():
                    v = v16[j]
                    pos = lax.shift_right_logical(v, 7)
                    row = (v & (RPT - 1)) - lo
                    pltpu.make_async_copy(
                        buf.at[pl.ds(row, 1)], out_hbm.at[pl.ds(pos, 1)],
                        ssem).start()
            return carry

        lax.fori_loop(0, (n_sl + 15) // 16, fire, 0)

        def drain16(j, carry):
            pltpu.make_async_copy(
                table_hbm.at[pl.ds(0, C)], buf, ssem).wait()
            return carry

        def drain1(j, carry):
            pltpu.make_async_copy(
                table_hbm.at[pl.ds(0, 1)], buf.at[pl.ds(0, 1)], ssem).wait()
            return carry

        lax.fori_loop(0, n_sl // 16, drain16, 0)
        lax.fori_loop(0, n_sl & 15, drain1, 0)

        @pl.when(sl + 2 < NSL)
        def _():
            pltpu.async_copy(
                table_hbm.at[pl.ds(tbase + (sl + 2) * C, C)], buf, gsem)

    def slice_pair(s2, carry):
        for b in range(2):
            do_slice(2 * s2 + b, bufs[b], gsems[b])
        return carry

    lax.fori_loop(0, NSL // 2, slice_pair, 0)


def kernel(pos, pos_embedding):
    mesh = plsc.VectorSubcoreMesh(core_axis_name="c", subcore_axis_name="s")
    out = pl.kernel(
        _routed_body,
        mesh=mesh,
        compiler_params=pltpu.CompilerParams(needs_layout_passes=False),
        out_type=jax.ShapeDtypeStruct((B, D), jnp.float32),
        scratch_types=[
            pltpu.VMEM((R, L), jnp.int32),
            pltpu.VMEM((CAP,), jnp.int32),
            pltpu.VMEM((CAP,), jnp.int32),
            pltpu.VMEM((C, D), jnp.float32),
            pltpu.VMEM((C, D), jnp.float32),
            pltpu.SemaphoreType.DMA,
            pltpu.SemaphoreType.DMA,
            pltpu.SemaphoreType.DMA,
            pltpu.SemaphoreType.DMA,
        ],
    )(pos, pos_embedding)
    return out.reshape(pos.shape[0], pos.shape[1], D)

# --- scband reference (transcript-rebuilt; emitter-appended) ---
"""Pipeline reference for scband-learned-pe-27633819582548 (READ-ONLY COPY).

The authoritative reference and input builder live on the scoring server;
editing this copy changes nothing except your own understanding.
"""

import jax, jax.numpy as jnp
import numpy as np

T = 4096
D = 2048

def setup_inputs(seed: int = 0) -> dict:
    key = jax.random.key(seed)
    k_pos, k_emb = jax.random.split(key)
    pos = jax.random.randint(k_pos, (4, 4096), 0, T, dtype=jnp.int64 if jax.config.jax_enable_x64 else jnp.int32)
    pos_embedding = jax.random.normal(k_emb, (T, D), dtype=jnp.float32)
    return {"pos": pos, "pos_embedding": pos_embedding}

def reference(pos, pos_embedding):
    # nn.Embedding lookup: gather rows of the table by index
    return jnp.take(pos_embedding, pos, axis=0)

if __name__ == "__main__":
    import jax
    _d = setup_inputs()
    print(jax.jit(kernel)(*tuple(_d.values())))

</pallas_src>

<mosaic_0001>
#map = affine_map<(d0, d1) -> (0, 0)>
module attributes {stable_mosaic.version = 14 : i64} {
  func.func @_routed_body(%arg0: i32, %arg1: i32, %arg2: memref<4x4096xi32, #tpu.memory_space<hbm>>, %arg3: memref<4096x2048xf32, #tpu.memory_space<hbm>>, %arg4: memref<16384x2048xf32, #tpu.memory_space<hbm>>, %arg5: memref<4x4096xi32, #tpu.memory_space<vmem>>, %arg6: memref<16400xi32, #tpu.memory_space<vmem>>, %arg7: memref<16400xi32, #tpu.memory_space<vmem>>, %arg8: memref<16x2048xf32, #tpu.memory_space<vmem>>, %arg9: memref<16x2048xf32, #tpu.memory_space<vmem>>, %arg10: memref<!tpu.dma_semaphore, #tpu.memory_space<semaphore_mem>>, %arg11: memref<!tpu.dma_semaphore, #tpu.memory_space<semaphore_mem>>, %arg12: memref<!tpu.dma_semaphore, #tpu.memory_space<semaphore_mem>>, %arg13: memref<!tpu.dma_semaphore, #tpu.memory_space<semaphore_mem>>) attributes {dimension_semantics = [#tpu.dimension_semantics<core_parallel>, #tpu.dimension_semantics<subcore_parallel>], iteration_bounds = array<i64: 2, 16>, scalar_prefetch = 0 : i64, scratch_operands = 9 : i64, tpu.core_type = #tpu.core_type<sc_vector_subcore>, window_params = [{transform_indices = #map}, {transform_indices = #map}, {transform_indices = #map}]} {
    %mul3A = arith.constant 2 : i32
    %mul3A_0 = arith.muli %arg1, %mul3A : i32
    %add3A = arith.addi %mul3A_0, %arg0 : i32
    %mul3A_1 = arith.constant 128 : i32
    %mul3A_2 = arith.muli %add3A, %mul3A_1 : i32
    %dma_start3A = arith.constant 0 : i32
    %dma_start3A_3 = tpu.memref_slice %arg3[%mul3A_2, %dma_start3A] : memref<4096x2048xf32, #tpu.memory_space<hbm>> -> memref<16x2048xf32, #tpu.memory_space<hbm>>
    %dma_start3A_4 = arith.constant 0 : i32
    %dma_start3A_5 = tpu.memref_slice %arg3[%mul3A_2, %dma_start3A_4] : memref<4096x2048xf32, #tpu.memory_space<hbm>> -> memref<16x2048xf32, #tpu.memory_space<hbm>>
    tpu.enqueue_dma source(%dma_start3A_5 : memref<16x2048xf32, #tpu.memory_space<hbm>>) target(%arg8 : memref<16x2048xf32, #tpu.memory_space<vmem>>) target_semaphore(%arg11 : memref<!tpu.dma_semaphore, #tpu.memory_space<semaphore_mem>>)
    %add3A_6 = arith.constant 16 : i32
    %add3A_7 = arith.addi %mul3A_2, %add3A_6 : i32
    %dma_start3A_8 = arith.constant 0 : i32
    %dma_start3A_9 = tpu.memref_slice %arg3[%add3A_7, %dma_start3A_8] : memref<4096x2048xf32, #tpu.memory_space<hbm>> -> memref<16x2048xf32, #tpu.memory_space<hbm>>
    %dma_start3A_10 = arith.constant 0 : i32
    %dma_start3A_11 = tpu.memref_slice %arg3[%add3A_7, %dma_start3A_10] : memref<4096x2048xf32, #tpu.memory_space<hbm>> -> memref<16x2048xf32, #tpu.memory_space<hbm>>
    tpu.enqueue_dma source(%dma_start3A_11 : memref<16x2048xf32, #tpu.memory_space<hbm>>) target(%arg9 : memref<16x2048xf32, #tpu.memory_space<vmem>>) target_semaphore(%arg12 : memref<!tpu.dma_semaphore, #tpu.memory_space<semaphore_mem>>)
    tpu.enqueue_dma source(%arg2 : memref<4x4096xi32, #tpu.memory_space<hbm>>) target(%arg5 : memref<4x4096xi32, #tpu.memory_space<vmem>>) target_semaphore(%arg10 : memref<!tpu.dma_semaphore, #tpu.memory_space<semaphore_mem>>)
    tpu.wait_dma2 semaphore(%arg10 : memref<!tpu.dma_semaphore, #tpu.memory_space<semaphore_mem>>) src(%arg2 : memref<4x4096xi32, #tpu.memory_space<hbm>>) dst(%arg5 : memref<4x4096xi32, #tpu.memory_space<vmem>>)
    %iota3A = tpu.iota {dimensions = array<i32: 0>} : vector<16xi32>
    %add3A_12 = arith.constant 0 : i32
    %add3A_13 = vector.broadcast %add3A_12 : i32 to vector<16xi32>
    %add3A_14 = arith.addi %add3A_13, %iota3A : vector<16xi32>
    %shift_left3A = arith.constant 7 : i32
    %shift_left3A_15 = vector.broadcast %shift_left3A : i32 to vector<16xi32>
    %shift_left3A_16 = arith.shli %add3A_14, %shift_left3A_15 : vector<16xi32>
    %add3A_17 = arith.constant 4096 : i32
    %add3A_18 = vector.broadcast %add3A_17 : i32 to vector<16xi32>
    %add3A_19 = arith.addi %add3A_18, %iota3A : vector<16xi32>
    %shift_left3A_20 = arith.constant 7 : i32
    %shift_left3A_21 = vector.broadcast %shift_left3A_20 : i32 to vector<16xi32>
    %shift_left3A_22 = arith.shli %add3A_19, %shift_left3A_21 : vector<16xi32>
    %add3A_23 = arith.constant 8192 : i32
    %add3A_24 = vector.broadcast %add3A_23 : i32 to vector<16xi32>
    %add3A_25 = arith.addi %add3A_24, %iota3A : vector<16xi32>
    %shift_left3A_26 = arith.constant 7 : i32
    %shift_left3A_27 = vector.broadcast %shift_left3A_26 : i32 to vector<16xi32>
    %shift_left3A_28 = arith.shli %add3A_25, %shift_left3A_27 : vector<16xi32>
    %add3A_29 = arith.constant 12288 : i32
    %add3A_30 = vector.broadcast %add3A_29 : i32 to vector<16xi32>
    %add3A_31 = arith.addi %add3A_30, %iota3A : vector<16xi32>
    %shift_left3A_32 = arith.constant 7 : i32
    %shift_left3A_33 = vector.broadcast %shift_left3A_32 : i32 to vector<16xi32>
    %shift_left3A_34 = arith.shli %add3A_31, %shift_left3A_33 : vector<16xi32>
    %broadcast_in_dim3A = arith.constant 1 : i32
    %broadcast_in_dim3A_35 = vector.broadcast %broadcast_in_dim3A : i32 to vector<16xi32>
    %broadcast_in_dim3A_36 = arith.constant 0 : i32
    %broadcast_in_dim3A_37 = vector.broadcast %broadcast_in_dim3A_36 : i32 to vector<16xi32>
    %scan3A = arith.constant 0 : i32
    %scan3A_38 = arith.constant 256 : i32
    %scan3A_39 = arith.addi %scan3A, %scan3A_38 : i32
    %scan3A_40 = arith.constant 1 : i32
    %scan3A_41 = scf.for %scan3A_49 = %scan3A to %scan3A_39 step %scan3A_40 iter_args(%scan3A_50 = %broadcast_in_dim3A_37) -> (vector<16xi32>)  : i32 {
      %shift_left3A_51 = arith.constant 11 : i32
      %shift_left3A_52 = arith.shli %scan3A_49, %shift_left3A_51 : i32
      %mul3A_53 = arith.constant 16 : i32
      %mul3A_54 = arith.muli %scan3A_49, %mul3A_53 : i32
      %get3A = arith.constant 0 : i32
      %get3A_55 = arith.index_cast %get3A : i32 to index
      %get3A_56 = arith.index_cast %mul3A_54 : i32 to index
      %get3A_57 = tpu.vector_load %arg5[%get3A_55, %get3A_56] {strides = array<i32>} : memref<4x4096xi32, #tpu.memory_space<vmem>>, vector<16xi32>,
      %sub3A = vector.broadcast %mul3A_2 : i32 to vector<16xi32>
      %sub3A_58 = arith.subi %get3A_57, %sub3A : vector<16xi32>
      %ge3A = arith.constant 0 : i32
      %ge3A_59 = vector.broadcast %ge3A : i32 to vector<16xi32>
      %ge3A_60 = arith.cmpi sge, %sub3A_58, %ge3A_59 : vector<16xi32>
      %lt3A = arith.constant 128 : i32
      %lt3A_61 = vector.broadcast %lt3A : i32 to vector<16xi32>
      %lt3A_62 = arith.cmpi slt, %sub3A_58, %lt3A_61 : vector<16xi32>
      %and3A = arith.andi %ge3A_60, %lt3A_62 : vector<16xi1>
      %select_n3A = arith.select %and3A, %broadcast_in_dim3A_35, %broadcast_in_dim3A_37 : vector<16xi1>, vector<16xi32>
      %broadcast_in_dim3A_63 = arith.constant true
      %broadcast_in_dim3A_64 = vector.broadcast %broadcast_in_dim3A_63 : i1 to vector<16xi1>
      %masked_cumsum3A = tpu.scan <sum>, %select_n3A masked %broadcast_in_dim3A_64 : vector<16xi32>, vector<16xi1> -> vector<16xi32>
      %sub3A_65 = arith.subi %masked_cumsum3A, %select_n3A : vector<16xi32>
      %or3A = arith.ori %shift_left3A_16, %sub3A_58 : vector<16xi32>
      %add3A_66 = vector.broadcast %shift_left3A_52 : i32 to vector<16xi32>
      %add3A_67 = arith.addi %or3A, %add3A_66 : vector<16xi32>
      %add3A_68 = arith.addi %scan3A_50, %sub3A_65 : vector<16xi32>
      tpu.vector_store_idx %arg6[%add3A_68], %add3A_67 masked %and3A : memref<16400xi32, #tpu.memory_space<vmem>>[vector<16xi32>], vector<16xi32>, vector<16xi1>
      %all_reduce_population_count3A = tpu.all_reduce %and3A {dim = 0 : i64, kind = #tpu.reduction_kind<sum>} : vector<16xi1> -> vector<16xi32>
      %add3A_69 = arith.addi %scan3A_50, %all_reduce_population_count3A : vector<16xi32>
      %mul3A_70 = arith.constant 16 : i32
      %mul3A_71 = arith.muli %scan3A_49, %mul3A_70 : i32
      %get3A_72 = arith.constant 1 : i32
      %get3A_73 = arith.index_cast %get3A_72 : i32 to index
      %get3A_74 = arith.index_cast %mul3A_71 : i32 to index
      %get3A_75 = tpu.vector_load %arg5[%get3A_73, %get3A_74] {strides = array<i32>} : memref<4x4096xi32, #tpu.memory_space<vmem>>, vector<16xi32>,
      %sub3A_76 = vector.broadcast %mul3A_2 : i32 to vector<16xi32>
      %sub3A_77 = arith.subi %get3A_75, %sub3A_76 : vector<16xi32>
      %ge3A_78 = arith.constant 0 : i32
      %ge3A_79 = vector.broadcast %ge3A_78 : i32 to vector<16xi32>
      %ge3A_80 = arith.cmpi sge, %sub3A_77, %ge3A_79 : vector<16xi32>
      %lt3A_81 = arith.constant 128 : i32
      %lt3A_82 = vector.broadcast %lt3A_81 : i32 to vector<16xi32>
      %lt3A_83 = arith.cmpi slt, %sub3A_77, %lt3A_82 : vector<16xi32>
      %and3A_84 = arith.andi %ge3A_80, %lt3A_83 : vector<16xi1>
      %select_n3A_85 = arith.select %and3A_84, %broadcast_in_dim3A_35, %broadcast_in_dim3A_37 : vector<16xi1>, vector<16xi32>
      %broadcast_in_dim3A_86 = arith.constant true
      %broadcast_in_dim3A_87 = vector.broadcast %broadcast_in_dim3A_86 : i1 to vector<16xi1>
      %masked_cumsum3A_88 = tpu.scan <sum>, %select_n3A_85 masked %broadcast_in_dim3A_87 : vector<16xi32>, vector<16xi1> -> vector<16xi32>
      %sub3A_89 = arith.subi %masked_cumsum3A_88, %select_n3A_85 : vector<16xi32>
      %or3A_90 = arith.ori %shift_left3A_22, %sub3A_77 : vector<16xi32>
      %add3A_91 = vector.broadcast %shift_left3A_52 : i32 to vector<16xi32>
      %add3A_92 = arith.addi %or3A_90, %add3A_91 : vector<16xi32>
      %add3A_93 = arith.addi %add3A_69, %sub3A_89 : vector<16xi32>
      tpu.vector_store_idx %arg6[%add3A_93], %add3A_92 masked %and3A_84 : memref<16400xi32, #tpu.memory_space<vmem>>[vector<16xi32>], vector<16xi32>, vector<16xi1>
      %all_reduce_population_count3A_94 = tpu.all_reduce %and3A_84 {dim = 0 : i64, kind = #tpu.reduction_kind<sum>} : vector<16xi1> -> vector<16xi32>
      %add3A_95 = arith.addi %add3A_69, %all_reduce_population_count3A_94 : vector<16xi32>
      %mul3A_96 = arith.constant 16 : i32
      %mul3A_97 = arith.muli %scan3A_49, %mul3A_96 : i32
      %get3A_98 = arith.constant 2 : i32
      %get3A_99 = arith.index_cast %get3A_98 : i32 to index
      %get3A_100 = arith.index_cast %mul3A_97 : i32 to index
      %get3A_101 = tpu.vector_load %arg5[%get3A_99, %get3A_100] {strides = array<i32>} : memref<4x4096xi32, #tpu.memory_space<vmem>>, vector<16xi32>,
      %sub3A_102 = vector.broadcast %mul3A_2 : i32 to vector<16xi32>
      %sub3A_103 = arith.subi %get3A_101, %sub3A_102 : vector<16xi32>
      %ge3A_104 = arith.constant 0 : i32
      %ge3A_105 = vector.broadcast %ge3A_104 : i32 to vector<16xi32>
      %ge3A_106 = arith.cmpi sge, %sub3A_103, %ge3A_105 : vector<16xi32>
      %lt3A_107 = arith.constant 128 : i32
      %lt3A_108 = vector.broadcast %lt3A_107 : i32 to vector<16xi32>
      %lt3A_109 = arith.cmpi slt, %sub3A_103, %lt3A_108 : vector<16xi32>
      %and3A_110 = arith.andi %ge3A_106, %lt3A_109 : vector<16xi1>
      %select_n3A_111 = arith.select %and3A_110, %broadcast_in_dim3A_35, %broadcast_in_dim3A_37 : vector<16xi1>, vector<16xi32>
      %broadcast_in_dim3A_112 = arith.constant true
      %broadcast_in_dim3A_113 = vector.broadcast %broadcast_in_dim3A_112 : i1 to vector<16xi1>
      %masked_cumsum3A_114 = tpu.scan <sum>, %select_n3A_111 masked %broadcast_in_dim3A_113 : vector<16xi32>, vector<16xi1> -> vector<16xi32>
      %sub3A_115 = arith.subi %masked_cumsum3A_114, %select_n3A_111 : vector<16xi32>
      %or3A_116 = arith.ori %shift_left3A_28, %sub3A_103 : vector<16xi32>
      %add3A_117 = vector.broadcast %shift_left3A_52 : i32 to vector<16xi32>
      %add3A_118 = arith.addi %or3A_116, %add3A_117 : vector<16xi32>
      %add3A_119 = arith.addi %add3A_95, %sub3A_115 : vector<16xi32>
      tpu.vector_store_idx %arg6[%add3A_119], %add3A_118 masked %and3A_110 : memref<16400xi32, #tpu.memory_space<vmem>>[vector<16xi32>], vector<16xi32>, vector<16xi1>
      %all_reduce_population_count3A_120 = tpu.all_reduce %and3A_110 {dim = 0 : i64, kind = #tpu.reduction_kind<sum>} : vector<16xi1> -> vector<16xi32>
      %add3A_121 = arith.addi %add3A_95, %all_reduce_population_count3A_120 : vector<16xi32>
      %mul3A_122 = arith.constant 16 : i32
      %mul3A_123 = arith.muli %scan3A_49, %mul3A_122 : i32
      %get3A_124 = arith.constant 3 : i32
      %get3A_125 = arith.index_cast %get3A_124 : i32 to index
      %get3A_126 = arith.index_cast %mul3A_123 : i32 to index
      %get3A_127 = tpu.vector_load %arg5[%get3A_125, %get3A_126] {strides = array<i32>} : memref<4x4096xi32, #tpu.memory_space<vmem>>, vector<16xi32>,
      %sub3A_128 = vector.broadcast %mul3A_2 : i32 to vector<16xi32>
      %sub3A_129 = arith.subi %get3A_127, %sub3A_128 : vector<16xi32>
      %ge3A_130 = arith.constant 0 : i32
      %ge3A_131 = vector.broadcast %ge3A_130 : i32 to vector<16xi32>
      %ge3A_132 = arith.cmpi sge, %sub3A_129, %ge3A_131 : vector<16xi32>
      %lt3A_133 = arith.constant 128 : i32
      %lt3A_134 = vector.broadcast %lt3A_133 : i32 to vector<16xi32>
      %lt3A_135 = arith.cmpi slt, %sub3A_129, %lt3A_134 : vector<16xi32>
      %and3A_136 = arith.andi %ge3A_132, %lt3A_135 : vector<16xi1>
      %select_n3A_137 = arith.select %and3A_136, %broadcast_in_dim3A_35, %broadcast_in_dim3A_37 : vector<16xi1>, vector<16xi32>
      %broadcast_in_dim3A_138 = arith.constant true
      %broadcast_in_dim3A_139 = vector.broadcast %broadcast_in_dim3A_138 : i1 to vector<16xi1>
      %masked_cumsum3A_140 = tpu.scan <sum>, %select_n3A_137 masked %broadcast_in_dim3A_139 : vector<16xi32>, vector<16xi1> -> vector<16xi32>
      %sub3A_141 = arith.subi %masked_cumsum3A_140, %select_n3A_137 : vector<16xi32>
      %or3A_142 = arith.ori %shift_left3A_34, %sub3A_129 : vector<16xi32>
      %add3A_143 = vector.broadcast %shift_left3A_52 : i32 to vector<16xi32>
      %add3A_144 = arith.addi %or3A_142, %add3A_143 : vector<16xi32>
      %add3A_145 = arith.addi %add3A_121, %sub3A_141 : vector<16xi32>
      tpu.vector_store_idx %arg6[%add3A_145], %add3A_144 masked %and3A_136 : memref<16400xi32, #tpu.memory_space<vmem>>[vector<16xi32>], vector<16xi32>, vector<16xi1>
      %all_reduce_population_count3A_146 = tpu.all_reduce %and3A_136 {dim = 0 : i64, kind = #tpu.reduction_kind<sum>} : vector<16xi1> -> vector<16xi32>
      %add3A_147 = arith.addi %add3A_121, %all_reduce_population_count3A_146 : vector<16xi32>
      scf.yield %add3A_147 : vector<16xi32>
    }
    %scan3A_42 = arith.constant 256 : i32
    %slice3A = vector.extract_strided_slice %scan3A_41 {offsets = [0], sizes = [1], strides = [1]} : vector<16xi32> to vector<1xi32>
    %squeeze3A = vector.extract %slice3A[0] : i32 from vector<1xi32>
    %scan3A_43 = arith.constant 0 : i32
    %scan3A_44 = arith.constant 0 : i32
    %scan3A_45 = arith.constant 4 : i32
    %scan3A_46 = arith.addi %scan3A_44, %scan3A_45 : i32
    %scan3A_47 = arith.constant 1 : i32
    scf.for %scan3A_49 = %scan3A_44 to %scan3A_46 step %scan3A_47  : i32 {
      %mul3A_50 = arith.constant 2 : i32
      %mul3A_51 = arith.muli %mul3A_50, %scan3A_49 : i32
      %add3A_52 = arith.constant 0 : i32
      %add3A_53 = arith.addi %mul3A_51, %add3A_52 : i32
      %mul3A_54 = arith.constant 16 : i32
      %mul3A_55 = arith.muli %add3A_53, %mul3A_54 : i32
      %add3A_56 = arith.constant 15 : i32
      %add3A_57 = arith.addi %squeeze3A, %add3A_56 : i32
      %jit3A = arith.constant 16 : i32
      %div3A = arith.divsi %add3A_57, %jit3A : i32
      %sign3A = arith.constant 0 : i32
      %sign3A_58 = arith.cmpi sgt, %add3A_57, %sign3A : i32
      %sign3A_59 = arith.extui %sign3A_58 : i1 to i32
      %sign3A_60 = arith.constant 0 : i32
      %sign3A_61 = arith.cmpi slt, %add3A_57, %sign3A_60 : i32
      %sign3A_62 = arith.extui %sign3A_61 : i1 to i32
      %sign3A_63 = arith.subi %sign3A_59, %sign3A_62 : i32
      %sign3A_64 = arith.constant 0 : i32
      %sign3A_65 = arith.cmpi sgt, %jit3A, %sign3A_64 : i32
      %sign3A_66 = arith.extui %sign3A_65 : i1 to i32
      %sign3A_67 = arith.constant 0 : i32
      %sign3A_68 = arith.cmpi slt, %jit3A, %sign3A_67 : i32
      %sign3A_69 = arith.extui %sign3A_68 : i1 to i32
      %sign3A_70 = arith.subi %sign3A_66, %sign3A_69 : i32
      %ne3A = arith.cmpi ne, %sign3A_63, %sign3A_70 : i32
      %rem3A = arith.remsi %add3A_57, %jit3A : i32
      %ne3A_71 = arith.constant 0 : i32
      %ne3A_72 = arith.cmpi ne, %rem3A, %ne3A_71 : i32
      %and3A = arith.andi %ne3A, %ne3A_72 : i1
      %sub3A = arith.constant 1 : i32
      %sub3A_73 = arith.subi %div3A, %sub3A : i32
      %select_n3A = arith.select %and3A, %sub3A_73, %div3A : i32
      %while3A = arith.constant 0 : i32
      %while3A_74 = arith.subi %select_n3A, %while3A : i32
      %while3A_75 = arith.addi %while3A, %while3A_74 : i32
      %while3A_76 = arith.constant 1 : i32
      %while3A_77 = arith.divsi %while3A_74, %while3A_76 : i32
      %while3A_78 = arith.muli %while3A_77, %while3A_76 : i32
      %while3A_79 = arith.addi %while3A, %while3A_78 : i32
      %while3A_80 = arith.constant 1 : i32
      %while3A_81 = scf.for %while3A_315 = %while3A to %while3A_79 step %while3A_80 iter_args(%while3A_316 = %broadcast_in_dim3A_37) -> (vector<16xi32>)  : i32 {
        %mul3A_317 = arith.constant 16 : i32
        %mul3A_318 = arith.muli %while3A_315, %mul3A_317 : i32
        %get3A = arith.index_cast %mul3A_318 : i32 to index
        %get3A_319 = tpu.vector_load %arg6[%get3A] {strides = array<i32>} : memref<16400xi32, #tpu.memory_space<vmem>>, vector<16xi32>,
        %and3A_320 = arith.constant 127 : i32
        %and3A_321 = vector.broadcast %and3A_320 : i32 to vector<16xi32>
        %and3A_322 = arith.andi %get3A_319, %and3A_321 : vector<16xi32>
        %ge3A = vector.broadcast %mul3A_55 : i32 to vector<16xi32>
        %ge3A_323 = arith.cmpi sge, %and3A_322, %ge3A : vector<16xi32>
        %add3A_324 = arith.constant 16 : i32
        %add3A_325 = arith.addi %mul3A_55, %add3A_324 : i32
        %lt3A_326 = vector.broadcast %add3A_325 : i32 to vector<16xi32>
        %lt3A_327 = arith.cmpi slt, %and3A_322, %lt3A_326 : vector<16xi32>
        %and3A_328 = arith.andi %ge3A_323, %lt3A_327 : vector<16xi1>
        %mul3A_329 = arith.constant 16 : i32
        %mul3A_330 = arith.muli %while3A_315, %mul3A_329 : i32
        %add3A_331 = vector.broadcast %mul3A_330 : i32 to vector<16xi32>
        %add3A_332 = arith.addi %add3A_331, %iota3A : vector<16xi32>
        %lt3A_333 = vector.broadcast %squeeze3A : i32 to vector<16xi32>
        %lt3A_334 = arith.cmpi slt, %add3A_332, %lt3A_333 : vector<16xi32>
        %and3A_335 = arith.andi %and3A_328, %lt3A_334 : vector<16xi1>
        %select_n3A_336 = arith.select %and3A_335, %broadcast_in_dim3A_35, %broadcast_in_dim3A_37 : vector<16xi1>, vector<16xi32>
        %broadcast_in_dim3A_337 = arith.constant true
        %broadcast_in_dim3A_338 = vector.broadcast %broadcast_in_dim3A_337 : i1 to vector<16xi1>
        %masked_cumsum3A = tpu.scan <sum>, %select_n3A_336 masked %broadcast_in_dim3A_338 : vector<16xi32>, vector<16xi1> -> vector<16xi32>
        %sub3A_339 = arith.subi %masked_cumsum3A, %select_n3A_336 : vector<16xi32>
        %add3A_340 = arith.addi %while3A_316, %sub3A_339 : vector<16xi32>
        tpu.vector_store_idx %arg7[%add3A_340], %get3A_319 masked %and3A_335 : memref<16400xi32, #tpu.memory_space<vmem>>[vector<16xi32>], vector<16xi32>, vector<16xi1>
        %all_reduce_population_count3A = tpu.all_reduce %and3A_335 {dim = 0 : i64, kind = #tpu.reduction_kind<sum>} : vector<16xi1> -> vector<16xi32>
        %add3A_341 = arith.addi %while3A_316, %all_reduce_population_count3A : vector<16xi32>
        scf.yield %add3A_341 : vector<16xi32>
      }
      %while3A_82 = arith.constant 1 : i32
      %while3A_83 = scf.for %while3A_315 = %while3A_79 to %while3A_75 step %while3A_82 iter_args(%while3A_316 = %while3A_81) -> (vector<16xi32>)  : i32 {
        %mul3A_317 = arith.constant 16 : i32
        %mul3A_318 = arith.muli %while3A_315, %mul3A_317 : i32
        %get3A = arith.index_cast %mul3A_318 : i32 to index
        %get3A_319 = tpu.vector_load %arg6[%get3A] {strides = array<i32>} : memref<16400xi32, #tpu.memory_space<vmem>>, vector<16xi32>,
        %and3A_320 = arith.constant 127 : i32
        %and3A_321 = vector.broadcast %and3A_320 : i32 to vector<16xi32>
        %and3A_322 = arith.andi %get3A_319, %and3A_321 : vector<16xi32>
        %ge3A = vector.broadcast %mul3A_55 : i32 to vector<16xi32>
        %ge3A_323 = arith.cmpi sge, %and3A_322, %ge3A : vector<16xi32>
        %add3A_324 = arith.constant 16 : i32
        %add3A_325 = arith.addi %mul3A_55, %add3A_324 : i32
        %lt3A_326 = vector.broadcast %add3A_325 : i32 to vector<16xi32>
        %lt3A_327 = arith.cmpi slt, %and3A_322, %lt3A_326 : vector<16xi32>
        %and3A_328 = arith.andi %ge3A_323, %lt3A_327 : vector<16xi1>
        %mul3A_329 = arith.constant 16 : i32
        %mul3A_330 = arith.muli %while3A_315, %mul3A_329 : i32
        %add3A_331 = vector.broadcast %mul3A_330 : i32 to vector<16xi32>
        %add3A_332 = arith.addi %add3A_331, %iota3A : vector<16xi32>
        %lt3A_333 = vector.broadcast %squeeze3A : i32 to vector<16xi32>
        %lt3A_334 = arith.cmpi slt, %add3A_332, %lt3A_333 : vector<16xi32>
        %and3A_335 = arith.andi %and3A_328, %lt3A_334 : vector<16xi1>
        %select_n3A_336 = arith.select %and3A_335, %broadcast_in_dim3A_35, %broadcast_in_dim3A_37 : vector<16xi1>, vector<16xi32>
        %broadcast_in_dim3A_337 = arith.constant true
        %broadcast_in_dim3A_338 = vector.broadcast %broadcast_in_dim3A_337 : i1 to vector<16xi1>
        %masked_cumsum3A = tpu.scan <sum>, %select_n3A_336 masked %broadcast_in_dim3A_338 : vector<16xi32>, vector<16xi1> -> vector<16xi32>
        %sub3A_339 = arith.subi %masked_cumsum3A, %select_n3A_336 : vector<16xi32>
        %add3A_340 = arith.addi %while3A_316, %sub3A_339 : vector<16xi32>
        tpu.vector_store_idx %arg7[%add3A_340], %get3A_319 masked %and3A_335 : memref<16400xi32, #tpu.memory_space<vmem>>[vector<16xi32>], vector<16xi32>, vector<16xi1>
        %all_reduce_population_count3A = tpu.all_reduce %and3A_335 {dim = 0 : i64, kind = #tpu.reduction_kind<sum>} : vector<16xi1> -> vector<16xi32>
        %add3A_341 = arith.addi %while3A_316, %all_reduce_population_count3A : vector<16xi32>
        scf.yield %add3A_341 : vector<16xi32>
      }
      %slice3A_84 = vector.extract_strided_slice %while3A_83 {offsets = [0], sizes = [1], strides = [1]} : vector<16xi32> to vector<1xi32>
      %squeeze3A_85 = vector.extract %slice3A_84[0] : i32 from vector<1xi32>
      %add3A_86 = arith.addi %mul3A_2, %mul3A_55 : i32
      %dma_wait3A = arith.constant 0 : i32
      %dma_wait3A_87 = tpu.memref_slice %arg3[%add3A_86, %dma_wait3A] : memref<4096x2048xf32, #tpu.memory_space<hbm>> -> memref<16x2048xf32, #tpu.memory_space<hbm>>
      %dma_wait3A_88 = arith.constant 0 : i32
      %dma_wait3A_89 = tpu.memref_slice %arg3[%add3A_86, %dma_wait3A_88] : memref<4096x2048xf32, #tpu.memory_space<hbm>> -> memref<16x2048xf32, #tpu.memory_space<hbm>>
      tpu.wait_dma2 semaphore(%arg11 : memref<!tpu.dma_semaphore, #tpu.memory_space<semaphore_mem>>) src(%dma_wait3A_89 : memref<16x2048xf32, #tpu.memory_space<hbm>>) dst(%arg8 : memref<16x2048xf32, #tpu.memory_space<vmem>>)
      %add3A_90 = arith.constant 15 : i32
      %add3A_91 = arith.addi %squeeze3A_85, %add3A_90 : i32
      %jit3A_92 = arith.constant 16 : i32
      %div3A_93 = arith.divsi %add3A_91, %jit3A_92 : i32
      %sign3A_94 = arith.constant 0 : i32
      %sign3A_95 = arith.cmpi sgt, %add3A_91, %sign3A_94 : i32
      %sign3A_96 = arith.extui %sign3A_95 : i1 to i32
      %sign3A_97 = arith.constant 0 : i32
      %sign3A_98 = arith.cmpi slt, %add3A_91, %sign3A_97 : i32
      %sign3A_99 = arith.extui %sign3A_98 : i1 to i32
      %sign3A_100 = arith.subi %sign3A_96, %sign3A_99 : i32
      %sign3A_101 = arith.constant 0 : i32
      %sign3A_102 = arith.cmpi sgt, %jit3A_92, %sign3A_101 : i32
      %sign3A_103 = arith.extui %sign3A_102 : i1 to i32
      %sign3A_104 = arith.constant 0 : i32
      %sign3A_105 = arith.cmpi slt, %jit3A_92, %sign3A_104 : i32
      %sign3A_106 = arith.extui %sign3A_105 : i1 to i32
      %sign3A_107 = arith.subi %sign3A_103, %sign3A_106 : i32
      %ne3A_108 = arith.cmpi ne, %sign3A_100, %sign3A_107 : i32
      %rem3A_109 = arith.remsi %add3A_91, %jit3A_92 : i32
      %ne3A_110 = arith.constant 0 : i32
      %ne3A_111 = arith.cmpi ne, %rem3A_109, %ne3A_110 : i32
      %and3A_112 = arith.andi %ne3A_108, %ne3A_111 : i1
      %sub3A_113 = arith.constant 1 : i32
      %sub3A_114 = arith.subi %div3A_93, %sub3A_113 : i32
      %select_n3A_115 = arith.select %and3A_112, %sub3A_114, %div3A_93 : i32
      %while3A_116 = arith.constant 0 : i32
      %while3A_117 = arith.constant 0 : i32
      %while3A_118 = arith.subi %select_n3A_115, %while3A_117 : i32
      %while3A_119 = arith.addi %while3A_117, %while3A_118 : i32
      %while3A_120 = arith.constant 1 : i32
      %while3A_121 = arith.divsi %while3A_118, %while3A_120 : i32
      %while3A_122 = arith.muli %while3A_121, %while3A_120 : i32
      %while3A_123 = arith.addi %while3A_117, %while3A_122 : i32
      %while3A_124 = arith.constant 1 : i32
      scf.for %while3A_315 = %while3A_117 to %while3A_123 step %while3A_124  : i32 {
        %mul3A_316 = arith.constant 16 : i32
        %mul3A_317 = arith.muli %while3A_315, %mul3A_316 : i32
        %get3A = arith.index_cast %mul3A_317 : i32 to index
        %get3A_318 = tpu.vector_load %arg7[%get3A] {strides = array<i32>} : memref<16400xi32, #tpu.memory_space<vmem>>, vector<16xi32>,
        %mul3A_319 = arith.constant 16 : i32
        %mul3A_320 = arith.muli %while3A_315, %mul3A_319 : i32
        %add3A_321 = arith.constant 0 : i32
        %add3A_322 = arith.addi %mul3A_320, %add3A_321 : i32
        %lt3A_323 = arith.cmpi slt, %add3A_322, %squeeze3A_85 : i32
        %convert_element_type3A_324 = arith.extui %lt3A_323 : i1 to i32
        %cond3A_325 = arith.constant 0 : i32
        %cond3A_326 = arith.cmpi ne, %convert_element_type3A_324, %cond3A_325 : i32
        scf.if %cond3A_326 {
          %slice3A_447 = vector.extract_strided_slice %get3A_318 {offsets = [0], sizes = [1], strides = [1]} : vector<16xi32> to vector<1xi32>
          %squeeze3A_448 = vector.extract %slice3A_447[0] : i32 from vector<1xi32>
          %shift_right_logical3A = arith.constant 7 : i32
          %shift_right_logical3A_449 = arith.shrui %squeeze3A_448, %shift_right_logical3A : i32
          %and3A_450 = arith.constant 127 : i32
          %and3A_451 = arith.andi %squeeze3A_448, %and3A_450 : i32
          %sub3A_452 = arith.subi %and3A_451, %mul3A_55 : i32
          %dma_start3A_453 = arith.constant 0 : i32
          %dma_start3A_454 = tpu.memref_slice %arg8[%sub3A_452, %dma_start3A_453] : memref<16x2048xf32, #tpu.memory_space<vmem>> -> memref<1x2048xf32, #tpu.memory_space<vmem>>
          %dma_start3A_455 = arith.constant 0 : i32
          %dma_start3A_456 = tpu.memref_slice %arg4[%shift_right_logical3A_449, %dma_start3A_455] : memref<16384x2048xf32, #tpu.memory_space<hbm>> -> memref<1x2048xf32, #tpu.memory_space<hbm>>
          %dma_start3A_457 = arith.constant 0 : i32
          %dma_start3A_458 = tpu.memref_slice %arg4[%shift_right_logical3A_449, %dma_start3A_457] : memref<16384x2048xf32, #tpu.memory_space<hbm>> -> memref<1x2048xf32, #tpu.memory_space<hbm>>
          %dma_start3A_459 = arith.constant 0 : i32
          %dma_start3A_460 = tpu.memref_slice %arg8[%sub3A_452, %dma_start3A_459] : memref<16x2048xf32, #tpu.memory_space<vmem>> -> memref<1x2048xf32, #tpu.memory_space<vmem>>
          tpu.enqueue_dma source(%dma_start3A_460 : memref<1x2048xf32, #tpu.memory_space<vmem>>) target(%dma_start3A_458 : memref<1x2048xf32, #tpu.memory_space<hbm>>) target_semaphore(%arg13 : memref<!tpu.dma_semaphore, #tpu.memory_space<semaphore_mem>>)
        } else {
        }
        %mul3A_327 = arith.constant 16 : i32
        %mul3A_328 = arith.muli %while3A_315, %mul3A_327 : i32
        %add3A_329 = arith.constant 1 : i32
        %add3A_330 = arith.addi %mul3A_328, %add3A_329 : i32
        %lt3A_331 = arith.cmpi slt, %add3A_330, %squeeze3A_85 : i32
        %convert_element_type3A_332 = arith.extui %lt3A_331 : i1 to i32
        %cond3A_333 = arith.constant 0 : i32
        %cond3A_334 = arith.cmpi ne, %convert_element_type3A_332, %cond3A_333 : i32
        scf.if %cond3A_334 {
          %slice3A_447 = vector.extract_strided_slice %get3A_318 {offsets = [1], sizes = [1], strides = [1]} : vector<16xi32> to vector<1xi32>
          %squeeze3A_448 = vector.extract %slice3A_447[0] : i32 from vector<1xi32>
          %shift_right_logical3A = arith.constant 7 : i32
          %shift_right_logical3A_449 = arith.shrui %squeeze3A_448, %shift_right_logical3A : i32
          %and3A_450 = arith.constant 127 : i32
          %and3A_451 = arith.andi %squeeze3A_448, %and3A_450 : i32
          %sub3A_452 = arith.subi %and3A_451, %mul3A_55 : i32
          %dma_start3A_453 = arith.constant 0 : i32
          %dma_start3A_454 = tpu.memref_slice %arg8[%sub3A_452, %dma_start3A_453] : memref<16x2048xf32, #tpu.memory_space<vmem>> -> memref<1x2048xf32, #tpu.memory_space<vmem>>
          %dma_start3A_455 = arith.constant 0 : i32
          %dma_start3A_456 = tpu.memref_slice %arg4[%shift_right_logical3A_449, %dma_start3A_455] : memref<16384x2048xf32, #tpu.memory_space<hbm>> -> memref<1x2048xf32, #tpu.memory_space<hbm>>
          %dma_start3A_457 = arith.constant 0 : i32
          %dma_start3A_458 = tpu.memref_slice %arg4[%shift_right_logical3A_449, %dma_start3A_457] : memref<16384x2048xf32, #tpu.memory_space<hbm>> -> memref<1x2048xf32, #tpu.memory_space<hbm>>
          %dma_start3A_459 = arith.constant 0 : i32
          %dma_start3A_460 = tpu.memref_slice %arg8[%sub3A_452, %dma_start3A_459] : memref<16x2048xf32, #tpu.memory_space<vmem>> -> memref<1x2048xf32, #tpu.memory_space<vmem>>
          tpu.enqueue_dma source(%dma_start3A_460 : memref<1x2048xf32, #tpu.memory_space<vmem>>) target(%dma_start3A_458 : memref<1x2048xf32, #tpu.memory_space<hbm>>) target_semaphore(%arg13 : memref<!tpu.dma_semaphore, #tpu.memory_space<semaphore_mem>>)
        } else {
        }
        %mul3A_335 = arith.constant 16 : i32
        %mul3A_336 = arith.muli %while3A_315, %mul3A_335 : i32
        %add3A_337 = arith.constant 2 : i32
        %add3A_338 = arith.addi %mul3A_336, %add3A_337 : i32
        %lt3A_339 = arith.cmpi slt, %add3A_338, %squeeze3A_85 : i32
        %convert_element_type3A_340 = arith.extui %lt3A_339 : i1 to i32
        %cond3A_341 = arith.constant 0 : i32
        %cond3A_342 = arith.cmpi ne, %convert_element_type3A_340, %cond3A_341 : i32
        scf.if %cond3A_342 {
          %slice3A_447 = vector.extract_strided_slice %get3A_318 {offsets = [2], sizes = [1], strides = [1]} : vector<16xi32> to vector<1xi32>
          %squeeze3A_448 = vector.extract %slice3A_447[0] : i32 from vector<1xi32>
          %shift_right_logical3A = arith.constant 7 : i32
          %shift_right_logical3A_449 = arith.shrui %squeeze3A_448, %shift_right_logical3A : i32
          %and3A_450 = arith.constant 127 : i32
          %and3A_451 = arith.andi %squeeze3A_448, %and3A_450 : i32
          %sub3A_452 = arith.subi %and3A_451, %mul3A_55 : i32
          %dma_start3A_453 = arith.constant 0 : i32
          %dma_start3A_454 = tpu.memref_slice %arg8[%sub3A_452, %dma_start3A_453] : memref<16x2048xf32, #tpu.memory_space<vmem>> -> memref<1x2048xf32, #tpu.memory_space<vmem>>
          %dma_start3A_455 = arith.constant 0 : i32
          %dma_start3A_456 = tpu.memref_slice %arg4[%shift_right_logical3A_449, %dma_start3A_455] : memref<16384x2048xf32, #tpu.memory_space<hbm>> -> memref<1x2048xf32, #tpu.memory_space<hbm>>
          %dma_start3A_457 = arith.constant 0 : i32
          %dma_start3A_458 = tpu.memref_slice %arg4[%shift_right_logical3A_449, %dma_start3A_457] : memref<16384x2048xf32, #tpu.memory_space<hbm>> -> memref<1x2048xf32, #tpu.memory_space<hbm>>
          %dma_start3A_459 = arith.constant 0 : i32
          %dma_start3A_460 = tpu.memref_slice %arg8[%sub3A_452, %dma_start3A_459] : memref<16x2048xf32, #tpu.memory_space<vmem>> -> memref<1x2048xf32, #tpu.memory_space<vmem>>
          tpu.enqueue_dma source(%dma_start3A_460 : memref<1x2048xf32, #tpu.memory_space<vmem>>) target(%dma_start3A_458 : memref<1x2048xf32, #tpu.memory_space<hbm>>) target_semaphore(%arg13 : memref<!tpu.dma_semaphore, #tpu.memory_space<semaphore_mem>>)
        } else {
        }
        %mul3A_343 = arith.constant 16 : i32
        %mul3A_344 = arith.muli %while3A_315, %mul3A_343 : i32
        %add3A_345 = arith.constant 3 : i32
        %add3A_346 = arith.addi %mul3A_344, %add3A_345 : i32
        %lt3A_347 = arith.cmpi slt, %add3A_346, %squeeze3A_85 : i32
        %convert_element_type3A_348 = arith.extui %lt3A_347 : i1 to i32
        %cond3A_349 = arith.constant 0 : i32
        %cond3A_350 = arith.cmpi ne, %convert_element_type3A_348, %cond3A_349 : i32
        scf.if %cond3A_350 {
          %slice3A_447 = vector.extract_strided_slice %get3A_318 {offsets = [3], sizes = [1], strides = [1]} : vector<16xi32> to vector<1xi32>
          %squeeze3A_448 = vector.extract %slice3A_447[0] : i32 from vector<1xi32>
          %shift_right_logical3A = arith.constant 7 : i32
          %shift_right_logical3A_449 = arith.shrui %squeeze3A_448, %shift_right_logical3A : i32
          %and3A_450 = arith.constant 127 : i32
          %and3A_451 = arith.andi %squeeze3A_448, %and3A_450 : i32
          %sub3A_452 = arith.subi %and3A_451, %mul3A_55 : i32
          %dma_start3A_453 = arith.constant 0 : i32
          %dma_start3A_454 = tpu.memref_slice %arg8[%sub3A_452, %dma_start3A_453] : memref<16x2048xf32, #tpu.memory_space<vmem>> -> memref<1x2048xf32, #tpu.memory_space<vmem>>
          %dma_start3A_455 = arith.constant 0 : i32
          %dma_start3A_456 = tpu.memref_slice %arg4[%shift_right_logical3A_449, %dma_start3A_455] : memref<16384x2048xf32, #tpu.memory_space<hbm>> -> memref<1x2048xf32, #tpu.memory_space<hbm>>
          %dma_start3A_457 = arith.constant 0 : i32
          %dma_start3A_458 = tpu.memref_slice %arg4[%shift_right_logical3A_449, %dma_start3A_457] : memref<16384x2048xf32, #tpu.memory_space<hbm>> -> memref<1x2048xf32, #tpu.memory_space<hbm>>
          %dma_start3A_459 = arith.constant 0 : i32
          %dma_start3A_460 = tpu.memref_slice %arg8[%sub3A_452, %dma_start3A_459] : memref<16x2048xf32, #tpu.memory_space<vmem>> -> memref<1x2048xf32, #tpu.memory_space<vmem>>
          tpu.enqueue_dma source(%dma_start3A_460 : memref<1x2048xf32, #tpu.memory_space<vmem>>) target(%dma_start3A_458 : memref<1x2048xf32, #tpu.memory_space<hbm>>) target_semaphore(%arg13 : memref<!tpu.dma_semaphore, #tpu.memory_space<semaphore_mem>>)
        } else {
        }
        %mul3A_351 = arith.constant 16 : i32
        %mul3A_352 = arith.muli %while3A_315, %mul3A_351 : i32
        %add3A_353 = arith.constant 4 : i32
        %add3A_354 = arith.addi %mul3A_352, %add3A_353 : i32
        %lt3A_355 = arith.cmpi slt, %add3A_354, %squeeze3A_85 : i32
        %convert_element_type3A_356 = arith.extui %lt3A_355 : i1 to i32
        %cond3A_357 = arith.constant 0 : i32
        %cond3A_358 = arith.cmpi ne, %convert_element_type3A_356, %cond3A_357 : i32
        scf.if %cond3A_358 {
          %slice3A_447 = vector.extract_strided_slice %get3A_318 {offsets = [4], sizes = [1], strides = [1]} : vector<16xi32> to vector<1xi32>
          %squeeze3A_448 = vector.extract %slice3A_447[0] : i32 from vector<1xi32>
          %shift_right_logical3A = arith.constant 7 : i32
          %shift_right_logical3A_449 = arith.shrui %squeeze3A_448, %shift_right_logical3A : i32
          %and3A_450 = arith.constant 127 : i32
          %and3A_451 = arith.andi %squeeze3A_448, %and3A_450 : i32
          %sub3A_452 = arith.subi %and3A_451, %mul3A_55 : i32
          %dma_start3A_453 = arith.constant 0 : i32
          %dma_start3A_454 = tpu.memref_slice %arg8[%sub3A_452, %dma_start3A_453] : memref<16x2048xf32, #tpu.memory_space<vmem>> -> memref<1x2048xf32, #tpu.memory_space<vmem>>
          %dma_start3A_455 = arith.constant 0 : i32
          %dma_start3A_456 = tpu.memref_slice %arg4[%shift_right_logical3A_449, %dma_start3A_455] : memref<16384x2048xf32, #tpu.memory_space<hbm>> -> memref<1x2048xf32, #tpu.memory_space<hbm>>
          %dma_start3A_457 = arith.constant 0 : i32
          %dma_start3A_458 = tpu.memref_slice %arg4[%shift_right_logical3A_449, %dma_start3A_457] : memref<16384x2048xf32, #tpu.memory_space<hbm>> -> memref<1x2048xf32, #tpu.memory_space<hbm>>
          %dma_start3A_459 = arith.constant 0 : i32
          %dma_start3A_460 = tpu.memref_slice %arg8[%sub3A_452, %dma_start3A_459] : memref<16x2048xf32, #tpu.memory_space<vmem>> -> memref<1x2048xf32, #tpu.memory_space<vmem>>
          tpu.enqueue_dma source(%dma_start3A_460 : memref<1x2048xf32, #tpu.memory_space<vmem>>) target(%dma_start3A_458 : memref<1x2048xf32, #tpu.memory_space<hbm>>) target_semaphore(%arg13 : memref<!tpu.dma_semaphore, #tpu.memory_space<semaphore_mem>>)
        } else {
        }
        %mul3A_359 = arith.constant 16 : i32
        %mul3A_360 = arith.muli %while3A_315, %mul3A_359 : i32
        %add3A_361 = arith.constant 5 : i32
        %add3A_362 = arith.addi %mul3A_360, %add3A_361 : i32
        %lt3A_363 = arith.cmpi slt, %add3A_362, %squeeze3A_85 : i32
        %convert_element_type3A_364 = arith.extui %lt3A_363 : i1 to i32
        %cond3A_365 = arith.constant 0 : i32
        %cond3A_366 = arith.cmpi ne, %convert_element_type3A_364, %cond3A_365 : i32
        scf.if %cond3A_366 {
          %slice3A_447 = vector.extract_strided_slice %get3A_318 {offsets = [5], sizes = [1], strides = [1]} : vector<16xi32> to vector<1xi32>
          %squeeze3A_448 = vector.extract %slice3A_447[0] : i32 from vector<1xi32>
          %shift_right_logical3A = arith.constant 7 : i32
          %shift_right_logical3A_449 = arith.shrui %squeeze3A_448, %shift_right_logical3A : i32
          %and3A_450 = arith.constant 127 : i32
          %and3A_451 = arith.andi %squeeze3A_448, %and3A_450 : i32
          %sub3A_452 = arith.subi %and3A_451, %mul3A_55 : i32
          %dma_start3A_453 = arith.constant 0 : i32
          %dma_start3A_454 = tpu.memref_slice %arg8[%sub3A_452, %dma_start3A_453] : memref<16x2048xf32, #tpu.memory_space<vmem>> -> memref<1x2048xf32, #tpu.memory_space<vmem>>
          %dma_start3A_455 = arith.constant 0 : i32
          %dma_start3A_456 = tpu.memref_slice %arg4[%shift_right_logical3A_449, %dma_start3A_455] : memref<16384x2048xf32, #tpu.memory_space<hbm>> -> memref<1x2048xf32, #tpu.memory_space<hbm>>
          %dma_start3A_457 = arith.constant 0 : i32
          %dma_start3A_458 = tpu.memref_slice %arg4[%shift_right_logical3A_449, %dma_start3A_457] : memref<16384x2048xf32, #tpu.memory_space<hbm>> -> memref<1x2048xf32, #tpu.memory_space<hbm>>
          %dma_start3A_459 = arith.constant 0 : i32
          %dma_start3A_460 = tpu.memref_slice %arg8[%sub3A_452, %dma_start3A_459] : memref<16x2048xf32, #tpu.memory_space<vmem>> -> memref<1x2048xf32, #tpu.memory_space<vmem>>
          tpu.enqueue_dma source(%dma_start3A_460 : memref<1x2048xf32, #tpu.memory_space<vmem>>) target(%dma_start3A_458 : memref<1x2048xf32, #tpu.memory_space<hbm>>) target_semaphore(%arg13 : memref<!tpu.dma_semaphore, #tpu.memory_space<semaphore_mem>>)
        } else {
        }
        %mul3A_367 = arith.constant 16 : i32
        %mul3A_368 = arith.muli %while3A_315, %mul3A_367 : i32
        %add3A_369 = arith.constant 6 : i32
        %add3A_370 = arith.addi %mul3A_368, %add3A_369 : i32
        %lt3A_371 = arith.cmpi slt, %add3A_370, %squeeze3A_85 : i32
        %convert_element_type3A_372 = arith.extui %lt3A_371 : i1 to i32
        %cond3A_373 = arith.constant 0 : i32
        %cond3A_374 = arith.cmpi ne, %convert_element_type3A_372, %cond3A_373 : i32
        scf.if %cond3A_374 {
          %slice3A_447 = vector.extract_strided_slice %get3A_318 {offsets = [6], sizes = [1], strides = [1]} : vector<16xi32> to vector<1xi32>
          %squeeze3A_448 = vector.extract %slice3A_447[0] : i32 from vector<1xi32>
          %shift_right_logical3A = arith.constant 7 : i32
          %shift_right_logical3A_449 = arith.shrui %squeeze3A_448, %shift_right_logical3A : i32
          %and3A_450 = arith.constant 127 : i32
          %and3A_451 = arith.andi %squeeze3A_448, %and3A_450 : i32
          %sub3A_452 = arith.subi %and3A_451, %mul3A_55 : i32
          %dma_start3A_453 = arith.constant 0 : i32
          %dma_start3A_454 = tpu.memref_slice %arg8[%sub3A_452, %dma_start3A_453] : memref<16x2048xf32, #tpu.memory_space<vmem>> -> memref<1x2048xf32, #tpu.memory_space<vmem>>
          %dma_start3A_455 = arith.constant 0 : i32
          %dma_start3A_456 = tpu.memref_slice %arg4[%shift_right_logical3A_449, %dma_start3A_455] : memref<16384x2048xf32, #tpu.memory_space<hbm>> -> memref<1x2048xf32, #tpu.memory_space<hbm>>
          %dma_start3A_457 = arith.constant 0 : i32
          %dma_start3A_458 = tpu.memref_slice %arg4[%shift_right_logical3A_449, %dma_start3A_457] : memref<16384x2048xf32, #tpu.memory_space<hbm>> -> memref<1x2048xf32, #tpu.memory_space<hbm>>
          %dma_start3A_459 = arith.constant 0 : i32
          %dma_start3A_460 = tpu.memref_slice %arg8[%sub3A_452, %dma_start3A_459] : memref<16x2048xf32, #tpu.memory_space<vmem>> -> memref<1x2048xf32, #tpu.memory_space<vmem>>
          tpu.enqueue_dma source(%dma_start3A_460 : memref<1x2048xf32, #tpu.memory_space<vmem>>) target(%dma_start3A_458 : memref<1x2048xf32, #tpu.memory_space<hbm>>) target_semaphore(%arg13 : memref<!tpu.dma_semaphore, #tpu.memory_space<semaphore_mem>>)
        } else {
        }
        %mul3A_375 = arith.constant 16 : i32
        %mul3A_376 = arith.muli %while3A_315, %mul3A_375 : i32
        %add3A_377 = arith.constant 7 : i32
        %add3A_378 = arith.addi %mul3A_376, %add3A_377 : i32
        %lt3A_379 = arith.cmpi slt, %add3A_378, %squeeze3A_85 : i32
        %convert_element_type3A_380 = arith.extui %lt3A_379 : i1 to i32
        %cond3A_381 = arith.constant 0 : i32
        %cond3A_382 = arith.cmpi ne, %convert_element_type3A_380, %cond3A_381 : i32
        scf.if %cond3A_382 {
          %slice3A_447 = vector.extract_strided_slice %get3A_318 {offsets = [7], sizes = [1], strides = [1]} : vector<16xi32> to vector<1xi32>
          %squeeze3A_448 = vector.extract %slice3A_447[0] : i32 from vector<1xi32>
          %shift_right_logical3A = arith.constant 7 : i32
          %shift_right_logical3A_449 = arith.shrui %squeeze3A_448, %shift_right_logical3A : i32
          %and3A_450 = arith.constant 127 : i32
          %and3A_451 = arith.andi %squeeze3A_448, %and3A_450 : i32
          %sub3A_452 = arith.subi %and3A_451, %mul3A_55 : i32
          %dma_start3A_453 = arith.constant 0 : i32
          %dma_start3A_454 = tpu.memref_slice %arg8[%sub3A_452, %dma_start3A_453] : memref<16x2048xf32, #tpu.memory_space<vmem>> -> memref<1x2048xf32, #tpu.memory_space<vmem>>
          %dma_start3A_455 = arith.constant 0 : i32
          %dma_start3A_456 = tpu.memref_slice %arg4[%shift_right_logical3A_449, %dma_start3A_455] : memref<16384x2048xf32, #tpu.memory_space<hbm>> -> memref<1x2048xf32, #tpu.memory_space<hbm>>
          %dma_start3A_457 = arith.constant 0 : i32
          %dma_start3A_458 = tpu.memref_slice %arg4[%shift_right_logical3A_449, %dma_start3A_457] : memref<16384x2048xf32, #tpu.memory_space<hbm>> -> memref<1x2048xf32, #tpu.memory_space<hbm>>
          %dma_start3A_459 = arith.constant 0 : i32
          %dma_start3A_460 = tpu.memref_slice %arg8[%sub3A_452, %dma_start3A_459] : memref<16x2048xf32, #tpu.memory_space<vmem>> -> memref<1x2048xf32, #tpu.memory_space<vmem>>
          tpu.enqueue_dma source(%dma_start3A_460 : memref<1x2048xf32, #tpu.memory_space<vmem>>) target(%dma_start3A_458 : memref<1x2048xf32, #tpu.memory_space<hbm>>) target_semaphore(%arg13 : memref<!tpu.dma_semaphore, #tpu.memory_space<semaphore_mem>>)
        } else {
        }
        %mul3A_383 = arith.constant 16 : i32
        %mul3A_384 = arith.muli %while3A_315, %mul3A_383 : i32
        %add3A_385 = arith.constant 8 : i32
        %add3A_386 = arith.addi %mul3A_384, %add3A_385 : i32
        %lt3A_387 = arith.cmpi slt, %add3A_386, %squeeze3A_85 : i32
        %convert_element_type3A_388 = arith.extui %lt3A_387 : i1 to i32
        %cond3A_389 = arith.constant 0 : i32
        %cond3A_390 = arith.cmpi ne, %convert_element_type3A_388, %cond3A_389 : i32
        scf.if %cond3A_390 {
          %slice3A_447 = vector.extract_strided_slice %get3A_318 {offsets = [8], sizes = [1], strides = [1]} : vector<16xi32> to vector<1xi32>
          %squeeze3A_448 = vector.extract %slice3A_447[0] : i32 from vector<1xi32>
          %shift_right_logical3A = arith.constant 7 : i32
          %shift_right_logical3A_449 = arith.shrui %squeeze3A_448, %shift_right_logical3A : i32
          %and3A_450 = arith.constant 127 : i32
          %and3A_451 = arith.andi %squeeze3A_448, %and3A_450 : i32
          %sub3A_452 = arith.subi %and3A_451, %mul3A_55 : i32
          %dma_start3A_453 = arith.constant 0 : i32
          %dma_start3A_454 = tpu.memref_slice %arg8[%sub3A_452, %dma_start3A_453] : memref<16x2048xf32, #tpu.memory_space<vmem>> -> memref<1x2048xf32, #tpu.memory_space<vmem>>
          %dma_start3A_455 = arith.constant 0 : i32
          %dma_start3A_456 = tpu.memref_slice %arg4[%shift_right_logical3A_449, %dma_start3A_455] : memref<16384x2048xf32, #tpu.memory_space<hbm>> -> memref<1x2048xf32, #tpu.memory_space<hbm>>
          %dma_start3A_457 = arith.constant 0 : i32
          %dma_start3A_458 = tpu.memref_slice %arg4[%shift_right_logical3A_449, %dma_start3A_457] : memref<16384x2048xf32, #tpu.memory_space<hbm>> -> memref<1x2048xf32, #tpu.memory_space<hbm>>
          %dma_start3A_459 = arith.constant 0 : i32
          %dma_start3A_460 = tpu.memref_slice %arg8[%sub3A_452, %dma_start3A_459] : memref<16x2048xf32, #tpu.memory_space<vmem>> -> memref<1x2048xf32, #tpu.memory_space<vmem>>
          tpu.enqueue_dma source(%dma_start3A_460 : memref<1x2048xf32, #tpu.memory_space<vmem>>) target(%dma_start3A_458 : memref<1x2048xf32, #tpu.memory_space<hbm>>) target_semaphore(%arg13 : memref<!tpu.dma_semaphore, #tpu.memory_space<semaphore_mem>>)
        } else {
        }
        %mul3A_391 = arith.constant 16 : i32
        %mul3A_392 = arith.muli %while3A_315, %mul3A_391 : i32
        %add3A_393 = arith.constant 9 : i32
        %add3A_394 = arith.addi %mul3A_392, %add3A_393 : i32
        %lt3A_395 = arith.cmpi slt, %add3A_394, %squeeze3A_85 : i32
        %convert_element_type3A_396 = arith.extui %lt3A_395 : i1 to i32
        %cond3A_397 = arith.constant 0 : i32
        %cond3A_398 = arith.cmpi ne, %convert_element_type3A_396, %cond3A_397 : i32
        scf.if %cond3A_398 {
          %slice3A_447 = vector.extract_strided_slice %get3A_318 {offsets = [9], sizes = [1], strides = [1]} : vector<16xi32> to vector<1xi32>
          %squeeze3A_448 = vector.extract %slice3A_447[0] : i32 from vector<1xi32>
          %shift_right_logical3A = arith.constant 7 : i32
          %shift_right_logical3A_449 = arith.shrui %squeeze3A_448, %shift_right_logical3A : i32
          %and3A_450 = arith.constant 127 : i32
          %and3A_451 = arith.andi %squeeze3A_448, %and3A_450 : i32
          %sub3A_452 = arith.subi %and3A_451, %mul3A_55 : i32
          %dma_start3A_453 = arith.constant 0 : i32
          %dma_start3A_454 = tpu.memref_slice %arg8[%sub3A_452, %dma_start3A_453] : memref<16x2048xf32, #tpu.memory_space<vmem>> -> memref<1x2048xf32, #tpu.memory_space<vmem>>
          %dma_start3A_455 = arith.constant 0 : i32
          %dma_start3A_456 = tpu.memref_slice %arg4[%shift_right_logical3A_449, %dma_start3A_455] : memref<16384x2048xf32, #tpu.memory_space<hbm>> -> memref<1x2048xf32, #tpu.memory_space<hbm>>
          %dma_start3A_457 = arith.constant 0 : i32
          %dma_start3A_458 = tpu.memref_slice %arg4[%shift_right_logical3A_449, %dma_start3A_457] : memref<16384x2048xf32, #tpu.memory_space<hbm>> -> memref<1x2048xf32, #tpu.memory_space<hbm>>
          %dma_start3A_459 = arith.constant 0 : i32
          %dma_start3A_460 = tpu.memref_slice %arg8[%sub3A_452, %dma_start3A_459] : memref<16x2048xf32, #tpu.memory_space<vmem>> -> memref<1x2048xf32, #tpu.memory_space<vmem>>
          tpu.enqueue_dma source(%dma_start3A_460 : memref<1x2048xf32, #tpu.memory_space<vmem>>) target(%dma_start3A_458 : memref<1x2048xf32, #tpu.memory_space<hbm>>) target_semaphore(%arg13 : memref<!tpu.dma_semaphore, #tpu.memory_space<semaphore_mem>>)
        } else {
        }
        %mul3A_399 = arith.constant 16 : i32
        %mul3A_400 = arith.muli %while3A_315, %mul3A_399 : i32
        %add3A_401 = arith.constant 10 : i32
        %add3A_402 = arith.addi %mul3A_400, %add3A_401 : i32
        %lt3A_403 = arith.cmpi slt, %add3A_402, %squeeze3A_85 : i32
        %convert_element_type3A_404 = arith.extui %lt3A_403 : i1 to i32
        %cond3A_405 = arith.constant 0 : i32
        %cond3A_406 = arith.cmpi ne, %convert_element_type3A_404, %cond3A_405 : i32
        scf.if %cond3A_406 {
          %slice3A_447 = vector.extract_strided_slice %get3A_318 {offsets = [10], sizes = [1], strides = [1]} : vector<16xi32> to vector<1xi32>
          %squeeze3A_448 = vector.extract %slice3A_447[0] : i32 from vector<1xi32>
          %shift_right_logical3A = arith.constant 7 : i32
          %shift_right_logical3A_449 = arith.shrui %squeeze3A_448, %shift_right_logical3A : i32
          %and3A_450 = arith.constant 127 : i32
          %and3A_451 = arith.andi %squeeze3A_448, %and3A_450 : i32
          %sub3A_452 = arith.subi %and3A_451, %mul3A_55 : i32
          %dma_start3A_453 = arith.constant 0 : i32
          %dma_start3A_454 = tpu.memref_slice %arg8[%sub3A_452, %dma_start3A_453] : memref<16x2048xf32, #tpu.memory_space<vmem>> -> memref<1x2048xf32, #tpu.memory_space<vmem>>
          %dma_start3A_455 = arith.constant 0 : i32
          %dma_start3A_456 = tpu.memref_slice %arg4[%shift_right_logical3A_449, %dma_start3A_455] : memref<16384x2048xf32, #tpu.memory_space<hbm>> -> memref<1x2048xf32, #tpu.memory_space<hbm>>
          %dma_start3A_457 = arith.constant 0 : i32
          %dma_start3A_458 = tpu.memref_slice %arg4[%shift_right_logical3A_449, %dma_start3A_457] : memref<16384x2048xf32, #tpu.memory_space<hbm>> -> memref<1x2048xf32, #tpu.memory_space<hbm>>
          %dma_start3A_459 = arith.constant 0 : i32
          %dma_start3A_460 = tpu.memref_slice %arg8[%sub3A_452, %dma_start3A_459] : memref<16x2048xf32, #tpu.memory_space<vmem>> -> memref<1x2048xf32, #tpu.memory_space<vmem>>
          tpu.enqueue_dma source(%dma_start3A_460 : memref<1x2048xf32, #tpu.memory_space<vmem>>) target(%dma_start3A_458 : memref<1x2048xf32, #tpu.memory_space<hbm>>) target_semaphore(%arg13 : memref<!tpu.dma_semaphore, #tpu.memory_space<semaphore_mem>>)
        } else {
        }
        %mul3A_407 = arith.constant 16 : i32
        %mul3A_408 = arith.muli %while3A_315, %mul3A_407 : i32
        %add3A_409 = arith.constant 11 : i32
        %add3A_410 = arith.addi %mul3A_408, %add3A_409 : i32
        %lt3A_411 = arith.cmpi slt, %add3A_410, %squeeze3A_85 : i32
        %convert_element_type3A_412 = arith.extui %lt3A_411 : i1 to i32
        %cond3A_413 = arith.constant 0 : i32
        %cond3A_414 = arith.cmpi ne, %convert_element_type3A_412, %cond3A_413 : i32
        scf.if %cond3A_414 {
          %slice3A_447 = vector.extract_strided_slice %get3A_318 {offsets = [11], sizes = [1], strides = [1]} : vector<16xi32> to vector<1xi32>
          %squeeze3A_448 = vector.extract %slice3A_447[0] : i32 from vector<1xi32>
          %shift_right_logical3A = arith.constant 7 : i32
          %shift_right_logical3A_449 = arith.shrui %squeeze3A_448, %shift_right_logical3A : i32
          %and3A_450 = arith.constant 127 : i32
          %and3A_451 = arith.andi %squeeze3A_448, %and3A_450 : i32
          %sub3A_452 = arith.subi %and3A_451, %mul3A_55 : i32
          %dma_start3A_453 = arith.constant 0 : i32
          %dma_start3A_454 = tpu.memref_slice %arg8[%sub3A_452, %dma_start3A_453] : memref<16x2048xf32, #tpu.memory_space<vmem>> -> memref<1x2048xf32, #tpu.memory_space<vmem>>
          %dma_start3A_455 = arith.constant 0 : i32
          %dma_start3A_456 = tpu.memref_slice %arg4[%shift_right_logical3A_449, %dma_start3A_455] : memref<16384x2048xf32, #tpu.memory_space<hbm>> -> memref<1x2048xf32, #tpu.memory_space<hbm>>
          %dma_start3A_457 = arith.constant 0 : i32
          %dma_start3A_458 = tpu.memref_slice %arg4[%shift_right_logical3A_449, %dma_start3A_457] : memref<16384x2048xf32, #tpu.memory_space<hbm>> -> memref<1x2048xf32, #tpu.memory_space<hbm>>
          %dma_start3A_459 = arith.constant 0 : i32
          %dma_start3A_460 = tpu.memref_slice %arg8[%sub3A_452, %dma_start3A_459] : memref<16x2048xf32, #tpu.memory_space<vmem>> -> memref<1x2048xf32, #tpu.memory_space<vmem>>
          tpu.enqueue_dma source(%dma_start3A_460 : memref<1x2048xf32, #tpu.memory_space<vmem>>) target(%dma_start3A_458 : memref<1x2048xf32, #tpu.memory_space<hbm>>) target_semaphore(%arg13 : memref<!tpu.dma_semaphore, #tpu.memory_space<semaphore_mem>>)
        } else {
        }
        %mul3A_415 = arith.constant 16 : i32
        %mul3A_416 = arith.muli %while3A_315, %mul3A_415 : i32
        %add3A_417 = arith.constant 12 : i32
        %add3A_418 = arith.addi %mul3A_416, %add3A_417 : i32
        %lt3A_419 = arith.cmpi slt, %add3A_418, %squeeze3A_85 : i32
        %convert_element_type3A_420 = arith.extui %lt3A_419 : i1 to i32
        %cond3A_421 = arith.constant 0 : i32
        %cond3A_422 = arith.cmpi ne, %convert_element_type3A_420, %cond3A_421 : i32
        scf.if %cond3A_422 {
          %slice3A_447 = vector.extract_strided_slice %get3A_318 {offsets = [12], sizes = [1], strides = [1]} : vector<16xi32> to vector<1xi32>
          %squeeze3A_448 = vector.extract %slice3A_447[0] : i32 from vector<1xi32>
          %shift_right_logical3A = arith.constant 7 : i32
          %shift_right_logical3A_449 = arith.shrui %squeeze3A_448, %shift_right_logical3A : i32
          %and3A_450 = arith.constant 127 : i32
          %and3A_451 = arith.andi %squeeze3A_448, %and3A_450 : i32
          %sub3A_452 = arith.subi %and3A_451, %mul3A_55 : i32
          %dma_start3A_453 = arith.constant 0 : i32
          %dma_start3A_454 = tpu.memref_slice %arg8[%sub3A_452, %dma_start3A_453] : memref<16x2048xf32, #tpu.memory_space<vmem>> -> memref<1x2048xf32, #tpu.memory_space<vmem>>
          %dma_start3A_455 = arith.constant 0 : i32
          %dma_start3A_456 = tpu.memref_slice %arg4[%shift_right_logical3A_449, %dma_start3A_455] : memref<16384x2048xf32, #tpu.memory_space<hbm>> -> memref<1x2048xf32, #tpu.memory_space<hbm>>
          %dma_start3A_457 = arith.constant 0 : i32
          %dma_start3A_458 = tpu.memref_slice %arg4[%shift_right_logical3A_449, %dma_start3A_457] : memref<16384x2048xf32, #tpu.memory_space<hbm>> -> memref<1x2048xf32, #tpu.memory_space<hbm>>
          %dma_start3A_459 = arith.constant 0 : i32
          %dma_start3A_460 = tpu.memref_slice %arg8[%sub3A_452, %dma_start3A_459] : memref<16x2048xf32, #tpu.memory_space<vmem>> -> memref<1x2048xf32, #tpu.memory_space<vmem>>
          tpu.enqueue_dma source(%dma_start3A_460 : memref<1x2048xf32, #tpu.memory_space<vmem>>) target(%dma_start3A_458 : memref<1x2048xf32, #tpu.memory_space<hbm>>) target_semaphore(%arg13 : memref<!tpu.dma_semaphore, #tpu.memory_space<semaphore_mem>>)
        } else {
        }
        %mul3A_423 = arith.constant 16 : i32
        %mul3A_424 = arith.muli %while3A_315, %mul3A_423 : i32
        %add3A_425 = arith.constant 13 : i32
        %add3A_426 = arith.addi %mul3A_424, %add3A_425 : i32
        %lt3A_427 = arith.cmpi slt, %add3A_426, %squeeze3A_85 : i32
        %convert_element_type3A_428 = arith.extui %lt3A_427 : i1 to i32
        %cond3A_429 = arith.constant 0 : i32
        %cond3A_430 = arith.cmpi ne, %convert_element_type3A_428, %cond3A_429 : i32
        scf.if %cond3A_430 {
          %slice3A_447 = vector.extract_strided_slice %get3A_318 {offsets = [13], sizes = [1], strides = [1]} : vector<16xi32> to vector<1xi32>
          %squeeze3A_448 = vector.extract %slice3A_447[0] : i32 from vector<1xi32>
          %shift_right_logical3A = arith.constant 7 : i32
          %shift_right_logical3A_449 = arith.shrui %squeeze3A_448, %shift_right_logical3A : i32
          %and3A_450 = arith.constant 127 : i32
          %and3A_451 = arith.andi %squeeze3A_448, %and3A_450 : i32
          %sub3A_452 = arith.subi %and3A_451, %mul3A_55 : i32
          %dma_start3A_453 = arith.constant 0 : i32
          %dma_start3A_454 = tpu.memref_slice %arg8[%sub3A_452, %dma_start3A_453] : memref<16x2048xf32, #tpu.memory_space<vmem>> -> memref<1x2048xf32, #tpu.memory_space<vmem>>
          %dma_start3A_455 = arith.constant 0 : i32
          %dma_start3A_456 = tpu.memref_slice %arg4[%shift_right_logical3A_449, %dma_start3A_455] : memref<16384x2048xf32, #tpu.memory_space<hbm>> -> memref<1x2048xf32, #tpu.memory_space<hbm>>
          %dma_start3A_457 = arith.constant 0 : i32
          %dma_start3A_458 = tpu.memref_slice %arg4[%shift_right_logical3A_449, %dma_start3A_457] : memref<16384x2048xf32, #tpu.memory_space<hbm>> -> memref<1x2048xf32, #tpu.memory_space<hbm>>
          %dma_start3A_459 = arith.constant 0 : i32
          %dma_start3A_460 = tpu.memref_slice %arg8[%sub3A_452, %dma_start3A_459] : memref<16x2048xf32, #tpu.memory_space<vmem>> -> memref<1x2048xf32, #tpu.memory_space<vmem>>
          tpu.enqueue_dma source(%dma_start3A_460 : memref<1x2048xf32, #tpu.memory_space<vmem>>) target(%dma_start3A_458 : memref<1x2048xf32, #tpu.memory_space<hbm>>) target_semaphore(%arg13 : memref<!tpu.dma_semaphore, #tpu.memory_space<semaphore_mem>>)
        } else {
        }
        %mul3A_431 = arith.constant 16 : i32
        %mul3A_432 = arith.muli %while3A_315, %mul3A_431 : i32
        %add3A_433 = arith.constant 14 : i32
        %add3A_434 = arith.addi %mul3A_432, %add3A_433 : i32
        %lt3A_435 = arith.cmpi slt, %add3A_434, %squeeze3A_85 : i32
        %convert_element_type3A_436 = arith.extui %lt3A_435 : i1 to i32
        %cond3A_437 = arith.constant 0 : i32
        %cond3A_438 = arith.cmpi ne, %convert_element_type3A_436, %cond3A_437 : i32
        scf.if %cond3A_438 {
          %slice3A_447 = vector.extract_strided_slice %get3A_318 {offsets = [14], sizes = [1], strides = [1]} : vector<16xi32> to vector<1xi32>
          %squeeze3A_448 = vector.extract %slice3A_447[0] : i32 from vector<1xi32>
          %shift_right_logical3A = arith.constant 7 : i32
          %shift_right_logical3A_449 = arith.shrui %squeeze3A_448, %shift_right_logical3A : i32
          %and3A_450 = arith.constant 127 : i32
          %and3A_451 = arith.andi %squeeze3A_448, %and3A_450 : i32
          %sub3A_452 = arith.subi %and3A_451, %mul3A_55 : i32
          %dma_start3A_453 = arith.constant 0 : i32
          %dma_start3A_454 = tpu.memref_slice %arg8[%sub3A_452, %dma_start3A_453] : memref<16x2048xf32, #tpu.memory_space<vmem>> -> memref<1x2048xf32, #tpu.memory_space<vmem>>
          %dma_start3A_455 = arith.constant 0 : i32
          %dma_start3A_456 = tpu.memref_slice %arg4[%shift_right_logical3A_449, %dma_start3A_455] : memref<16384x2048xf32, #tpu.memory_space<hbm>> -> memref<1x2048xf32, #tpu.memory_space<hbm>>
          %dma_start3A_457 = arith.constant 0 : i32
          %dma_start3A_458 = tpu.memref_slice %arg4[%shift_right_logical3A_449, %dma_start3A_457] : memref<16384x2048xf32, #tpu.memory_space<hbm>> -> memref<1x2048xf32, #tpu.memory_space<hbm>>
          %dma_start3A_459 = arith.constant 0 : i32
          %dma_start3A_460 = tpu.memref_slice %arg8[%sub3A_452, %dma_start3A_459] : memref<16x2048xf32, #tpu.memory_space<vmem>> -> memref<1x2048xf32, #tpu.memory_space<vmem>>
          tpu.enqueue_dma source(%dma_start3A_460 : memref<1x2048xf32, #tpu.memory_space<vmem>>) target(%dma_start3A_458 : memref<1x2048xf32, #tpu.memory_space<hbm>>) target_semaphore(%arg13 : memref<!tpu.dma_semaphore, #tpu.memory_space<semaphore_mem>>)
        } else {
        }
        %mul3A_439 = arith.constant 16 : i32
        %mul3A_440 = arith.muli %while3A_315, %mul3A_439 : i32
        %add3A_441 = arith.constant 15 : i32
        %add3A_442 = arith.addi %mul3A_440, %add3A_441 : i32
        %lt3A_443 = arith.cmpi slt, %add3A_442, %squeeze3A_85 : i32
        %convert_element_type3A_444 = arith.extui %lt3A_443 : i1 to i32
        %cond3A_445 = arith.constant 0 : i32
        %cond3A_446 = arith.cmpi ne, %convert_element_type3A_444, %cond3A_445 : i32
        scf.if %cond3A_446 {
          %slice3A_447 = vector.extract_strided_slice %get3A_318 {offsets = [15], sizes = [1], strides = [1]} : vector<16xi32> to vector<1xi32>
          %squeeze3A_448 = vector.extract %slice3A_447[0] : i32 from vector<1xi32>
          %shift_right_logical3A = arith.constant 7 : i32
          %shift_right_logical3A_449 = arith.shrui %squeeze3A_448, %shift_right_logical3A : i32
          %and3A_450 = arith.constant 127 : i32
          %and3A_451 = arith.andi %squeeze3A_448, %and3A_450 : i32
          %sub3A_452 = arith.subi %and3A_451, %mul3A_55 : i32
          %dma_start3A_453 = arith.constant 0 : i32
          %dma_start3A_454 = tpu.memref_slice %arg8[%sub3A_452, %dma_start3A_453] : memref<16x2048xf32, #tpu.memory_space<vmem>> -> memref<1x2048xf32, #tpu.memory_space<vmem>>
          %dma_start3A_455 = arith.constant 0 : i32
          %dma_start3A_456 = tpu.memref_slice %arg4[%shift_right_logical3A_449, %dma_start3A_455] : memref<16384x2048xf32, #tpu.memory_space<hbm>> -> memref<1x2048xf32, #tpu.memory_space<hbm>>
          %dma_start3A_457 = arith.constant 0 : i32
          %dma_start3A_458 = tpu.memref_slice %arg4[%shift_right_logical3A_449, %dma_start3A_457] : memref<16384x2048xf32, #tpu.memory_space<hbm>> -> memref<1x2048xf32, #tpu.memory_space<hbm>>
          %dma_start3A_459 = arith.constant 0 : i32
          %dma_start3A_460 = tpu.memref_slice %arg8[%sub3A_452, %dma_start3A_459] : memref<16x2048xf32, #tpu.memory_space<vmem>> -> memref<1x2048xf32, #tpu.memory_space<vmem>>
          tpu.enqueue_dma source(%dma_start3A_460 : memref<1x2048xf32, #tpu.memory_space<vmem>>) target(%dma_start3A_458 : memref<1x2048xf32, #tpu.memory_space<hbm>>) target_semaphore(%arg13 : memref<!tpu.dma_semaphore, #tpu.memory_space<semaphore_mem>>)
        } else {
        }
      }
      %while3A_125 = arith.constant 1 : i32
      scf.for %while3A_315 = %while3A_123 to %while3A_119 step %while3A_125  : i32 {
        %mul3A_316 = arith.constant 16 : i32
        %mul3A_317 = arith.muli %while3A_315, %mul3A_316 : i32
        %get3A = arith.index_cast %mul3A_317 : i32 to index
        %get3A_318 = tpu.vector_load %arg7[%get3A] {strides = array<i32>} : memref<16400xi32, #tpu.memory_space<vmem>>, vector<16xi32>,
        %mul3A_319 = arith.constant 16 : i32
        %mul3A_320 = arith.muli %while3A_315, %mul3A_319 : i32
        %add3A_321 = arith.constant 0 : i32
        %add3A_322 = arith.addi %mul3A_320, %add3A_321 : i32
        %lt3A_323 = arith.cmpi slt, %add3A_322, %squeeze3A_85 : i32
        %convert_element_type3A_324 = arith.extui %lt3A_323 : i1 to i32
        %cond3A_325 = arith.constant 0 : i32
        %cond3A_326 = arith.cmpi ne, %convert_element_type3A_324, %cond3A_325 : i32
        scf.if %cond3A_326 {
          %slice3A_447 = vector.extract_strided_slice %get3A_318 {offsets = [0], sizes = [1], strides = [1]} : vector<16xi32> to vector<1xi32>
          %squeeze3A_448 = vector.extract %slice3A_447[0] : i32 from vector<1xi32>
          %shift_right_logical3A = arith.constant 7 : i32
          %shift_right_logical3A_449 = arith.shrui %squeeze3A_448, %shift_right_logical3A : i32
          %and3A_450 = arith.constant 127 : i32
          %and3A_451 = arith.andi %squeeze3A_448, %and3A_450 : i32
          %sub3A_452 = arith.subi %and3A_451, %mul3A_55 : i32
          %dma_start3A_453 = arith.constant 0 : i32
          %dma_start3A_454 = tpu.memref_slice %arg8[%sub3A_452, %dma_start3A_453] : memref<16x2048xf32, #tpu.memory_space<vmem>> -> memref<1x2048xf32, #tpu.memory_space<vmem>>
          %dma_start3A_455 = arith.constant 0 : i32
          %dma_start3A_456 = tpu.memref_slice %arg4[%shift_right_logical3A_449, %dma_start3A_455] : memref<16384x2048xf32, #tpu.memory_space<hbm>> -> memref<1x2048xf32, #tpu.memory_space<hbm>>
          %dma_start3A_457 = arith.constant 0 : i32
          %dma_start3A_458 = tpu.memref_slice %arg4[%shift_right_logical3A_449, %dma_start3A_457] : memref<16384x2048xf32, #tpu.memory_space<hbm>> -> memref<1x2048xf32, #tpu.memory_space<hbm>>
          %dma_start3A_459 = arith.constant 0 : i32
          %dma_start3A_460 = tpu.memref_slice %arg8[%sub3A_452, %dma_start3A_459] : memref<16x2048xf32, #tpu.memory_space<vmem>> -> memref<1x2048xf32, #tpu.memory_space<vmem>>
          tpu.enqueue_dma source(%dma_start3A_460 : memref<1x2048xf32, #tpu.memory_space<vmem>>) target(%dma_start3A_458 : memref<1x2048xf32, #tpu.memory_space<hbm>>) target_semaphore(%arg13 : memref<!tpu.dma_semaphore, #tpu.memory_space<semaphore_mem>>)
        } else {
        }
        %mul3A_327 = arith.constant 16 : i32
        %mul3A_328 = arith.muli %while3A_315, %mul3A_327 : i32
        %add3A_329 = arith.constant 1 : i32
        %add3A_330 = arith.addi %mul3A_328, %add3A_329 : i32
        %lt3A_331 = arith.cmpi slt, %add3A_330, %squeeze3A_85 : i32
        %convert_element_type3A_332 = arith.extui %lt3A_331 : i1 to i32
        %cond3A_333 = arith.constant 0 : i32
        %cond3A_334 = arith.cmpi ne, %convert_element_type3A_332, %cond3A_333 : i32
        scf.if %cond3A_334 {
          %slice3A_447 = vector.extract_strided_slice %get3A_318 {offsets = [1], sizes = [1], strides = [1]} : vector<16xi32> to vector<1xi32>
          %squeeze3A_448 = vector.extract %slice3A_447[0] : i32 from vector<1xi32>
          %shift_right_logical3A = arith.constant 7 : i32
          %shift_right_logical3A_449 = arith.shrui %squeeze3A_448, %shift_right_logical3A : i32
          %and3A_450 = arith.constant 127 : i32
          %and3A_451 = arith.andi %squeeze3A_448, %and3A_450 : i32
          %sub3A_452 = arith.subi %and3A_451, %mul3A_55 : i32
          %dma_start3A_453 = arith.constant 0 : i32
          %dma_start3A_454 = tpu.memref_slice %arg8[%sub3A_452, %dma_start3A_453] : memref<16x2048xf32, #tpu.memory_space<vmem>> -> memref<1x2048xf32, #tpu.memory_space<vmem>>
          %dma_start3A_455 = arith.constant 0 : i32
          %dma_start3A_456 = tpu.memref_slice %arg4[%shift_right_logical3A_449, %dma_start3A_455] : memref<16384x2048xf32, #tpu.memory_space<hbm>> -> memref<1x2048xf32, #tpu.memory_space<hbm>>
          %dma_start3A_457 = arith.constant 0 : i32
          %dma_start3A_458 = tpu.memref_slice %arg4[%shift_right_logical3A_449, %dma_start3A_457] : memref<16384x2048xf32, #tpu.memory_space<hbm>> -> memref<1x2048xf32, #tpu.memory_space<hbm>>
          %dma_start3A_459 = arith.constant 0 : i32
          %dma_start3A_460 = tpu.memref_slice %arg8[%sub3A_452, %dma_start3A_459] : memref<16x2048xf32, #tpu.memory_space<vmem>> -> memref<1x2048xf32, #tpu.memory_space<vmem>>
          tpu.enqueue_dma source(%dma_start3A_460 : memref<1x2048xf32, #tpu.memory_space<vmem>>) target(%dma_start3A_458 : memref<1x2048xf32, #tpu.memory_space<hbm>>) target_semaphore(%arg13 : memref<!tpu.dma_semaphore, #tpu.memory_space<semaphore_mem>>)
        } else {
        }
        %mul3A_335 = arith.constant 16 : i32
        %mul3A_336 = arith.muli %while3A_315, %mul3A_335 : i32
        %add3A_337 = arith.constant 2 : i32
        %add3A_338 = arith.addi %mul3A_336, %add3A_337 : i32
        %lt3A_339 = arith.cmpi slt, %add3A_338, %squeeze3A_85 : i32
        %convert_element_type3A_340 = arith.extui %lt3A_339 : i1 to i32
        %cond3A_341 = arith.constant 0 : i32
        %cond3A_342 = arith.cmpi ne, %convert_element_type3A_340, %cond3A_341 : i32
        scf.if %cond3A_342 {
          %slice3A_447 = vector.extract_strided_slice %get3A_318 {offsets = [2], sizes = [1], strides = [1]} : vector<16xi32> to vector<1xi32>
          %squeeze3A_448 = vector.extract %slice3A_447[0] : i32 from vector<1xi32>
          %shift_right_logical3A = arith.constant 7 : i32
          %shift_right_logical3A_449 = arith.shrui %squeeze3A_448, %shift_right_logical3A : i32
          %and3A_450 = arith.constant 127 : i32
          %and3A_451 = arith.andi %squeeze3A_448, %and3A_450 : i32
          %sub3A_452 = arith.subi %and3A_451, %mul3A_55 : i32
          %dma_start3A_453 = arith.constant 0 : i32
          %dma_start3A_454 = tpu.memref_slice %arg8[%sub3A_452, %dma_start3A_453] : memref<16x2048xf32, #tpu.memory_space<vmem>> -> memref<1x2048xf32, #tpu.memory_space<vmem>>
          %dma_start3A_455 = arith.constant 0 : i32
          %dma_start3A_456 = tpu.memref_slice %arg4[%shift_right_logical3A_449, %dma_start3A_455] : memref<16384x2048xf32, #tpu.memory_space<hbm>> -> memref<1x2048xf32, #tpu.memory_space<hbm>>
          %dma_start3A_457 = arith.constant 0 : i32
          %dma_start3A_458 = tpu.memref_slice %arg4[%shift_right_logical3A_449, %dma_start3A_457] : memref<16384x2048xf32, #tpu.memory_space<hbm>> -> memref<1x2048xf32, #tpu.memory_space<hbm>>
          %dma_start3A_459 = arith.constant 0 : i32
          %dma_start3A_460 = tpu.memref_slice %arg8[%sub3A_452, %dma_start3A_459] : memref<16x2048xf32, #tpu.memory_space<vmem>> -> memref<1x2048xf32, #tpu.memory_space<vmem>>
          tpu.enqueue_dma source(%dma_start3A_460 : memref<1x2048xf32, #tpu.memory_space<vmem>>) target(%dma_start3A_458 : memref<1x2048xf32, #tpu.memory_space<hbm>>) target_semaphore(%arg13 : memref<!tpu.dma_semaphore, #tpu.memory_space<semaphore_mem>>)
        } else {
        }
        %mul3A_343 = arith.constant 16 : i32
        %mul3A_344 = arith.muli %while3A_315, %mul3A_343 : i32
        %add3A_345 = arith.constant 3 : i32
        %add3A_346 = arith.addi %mul3A_344, %add3A_345 : i32
        %lt3A_347 = arith.cmpi slt, %add3A_346, %squeeze3A_85 : i32
        %convert_element_type3A_348 = arith.extui %lt3A_347 : i1 to i32
        %cond3A_349 = arith.constant 0 : i32
        %cond3A_350 = arith.cmpi ne, %convert_element_type3A_348, %cond3A_349 : i32
        scf.if %cond3A_350 {
          %slice3A_447 = vector.extract_strided_slice %get3A_318 {offsets = [3], sizes = [1], strides = [1]} : vector<16xi32> to vector<1xi32>
          %squeeze3A_448 = vector.extract %slice3A_447[0] : i32 from vector<1xi32>
          %shift_right_logical3A = arith.constant 7 : i32
          %shift_right_logical3A_449 = arith.shrui %squeeze3A_448, %shift_right_logical3A : i32
          %and3A_450 = arith.constant 127 : i32
          %and3A_451 = arith.andi %squeeze3A_448, %and3A_450 : i32
          %sub3A_452 = arith.subi %and3A_451, %mul3A_55 : i32
          %dma_start3A_453 = arith.constant 0 : i32
          %dma_start3A_454 = tpu.memref_slice %arg8[%sub3A_452, %dma_start3A_453] : memref<16x2048xf32, #tpu.memory_space<vmem>> -> memref<1x2048xf32, #tpu.memory_space<vmem>>
          %dma_start3A_455 = arith.constant 0 : i32
          %dma_start3A_456 = tpu.memref_slice %arg4[%shift_right_logical3A_449, %dma_start3A_455] : memref<16384x2048xf32, #tpu.memory_space<hbm>> -> memref<1x2048xf32, #tpu.memory_space<hbm>>
          %dma_start3A_457 = arith.constant 0 : i32
          %dma_start3A_458 = tpu.memref_slice %arg4[%shift_right_logical3A_449, %dma_start3A_457] : memref<16384x2048xf32, #tpu.memory_space<hbm>> -> memref<1x2048xf32, #tpu.memory_space<hbm>>
          %dma_start3A_459 = arith.constant 0 : i32
          %dma_start3A_460 = tpu.memref_slice %arg8[%sub3A_452, %dma_start3A_459] : memref<16x2048xf32, #tpu.memory_space<vmem>> -> memref<1x2048xf32, #tpu.memory_space<vmem>>
          tpu.enqueue_dma source(%dma_start3A_460 : memref<1x2048xf32, #tpu.memory_space<vmem>>) target(%dma_start3A_458 : memref<1x2048xf32, #tpu.memory_space<hbm>>) target_semaphore(%arg13 : memref<!tpu.dma_semaphore, #tpu.memory_space<semaphore_mem>>)
        } else {
        }
        %mul3A_351 = arith.constant 16 : i32
        %mul3A_352 = arith.muli %while3A_315, %mul3A_351 : i32
        %add3A_353 = arith.constant 4 : i32
        %add3A_354 = arith.addi %mul3A_352, %add3A_353 : i32
        %lt3A_355 = arith.cmpi slt, %add3A_354, %squeeze3A_85 : i32
        %convert_element_type3A_356 = arith.extui %lt3A_355 : i1 to i32
        %cond3A_357 = arith.constant 0 : i32
        %cond3A_358 = arith.cmpi ne, %convert_element_type3A_356, %cond3A_357 : i32
        scf.if %cond3A_358 {
          %slice3A_447 = vector.extract_strided_slice %get3A_318 {offsets = [4], sizes = [1], strides = [1]} : vector<16xi32> to vector<1xi32>
          %squeeze3A_448 = vector.extract %slice3A_447[0] : i32 from vector<1xi32>
          %shift_right_logical3A = arith.constant 7 : i32
          %shift_right_logical3A_449 = arith.shrui %squeeze3A_448, %shift_right_logical3A : i32
          %and3A_450 = arith.constant 127 : i32
          %and3A_451 = arith.andi %squeeze3A_448, %and3A_450 : i32
          %sub3A_452 = arith.subi %and3A_451, %mul3A_55 : i32
          %dma_start3A_453 = arith.constant 0 : i32
          %dma_start3A_454 = tpu.memref_slice %arg8[%sub3A_452, %dma_start3A_453] : memref<16x2048xf32, #tpu.memory_space<vmem>> -> memref<1x2048xf32, #tpu.memory_space<vmem>>
          %dma_start3A_455 = arith.constant 0 : i32
          %dma_start3A_456 = tpu.memref_slice %arg4[%shift_right_logical3A_449, %dma_start3A_455] : memref<16384x2048xf32, #tpu.memory_space<hbm>> -> memref<1x2048xf32, #tpu.memory_space<hbm>>
          %dma_start3A_457 = arith.constant 0 : i32
          %dma_start3A_458 = tpu.memref_slice %arg4[%shift_right_logical3A_449, %dma_start3A_457] : memref<16384x2048xf32, #tpu.memory_space<hbm>> -> memref<1x2048xf32, #tpu.memory_space<hbm>>
          %dma_start3A_459 = arith.constant 0 : i32
          %dma_start3A_460 = tpu.memref_slice %arg8[%sub3A_452, %dma_start3A_459] : memref<16x2048xf32, #tpu.memory_space<vmem>> -> memref<1x2048xf32, #tpu.memory_space<vmem>>
          tpu.enqueue_dma source(%dma_start3A_460 : memref<1x2048xf32, #tpu.memory_space<vmem>>) target(%dma_start3A_458 : memref<1x2048xf32, #tpu.memory_space<hbm>>) target_semaphore(%arg13 : memref<!tpu.dma_semaphore, #tpu.memory_space<semaphore_mem>>)
        } else {
        }
        %mul3A_359 = arith.constant 16 : i32
        %mul3A_360 = arith.muli %while3A_315, %mul3A_359 : i32
        %add3A_361 = arith.constant 5 : i32
        %add3A_362 = arith.addi %mul3A_360, %add3A_361 : i32
        %lt3A_363 = arith.cmpi slt, %add3A_362, %squeeze3A_85 : i32
        %convert_element_type3A_364 = arith.extui %lt3A_363 : i1 to i32
        %cond3A_365 = arith.constant 0 : i32
        %cond3A_366 = arith.cmpi ne, %convert_element_type3A_364, %cond3A_365 : i32
        scf.if %cond3A_366 {
          %slice3A_447 = vector.extract_strided_slice %get3A_318 {offsets = [5], sizes = [1], strides = [1]} : vector<16xi32> to vector<1xi32>
          %squeeze3A_448 = vector.extract %slice3A_447[0] : i32 from vector<1xi32>
          %shift_right_logical3A = arith.constant 7 : i32
          %shift_right_logical3A_449 = arith.shrui %squeeze3A_448, %shift_right_logical3A : i32
          %and3A_450 = arith.constant 127 : i32
          %and3A_451 = arith.andi %squeeze3A_448, %and3A_450 : i32
          %sub3A_452 = arith.subi %and3A_451, %mul3A_55 : i32
          %dma_start3A_453 = arith.constant 0 : i32
          %dma_start3A_454 = tpu.memref_slice %arg8[%sub3A_452, %dma_start3A_453] : memref<16x2048xf32, #tpu.memory_space<vmem>> -> memref<1x2048xf32, #tpu.memory_space<vmem>>
          %dma_start3A_455 = arith.constant 0 : i32
          %dma_start3A_456 = tpu.memref_slice %arg4[%shift_right_logical3A_449, %dma_start3A_455] : memref<16384x2048xf32, #tpu.memory_space<hbm>> -> memref<1x2048xf32, #tpu.memory_space<hbm>>
          %dma_start3A_457 = arith.constant 0 : i32
          %dma_start3A_458 = tpu.memref_slice %arg4[%shift_right_logical3A_449, %dma_start3A_457] : memref<16384x2048xf32, #tpu.memory_space<hbm>> -> memref<1x2048xf32, #tpu.memory_space<hbm>>
          %dma_start3A_459 = arith.constant 0 : i32
          %dma_start3A_460 = tpu.memref_slice %arg8[%sub3A_452, %dma_start3A_459] : memref<16x2048xf32, #tpu.memory_space<vmem>> -> memref<1x2048xf32, #tpu.memory_space<vmem>>
          tpu.enqueue_dma source(%dma_start3A_460 : memref<1x2048xf32, #tpu.memory_space<vmem>>) target(%dma_start3A_458 : memref<1x2048xf32, #tpu.memory_space<hbm>>) target_semaphore(%arg13 : memref<!tpu.dma_semaphore, #tpu.memory_space<semaphore_mem>>)
        } else {
        }
        %mul3A_367 = arith.constant 16 : i32
        %mul3A_368 = arith.muli %while3A_315, %mul3A_367 : i32
        %add3A_369 = arith.constant 6 : i32
        %add3A_370 = arith.addi %mul3A_368, %add3A_369 : i32
        %lt3A_371 = arith.cmpi slt, %add3A_370, %squeeze3A_85 : i32
        %convert_element_type3A_372 = arith.extui %lt3A_371 : i1 to i32
        %cond3A_373 = arith.constant 0 : i32
        %cond3A_374 = arith.cmpi ne, %convert_element_type3A_372, %cond3A_373 : i32
        scf.if %cond3A_374 {
          %slice3A_447 = vector.extract_strided_slice %get3A_318 {offsets = [6], sizes = [1], strides = [1]} : vector<16xi32> to vector<1xi32>
          %squeeze3A_448 = vector.extract %slice3A_447[0] : i32 from vector<1xi32>
          %shift_right_logical3A = arith.constant 7 : i32
          %shift_right_logical3A_449 = arith.shrui %squeeze3A_448, %shift_right_logical3A : i32
          %and3A_450 = arith.constant 127 : i32
          %and3A_451 = arith.andi %squeeze3A_448, %and3A_450 : i32
          %sub3A_452 = arith.subi %and3A_451, %mul3A_55 : i32
          %dma_start3A_453 = arith.constant 0 : i32
          %dma_start3A_454 = tpu.memref_slice %arg8[%sub3A_452, %dma_start3A_453] : memref<16x2048xf32, #tpu.memory_space<vmem>> -> memref<1x2048xf32, #tpu.memory_space<vmem>>
          %dma_start3A_455 = arith.constant 0 : i32
          %dma_start3A_456 = tpu.memref_slice %arg4[%shift_right_logical3A_449, %dma_start3A_455] : memref<16384x2048xf32, #tpu.memory_space<hbm>> -> memref<1x2048xf32, #tpu.memory_space<hbm>>
          %dma_start3A_457 = arith.constant 0 : i32
          %dma_start3A_458 = tpu.memref_slice %arg4[%shift_right_logical3A_449, %dma_start3A_457] : memref<16384x2048xf32, #tpu.memory_space<hbm>> -> memref<1x2048xf32, #tpu.memory_space<hbm>>
          %dma_start3A_459 = arith.constant 0 : i32
          %dma_start3A_460 = tpu.memref_slice %arg8[%sub3A_452, %dma_start3A_459] : memref<16x2048xf32, #tpu.memory_space<vmem>> -> memref<1x2048xf32, #tpu.memory_space<vmem>>
          tpu.enqueue_dma source(%dma_start3A_460 : memref<1x2048xf32, #tpu.memory_space<vmem>>) target(%dma_start3A_458 : memref<1x2048xf32, #tpu.memory_space<hbm>>) target_semaphore(%arg13 : memref<!tpu.dma_semaphore, #tpu.memory_space<semaphore_mem>>)
        } else {
        }
        %mul3A_375 = arith.constant 16 : i32
        %mul3A_376 = arith.muli %while3A_315, %mul3A_375 : i32
        %add3A_377 = arith.constant 7 : i32
        %add3A_378 = arith.addi %mul3A_376, %add3A_377 : i32
        %lt3A_379 = arith.cmpi slt, %add3A_378, %squeeze3A_85 : i32
        %convert_element_type3A_380 = arith.extui %lt3A_379 : i1 to i32
        %cond3A_381 = arith.constant 0 : i32
        %cond3A_382 = arith.cmpi ne, %convert_element_type3A_380, %cond3A_381 : i32
        scf.if %cond3A_382 {
          %slice3A_447 = vector.extract_strided_slice %get3A_318 {offsets = [7], sizes = [1], strides = [1]} : vector<16xi32> to vector<1xi32>
          %squeeze3A_448 = vector.extract %slice3A_447[0] : i32 from vector<1xi32>
          %shift_right_logical3A = arith.constant 7 : i32
          %shift_right_logical3A_449 = arith.shrui %squeeze3A_448, %shift_right_logical3A : i32
          %and3A_450 = arith.constant 127 : i32
          %and3A_451 = arith.andi %squeeze3A_448, %and3A_450 : i32
          %sub3A_452 = arith.subi %and3A_451, %mul3A_55 : i32
          %dma_start3A_453 = arith.constant 0 : i32
          %dma_start3A_454 = tpu.memref_slice %arg8[%sub3A_452, %dma_start3A_453] : memref<16x2048xf32, #tpu.memory_space<vmem>> -> memref<1x2048xf32, #tpu.memory_space<vmem>>
          %dma_start3A_455 = arith.constant 0 : i32
          %dma_start3A_456 = tpu.memref_slice %arg4[%shift_right_logical3A_449, %dma_start3A_455] : memref<16384x2048xf32, #tpu.memory_space<hbm>> -> memref<1x2048xf32, #tpu.memory_space<hbm>>
          %dma_start3A_457 = arith.constant 0 : i32
          %dma_start3A_458 = tpu.memref_slice %arg4[%shift_right_logical3A_449, %dma_start3A_457] : memref<16384x2048xf32, #tpu.memory_space<hbm>> -> memref<1x2048xf32, #tpu.memory_space<hbm>>
          %dma_start3A_459 = arith.constant 0 : i32
          %dma_start3A_460 = tpu.memref_slice %arg8[%sub3A_452, %dma_start3A_459] : memref<16x2048xf32, #tpu.memory_space<vmem>> -> memref<1x2048xf32, #tpu.memory_space<vmem>>
          tpu.enqueue_dma source(%dma_start3A_460 : memref<1x2048xf32, #tpu.memory_space<vmem>>) target(%dma_start3A_458 : memref<1x2048xf32, #tpu.memory_space<hbm>>) target_semaphore(%arg13 : memref<!tpu.dma_semaphore, #tpu.memory_space<semaphore_mem>>)
        } else {
        }
        %mul3A_383 = arith.constant 16 : i32
        %mul3A_384 = arith.muli %while3A_315, %mul3A_383 : i32
        %add3A_385 = arith.constant 8 : i32
        %add3A_386 = arith.addi %mul3A_384, %add3A_385 : i32
        %lt3A_387 = arith.cmpi slt, %add3A_386, %squeeze3A_85 : i32
        %convert_element_type3A_388 = arith.extui %lt3A_387 : i1 to i32
        %cond3A_389 = arith.constant 0 : i32
        %cond3A_390 = arith.cmpi ne, %convert_element_type3A_388, %cond3A_389 : i32
        scf.if %cond3A_390 {
          %slice3A_447 = vector.extract_strided_slice %get3A_318 {offsets = [8], sizes = [1], strides = [1]} : vector<16xi32> to vector<1xi32>
          %squeeze3A_448 = vector.extract %slice3A_447[0] : i32 from vector<1xi32>
          %shift_right_logical3A = arith.constant 7 : i32
          %shift_right_logical3A_449 = arith.shrui %squeeze3A_448, %shift_right_logical3A : i32
          %and3A_450 = arith.constant 127 : i32
          %and3A_451 = arith.andi %squeeze3A_448, %and3A_450 : i32
          %sub3A_452 = arith.subi %and3A_451, %mul3A_55 : i32
          %dma_start3A_453 = arith.constant 0 : i32
          %dma_start3A_454 = tpu.memref_slice %arg8[%sub3A_452, %dma_start3A_453] : memref<16x2048xf32, #tpu.memory_space<vmem>> -> memref<1x2048xf32, #tpu.memory_space<vmem>>
          %dma_start3A_455 = arith.constant 0 : i32
          %dma_start3A_456 = tpu.memref_slice %arg4[%shift_right_logical3A_449, %dma_start3A_455] : memref<16384x2048xf32, #tpu.memory_space<hbm>> -> memref<1x2048xf32, #tpu.memory_space<hbm>>
          %dma_start3A_457 = arith.constant 0 : i32
          %dma_start3A_458 = tpu.memref_slice %arg4[%shift_right_logical3A_449, %dma_start3A_457] : memref<16384x2048xf32, #tpu.memory_space<hbm>> -> memref<1x2048xf32, #tpu.memory_space<hbm>>
          %dma_start3A_459 = arith.constant 0 : i32
          %dma_start3A_460 = tpu.memref_slice %arg8[%sub3A_452, %dma_start3A_459] : memref<16x2048xf32, #tpu.memory_space<vmem>> -> memref<1x2048xf32, #tpu.memory_space<vmem>>
          tpu.enqueue_dma source(%dma_start3A_460 : memref<1x2048xf32, #tpu.memory_space<vmem>>) target(%dma_start3A_458 : memref<1x2048xf32, #tpu.memory_space<hbm>>) target_semaphore(%arg13 : memref<!tpu.dma_semaphore, #tpu.memory_space<semaphore_mem>>)
        } else {
        }
        %mul3A_391 = arith.constant 16 : i32
        %mul3A_392 = arith.muli %while3A_315, %mul3A_391 : i32
        %add3A_393 = arith.constant 9 : i32
        %add3A_394 = arith.addi %mul3A_392, %add3A_393 : i32
        %lt3A_395 = arith.cmpi slt, %add3A_394, %squeeze3A_85 : i32
        %convert_element_type3A_396 = arith.extui %lt3A_395 : i1 to i32
        %cond3A_397 = arith.constant 0 : i32
        %cond3A_398 = arith.cmpi ne, %convert_element_type3A_396, %cond3A_397 : i32
        scf.if %cond3A_398 {
          %slice3A_447 = vector.extract_strided_slice %get3A_318 {offsets = [9], sizes = [1], strides = [1]} : vector<16xi32> to vector<1xi32>
          %squeeze3A_448 = vector.extract %slice3A_447[0] : i32 from vector<1xi32>
          %shift_right_logical3A = arith.constant 7 : i32
          %shift_right_logical3A_449 = arith.shrui %squeeze3A_448, %shift_right_logical3A : i32
          %and3A_450 = arith.constant 127 : i32
          %and3A_451 = arith.andi %squeeze3A_448, %and3A_450 : i32
          %sub3A_452 = arith.subi %and3A_451, %mul3A_55 : i32
          %dma_start3A_453 = arith.constant 0 : i32
          %dma_start3A_454 = tpu.memref_slice %arg8[%sub3A_452, %dma_start3A_453] : memref<16x2048xf32, #tpu.memory_space<vmem>> -> memref<1x2048xf32, #tpu.memory_space<vmem>>
          %dma_start3A_455 = arith.constant 0 : i32
          %dma_start3A_456 = tpu.memref_slice %arg4[%shift_right_logical3A_449, %dma_start3A_455] : memref<16384x2048xf32, #tpu.memory_space<hbm>> -> memref<1x2048xf32, #tpu.memory_space<hbm>>
          %dma_start3A_457 = arith.constant 0 : i32
          %dma_start3A_458 = tpu.memref_slice %arg4[%shift_right_logical3A_449, %dma_start3A_457] : memref<16384x2048xf32, #tpu.memory_space<hbm>> -> memref<1x2048xf32, #tpu.memory_space<hbm>>
          %dma_start3A_459 = arith.constant 0 : i32
          %dma_start3A_460 = tpu.memref_slice %arg8[%sub3A_452, %dma_start3A_459] : memref<16x2048xf32, #tpu.memory_space<vmem>> -> memref<1x2048xf32, #tpu.memory_space<vmem>>
          tpu.enqueue_dma source(%dma_start3A_460 : memref<1x2048xf32, #tpu.memory_space<vmem>>) target(%dma_start3A_458 : memref<1x2048xf32, #tpu.memory_space<hbm>>) target_semaphore(%arg13 : memref<!tpu.dma_semaphore, #tpu.memory_space<semaphore_mem>>)
        } else {
        }
        %mul3A_399 = arith.constant 16 : i32
        %mul3A_400 = arith.muli %while3A_315, %mul3A_399 : i32
        %add3A_401 = arith.constant 10 : i32
        %add3A_402 = arith.addi %mul3A_400, %add3A_401 : i32
        %lt3A_403 = arith.cmpi slt, %add3A_402, %squeeze3A_85 : i32
        %convert_element_type3A_404 = arith.extui %lt3A_403 : i1 to i32
        %cond3A_405 = arith.constant 0 : i32
        %cond3A_406 = arith.cmpi ne, %convert_element_type3A_404, %cond3A_405 : i32
        scf.if %cond3A_406 {
          %slice3A_447 = vector.extract_strided_slice %get3A_318 {offsets = [10], sizes = [1], strides = [1]} : vector<16xi32> to vector<1xi32>
          %squeeze3A_448 = vector.extract %slice3A_447[0] : i32 from vector<1xi32>
          %shift_right_logical3A = arith.constant 7 : i32
          %shift_right_logical3A_449 = arith.shrui %squeeze3A_448, %shift_right_logical3A : i32
          %and3A_450 = arith.constant 127 : i32
          %and3A_451 = arith.andi %squeeze3A_448, %and3A_450 : i32
          %sub3A_452 = arith.subi %and3A_451, %mul3A_55 : i32
          %dma_start3A_453 = arith.constant 0 : i32
          %dma_start3A_454 = tpu.memref_slice %arg8[%sub3A_452, %dma_start3A_453] : memref<16x2048xf32, #tpu.memory_space<vmem>> -> memref<1x2048xf32, #tpu.memory_space<vmem>>
          %dma_start3A_455 = arith.constant 0 : i32
          %dma_start3A_456 = tpu.memref_slice %arg4[%shift_right_logical3A_449, %dma_start3A_455] : memref<16384x2048xf32, #tpu.memory_space<hbm>> -> memref<1x2048xf32, #tpu.memory_space<hbm>>
          %dma_start3A_457 = arith.constant 0 : i32
          %dma_start3A_458 = tpu.memref_slice %arg4[%shift_right_logical3A_449, %dma_start3A_457] : memref<16384x2048xf32, #tpu.memory_space<hbm>> -> memref<1x2048xf32, #tpu.memory_space<hbm>>
          %dma_start3A_459 = arith.constant 0 : i32
          %dma_start3A_460 = tpu.memref_slice %arg8[%sub3A_452, %dma_start3A_459] : memref<16x2048xf32, #tpu.memory_space<vmem>> -> memref<1x2048xf32, #tpu.memory_space<vmem>>
          tpu.enqueue_dma source(%dma_start3A_460 : memref<1x2048xf32, #tpu.memory_space<vmem>>) target(%dma_start3A_458 : memref<1x2048xf32, #tpu.memory_space<hbm>>) target_semaphore(%arg13 : memref<!tpu.dma_semaphore, #tpu.memory_space<semaphore_mem>>)
        } else {
        }
        %mul3A_407 = arith.constant 16 : i32
        %mul3A_408 = arith.muli %while3A_315, %mul3A_407 : i32
        %add3A_409 = arith.constant 11 : i32
        %add3A_410 = arith.addi %mul3A_408, %add3A_409 : i32
        %lt3A_411 = arith.cmpi slt, %add3A_410, %squeeze3A_85 : i32
        %convert_element_type3A_412 = arith.extui %lt3A_411 : i1 to i32
        %cond3A_413 = arith.constant 0 : i32
        %cond3A_414 = arith.cmpi ne, %convert_element_type3A_412, %cond3A_413 : i32
        scf.if %cond3A_414 {
          %slice3A_447 = vector.extract_strided_slice %get3A_318 {offsets = [11], sizes = [1], strides = [1]} : vector<16xi32> to vector<1xi32>
          %squeeze3A_448 = vector.extract %slice3A_447[0] : i32 from vector<1xi32>
          %shift_right_logical3A = arith.constant 7 : i32
          %shift_right_logical3A_449 = arith.shrui %squeeze3A_448, %shift_right_logical3A : i32
          %and3A_450 = arith.constant 127 : i32
          %and3A_451 = arith.andi %squeeze3A_448, %and3A_450 : i32
          %sub3A_452 = arith.subi %and3A_451, %mul3A_55 : i32
          %dma_start3A_453 = arith.constant 0 : i32
          %dma_start3A_454 = tpu.memref_slice %arg8[%sub3A_452, %dma_start3A_453] : memref<16x2048xf32, #tpu.memory_space<vmem>> -> memref<1x2048xf32, #tpu.memory_space<vmem>>
          %dma_start3A_455 = arith.constant 0 : i32
          %dma_start3A_456 = tpu.memref_slice %arg4[%shift_right_logical3A_449, %dma_start3A_455] : memref<16384x2048xf32, #tpu.memory_space<hbm>> -> memref<1x2048xf32, #tpu.memory_space<hbm>>
          %dma_start3A_457 = arith.constant 0 : i32
          %dma_start3A_458 = tpu.memref_slice %arg4[%shift_right_logical3A_449, %dma_start3A_457] : memref<16384x2048xf32, #tpu.memory_space<hbm>> -> memref<1x2048xf32, #tpu.memory_space<hbm>>
          %dma_start3A_459 = arith.constant 0 : i32
          %dma_start3A_460 = tpu.memref_slice %arg8[%sub3A_452, %dma_start3A_459] : memref<16x2048xf32, #tpu.memory_space<vmem>> -> memref<1x2048xf32, #tpu.memory_space<vmem>>
          tpu.enqueue_dma source(%dma_start3A_460 : memref<1x2048xf32, #tpu.memory_space<vmem>>) target(%dma_start3A_458 : memref<1x2048xf32, #tpu.memory_space<hbm>>) target_semaphore(%arg13 : memref<!tpu.dma_semaphore, #tpu.memory_space<semaphore_mem>>)
        } else {
        }
        %mul3A_415 = arith.constant 16 : i32
        %mul3A_416 = arith.muli %while3A_315, %mul3A_415 : i32
        %add3A_417 = arith.constant 12 : i32
        %add3A_418 = arith.addi %mul3A_416, %add3A_417 : i32
        %lt3A_419 = arith.cmpi slt, %add3A_418, %squeeze3A_85 : i32
        %convert_element_type3A_420 = arith.extui %lt3A_419 : i1 to i32
        %cond3A_421 = arith.constant 0 : i32
        %cond3A_422 = arith.cmpi ne, %convert_element_type3A_420, %cond3A_421 : i32
        scf.if %cond3A_422 {
          %slice3A_447 = vector.extract_strided_slice %get3A_318 {offsets = [12], sizes = [1], strides = [1]} : vector<16xi32> to vector<1xi32>
          %squeeze3A_448 = vector.extract %slice3A_447[0] : i32 from vector<1xi32>
          %shift_right_logical3A = arith.constant 7 : i32
          %shift_right_logical3A_449 = arith.shrui %squeeze3A_448, %shift_right_logical3A : i32
          %and3A_450 = arith.constant 127 : i32
          %and3A_451 = arith.andi %squeeze3A_448, %and3A_450 : i32
          %sub3A_452 = arith.subi %and3A_451, %mul3A_55 : i32
          %dma_start3A_453 = arith.constant 0 : i32
          %dma_start3A_454 = tpu.memref_slice %arg8[%sub3A_452, %dma_start3A_453] : memref<16x2048xf32, #tpu.memory_space<vmem>> -> memref<1x2048xf32, #tpu.memory_space<vmem>>
          %dma_start3A_455 = arith.constant 0 : i32
          %dma_start3A_456 = tpu.memref_slice %arg4[%shift_right_logical3A_449, %dma_start3A_455] : memref<16384x2048xf32, #tpu.memory_space<hbm>> -> memref<1x2048xf32, #tpu.memory_space<hbm>>
          %dma_start3A_457 = arith.constant 0 : i32
          %dma_start3A_458 = tpu.memref_slice %arg4[%shift_right_logical3A_449, %dma_start3A_457] : memref<16384x2048xf32, #tpu.memory_space<hbm>> -> memref<1x2048xf32, #tpu.memory_space<hbm>>
          %dma_start3A_459 = arith.constant 0 : i32
          %dma_start3A_460 = tpu.memref_slice %arg8[%sub3A_452, %dma_start3A_459] : memref<16x2048xf32, #tpu.memory_space<vmem>> -> memref<1x2048xf32, #tpu.memory_space<vmem>>
          tpu.enqueue_dma source(%dma_start3A_460 : memref<1x2048xf32, #tpu.memory_space<vmem>>) target(%dma_start3A_458 : memref<1x2048xf32, #tpu.memory_space<hbm>>) target_semaphore(%arg13 : memref<!tpu.dma_semaphore, #tpu.memory_space<semaphore_mem>>)
        } else {
        }
        %mul3A_423 = arith.constant 16 : i32
        %mul3A_424 = arith.muli %while3A_315, %mul3A_423 : i32
        %add3A_425 = arith.constant 13 : i32
        %add3A_426 = arith.addi %mul3A_424, %add3A_425 : i32
        %lt3A_427 = arith.cmpi slt, %add3A_426, %squeeze3A_85 : i32
        %convert_element_type3A_428 = arith.extui %lt3A_427 : i1 to i32
        %cond3A_429 = arith.constant 0 : i32
        %cond3A_430 = arith.cmpi ne, %convert_element_type3A_428, %cond3A_429 : i32
        scf.if %cond3A_430 {
          %slice3A_447 = vector.extract_strided_slice %get3A_318 {offsets = [13], sizes = [1], strides = [1]} : vector<16xi32> to vector<1xi32>
          %squeeze3A_448 = vector.extract %slice3A_447[0] : i32 from vector<1xi32>
          %shift_right_logical3A = arith.constant 7 : i32
          %shift_right_logical3A_449 = arith.shrui %squeeze3A_448, %shift_right_logical3A : i32
          %and3A_450 = arith.constant 127 : i32
          %and3A_451 = arith.andi %squeeze3A_448, %and3A_450 : i32
          %sub3A_452 = arith.subi %and3A_451, %mul3A_55 : i32
          %dma_start3A_453 = arith.constant 0 : i32
          %dma_start3A_454 = tpu.memref_slice %arg8[%sub3A_452, %dma_start3A_453] : memref<16x2048xf32, #tpu.memory_space<vmem>> -> memref<1x2048xf32, #tpu.memory_space<vmem>>
          %dma_start3A_455 = arith.constant 0 : i32
          %dma_start3A_456 = tpu.memref_slice %arg4[%shift_right_logical3A_449, %dma_start3A_455] : memref<16384x2048xf32, #tpu.memory_space<hbm>> -> memref<1x2048xf32, #tpu.memory_space<hbm>>
          %dma_start3A_457 = arith.constant 0 : i32
          %dma_start3A_458 = tpu.memref_slice %arg4[%shift_right_logical3A_449, %dma_start3A_457] : memref<16384x2048xf32, #tpu.memory_space<hbm>> -> memref<1x2048xf32, #tpu.memory_space<hbm>>
          %dma_start3A_459 = arith.constant 0 : i32
          %dma_start3A_460 = tpu.memref_slice %arg8[%sub3A_452, %dma_start3A_459] : memref<16x2048xf32, #tpu.memory_space<vmem>> -> memref<1x2048xf32, #tpu.memory_space<vmem>>
          tpu.enqueue_dma source(%dma_start3A_460 : memref<1x2048xf32, #tpu.memory_space<vmem>>) target(%dma_start3A_458 : memref<1x2048xf32, #tpu.memory_space<hbm>>) target_semaphore(%arg13 : memref<!tpu.dma_semaphore, #tpu.memory_space<semaphore_mem>>)
        } else {
        }
        %mul3A_431 = arith.constant 16 : i32
        %mul3A_432 = arith.muli %while3A_315, %mul3A_431 : i32
        %add3A_433 = arith.constant 14 : i32
        %add3A_434 = arith.addi %mul3A_432, %add3A_433 : i32
        %lt3A_435 = arith.cmpi slt, %add3A_434, %squeeze3A_85 : i32
        %convert_element_type3A_436 = arith.extui %lt3A_435 : i1 to i32
        %cond3A_437 = arith.constant 0 : i32
        %cond3A_438 = arith.cmpi ne, %convert_element_type3A_436, %cond3A_437 : i32
        scf.if %cond3A_438 {
          %slice3A_447 = vector.extract_strided_slice %get3A_318 {offsets = [14], sizes = [1], strides = [1]} : vector<16xi32> to vector<1xi32>
          %squeeze3A_448 = vector.extract %slice3A_447[0] : i32 from vector<1xi32>
          %shift_right_logical3A = arith.constant 7 : i32
          %shift_right_logical3A_449 = arith.shrui %squeeze3A_448, %shift_right_logical3A : i32
          %and3A_450 = arith.constant 127 : i32
          %and3A_451 = arith.andi %squeeze3A_448, %and3A_450 : i32
          %sub3A_452 = arith.subi %and3A_451, %mul3A_55 : i32
          %dma_start3A_453 = arith.constant 0 : i32
          %dma_start3A_454 = tpu.memref_slice %arg8[%sub3A_452, %dma_start3A_453] : memref<16x2048xf32, #tpu.memory_space<vmem>> -> memref<1x2048xf32, #tpu.memory_space<vmem>>
          %dma_start3A_455 = arith.constant 0 : i32
          %dma_start3A_456 = tpu.memref_slice %arg4[%shift_right_logical3A_449, %dma_start3A_455] : memref<16384x2048xf32, #tpu.memory_space<hbm>> -> memref<1x2048xf32, #tpu.memory_space<hbm>>
          %dma_start3A_457 = arith.constant 0 : i32
          %dma_start3A_458 = tpu.memref_slice %arg4[%shift_right_logical3A_449, %dma_start3A_457] : memref<16384x2048xf32, #tpu.memory_space<hbm>> -> memref<1x2048xf32, #tpu.memory_space<hbm>>
          %dma_start3A_459 = arith.constant 0 : i32
          %dma_start3A_460 = tpu.memref_slice %arg8[%sub3A_452, %dma_start3A_459] : memref<16x2048xf32, #tpu.memory_space<vmem>> -> memref<1x2048xf32, #tpu.memory_space<vmem>>
          tpu.enqueue_dma source(%dma_start3A_460 : memref<1x2048xf32, #tpu.memory_space<vmem>>) target(%dma_start3A_458 : memref<1x2048xf32, #tpu.memory_space<hbm>>) target_semaphore(%arg13 : memref<!tpu.dma_semaphore, #tpu.memory_space<semaphore_mem>>)
        } else {
        }
        %mul3A_439 = arith.constant 16 : i32
        %mul3A_440 = arith.muli %while3A_315, %mul3A_439 : i32
        %add3A_441 = arith.constant 15 : i32
        %add3A_442 = arith.addi %mul3A_440, %add3A_441 : i32
        %lt3A_443 = arith.cmpi slt, %add3A_442, %squeeze3A_85 : i32
        %convert_element_type3A_444 = arith.extui %lt3A_443 : i1 to i32
        %cond3A_445 = arith.constant 0 : i32
        %cond3A_446 = arith.cmpi ne, %convert_element_type3A_444, %cond3A_445 : i32
        scf.if %cond3A_446 {
          %slice3A_447 = vector.extract_strided_slice %get3A_318 {offsets = [15], sizes = [1], strides = [1]} : vector<16xi32> to vector<1xi32>
          %squeeze3A_448 = vector.extract %slice3A_447[0] : i32 from vector<1xi32>
          %shift_right_logical3A = arith.constant 7 : i32
          %shift_right_logical3A_449 = arith.shrui %squeeze3A_448, %shift_right_logical3A : i32
          %and3A_450 = arith.constant 127 : i32
          %and3A_451 = arith.andi %squeeze3A_448, %and3A_450 : i32
          %sub3A_452 = arith.subi %and3A_451, %mul3A_55 : i32
          %dma_start3A_453 = arith.constant 0 : i32
          %dma_start3A_454 = tpu.memref_slice %arg8[%sub3A_452, %dma_start3A_453] : memref<16x2048xf32, #tpu.memory_space<vmem>> -> memref<1x2048xf32, #tpu.memory_space<vmem>>
          %dma_start3A_455 = arith.constant 0 : i32
          %dma_start3A_456 = tpu.memref_slice %arg4[%shift_right_logical3A_449, %dma_start3A_455] : memref<16384x2048xf32, #tpu.memory_space<hbm>> -> memref<1x2048xf32, #tpu.memory_space<hbm>>
          %dma_start3A_457 = arith.constant 0 : i32
          %dma_start3A_458 = tpu.memref_slice %arg4[%shift_right_logical3A_449, %dma_start3A_457] : memref<16384x2048xf32, #tpu.memory_space<hbm>> -> memref<1x2048xf32, #tpu.memory_space<hbm>>
          %dma_start3A_459 = arith.constant 0 : i32
          %dma_start3A_460 = tpu.memref_slice %arg8[%sub3A_452, %dma_start3A_459] : memref<16x2048xf32, #tpu.memory_space<vmem>> -> memref<1x2048xf32, #tpu.memory_space<vmem>>
          tpu.enqueue_dma source(%dma_start3A_460 : memref<1x2048xf32, #tpu.memory_space<vmem>>) target(%dma_start3A_458 : memref<1x2048xf32, #tpu.memory_space<hbm>>) target_semaphore(%arg13 : memref<!tpu.dma_semaphore, #tpu.memory_space<semaphore_mem>>)
        } else {
        }
      }
      %jit3A_126 = arith.constant 16 : i32
      %div3A_127 = arith.divsi %squeeze3A_85, %jit3A_126 : i32
      %sign3A_128 = arith.constant 0 : i32
      %sign3A_129 = arith.cmpi sgt, %squeeze3A_85, %sign3A_128 : i32
      %sign3A_130 = arith.extui %sign3A_129 : i1 to i32
      %sign3A_131 = arith.constant 0 : i32
      %sign3A_132 = arith.cmpi slt, %squeeze3A_85, %sign3A_131 : i32
      %sign3A_133 = arith.extui %sign3A_132 : i1 to i32
      %sign3A_134 = arith.subi %sign3A_130, %sign3A_133 : i32
      %sign3A_135 = arith.constant 0 : i32
      %sign3A_136 = arith.cmpi sgt, %jit3A_126, %sign3A_135 : i32
      %sign3A_137 = arith.extui %sign3A_136 : i1 to i32
      %sign3A_138 = arith.constant 0 : i32
      %sign3A_139 = arith.cmpi slt, %jit3A_126, %sign3A_138 : i32
      %sign3A_140 = arith.extui %sign3A_139 : i1 to i32
      %sign3A_141 = arith.subi %sign3A_137, %sign3A_140 : i32
      %ne3A_142 = arith.cmpi ne, %sign3A_134, %sign3A_141 : i32
      %rem3A_143 = arith.remsi %squeeze3A_85, %jit3A_126 : i32
      %ne3A_144 = arith.constant 0 : i32
      %ne3A_145 = arith.cmpi ne, %rem3A_143, %ne3A_144 : i32
      %and3A_146 = arith.andi %ne3A_142, %ne3A_145 : i1
      %sub3A_147 = arith.constant 1 : i32
      %sub3A_148 = arith.subi %div3A_127, %sub3A_147 : i32
      %select_n3A_149 = arith.select %and3A_146, %sub3A_148, %div3A_127 : i32
      %while3A_150 = arith.constant 0 : i32
      %while3A_151 = arith.constant 0 : i32
      %while3A_152 = arith.subi %select_n3A_149, %while3A_151 : i32
      %while3A_153 = arith.addi %while3A_151, %while3A_152 : i32
      %while3A_154 = arith.constant 1 : i32
      %while3A_155 = arith.divsi %while3A_152, %while3A_154 : i32
      %while3A_156 = arith.muli %while3A_155, %while3A_154 : i32
      %while3A_157 = arith.addi %while3A_151, %while3A_156 : i32
      %while3A_158 = arith.constant 1 : i32
      scf.for %while3A_315 = %while3A_151 to %while3A_157 step %while3A_158  : i32 {
        %dma_wait3A_316 = arith.constant 0 : i32
        %dma_wait3A_317 = arith.constant 0 : i32
        %dma_wait3A_318 = tpu.memref_slice %arg3[%dma_wait3A_316, %dma_wait3A_317] : memref<4096x2048xf32, #tpu.memory_space<hbm>> -> memref<16x2048xf32, #tpu.memory_space<hbm>>
        %dma_wait3A_319 = arith.constant 0 : i32
        %dma_wait3A_320 = arith.constant 0 : i32
        %dma_wait3A_321 = tpu.memref_slice %arg3[%dma_wait3A_319, %dma_wait3A_320] : memref<4096x2048xf32, #tpu.memory_space<hbm>> -> memref<16x2048xf32, #tpu.memory_space<hbm>>
        tpu.wait_dma2 semaphore(%arg13 : memref<!tpu.dma_semaphore, #tpu.memory_space<semaphore_mem>>) src(%dma_wait3A_321 : memref<16x2048xf32, #tpu.memory_space<hbm>>) dst(%arg8 : memref<16x2048xf32, #tpu.memory_space<vmem>>)
      }
      %while3A_159 = arith.constant 1 : i32
      scf.for %while3A_315 = %while3A_157 to %while3A_153 step %while3A_159  : i32 {
        %dma_wait3A_316 = arith.constant 0 : i32
        %dma_wait3A_317 = arith.constant 0 : i32
        %dma_wait3A_318 = tpu.memref_slice %arg3[%dma_wait3A_316, %dma_wait3A_317] : memref<4096x2048xf32, #tpu.memory_space<hbm>> -> memref<16x2048xf32, #tpu.memory_space<hbm>>
        %dma_wait3A_319 = arith.constant 0 : i32
        %dma_wait3A_320 = arith.constant 0 : i32
        %dma_wait3A_321 = tpu.memref_slice %arg3[%dma_wait3A_319, %dma_wait3A_320] : memref<4096x2048xf32, #tpu.memory_space<hbm>> -> memref<16x2048xf32, #tpu.memory_space<hbm>>
        tpu.wait_dma2 semaphore(%arg13 : memref<!tpu.dma_semaphore, #tpu.memory_space<semaphore_mem>>) src(%dma_wait3A_321 : memref<16x2048xf32, #tpu.memory_space<hbm>>) dst(%arg8 : memref<16x2048xf32, #tpu.memory_space<vmem>>)
      }
      %and3A_160 = arith.constant 15 : i32
      %and3A_161 = arith.andi %squeeze3A_85, %and3A_160 : i32
      %while3A_162 = arith.constant 0 : i32
      %while3A_163 = arith.constant 0 : i32
      %while3A_164 = arith.subi %and3A_161, %while3A_163 : i32
      %while3A_165 = arith.addi %while3A_163, %while3A_164 : i32
      %while3A_166 = arith.constant 1 : i32
      %while3A_167 = arith.divsi %while3A_164, %while3A_166 : i32
      %while3A_168 = arith.muli %while3A_167, %while3A_166 : i32
      %while3A_169 = arith.addi %while3A_163, %while3A_168 : i32
      %while3A_170 = arith.constant 1 : i32
      scf.for %while3A_315 = %while3A_163 to %while3A_169 step %while3A_170  : i32 {
        %dma_wait3A_316 = arith.constant 0 : i32
        %dma_wait3A_317 = arith.constant 0 : i32
        %dma_wait3A_318 = tpu.memref_slice %arg8[%dma_wait3A_316, %dma_wait3A_317] : memref<16x2048xf32, #tpu.memory_space<vmem>> -> memref<1x2048xf32, #tpu.memory_space<vmem>>
        %dma_wait3A_319 = arith.constant 0 : i32
        %dma_wait3A_320 = arith.constant 0 : i32
        %dma_wait3A_321 = tpu.memref_slice %arg3[%dma_wait3A_319, %dma_wait3A_320] : memref<4096x2048xf32, #tpu.memory_space<hbm>> -> memref<1x2048xf32, #tpu.memory_space<hbm>>
        %dma_wait3A_322 = arith.constant 0 : i32
        %dma_wait3A_323 = arith.constant 0 : i32
        %dma_wait3A_324 = tpu.memref_slice %arg8[%dma_wait3A_322, %dma_wait3A_323] : memref<16x2048xf32, #tpu.memory_space<vmem>> -> memref<1x2048xf32, #tpu.memory_space<vmem>>
        %dma_wait3A_325 = arith.constant 0 : i32
        %dma_wait3A_326 = arith.constant 0 : i32
        %dma_wait3A_327 = tpu.memref_slice %arg3[%dma_wait3A_325, %dma_wait3A_326] : memref<4096x2048xf32, #tpu.memory_space<hbm>> -> memref<1x2048xf32, #tpu.memory_space<hbm>>
        tpu.wait_dma2 semaphore(%arg13 : memref<!tpu.dma_semaphore, #tpu.memory_space<semaphore_mem>>) src(%dma_wait3A_327 : memref<1x2048xf32, #tpu.memory_space<hbm>>) dst(%dma_wait3A_324 : memref<1x2048xf32, #tpu.memory_space<vmem>>)
      }
      %while3A_171 = arith.constant 1 : i32
      scf.for %while3A_315 = %while3A_169 to %while3A_165 step %while3A_171  : i32 {
        %dma_wait3A_316 = arith.constant 0 : i32
        %dma_wait3A_317 = arith.constant 0 : i32
        %dma_wait3A_318 = tpu.memref_slice %arg8[%dma_wait3A_316, %dma_wait3A_317] : memref<16x2048xf32, #tpu.memory_space<vmem>> -> memref<1x2048xf32, #tpu.memory_space<vmem>>
        %dma_wait3A_319 = arith.constant 0 : i32
        %dma_wait3A_320 = arith.constant 0 : i32
        %dma_wait3A_321 = tpu.memref_slice %arg3[%dma_wait3A_319, %dma_wait3A_320] : memref<4096x2048xf32, #tpu.memory_space<hbm>> -> memref<1x2048xf32, #tpu.memory_space<hbm>>
        %dma_wait3A_322 = arith.constant 0 : i32
        %dma_wait3A_323 = arith.constant 0 : i32
        %dma_wait3A_324 = tpu.memref_slice %arg8[%dma_wait3A_322, %dma_wait3A_323] : memref<16x2048xf32, #tpu.memory_space<vmem>> -> memref<1x2048xf32, #tpu.memory_space<vmem>>
        %dma_wait3A_325 = arith.constant 0 : i32
        %dma_wait3A_326 = arith.constant 0 : i32
        %dma_wait3A_327 = tpu.memref_slice %arg3[%dma_wait3A_325, %dma_wait3A_326] : memref<4096x2048xf32, #tpu.memory_space<hbm>> -> memref<1x2048xf32, #tpu.memory_space<hbm>>
        tpu.wait_dma2 semaphore(%arg13 : memref<!tpu.dma_semaphore, #tpu.memory_space<semaphore_mem>>) src(%dma_wait3A_327 : memref<1x2048xf32, #tpu.memory_space<hbm>>) dst(%dma_wait3A_324 : memref<1x2048xf32, #tpu.memory_space<vmem>>)
      }
      %add3A_172 = arith.constant 2 : i32
      %add3A_173 = arith.addi %add3A_53, %add3A_172 : i32
      %lt3A = arith.constant 8 : i32
      %lt3A_174 = arith.cmpi slt, %add3A_173, %lt3A : i32
      %convert_element_type3A = arith.extui %lt3A_174 : i1 to i32
      %cond3A = arith.constant 0 : i32
      %cond3A_175 = arith.cmpi ne, %convert_element_type3A, %cond3A : i32
      scf.if %cond3A_175 {
        %add3A_315 = arith.constant 2 : i32
        %add3A_316 = arith.addi %add3A_53, %add3A_315 : i32
        %mul3A_317 = arith.constant 16 : i32
        %mul3A_318 = arith.muli %add3A_316, %mul3A_317 : i32
        %add3A_319 = arith.addi %mul3A_2, %mul3A_318 : i32
        %dma_start3A_320 = arith.constant 0 : i32
        %dma_start3A_321 = tpu.memref_slice %arg3[%add3A_319, %dma_start3A_320] : memref<4096x2048xf32, #tpu.memory_space<hbm>> -> memref<16x2048xf32, #tpu.memory_space<hbm>>
        %dma_start3A_322 = arith.constant 0 : i32
        %dma_start3A_323 = tpu.memref_slice %arg3[%add3A_319, %dma_start3A_322] : memref<4096x2048xf32, #tpu.memory_space<hbm>> -> memref<16x2048xf32, #tpu.memory_space<hbm>>
        tpu.enqueue_dma source(%dma_start3A_323 : memref<16x2048xf32, #tpu.memory_space<hbm>>) target(%arg8 : memref<16x2048xf32, #tpu.memory_space<vmem>>) target_semaphore(%arg11 : memref<!tpu.dma_semaphore, #tpu.memory_space<semaphore_mem>>)
      } else {
      }
      %mul3A_176 = arith.constant 2 : i32
      %mul3A_177 = arith.muli %mul3A_176, %scan3A_49 : i32
      %add3A_178 = arith.constant 1 : i32
      %add3A_179 = arith.addi %mul3A_177, %add3A_178 : i32
      %mul3A_180 = arith.constant 16 : i32
      %mul3A_181 = arith.muli %add3A_179, %mul3A_180 : i32
      %add3A_182 = arith.constant 15 : i32
      %add3A_183 = arith.addi %squeeze3A, %add3A_182 : i32
      %jit3A_184 = arith.constant 16 : i32
      %div3A_185 = arith.divsi %add3A_183, %jit3A_184 : i32
      %sign3A_186 = arith.constant 0 : i32
      %sign3A_187 = arith.cmpi sgt, %add3A_183, %sign3A_186 : i32
      %sign3A_188 = arith.extui %sign3A_187 : i1 to i32
      %sign3A_189 = arith.constant 0 : i32
      %sign3A_190 = arith.cmpi slt, %add3A_183, %sign3A_189 : i32
      %sign3A_191 = arith.extui %sign3A_190 : i1 to i32
      %sign3A_192 = arith.subi %sign3A_188, %sign3A_191 : i32
      %sign3A_193 = arith.constant 0 : i32
      %sign3A_194 = arith.cmpi sgt, %jit3A_184, %sign3A_193 : i32
      %sign3A_195 = arith.extui %sign3A_194 : i1 to i32
      %sign3A_196 = arith.constant 0 : i32
      %sign3A_197 = arith.cmpi slt, %jit3A_184, %sign3A_196 : i32
      %sign3A_198 = arith.extui %sign3A_197 : i1 to i32
      %sign3A_199 = arith.subi %sign3A_195, %sign3A_198 : i32
      %ne3A_200 = arith.cmpi ne, %sign3A_192, %sign3A_199 : i32
      %rem3A_201 = arith.remsi %add3A_183, %jit3A_184 : i32
      %ne3A_202 = arith.constant 0 : i32
      %ne3A_203 = arith.cmpi ne, %rem3A_201, %ne3A_202 : i32
      %and3A_204 = arith.andi %ne3A_200, %ne3A_203 : i1
      %sub3A_205 = arith.constant 1 : i32
      %sub3A_206 = arith.subi %div3A_185, %sub3A_205 : i32
      %select_n3A_207 = arith.select %and3A_204, %sub3A_206, %div3A_185 : i32
      %while3A_208 = arith.constant 0 : i32
      %while3A_209 = arith.subi %select_n3A_207, %while3A_208 : i32
      %while3A_210 = arith.addi %while3A_208, %while3A_209 : i32
      %while3A_211 = arith.constant 1 : i32
      %while3A_212 = arith.divsi %while3A_209, %while3A_211 : i32
      %while3A_213 = arith.muli %while3A_212, %while3A_211 : i32
      %while3A_214 = arith.addi %while3A_208, %while3A_213 : i32
      %while3A_215 = arith.constant 1 : i32
      %while3A_216 = scf.for %while3A_315 = %while3A_208 to %while3A_214 step %while3A_215 iter_args(%while3A_316 = %broadcast_in_dim3A_37) -> (vector<16xi32>)  : i32 {
        %mul3A_317 = arith.constant 16 : i32
        %mul3A_318 = arith.muli %while3A_315, %mul3A_317 : i32
        %get3A = arith.index_cast %mul3A_318 : i32 to index
        %get3A_319 = tpu.vector_load %arg6[%get3A] {strides = array<i32>} : memref<16400xi32, #tpu.memory_space<vmem>>, vector<16xi32>,
        %and3A_320 = arith.constant 127 : i32
        %and3A_321 = vector.broadcast %and3A_320 : i32 to vector<16xi32>
        %and3A_322 = arith.andi %get3A_319, %and3A_321 : vector<16xi32>
        %ge3A = vector.broadcast %mul3A_181 : i32 to vector<16xi32>
        %ge3A_323 = arith.cmpi sge, %and3A_322, %ge3A : vector<16xi32>
        %add3A_324 = arith.constant 16 : i32
        %add3A_325 = arith.addi %mul3A_181, %add3A_324 : i32
        %lt3A_326 = vector.broadcast %add3A_325 : i32 to vector<16xi32>
        %lt3A_327 = arith.cmpi slt, %and3A_322, %lt3A_326 : vector<16xi32>
        %and3A_328 = arith.andi %ge3A_323, %lt3A_327 : vector<16xi1>
        %mul3A_329 = arith.constant 16 : i32
        %mul3A_330 = arith.muli %while3A_315, %mul3A_329 : i32
        %add3A_331 = vector.broadcast %mul3A_330 : i32 to vector<16xi32>
        %add3A_332 = arith.addi %add3A_331, %iota3A : vector<16xi32>
        %lt3A_333 = vector.broadcast %squeeze3A : i32 to vector<16xi32>
        %lt3A_334 = arith.cmpi slt, %add3A_332, %lt3A_333 : vector<16xi32>
        %and3A_335 = arith.andi %and3A_328, %lt3A_334 : vector<16xi1>
        %select_n3A_336 = arith.select %and3A_335, %broadcast_in_dim3A_35, %broadcast_in_dim3A_37 : vector<16xi1>, vector<16xi32>
        %broadcast_in_dim3A_337 = arith.constant true
        %broadcast_in_dim3A_338 = vector.broadcast %broadcast_in_dim3A_337 : i1 to vector<16xi1>
        %masked_cumsum3A = tpu.scan <sum>, %select_n3A_336 masked %broadcast_in_dim3A_338 : vector<16xi32>, vector<16xi1> -> vector<16xi32>
        %sub3A_339 = arith.subi %masked_cumsum3A, %select_n3A_336 : vector<16xi32>
        %add3A_340 = arith.addi %while3A_316, %sub3A_339 : vector<16xi32>
        tpu.vector_store_idx %arg7[%add3A_340], %get3A_319 masked %and3A_335 : memref<16400xi32, #tpu.memory_space<vmem>>[vector<16xi32>], vector<16xi32>, vector<16xi1>
        %all_reduce_population_count3A = tpu.all_reduce %and3A_335 {dim = 0 : i64, kind = #tpu.reduction_kind<sum>} : vector<16xi1> -> vector<16xi32>
        %add3A_341 = arith.addi %while3A_316, %all_reduce_population_count3A : vector<16xi32>
        scf.yield %add3A_341 : vector<16xi32>
      }
      %while3A_217 = arith.constant 1 : i32
      %while3A_218 = scf.for %while3A_315 = %while3A_214 to %while3A_210 step %while3A_217 iter_args(%while3A_316 = %while3A_216) -> (vector<16xi32>)  : i32 {
        %mul3A_317 = arith.constant 16 : i32
        %mul3A_318 = arith.muli %while3A_315, %mul3A_317 : i32
        %get3A = arith.index_cast %mul3A_318 : i32 to index
        %get3A_319 = tpu.vector_load %arg6[%get3A] {strides = array<i32>} : memref<16400xi32, #tpu.memory_space<vmem>>, vector<16xi32>,
        %and3A_320 = arith.constant 127 : i32
        %and3A_321 = vector.broadcast %and3A_320 : i32 to vector<16xi32>
        %and3A_322 = arith.andi %get3A_319, %and3A_321 : vector<16xi32>
        %ge3A = vector.broadcast %mul3A_181 : i32 to vector<16xi32>
        %ge3A_323 = arith.cmpi sge, %and3A_322, %ge3A : vector<16xi32>
        %add3A_324 = arith.constant 16 : i32
        %add3A_325 = arith.addi %mul3A_181, %add3A_324 : i32
        %lt3A_326 = vector.broadcast %add3A_325 : i32 to vector<16xi32>
        %lt3A_327 = arith.cmpi slt, %and3A_322, %lt3A_326 : vector<16xi32>
        %and3A_328 = arith.andi %ge3A_323, %lt3A_327 : vector<16xi1>
        %mul3A_329 = arith.constant 16 : i32
        %mul3A_330 = arith.muli %while3A_315, %mul3A_329 : i32
        %add3A_331 = vector.broadcast %mul3A_330 : i32 to vector<16xi32>
        %add3A_332 = arith.addi %add3A_331, %iota3A : vector<16xi32>
        %lt3A_333 = vector.broadcast %squeeze3A : i32 to vector<16xi32>
        %lt3A_334 = arith.cmpi slt, %add3A_332, %lt3A_333 : vector<16xi32>
        %and3A_335 = arith.andi %and3A_328, %lt3A_334 : vector<16xi1>
        %select_n3A_336 = arith.select %and3A_335, %broadcast_in_dim3A_35, %broadcast_in_dim3A_37 : vector<16xi1>, vector<16xi32>
        %broadcast_in_dim3A_337 = arith.constant true
        %broadcast_in_dim3A_338 = vector.broadcast %broadcast_in_dim3A_337 : i1 to vector<16xi1>
        %masked_cumsum3A = tpu.scan <sum>, %select_n3A_336 masked %broadcast_in_dim3A_338 : vector<16xi32>, vector<16xi1> -> vector<16xi32>
        %sub3A_339 = arith.subi %masked_cumsum3A, %select_n3A_336 : vector<16xi32>
        %add3A_340 = arith.addi %while3A_316, %sub3A_339 : vector<16xi32>
        tpu.vector_store_idx %arg7[%add3A_340], %get3A_319 masked %and3A_335 : memref<16400xi32, #tpu.memory_space<vmem>>[vector<16xi32>], vector<16xi32>, vector<16xi1>
        %all_reduce_population_count3A = tpu.all_reduce %and3A_335 {dim = 0 : i64, kind = #tpu.reduction_kind<sum>} : vector<16xi1> -> vector<16xi32>
        %add3A_341 = arith.addi %while3A_316, %all_reduce_population_count3A : vector<16xi32>
        scf.yield %add3A_341 : vector<16xi32>
      }
      %slice3A_219 = vector.extract_strided_slice %while3A_218 {offsets = [0], sizes = [1], strides = [1]} : vector<16xi32> to vector<1xi32>
      %squeeze3A_220 = vector.extract %slice3A_219[0] : i32 from vector<1xi32>
      %add3A_221 = arith.addi %mul3A_2, %mul3A_181 : i32
      %dma_wait3A_222 = arith.constant 0 : i32
      %dma_wait3A_223 = tpu.memref_slice %arg3[%add3A_221, %dma_wait3A_222] : memref<4096x2048xf32, #tpu.memory_space<hbm>> -> memref<16x2048xf32, #tpu.memory_space<hbm>>
      %dma_wait3A_224 = arith.constant 0 : i32
      %dma_wait3A_225 = tpu.memref_slice %arg3[%add3A_221, %dma_wait3A_224] : memref<4096x2048xf32, #tpu.memory_space<hbm>> -> memref<16x2048xf32, #tpu.memory_space<hbm>>
      tpu.wait_dma2 semaphore(%arg12 : memref<!tpu.dma_semaphore, #tpu.memory_space<semaphore_mem>>) src(%dma_wait3A_225 : memref<16x2048xf32, #tpu.memory_space<hbm>>) dst(%arg9 : memref<16x2048xf32, #tpu.memory_space<vmem>>)
      %add3A_226 = arith.constant 15 : i32
      %add3A_227 = arith.addi %squeeze3A_220, %add3A_226 : i32
      %jit3A_228 = arith.constant 16 : i32
      %div3A_229 = arith.divsi %add3A_227, %jit3A_228 : i32
      %sign3A_230 = arith.constant 0 : i32
      %sign3A_231 = arith.cmpi sgt, %add3A_227, %sign3A_230 : i32
      %sign3A_232 = arith.extui %sign3A_231 : i1 to i32
      %sign3A_233 = arith.constant 0 : i32
      %sign3A_234 = arith.cmpi slt, %add3A_227, %sign3A_233 : i32
      %sign3A_235 = arith.extui %sign3A_234 : i1 to i32
      %sign3A_236 = arith.subi %sign3A_232, %sign3A_235 : i32
      %sign3A_237 = arith.constant 0 : i32
      %sign3A_238 = arith.cmpi sgt, %jit3A_228, %sign3A_237 : i32
      %sign3A_239 = arith.extui %sign3A_238 : i1 to i32
      %sign3A_240 = arith.constant 0 : i32
      %sign3A_241 = arith.cmpi slt, %jit3A_228, %sign3A_240 : i32
      %sign3A_242 = arith.extui %sign3A_241 : i1 to i32
      %sign3A_243 = arith.subi %sign3A_239, %sign3A_242 : i32
      %ne3A_244 = arith.cmpi ne, %sign3A_236, %sign3A_243 : i32
      %rem3A_245 = arith.remsi %add3A_227, %jit3A_228 : i32
      %ne3A_246 = arith.constant 0 : i32
      %ne3A_247 = arith.cmpi ne, %rem3A_245, %ne3A_246 : i32
      %and3A_248 = arith.andi %ne3A_244, %ne3A_247 : i1
      %sub3A_249 = arith.constant 1 : i32
      %sub3A_250 = arith.subi %div3A_229, %sub3A_249 : i32
      %select_n3A_251 = arith.select %and3A_248, %sub3A_250, %div3A_229 : i32
      %while3A_252 = arith.constant 0 : i32
      %while3A_253 = arith.constant 0 : i32
      %while3A_254 = arith.subi %select_n3A_251, %while3A_253 : i32
      %while3A_255 = arith.addi %while3A_253, %while3A_254 : i32
      %while3A_256 = arith.constant 1 : i32
      %while3A_257 = arith.divsi %while3A_254, %while3A_256 : i32
      %while3A_258 = arith.muli %while3A_257, %while3A_256 : i32
      %while3A_259 = arith.addi %while3A_253, %while3A_258 : i32
      %while3A_260 = arith.constant 1 : i32
      scf.for %while3A_315 = %while3A_253 to %while3A_259 step %while3A_260  : i32 {
        %mul3A_316 = arith.constant 16 : i32
        %mul3A_317 = arith.muli %while3A_315, %mul3A_316 : i32
        %get3A = arith.index_cast %mul3A_317 : i32 to index
        %get3A_318 = tpu.vector_load %arg7[%get3A] {strides = array<i32>} : memref<16400xi32, #tpu.memory_space<vmem>>, vector<16xi32>,
        %mul3A_319 = arith.constant 16 : i32
        %mul3A_320 = arith.muli %while3A_315, %mul3A_319 : i32
        %add3A_321 = arith.constant 0 : i32
        %add3A_322 = arith.addi %mul3A_320, %add3A_321 : i32
        %lt3A_323 = arith.cmpi slt, %add3A_322, %squeeze3A_220 : i32
        %convert_element_type3A_324 = arith.extui %lt3A_323 : i1 to i32
        %cond3A_325 = arith.constant 0 : i32
        %cond3A_326 = arith.cmpi ne, %convert_element_type3A_324, %cond3A_325 : i32
        scf.if %cond3A_326 {
          %slice3A_447 = vector.extract_strided_slice %get3A_318 {offsets = [0], sizes = [1], strides = [1]} : vector<16xi32> to vector<1xi32>
          %squeeze3A_448 = vector.extract %slice3A_447[0] : i32 from vector<1xi32>
          %shift_right_logical3A = arith.constant 7 : i32
          %shift_right_logical3A_449 = arith.shrui %squeeze3A_448, %shift_right_logical3A : i32
          %and3A_450 = arith.constant 127 : i32
          %and3A_451 = arith.andi %squeeze3A_448, %and3A_450 : i32
          %sub3A_452 = arith.subi %and3A_451, %mul3A_181 : i32
          %dma_start3A_453 = arith.constant 0 : i32
          %dma_start3A_454 = tpu.memref_slice %arg9[%sub3A_452, %dma_start3A_453] : memref<16x2048xf32, #tpu.memory_space<vmem>> -> memref<1x2048xf32, #tpu.memory_space<vmem>>
          %dma_start3A_455 = arith.constant 0 : i32
          %dma_start3A_456 = tpu.memref_slice %arg4[%shift_right_logical3A_449, %dma_start3A_455] : memref<16384x2048xf32, #tpu.memory_space<hbm>> -> memref<1x2048xf32, #tpu.memory_space<hbm>>
          %dma_start3A_457 = arith.constant 0 : i32
          %dma_start3A_458 = tpu.memref_slice %arg4[%shift_right_logical3A_449, %dma_start3A_457] : memref<16384x2048xf32, #tpu.memory_space<hbm>> -> memref<1x2048xf32, #tpu.memory_space<hbm>>
          %dma_start3A_459 = arith.constant 0 : i32
          %dma_start3A_460 = tpu.memref_slice %arg9[%sub3A_452, %dma_start3A_459] : memref<16x2048xf32, #tpu.memory_space<vmem>> -> memref<1x2048xf32, #tpu.memory_space<vmem>>
          tpu.enqueue_dma source(%dma_start3A_460 : memref<1x2048xf32, #tpu.memory_space<vmem>>) target(%dma_start3A_458 : memref<1x2048xf32, #tpu.memory_space<hbm>>) target_semaphore(%arg13 : memref<!tpu.dma_semaphore, #tpu.memory_space<semaphore_mem>>)
        } else {
        }
        %mul3A_327 = arith.constant 16 : i32
        %mul3A_328 = arith.muli %while3A_315, %mul3A_327 : i32
        %add3A_329 = arith.constant 1 : i32
        %add3A_330 = arith.addi %mul3A_328, %add3A_329 : i32
        %lt3A_331 = arith.cmpi slt, %add3A_330, %squeeze3A_220 : i32
        %convert_element_type3A_332 = arith.extui %lt3A_331 : i1 to i32
        %cond3A_333 = arith.constant 0 : i32
        %cond3A_334 = arith.cmpi ne, %convert_element_type3A_332, %cond3A_333 : i32
        scf.if %cond3A_334 {
          %slice3A_447 = vector.extract_strided_slice %get3A_318 {offsets = [1], sizes = [1], strides = [1]} : vector<16xi32> to vector<1xi32>
          %squeeze3A_448 = vector.extract %slice3A_447[0] : i32 from vector<1xi32>
          %shift_right_logical3A = arith.constant 7 : i32
          %shift_right_logical3A_449 = arith.shrui %squeeze3A_448, %shift_right_logical3A : i32
          %and3A_450 = arith.constant 127 : i32
          %and3A_451 = arith.andi %squeeze3A_448, %and3A_450 : i32
          %sub3A_452 = arith.subi %and3A_451, %mul3A_181 : i32
          %dma_start3A_453 = arith.constant 0 : i32
          %dma_start3A_454 = tpu.memref_slice %arg9[%sub3A_452, %dma_start3A_453] : memref<16x2048xf32, #tpu.memory_space<vmem>> -> memref<1x2048xf32, #tpu.memory_space<vmem>>
          %dma_start3A_455 = arith.constant 0 : i32
          %dma_start3A_456 = tpu.memref_slice %arg4[%shift_right_logical3A_449, %dma_start3A_455] : memref<16384x2048xf32, #tpu.memory_space<hbm>> -> memref<1x2048xf32, #tpu.memory_space<hbm>>
          %dma_start3A_457 = arith.constant 0 : i32
          %dma_start3A_458 = tpu.memref_slice %arg4[%shift_right_logical3A_449, %dma_start3A_457] : memref<16384x2048xf32, #tpu.memory_space<hbm>> -> memref<1x2048xf32, #tpu.memory_space<hbm>>
          %dma_start3A_459 = arith.constant 0 : i32
          %dma_start3A_460 = tpu.memref_slice %arg9[%sub3A_452, %dma_start3A_459] : memref<16x2048xf32, #tpu.memory_space<vmem>> -> memref<1x2048xf32, #tpu.memory_space<vmem>>
          tpu.enqueue_dma source(%dma_start3A_460 : memref<1x2048xf32, #tpu.memory_space<vmem>>) target(%dma_start3A_458 : memref<1x2048xf32, #tpu.memory_space<hbm>>) target_semaphore(%arg13 : memref<!tpu.dma_semaphore, #tpu.memory_space<semaphore_mem>>)
        } else {
        }
        %mul3A_335 = arith.constant 16 : i32
        %mul3A_336 = arith.muli %while3A_315, %mul3A_335 : i32
        %add3A_337 = arith.constant 2 : i32
        %add3A_338 = arith.addi %mul3A_336, %add3A_337 : i32
        %lt3A_339 = arith.cmpi slt, %add3A_338, %squeeze3A_220 : i32
        %convert_element_type3A_340 = arith.extui %lt3A_339 : i1 to i32
        %cond3A_341 = arith.constant 0 : i32
        %cond3A_342 = arith.cmpi ne, %convert_element_type3A_340, %cond3A_341 : i32
        scf.if %cond3A_342 {
          %slice3A_447 = vector.extract_strided_slice %get3A_318 {offsets = [2], sizes = [1], strides = [1]} : vector<16xi32> to vector<1xi32>
          %squeeze3A_448 = vector.extract %slice3A_447[0] : i32 from vector<1xi32>
          %shift_right_logical3A = arith.constant 7 : i32
          %shift_right_logical3A_449 = arith.shrui %squeeze3A_448, %shift_right_logical3A : i32
          %and3A_450 = arith.constant 127 : i32
          %and3A_451 = arith.andi %squeeze3A_448, %and3A_450 : i32
          %sub3A_452 = arith.subi %and3A_451, %mul3A_181 : i32
          %dma_start3A_453 = arith.constant 0 : i32
          %dma_start3A_454 = tpu.memref_slice %arg9[%sub3A_452, %dma_start3A_453] : memref<16x2048xf32, #tpu.memory_space<vmem>> -> memref<1x2048xf32, #tpu.memory_space<vmem>>
          %dma_start3A_455 = arith.constant 0 : i32
          %dma_start3A_456 = tpu.memref_slice %arg4[%shift_right_logical3A_449, %dma_start3A_455] : memref<16384x2048xf32, #tpu.memory_space<hbm>> -> memref<1x2048xf32, #tpu.memory_space<hbm>>
          %dma_start3A_457 = arith.constant 0 : i32
          %dma_start3A_458 = tpu.memref_slice %arg4[%shift_right_logical3A_449, %dma_start3A_457] : memref<16384x2048xf32, #tpu.memory_space<hbm>> -> memref<1x2048xf32, #tpu.memory_space<hbm>>
          %dma_start3A_459 = arith.constant 0 : i32
          %dma_start3A_460 = tpu.memref_slice %arg9[%sub3A_452, %dma_start3A_459] : memref<16x2048xf32, #tpu.memory_space<vmem>> -> memref<1x2048xf32, #tpu.memory_space<vmem>>
          tpu.enqueue_dma source(%dma_start3A_460 : memref<1x2048xf32, #tpu.memory_space<vmem>>) target(%dma_start3A_458 : memref<1x2048xf32, #tpu.memory_space<hbm>>) target_semaphore(%arg13 : memref<!tpu.dma_semaphore, #tpu.memory_space<semaphore_mem>>)
        } else {
        }
        %mul3A_343 = arith.constant 16 : i32
        %mul3A_344 = arith.muli %while3A_315, %mul3A_343 : i32
        %add3A_345 = arith.constant 3 : i32
        %add3A_346 = arith.addi %mul3A_344, %add3A_345 : i32
        %lt3A_347 = arith.cmpi slt, %add3A_346, %squeeze3A_220 : i32
        %convert_element_type3A_348 = arith.extui %lt3A_347 : i1 to i32
        %cond3A_349 = arith.constant 0 : i32
        %cond3A_350 = arith.cmpi ne, %convert_element_type3A_348, %cond3A_349 : i32
        scf.if %cond3A_350 {
          %slice3A_447 = vector.extract_strided_slice %get3A_318 {offsets = [3], sizes = [1], strides = [1]} : vector<16xi32> to vector<1xi32>
          %squeeze3A_448 = vector.extract %slice3A_447[0] : i32 from vector<1xi32>
          %shift_right_logical3A = arith.constant 7 : i32
          %shift_right_logical3A_449 = arith.shrui %squeeze3A_448, %shift_right_logical3A : i32
          %and3A_450 = arith.constant 127 : i32
          %and3A_451 = arith.andi %squeeze3A_448, %and3A_450 : i32
          %sub3A_452 = arith.subi %and3A_451, %mul3A_181 : i32
          %dma_start3A_453 = arith.constant 0 : i32
          %dma_start3A_454 = tpu.memref_slice %arg9[%sub3A_452, %dma_start3A_453] : memref<16x2048xf32, #tpu.memory_space<vmem>> -> memref<1x2048xf32, #tpu.memory_space<vmem>>
          %dma_start3A_455 = arith.constant 0 : i32
          %dma_start3A_456 = tpu.memref_slice %arg4[%shift_right_logical3A_449, %dma_start3A_455] : memref<16384x2048xf32, #tpu.memory_space<hbm>> -> memref<1x2048xf32, #tpu.memory_space<hbm>>
          %dma_start3A_457 = arith.constant 0 : i32
          %dma_start3A_458 = tpu.memref_slice %arg4[%shift_right_logical3A_449, %dma_start3A_457] : memref<16384x2048xf32, #tpu.memory_space<hbm>> -> memref<1x2048xf32, #tpu.memory_space<hbm>>
          %dma_start3A_459 = arith.constant 0 : i32
          %dma_start3A_460 = tpu.memref_slice %arg9[%sub3A_452, %dma_start3A_459] : memref<16x2048xf32, #tpu.memory_space<vmem>> -> memref<1x2048xf32, #tpu.memory_space<vmem>>
          tpu.enqueue_dma source(%dma_start3A_460 : memref<1x2048xf32, #tpu.memory_space<vmem>>) target(%dma_start3A_458 : memref<1x2048xf32, #tpu.memory_space<hbm>>) target_semaphore(%arg13 : memref<!tpu.dma_semaphore, #tpu.memory_space<semaphore_mem>>)
        } else {
        }
        %mul3A_351 = arith.constant 16 : i32
        %mul3A_352 = arith.muli %while3A_315, %mul3A_351 : i32
        %add3A_353 = arith.constant 4 : i32
        %add3A_354 = arith.addi %mul3A_352, %add3A_353 : i32
        %lt3A_355 = arith.cmpi slt, %add3A_354, %squeeze3A_220 : i32
        %convert_element_type3A_356 = arith.extui %lt3A_355 : i1 to i32
        %cond3A_357 = arith.constant 0 : i32
        %cond3A_358 = arith.cmpi ne, %convert_element_type3A_356, %cond3A_357 : i32
        scf.if %cond3A_358 {
          %slice3A_447 = vector.extract_strided_slice %get3A_318 {offsets = [4], sizes = [1], strides = [1]} : vector<16xi32> to vector<1xi32>
          %squeeze3A_448 = vector.extract %slice3A_447[0] : i32 from vector<1xi32>
          %shift_right_logical3A = arith.constant 7 : i32
          %shift_right_logical3A_449 = arith.shrui %squeeze3A_448, %shift_right_logical3A : i32
          %and3A_450 = arith.constant 127 : i32
          %and3A_451 = arith.andi %squeeze3A_448, %and3A_450 : i32
          %sub3A_452 = arith.subi %and3A_451, %mul3A_181 : i32
          %dma_start3A_453 = arith.constant 0 : i32
          %dma_start3A_454 = tpu.memref_slice %arg9[%sub3A_452, %dma_start3A_453] : memref<16x2048xf32, #tpu.memory_space<vmem>> -> memref<1x2048xf32, #tpu.memory_space<vmem>>
          %dma_start3A_455 = arith.constant 0 : i32
          %dma_start3A_456 = tpu.memref_slice %arg4[%shift_right_logical3A_449, %dma_start3A_455] : memref<16384x2048xf32, #tpu.memory_space<hbm>> -> memref<1x2048xf32, #tpu.memory_space<hbm>>
          %dma_start3A_457 = arith.constant 0 : i32
          %dma_start3A_458 = tpu.memref_slice %arg4[%shift_right_logical3A_449, %dma_start3A_457] : memref<16384x2048xf32, #tpu.memory_space<hbm>> -> memref<1x2048xf32, #tpu.memory_space<hbm>>
          %dma_start3A_459 = arith.constant 0 : i32
          %dma_start3A_460 = tpu.memref_slice %arg9[%sub3A_452, %dma_start3A_459] : memref<16x2048xf32, #tpu.memory_space<vmem>> -> memref<1x2048xf32, #tpu.memory_space<vmem>>
          tpu.enqueue_dma source(%dma_start3A_460 : memref<1x2048xf32, #tpu.memory_space<vmem>>) target(%dma_start3A_458 : memref<1x2048xf32, #tpu.memory_space<hbm>>) target_semaphore(%arg13 : memref<!tpu.dma_semaphore, #tpu.memory_space<semaphore_mem>>)
        } else {
        }
        %mul3A_359 = arith.constant 16 : i32
        %mul3A_360 = arith.muli %while3A_315, %mul3A_359 : i32
        %add3A_361 = arith.constant 5 : i32
        %add3A_362 = arith.addi %mul3A_360, %add3A_361 : i32
        %lt3A_363 = arith.cmpi slt, %add3A_362, %squeeze3A_220 : i32
        %convert_element_type3A_364 = arith.extui %lt3A_363 : i1 to i32
        %cond3A_365 = arith.constant 0 : i32
        %cond3A_366 = arith.cmpi ne, %convert_element_type3A_364, %cond3A_365 : i32
        scf.if %cond3A_366 {
          %slice3A_447 = vector.extract_strided_slice %get3A_318 {offsets = [5], sizes = [1], strides = [1]} : vector<16xi32> to vector<1xi32>
          %squeeze3A_448 = vector.extract %slice3A_447[0] : i32 from vector<1xi32>
          %shift_right_logical3A = arith.constant 7 : i32
          %shift_right_logical3A_449 = arith.shrui %squeeze3A_448, %shift_right_logical3A : i32
          %and3A_450 = arith.constant 127 : i32
          %and3A_451 = arith.andi %squeeze3A_448, %and3A_450 : i32
          %sub3A_452 = arith.subi %and3A_451, %mul3A_181 : i32
          %dma_start3A_453 = arith.constant 0 : i32
          %dma_start3A_454 = tpu.memref_slice %arg9[%sub3A_452, %dma_start3A_453] : memref<16x2048xf32, #tpu.memory_space<vmem>> -> memref<1x2048xf32, #tpu.memory_space<vmem>>
          %dma_start3A_455 = arith.constant 0 : i32
          %dma_start3A_456 = tpu.memref_slice %arg4[%shift_right_logical3A_449, %dma_start3A_455] : memref<16384x2048xf32, #tpu.memory_space<hbm>> -> memref<1x2048xf32, #tpu.memory_space<hbm>>
          %dma_start3A_457 = arith.constant 0 : i32
          %dma_start3A_458 = tpu.memref_slice %arg4[%shift_right_logical3A_449, %dma_start3A_457] : memref<16384x2048xf32, #tpu.memory_space<hbm>> -> memref<1x2048xf32, #tpu.memory_space<hbm>>
          %dma_start3A_459 = arith.constant 0 : i32
          %dma_start3A_460 = tpu.memref_slice %arg9[%sub3A_452, %dma_start3A_459] : memref<16x2048xf32, #tpu.memory_space<vmem>> -> memref<1x2048xf32, #tpu.memory_space<vmem>>
          tpu.enqueue_dma source(%dma_start3A_460 : memref<1x2048xf32, #tpu.memory_space<vmem>>) target(%dma_start3A_458 : memref<1x2048xf32, #tpu.memory_space<hbm>>) target_semaphore(%arg13 : memref<!tpu.dma_semaphore, #tpu.memory_space<semaphore_mem>>)
        } else {
        }
        %mul3A_367 = arith.constant 16 : i32
        %mul3A_368 = arith.muli %while3A_315, %mul3A_367 : i32
        %add3A_369 = arith.constant 6 : i32
        %add3A_370 = arith.addi %mul3A_368, %add3A_369 : i32
        %lt3A_371 = arith.cmpi slt, %add3A_370, %squeeze3A_220 : i32
        %convert_element_type3A_372 = arith.extui %lt3A_371 : i1 to i32
        %cond3A_373 = arith.constant 0 : i32
        %cond3A_374 = arith.cmpi ne, %convert_element_type3A_372, %cond3A_373 : i32
        scf.if %cond3A_374 {
          %slice3A_447 = vector.extract_strided_slice %get3A_318 {offsets = [6], sizes = [1], strides = [1]} : vector<16xi32> to vector<1xi32>
          %squeeze3A_448 = vector.extract %slice3A_447[0] : i32 from vector<1xi32>
          %shift_right_logical3A = arith.constant 7 : i32
          %shift_right_logical3A_449 = arith.shrui %squeeze3A_448, %shift_right_logical3A : i32
          %and3A_450 = arith.constant 127 : i32
          %and3A_451 = arith.andi %squeeze3A_448, %and3A_450 : i32
          %sub3A_452 = arith.subi %and3A_451, %mul3A_181 : i32
          %dma_start3A_453 = arith.constant 0 : i32
          %dma_start3A_454 = tpu.memref_slice %arg9[%sub3A_452, %dma_start3A_453] : memref<16x2048xf32, #tpu.memory_space<vmem>> -> memref<1x2048xf32, #tpu.memory_space<vmem>>
          %dma_start3A_455 = arith.constant 0 : i32
          %dma_start3A_456 = tpu.memref_slice %arg4[%shift_right_logical3A_449, %dma_start3A_455] : memref<16384x2048xf32, #tpu.memory_space<hbm>> -> memref<1x2048xf32, #tpu.memory_space<hbm>>
          %dma_start3A_457 = arith.constant 0 : i32
          %dma_start3A_458 = tpu.memref_slice %arg4[%shift_right_logical3A_449, %dma_start3A_457] : memref<16384x2048xf32, #tpu.memory_space<hbm>> -> memref<1x2048xf32, #tpu.memory_space<hbm>>
          %dma_start3A_459 = arith.constant 0 : i32
          %dma_start3A_460 = tpu.memref_slice %arg9[%sub3A_452, %dma_start3A_459] : memref<16x2048xf32, #tpu.memory_space<vmem>> -> memref<1x2048xf32, #tpu.memory_space<vmem>>
          tpu.enqueue_dma source(%dma_start3A_460 : memref<1x2048xf32, #tpu.memory_space<vmem>>) target(%dma_start3A_458 : memref<1x2048xf32, #tpu.memory_space<hbm>>) target_semaphore(%arg13 : memref<!tpu.dma_semaphore, #tpu.memory_space<semaphore_mem>>)
        } else {
        }
        %mul3A_375 = arith.constant 16 : i32
        %mul3A_376 = arith.muli %while3A_315, %mul3A_375 : i32
        %add3A_377 = arith.constant 7 : i32
        %add3A_378 = arith.addi %mul3A_376, %add3A_377 : i32
        %lt3A_379 = arith.cmpi slt, %add3A_378, %squeeze3A_220 : i32
        %convert_element_type3A_380 = arith.extui %lt3A_379 : i1 to i32
        %cond3A_381 = arith.constant 0 : i32
        %cond3A_382 = arith.cmpi ne, %convert_element_type3A_380, %cond3A_381 : i32
        scf.if %cond3A_382 {
          %slice3A_447 = vector.extract_strided_slice %get3A_318 {offsets = [7], sizes = [1], strides = [1]} : vector<16xi32> to vector<1xi32>
          %squeeze3A_448 = vector.extract %slice3A_447[0] : i32 from vector<1xi32>
          %shift_right_logical3A = arith.constant 7 : i32
          %shift_right_logical3A_449 = arith.shrui %squeeze3A_448, %shift_right_logical3A : i32
          %and3A_450 = arith.constant 127 : i32
          %and3A_451 = arith.andi %squeeze3A_448, %and3A_450 : i32
          %sub3A_452 = arith.subi %and3A_451, %mul3A_181 : i32
          %dma_start3A_453 = arith.constant 0 : i32
          %dma_start3A_454 = tpu.memref_slice %arg9[%sub3A_452, %dma_start3A_453] : memref<16x2048xf32, #tpu.memory_space<vmem>> -> memref<1x2048xf32, #tpu.memory_space<vmem>>
          %dma_start3A_455 = arith.constant 0 : i32
          %dma_start3A_456 = tpu.memref_slice %arg4[%shift_right_logical3A_449, %dma_start3A_455] : memref<16384x2048xf32, #tpu.memory_space<hbm>> -> memref<1x2048xf32, #tpu.memory_space<hbm>>
          %dma_start3A_457 = arith.constant 0 : i32
          %dma_start3A_458 = tpu.memref_slice %arg4[%shift_right_logical3A_449, %dma_start3A_457] : memref<16384x2048xf32, #tpu.memory_space<hbm>> -> memref<1x2048xf32, #tpu.memory_space<hbm>>
          %dma_start3A_459 = arith.constant 0 : i32
          %dma_start3A_460 = tpu.memref_slice %arg9[%sub3A_452, %dma_start3A_459] : memref<16x2048xf32, #tpu.memory_space<vmem>> -> memref<1x2048xf32, #tpu.memory_space<vmem>>
          tpu.enqueue_dma source(%dma_start3A_460 : memref<1x2048xf32, #tpu.memory_space<vmem>>) target(%dma_start3A_458 : memref<1x2048xf32, #tpu.memory_space<hbm>>) target_semaphore(%arg13 : memref<!tpu.dma_semaphore, #tpu.memory_space<semaphore_mem>>)
        } else {
        }
        %mul3A_383 = arith.constant 16 : i32
        %mul3A_384 = arith.muli %while3A_315, %mul3A_383 : i32
        %add3A_385 = arith.constant 8 : i32
        %add3A_386 = arith.addi %mul3A_384, %add3A_385 : i32
        %lt3A_387 = arith.cmpi slt, %add3A_386, %squeeze3A_220 : i32
        %convert_element_type3A_388 = arith.extui %lt3A_387 : i1 to i32
        %cond3A_389 = arith.constant 0 : i32
        %cond3A_390 = arith.cmpi ne, %convert_element_type3A_388, %cond3A_389 : i32
        scf.if %cond3A_390 {
          %slice3A_447 = vector.extract_strided_slice %get3A_318 {offsets = [8], sizes = [1], strides = [1]} : vector<16xi32> to vector<1xi32>
          %squeeze3A_448 = vector.extract %slice3A_447[0] : i32 from vector<1xi32>
          %shift_right_logical3A = arith.constant 7 : i32
          %shift_right_logical3A_449 = arith.shrui %squeeze3A_448, %shift_right_logical3A : i32
          %and3A_450 = arith.constant 127 : i32
          %and3A_451 = arith.andi %squeeze3A_448, %and3A_450 : i32
          %sub3A_452 = arith.subi %and3A_451, %mul3A_181 : i32
          %dma_start3A_453 = arith.constant 0 : i32
          %dma_start3A_454 = tpu.memref_slice %arg9[%sub3A_452, %dma_start3A_453] : memref<16x2048xf32, #tpu.memory_space<vmem>> -> memref<1x2048xf32, #tpu.memory_space<vmem>>
          %dma_start3A_455 = arith.constant 0 : i32
          %dma_start3A_456 = tpu.memref_slice %arg4[%shift_right_logical3A_449, %dma_start3A_455] : memref<16384x2048xf32, #tpu.memory_space<hbm>> -> memref<1x2048xf32, #tpu.memory_space<hbm>>
          %dma_start3A_457 = arith.constant 0 : i32
          %dma_start3A_458 = tpu.memref_slice %arg4[%shift_right_logical3A_449, %dma_start3A_457] : memref<16384x2048xf32, #tpu.memory_space<hbm>> -> memref<1x2048xf32, #tpu.memory_space<hbm>>
          %dma_start3A_459 = arith.constant 0 : i32
          %dma_start3A_460 = tpu.memref_slice %arg9[%sub3A_452, %dma_start3A_459] : memref<16x2048xf32, #tpu.memory_space<vmem>> -> memref<1x2048xf32, #tpu.memory_space<vmem>>
          tpu.enqueue_dma source(%dma_start3A_460 : memref<1x2048xf32, #tpu.memory_space<vmem>>) target(%dma_start3A_458 : memref<1x2048xf32, #tpu.memory_space<hbm>>) target_semaphore(%arg13 : memref<!tpu.dma_semaphore, #tpu.memory_space<semaphore_mem>>)
        } else {
        }
        %mul3A_391 = arith.constant 16 : i32
        %mul3A_392 = arith.muli %while3A_315, %mul3A_391 : i32
        %add3A_393 = arith.constant 9 : i32
        %add3A_394 = arith.addi %mul3A_392, %add3A_393 : i32
        %lt3A_395 = arith.cmpi slt, %add3A_394, %squeeze3A_220 : i32
        %convert_element_type3A_396 = arith.extui %lt3A_395 : i1 to i32
        %cond3A_397 = arith.constant 0 : i32
        %cond3A_398 = arith.cmpi ne, %convert_element_type3A_396, %cond3A_397 : i32
        scf.if %cond3A_398 {
          %slice3A_447 = vector.extract_strided_slice %get3A_318 {offsets = [9], sizes = [1], strides = [1]} : vector<16xi32> to vector<1xi32>
          %squeeze3A_448 = vector.extract %slice3A_447[0] : i32 from vector<1xi32>
          %shift_right_logical3A = arith.constant 7 : i32
          %shift_right_logical3A_449 = arith.shrui %squeeze3A_448, %shift_right_logical3A : i32
          %and3A_450 = arith.constant 127 : i32
          %and3A_451 = arith.andi %squeeze3A_448, %and3A_450 : i32
          %sub3A_452 = arith.subi %and3A_451, %mul3A_181 : i32
          %dma_start3A_453 = arith.constant 0 : i32
          %dma_start3A_454 = tpu.memref_slice %arg9[%sub3A_452, %dma_start3A_453] : memref<16x2048xf32, #tpu.memory_space<vmem>> -> memref<1x2048xf32, #tpu.memory_space<vmem>>
          %dma_start3A_455 = arith.constant 0 : i32
          %dma_start3A_456 = tpu.memref_slice %arg4[%shift_right_logical3A_449, %dma_start3A_455] : memref<16384x2048xf32, #tpu.memory_space<hbm>> -> memref<1x2048xf32, #tpu.memory_space<hbm>>
          %dma_start3A_457 = arith.constant 0 : i32
          %dma_start3A_458 = tpu.memref_slice %arg4[%shift_right_logical3A_449, %dma_start3A_457] : memref<16384x2048xf32, #tpu.memory_space<hbm>> -> memref<1x2048xf32, #tpu.memory_space<hbm>>
          %dma_start3A_459 = arith.constant 0 : i32
          %dma_start3A_460 = tpu.memref_slice %arg9[%sub3A_452, %dma_start3A_459] : memref<16x2048xf32, #tpu.memory_space<vmem>> -> memref<1x2048xf32, #tpu.memory_space<vmem>>
          tpu.enqueue_dma source(%dma_start3A_460 : memref<1x2048xf32, #tpu.memory_space<vmem>>) target(%dma_start3A_458 : memref<1x2048xf32, #tpu.memory_space<hbm>>) target_semaphore(%arg13 : memref<!tpu.dma_semaphore, #tpu.memory_space<semaphore_mem>>)
        } else {
        }
        %mul3A_399 = arith.constant 16 : i32
        %mul3A_400 = arith.muli %while3A_315, %mul3A_399 : i32
        %add3A_401 = arith.constant 10 : i32
        %add3A_402 = arith.addi %mul3A_400, %add3A_401 : i32
        %lt3A_403 = arith.cmpi slt, %add3A_402, %squeeze3A_220 : i32
        %convert_element_type3A_404 = arith.extui %lt3A_403 : i1 to i32
        %cond3A_405 = arith.constant 0 : i32
        %cond3A_406 = arith.cmpi ne, %convert_element_type3A_404, %cond3A_405 : i32
        scf.if %cond3A_406 {
          %slice3A_447 = vector.extract_strided_slice %get3A_318 {offsets = [10], sizes = [1], strides = [1]} : vector<16xi32> to vector<1xi32>
          %squeeze3A_448 = vector.extract %slice3A_447[0] : i32 from vector<1xi32>
          %shift_right_logical3A = arith.constant 7 : i32
          %shift_right_logical3A_449 = arith.shrui %squeeze3A_448, %shift_right_logical3A : i32
          %and3A_450 = arith.constant 127 : i32
          %and3A_451 = arith.andi %squeeze3A_448, %and3A_450 : i32
          %sub3A_452 = arith.subi %and3A_451, %mul3A_181 : i32
          %dma_start3A_453 = arith.constant 0 : i32
          %dma_start3A_454 = tpu.memref_slice %arg9[%sub3A_452, %dma_start3A_453] : memref<16x2048xf32, #tpu.memory_space<vmem>> -> memref<1x2048xf32, #tpu.memory_space<vmem>>
          %dma_start3A_455 = arith.constant 0 : i32
          %dma_start3A_456 = tpu.memref_slice %arg4[%shift_right_logical3A_449, %dma_start3A_455] : memref<16384x2048xf32, #tpu.memory_space<hbm>> -> memref<1x2048xf32, #tpu.memory_space<hbm>>
          %dma_start3A_457 = arith.constant 0 : i32
          %dma_start3A_458 = tpu.memref_slice %arg4[%shift_right_logical3A_449, %dma_start3A_457] : memref<16384x2048xf32, #tpu.memory_space<hbm>> -> memref<1x2048xf32, #tpu.memory_space<hbm>>
          %dma_start3A_459 = arith.constant 0 : i32
          %dma_start3A_460 = tpu.memref_slice %arg9[%sub3A_452, %dma_start3A_459] : memref<16x2048xf32, #tpu.memory_space<vmem>> -> memref<1x2048xf32, #tpu.memory_space<vmem>>
          tpu.enqueue_dma source(%dma_start3A_460 : memref<1x2048xf32, #tpu.memory_space<vmem>>) target(%dma_start3A_458 : memref<1x2048xf32, #tpu.memory_space<hbm>>) target_semaphore(%arg13 : memref<!tpu.dma_semaphore, #tpu.memory_space<semaphore_mem>>)
        } else {
        }
        %mul3A_407 = arith.constant 16 : i32
        %mul3A_408 = arith.muli %while3A_315, %mul3A_407 : i32
        %add3A_409 = arith.constant 11 : i32
        %add3A_410 = arith.addi %mul3A_408, %add3A_409 : i32
        %lt3A_411 = arith.cmpi slt, %add3A_410, %squeeze3A_220 : i32
        %convert_element_type3A_412 = arith.extui %lt3A_411 : i1 to i32
        %cond3A_413 = arith.constant 0 : i32
        %cond3A_414 = arith.cmpi ne, %convert_element_type3A_412, %cond3A_413 : i32
        scf.if %cond3A_414 {
          %slice3A_447 = vector.extract_strided_slice %get3A_318 {offsets = [11], sizes = [1], strides = [1]} : vector<16xi32> to vector<1xi32>
          %squeeze3A_448 = vector.extract %slice3A_447[0] : i32 from vector<1xi32>
          %shift_right_logical3A = arith.constant 7 : i32
          %shift_right_logical3A_449 = arith.shrui %squeeze3A_448, %shift_right_logical3A : i32
          %and3A_450 = arith.constant 127 : i32
          %and3A_451 = arith.andi %squeeze3A_448, %and3A_450 : i32
          %sub3A_452 = arith.subi %and3A_451, %mul3A_181 : i32
          %dma_start3A_453 = arith.constant 0 : i32
          %dma_start3A_454 = tpu.memref_slice %arg9[%sub3A_452, %dma_start3A_453] : memref<16x2048xf32, #tpu.memory_space<vmem>> -> memref<1x2048xf32, #tpu.memory_space<vmem>>
          %dma_start3A_455 = arith.constant 0 : i32
          %dma_start3A_456 = tpu.memref_slice %arg4[%shift_right_logical3A_449, %dma_start3A_455] : memref<16384x2048xf32, #tpu.memory_space<hbm>> -> memref<1x2048xf32, #tpu.memory_space<hbm>>
          %dma_start3A_457 = arith.constant 0 : i32
          %dma_start3A_458 = tpu.memref_slice %arg4[%shift_right_logical3A_449, %dma_start3A_457] : memref<16384x2048xf32, #tpu.memory_space<hbm>> -> memref<1x2048xf32, #tpu.memory_space<hbm>>
          %dma_start3A_459 = arith.constant 0 : i32
          %dma_start3A_460 = tpu.memref_slice %arg9[%sub3A_452, %dma_start3A_459] : memref<16x2048xf32, #tpu.memory_space<vmem>> -> memref<1x2048xf32, #tpu.memory_space<vmem>>
          tpu.enqueue_dma source(%dma_start3A_460 : memref<1x2048xf32, #tpu.memory_space<vmem>>) target(%dma_start3A_458 : memref<1x2048xf32, #tpu.memory_space<hbm>>) target_semaphore(%arg13 : memref<!tpu.dma_semaphore, #tpu.memory_space<semaphore_mem>>)
        } else {
        }
        %mul3A_415 = arith.constant 16 : i32
        %mul3A_416 = arith.muli %while3A_315, %mul3A_415 : i32
        %add3A_417 = arith.constant 12 : i32
        %add3A_418 = arith.addi %mul3A_416, %add3A_417 : i32
        %lt3A_419 = arith.cmpi slt, %add3A_418, %squeeze3A_220 : i32
        %convert_element_type3A_420 = arith.extui %lt3A_419 : i1 to i32
        %cond3A_421 = arith.constant 0 : i32
        %cond3A_422 = arith.cmpi ne, %convert_element_type3A_420, %cond3A_421 : i32
        scf.if %cond3A_422 {
          %slice3A_447 = vector.extract_strided_slice %get3A_318 {offsets = [12], sizes = [1], strides = [1]} : vector<16xi32> to vector<1xi32>
          %squeeze3A_448 = vector.extract %slice3A_447[0] : i32 from vector<1xi32>
          %shift_right_logical3A = arith.constant 7 : i32
          %shift_right_logical3A_449 = arith.shrui %squeeze3A_448, %shift_right_logical3A : i32
          %and3A_450 = arith.constant 127 : i32
          %and3A_451 = arith.andi %squeeze3A_448, %and3A_450 : i32
          %sub3A_452 = arith.subi %and3A_451, %mul3A_181 : i32
          %dma_start3A_453 = arith.constant 0 : i32
          %dma_start3A_454 = tpu.memref_slice %arg9[%sub3A_452, %dma_start3A_453] : memref<16x2048xf32, #tpu.memory_space<vmem>> -> memref<1x2048xf32, #tpu.memory_space<vmem>>
          %dma_start3A_455 = arith.constant 0 : i32
          %dma_start3A_456 = tpu.memref_slice %arg4[%shift_right_logical3A_449, %dma_start3A_455] : memref<16384x2048xf32, #tpu.memory_space<hbm>> -> memref<1x2048xf32, #tpu.memory_space<hbm>>
          %dma_start3A_457 = arith.constant 0 : i32
          %dma_start3A_458 = tpu.memref_slice %arg4[%shift_right_logical3A_449, %dma_start3A_457] : memref<16384x2048xf32, #tpu.memory_space<hbm>> -> memref<1x2048xf32, #tpu.memory_space<hbm>>
          %dma_start3A_459 = arith.constant 0 : i32
          %dma_start3A_460 = tpu.memref_slice %arg9[%sub3A_452, %dma_start3A_459] : memref<16x2048xf32, #tpu.memory_space<vmem>> -> memref<1x2048xf32, #tpu.memory_space<vmem>>
          tpu.enqueue_dma source(%dma_start3A_460 : memref<1x2048xf32, #tpu.memory_space<vmem>>) target(%dma_start3A_458 : memref<1x2048xf32, #tpu.memory_space<hbm>>) target_semaphore(%arg13 : memref<!tpu.dma_semaphore, #tpu.memory_space<semaphore_mem>>)
        } else {
        }
        %mul3A_423 = arith.constant 16 : i32
        %mul3A_424 = arith.muli %while3A_315, %mul3A_423 : i32
        %add3A_425 = arith.constant 13 : i32
        %add3A_426 = arith.addi %mul3A_424, %add3A_425 : i32
        %lt3A_427 = arith.cmpi slt, %add3A_426, %squeeze3A_220 : i32
        %convert_element_type3A_428 = arith.extui %lt3A_427 : i1 to i32
        %cond3A_429 = arith.constant 0 : i32
        %cond3A_430 = arith.cmpi ne, %convert_element_type3A_428, %cond3A_429 : i32
        scf.if %cond3A_430 {
          %slice3A_447 = vector.extract_strided_slice %get3A_318 {offsets = [13], sizes = [1], strides = [1]} : vector<16xi32> to vector<1xi32>
          %squeeze3A_448 = vector.extract %slice3A_447[0] : i32 from vector<1xi32>
          %shift_right_logical3A = arith.constant 7 : i32
          %shift_right_logical3A_449 = arith.shrui %squeeze3A_448, %shift_right_logical3A : i32
          %and3A_450 = arith.constant 127 : i32
          %and3A_451 = arith.andi %squeeze3A_448, %and3A_450 : i32
          %sub3A_452 = arith.subi %and3A_451, %mul3A_181 : i32
          %dma_start3A_453 = arith.constant 0 : i32
          %dma_start3A_454 = tpu.memref_slice %arg9[%sub3A_452, %dma_start3A_453] : memref<16x2048xf32, #tpu.memory_space<vmem>> -> memref<1x2048xf32, #tpu.memory_space<vmem>>
          %dma_start3A_455 = arith.constant 0 : i32
          %dma_start3A_456 = tpu.memref_slice %arg4[%shift_right_logical3A_449, %dma_start3A_455] : memref<16384x2048xf32, #tpu.memory_space<hbm>> -> memref<1x2048xf32, #tpu.memory_space<hbm>>
          %dma_start3A_457 = arith.constant 0 : i32
          %dma_start3A_458 = tpu.memref_slice %arg4[%shift_right_logical3A_449, %dma_start3A_457] : memref<16384x2048xf32, #tpu.memory_space<hbm>> -> memref<1x2048xf32, #tpu.memory_space<hbm>>
          %dma_start3A_459 = arith.constant 0 : i32
          %dma_start3A_460 = tpu.memref_slice %arg9[%sub3A_452, %dma_start3A_459] : memref<16x2048xf32, #tpu.memory_space<vmem>> -> memref<1x2048xf32, #tpu.memory_space<vmem>>
          tpu.enqueue_dma source(%dma_start3A_460 : memref<1x2048xf32, #tpu.memory_space<vmem>>) target(%dma_start3A_458 : memref<1x2048xf32, #tpu.memory_space<hbm>>) target_semaphore(%arg13 : memref<!tpu.dma_semaphore, #tpu.memory_space<semaphore_mem>>)
        } else {
        }
        %mul3A_431 = arith.constant 16 : i32
        %mul3A_432 = arith.muli %while3A_315, %mul3A_431 : i32
        %add3A_433 = arith.constant 14 : i32
        %add3A_434 = arith.addi %mul3A_432, %add3A_433 : i32
        %lt3A_435 = arith.cmpi slt, %add3A_434, %squeeze3A_220 : i32
        %convert_element_type3A_436 = arith.extui %lt3A_435 : i1 to i32
        %cond3A_437 = arith.constant 0 : i32
        %cond3A_438 = arith.cmpi ne, %convert_element_type3A_436, %cond3A_437 : i32
        scf.if %cond3A_438 {
          %slice3A_447 = vector.extract_strided_slice %get3A_318 {offsets = [14], sizes = [1], strides = [1]} : vector<16xi32> to vector<1xi32>
          %squeeze3A_448 = vector.extract %slice3A_447[0] : i32 from vector<1xi32>
          %shift_right_logical3A = arith.constant 7 : i32
          %shift_right_logical3A_449 = arith.shrui %squeeze3A_448, %shift_right_logical3A : i32
          %and3A_450 = arith.constant 127 : i32
          %and3A_451 = arith.andi %squeeze3A_448, %and3A_450 : i32
          %sub3A_452 = arith.subi %and3A_451, %mul3A_181 : i32
          %dma_start3A_453 = arith.constant 0 : i32
          %dma_start3A_454 = tpu.memref_slice %arg9[%sub3A_452, %dma_start3A_453] : memref<16x2048xf32, #tpu.memory_space<vmem>> -> memref<1x2048xf32, #tpu.memory_space<vmem>>
          %dma_start3A_455 = arith.constant 0 : i32
          %dma_start3A_456 = tpu.memref_slice %arg4[%shift_right_logical3A_449, %dma_start3A_455] : memref<16384x2048xf32, #tpu.memory_space<hbm>> -> memref<1x2048xf32, #tpu.memory_space<hbm>>
          %dma_start3A_457 = arith.constant 0 : i32
          %dma_start3A_458 = tpu.memref_slice %arg4[%shift_right_logical3A_449, %dma_start3A_457] : memref<16384x2048xf32, #tpu.memory_space<hbm>> -> memref<1x2048xf32, #tpu.memory_space<hbm>>
          %dma_start3A_459 = arith.constant 0 : i32
          %dma_start3A_460 = tpu.memref_slice %arg9[%sub3A_452, %dma_start3A_459] : memref<16x2048xf32, #tpu.memory_space<vmem>> -> memref<1x2048xf32, #tpu.memory_space<vmem>>
          tpu.enqueue_dma source(%dma_start3A_460 : memref<1x2048xf32, #tpu.memory_space<vmem>>) target(%dma_start3A_458 : memref<1x2048xf32, #tpu.memory_space<hbm>>) target_semaphore(%arg13 : memref<!tpu.dma_semaphore, #tpu.memory_space<semaphore_mem>>)
        } else {
        }
        %mul3A_439 = arith.constant 16 : i32
        %mul3A_440 = arith.muli %while3A_315, %mul3A_439 : i32
        %add3A_441 = arith.constant 15 : i32
        %add3A_442 = arith.addi %mul3A_440, %add3A_441 : i32
        %lt3A_443 = arith.cmpi slt, %add3A_442, %squeeze3A_220 : i32
        %convert_element_type3A_444 = arith.extui %lt3A_443 : i1 to i32
        %cond3A_445 = arith.constant 0 : i32
        %cond3A_446 = arith.cmpi ne, %convert_element_type3A_444, %cond3A_445 : i32
        scf.if %cond3A_446 {
          %slice3A_447 = vector.extract_strided_slice %get3A_318 {offsets = [15], sizes = [1], strides = [1]} : vector<16xi32> to vector<1xi32>
          %squeeze3A_448 = vector.extract %slice3A_447[0] : i32 from vector<1xi32>
          %shift_right_logical3A = arith.constant 7 : i32
          %shift_right_logical3A_449 = arith.shrui %squeeze3A_448, %shift_right_logical3A : i32
          %and3A_450 = arith.constant 127 : i32
          %and3A_451 = arith.andi %squeeze3A_448, %and3A_450 : i32
          %sub3A_452 = arith.subi %and3A_451, %mul3A_181 : i32
          %dma_start3A_453 = arith.constant 0 : i32
          %dma_start3A_454 = tpu.memref_slice %arg9[%sub3A_452, %dma_start3A_453] : memref<16x2048xf32, #tpu.memory_space<vmem>> -> memref<1x2048xf32, #tpu.memory_space<vmem>>
          %dma_start3A_455 = arith.constant 0 : i32
          %dma_start3A_456 = tpu.memref_slice %arg4[%shift_right_logical3A_449, %dma_start3A_455] : memref<16384x2048xf32, #tpu.memory_space<hbm>> -> memref<1x2048xf32, #tpu.memory_space<hbm>>
          %dma_start3A_457 = arith.constant 0 : i32
          %dma_start3A_458 = tpu.memref_slice %arg4[%shift_right_logical3A_449, %dma_start3A_457] : memref<16384x2048xf32, #tpu.memory_space<hbm>> -> memref<1x2048xf32, #tpu.memory_space<hbm>>
          %dma_start3A_459 = arith.constant 0 : i32
          %dma_start3A_460 = tpu.memref_slice %arg9[%sub3A_452, %dma_start3A_459] : memref<16x2048xf32, #tpu.memory_space<vmem>> -> memref<1x2048xf32, #tpu.memory_space<vmem>>
          tpu.enqueue_dma source(%dma_start3A_460 : memref<1x2048xf32, #tpu.memory_space<vmem>>) target(%dma_start3A_458 : memref<1x2048xf32, #tpu.memory_space<hbm>>) target_semaphore(%arg13 : memref<!tpu.dma_semaphore, #tpu.memory_space<semaphore_mem>>)
        } else {
        }
      }
      %while3A_261 = arith.constant 1 : i32
      scf.for %while3A_315 = %while3A_259 to %while3A_255 step %while3A_261  : i32 {
        %mul3A_316 = arith.constant 16 : i32
        %mul3A_317 = arith.muli %while3A_315, %mul3A_316 : i32
        %get3A = arith.index_cast %mul3A_317 : i32 to index
        %get3A_318 = tpu.vector_load %arg7[%get3A] {strides = array<i32>} : memref<16400xi32, #tpu.memory_space<vmem>>, vector<16xi32>,
        %mul3A_319 = arith.constant 16 : i32
        %mul3A_320 = arith.muli %while3A_315, %mul3A_319 : i32
        %add3A_321 = arith.constant 0 : i32
        %add3A_322 = arith.addi %mul3A_320, %add3A_321 : i32
        %lt3A_323 = arith.cmpi slt, %add3A_322, %squeeze3A_220 : i32
        %convert_element_type3A_324 = arith.extui %lt3A_323 : i1 to i32
        %cond3A_325 = arith.constant 0 : i32
        %cond3A_326 = arith.cmpi ne, %convert_element_type3A_324, %cond3A_325 : i32
        scf.if %cond3A_326 {
          %slice3A_447 = vector.extract_strided_slice %get3A_318 {offsets = [0], sizes = [1], strides = [1]} : vector<16xi32> to vector<1xi32>
          %squeeze3A_448 = vector.extract %slice3A_447[0] : i32 from vector<1xi32>
          %shift_right_logical3A = arith.constant 7 : i32
          %shift_right_logical3A_449 = arith.shrui %squeeze3A_448, %shift_right_logical3A : i32
          %and3A_450 = arith.constant 127 : i32
          %and3A_451 = arith.andi %squeeze3A_448, %and3A_450 : i32
          %sub3A_452 = arith.subi %and3A_451, %mul3A_181 : i32
          %dma_start3A_453 = arith.constant 0 : i32
          %dma_start3A_454 = tpu.memref_slice %arg9[%sub3A_452, %dma_start3A_453] : memref<16x2048xf32, #tpu.memory_space<vmem>> -> memref<1x2048xf32, #tpu.memory_space<vmem>>
          %dma_start3A_455 = arith.constant 0 : i32
          %dma_start3A_456 = tpu.memref_slice %arg4[%shift_right_logical3A_449, %dma_start3A_455] : memref<16384x2048xf32, #tpu.memory_space<hbm>> -> memref<1x2048xf32, #tpu.memory_space<hbm>>
          %dma_start3A_457 = arith.constant 0 : i32
          %dma_start3A_458 = tpu.memref_slice %arg4[%shift_right_logical3A_449, %dma_start3A_457] : memref<16384x2048xf32, #tpu.memory_space<hbm>> -> memref<1x2048xf32, #tpu.memory_space<hbm>>
          %dma_start3A_459 = arith.constant 0 : i32
          %dma_start3A_460 = tpu.memref_slice %arg9[%sub3A_452, %dma_start3A_459] : memref<16x2048xf32, #tpu.memory_space<vmem>> -> memref<1x2048xf32, #tpu.memory_space<vmem>>
          tpu.enqueue_dma source(%dma_start3A_460 : memref<1x2048xf32, #tpu.memory_space<vmem>>) target(%dma_start3A_458 : memref<1x2048xf32, #tpu.memory_space<hbm>>) target_semaphore(%arg13 : memref<!tpu.dma_semaphore, #tpu.memory_space<semaphore_mem>>)
        } else {
        }
        %mul3A_327 = arith.constant 16 : i32
        %mul3A_328 = arith.muli %while3A_315, %mul3A_327 : i32
        %add3A_329 = arith.constant 1 : i32
        %add3A_330 = arith.addi %mul3A_328, %add3A_329 : i32
        %lt3A_331 = arith.cmpi slt, %add3A_330, %squeeze3A_220 : i32
        %convert_element_type3A_332 = arith.extui %lt3A_331 : i1 to i32
        %cond3A_333 = arith.constant 0 : i32
        %cond3A_334 = arith.cmpi ne, %convert_element_type3A_332, %cond3A_333 : i32
        scf.if %cond3A_334 {
          %slice3A_447 = vector.extract_strided_slice %get3A_318 {offsets = [1], sizes = [1], strides = [1]} : vector<16xi32> to vector<1xi32>
          %squeeze3A_448 = vector.extract %slice3A_447[0] : i32 from vector<1xi32>
          %shift_right_logical3A = arith.constant 7 : i32
          %shift_right_logical3A_449 = arith.shrui %squeeze3A_448, %shift_right_logical3A : i32
          %and3A_450 = arith.constant 127 : i32
          %and3A_451 = arith.andi %squeeze3A_448, %and3A_450 : i32
          %sub3A_452 = arith.subi %and3A_451, %mul3A_181 : i32
          %dma_start3A_453 = arith.constant 0 : i32
          %dma_start3A_454 = tpu.memref_slice %arg9[%sub3A_452, %dma_start3A_453] : memref<16x2048xf32, #tpu.memory_space<vmem>> -> memref<1x2048xf32, #tpu.memory_space<vmem>>
          %dma_start3A_455 = arith.constant 0 : i32
          %dma_start3A_456 = tpu.memref_slice %arg4[%shift_right_logical3A_449, %dma_start3A_455] : memref<16384x2048xf32, #tpu.memory_space<hbm>> -> memref<1x2048xf32, #tpu.memory_space<hbm>>
          %dma_start3A_457 = arith.constant 0 : i32
          %dma_start3A_458 = tpu.memref_slice %arg4[%shift_right_logical3A_449, %dma_start3A_457] : memref<16384x2048xf32, #tpu.memory_space<hbm>> -> memref<1x2048xf32, #tpu.memory_space<hbm>>
          %dma_start3A_459 = arith.constant 0 : i32
          %dma_start3A_460 = tpu.memref_slice %arg9[%sub3A_452, %dma_start3A_459] : memref<16x2048xf32, #tpu.memory_space<vmem>> -> memref<1x2048xf32, #tpu.memory_space<vmem>>
          tpu.enqueue_dma source(%dma_start3A_460 : memref<1x2048xf32, #tpu.memory_space<vmem>>) target(%dma_start3A_458 : memref<1x2048xf32, #tpu.memory_space<hbm>>) target_semaphore(%arg13 : memref<!tpu.dma_semaphore, #tpu.memory_space<semaphore_mem>>)
        } else {
        }
        %mul3A_335 = arith.constant 16 : i32
        %mul3A_336 = arith.muli %while3A_315, %mul3A_335 : i32
        %add3A_337 = arith.constant 2 : i32
        %add3A_338 = arith.addi %mul3A_336, %add3A_337 : i32
        %lt3A_339 = arith.cmpi slt, %add3A_338, %squeeze3A_220 : i32
        %convert_element_type3A_340 = arith.extui %lt3A_339 : i1 to i32
        %cond3A_341 = arith.constant 0 : i32
        %cond3A_342 = arith.cmpi ne, %convert_element_type3A_340, %cond3A_341 : i32
        scf.if %cond3A_342 {
          %slice3A_447 = vector.extract_strided_slice %get3A_318 {offsets = [2], sizes = [1], strides = [1]} : vector<16xi32> to vector<1xi32>
          %squeeze3A_448 = vector.extract %slice3A_447[0] : i32 from vector<1xi32>
          %shift_right_logical3A = arith.constant 7 : i32
          %shift_right_logical3A_449 = arith.shrui %squeeze3A_448, %shift_right_logical3A : i32
          %and3A_450 = arith.constant 127 : i32
          %and3A_451 = arith.andi %squeeze3A_448, %and3A_450 : i32
          %sub3A_452 = arith.subi %and3A_451, %mul3A_181 : i32
          %dma_start3A_453 = arith.constant 0 : i32
          %dma_start3A_454 = tpu.memref_slice %arg9[%sub3A_452, %dma_start3A_453] : memref<16x2048xf32, #tpu.memory_space<vmem>> -> memref<1x2048xf32, #tpu.memory_space<vmem>>
          %dma_start3A_455 = arith.constant 0 : i32
          %dma_start3A_456 = tpu.memref_slice %arg4[%shift_right_logical3A_449, %dma_start3A_455] : memref<16384x2048xf32, #tpu.memory_space<hbm>> -> memref<1x2048xf32, #tpu.memory_space<hbm>>
          %dma_start3A_457 = arith.constant 0 : i32
          %dma_start3A_458 = tpu.memref_slice %arg4[%shift_right_logical3A_449, %dma_start3A_457] : memref<16384x2048xf32, #tpu.memory_space<hbm>> -> memref<1x2048xf32, #tpu.memory_space<hbm>>
          %dma_start3A_459 = arith.constant 0 : i32
          %dma_start3A_460 = tpu.memref_slice %arg9[%sub3A_452, %dma_start3A_459] : memref<16x2048xf32, #tpu.memory_space<vmem>> -> memref<1x2048xf32, #tpu.memory_space<vmem>>
          tpu.enqueue_dma source(%dma_start3A_460 : memref<1x2048xf32, #tpu.memory_space<vmem>>) target(%dma_start3A_458 : memref<1x2048xf32, #tpu.memory_space<hbm>>) target_semaphore(%arg13 : memref<!tpu.dma_semaphore, #tpu.memory_space<semaphore_mem>>)
        } else {
        }
        %mul3A_343 = arith.constant 16 : i32
        %mul3A_344 = arith.muli %while3A_315, %mul3A_343 : i32
        %add3A_345 = arith.constant 3 : i32
        %add3A_346 = arith.addi %mul3A_344, %add3A_345 : i32
        %lt3A_347 = arith.cmpi slt, %add3A_346, %squeeze3A_220 : i32
        %convert_element_type3A_348 = arith.extui %lt3A_347 : i1 to i32
        %cond3A_349 = arith.constant 0 : i32
        %cond3A_350 = arith.cmpi ne, %convert_element_type3A_348, %cond3A_349 : i32
        scf.if %cond3A_350 {
          %slice3A_447 = vector.extract_strided_slice %get3A_318 {offsets = [3], sizes = [1], strides = [1]} : vector<16xi32> to vector<1xi32>
          %squeeze3A_448 = vector.extract %slice3A_447[0] : i32 from vector<1xi32>
          %shift_right_logical3A = arith.constant 7 : i32
          %shift_right_logical3A_449 = arith.shrui %squeeze3A_448, %shift_right_logical3A : i32
          %and3A_450 = arith.constant 127 : i32
          %and3A_451 = arith.andi %squeeze3A_448, %and3A_450 : i32
          %sub3A_452 = arith.subi %and3A_451, %mul3A_181 : i32
          %dma_start3A_453 = arith.constant 0 : i32
          %dma_start3A_454 = tpu.memref_slice %arg9[%sub3A_452, %dma_start3A_453] : memref<16x2048xf32, #tpu.memory_space<vmem>> -> memref<1x2048xf32, #tpu.memory_space<vmem>>
          %dma_start3A_455 = arith.constant 0 : i32
          %dma_start3A_456 = tpu.memref_slice %arg4[%shift_right_logical3A_449, %dma_start3A_455] : memref<16384x2048xf32, #tpu.memory_space<hbm>> -> memref<1x2048xf32, #tpu.memory_space<hbm>>
          %dma_start3A_457 = arith.constant 0 : i32
          %dma_start3A_458 = tpu.memref_slice %arg4[%shift_right_logical3A_449, %dma_start3A_457] : memref<16384x2048xf32, #tpu.memory_space<hbm>> -> memref<1x2048xf32, #tpu.memory_space<hbm>>
          %dma_start3A_459 = arith.constant 0 : i32
          %dma_start3A_460 = tpu.memref_slice %arg9[%sub3A_452, %dma_start3A_459] : memref<16x2048xf32, #tpu.memory_space<vmem>> -> memref<1x2048xf32, #tpu.memory_space<vmem>>
          tpu.enqueue_dma source(%dma_start3A_460 : memref<1x2048xf32, #tpu.memory_space<vmem>>) target(%dma_start3A_458 : memref<1x2048xf32, #tpu.memory_space<hbm>>) target_semaphore(%arg13 : memref<!tpu.dma_semaphore, #tpu.memory_space<semaphore_mem>>)
        } else {
        }
        %mul3A_351 = arith.constant 16 : i32
        %mul3A_352 = arith.muli %while3A_315, %mul3A_351 : i32
        %add3A_353 = arith.constant 4 : i32
        %add3A_354 = arith.addi %mul3A_352, %add3A_353 : i32
        %lt3A_355 = arith.cmpi slt, %add3A_354, %squeeze3A_220 : i32
        %convert_element_type3A_356 = arith.extui %lt3A_355 : i1 to i32
        %cond3A_357 = arith.constant 0 : i32
        %cond3A_358 = arith.cmpi ne, %convert_element_type3A_356, %cond3A_357 : i32
        scf.if %cond3A_358 {
          %slice3A_447 = vector.extract_strided_slice %get3A_318 {offsets = [4], sizes = [1], strides = [1]} : vector<16xi32> to vector<1xi32>
          %squeeze3A_448 = vector.extract %slice3A_447[0] : i32 from vector<1xi32>
          %shift_right_logical3A = arith.constant 7 : i32
          %shift_right_logical3A_449 = arith.shrui %squeeze3A_448, %shift_right_logical3A : i32
          %and3A_450 = arith.constant 127 : i32
          %and3A_451 = arith.andi %squeeze3A_448, %and3A_450 : i32
          %sub3A_452 = arith.subi %and3A_451, %mul3A_181 : i32
          %dma_start3A_453 = arith.constant 0 : i32
          %dma_start3A_454 = tpu.memref_slice %arg9[%sub3A_452, %dma_start3A_453] : memref<16x2048xf32, #tpu.memory_space<vmem>> -> memref<1x2048xf32, #tpu.memory_space<vmem>>
          %dma_start3A_455 = arith.constant 0 : i32
          %dma_start3A_456 = tpu.memref_slice %arg4[%shift_right_logical3A_449, %dma_start3A_455] : memref<16384x2048xf32, #tpu.memory_space<hbm>> -> memref<1x2048xf32, #tpu.memory_space<hbm>>
          %dma_start3A_457 = arith.constant 0 : i32
          %dma_start3A_458 = tpu.memref_slice %arg4[%shift_right_logical3A_449, %dma_start3A_457] : memref<16384x2048xf32, #tpu.memory_space<hbm>> -> memref<1x2048xf32, #tpu.memory_space<hbm>>
          %dma_start3A_459 = arith.constant 0 : i32
          %dma_start3A_460 = tpu.memref_slice %arg9[%sub3A_452, %dma_start3A_459] : memref<16x2048xf32, #tpu.memory_space<vmem>> -> memref<1x2048xf32, #tpu.memory_space<vmem>>
          tpu.enqueue_dma source(%dma_start3A_460 : memref<1x2048xf32, #tpu.memory_space<vmem>>) target(%dma_start3A_458 : memref<1x2048xf32, #tpu.memory_space<hbm>>) target_semaphore(%arg13 : memref<!tpu.dma_semaphore, #tpu.memory_space<semaphore_mem>>)
        } else {
        }
        %mul3A_359 = arith.constant 16 : i32
        %mul3A_360 = arith.muli %while3A_315, %mul3A_359 : i32
        %add3A_361 = arith.constant 5 : i32
        %add3A_362 = arith.addi %mul3A_360, %add3A_361 : i32
        %lt3A_363 = arith.cmpi slt, %add3A_362, %squeeze3A_220 : i32
        %convert_element_type3A_364 = arith.extui %lt3A_363 : i1 to i32
        %cond3A_365 = arith.constant 0 : i32
        %cond3A_366 = arith.cmpi ne, %convert_element_type3A_364, %cond3A_365 : i32
        scf.if %cond3A_366 {
          %slice3A_447 = vector.extract_strided_slice %get3A_318 {offsets = [5], sizes = [1], strides = [1]} : vector<16xi32> to vector<1xi32>
          %squeeze3A_448 = vector.extract %slice3A_447[0] : i32 from vector<1xi32>
          %shift_right_logical3A = arith.constant 7 : i32
          %shift_right_logical3A_449 = arith.shrui %squeeze3A_448, %shift_right_logical3A : i32
          %and3A_450 = arith.constant 127 : i32
          %and3A_451 = arith.andi %squeeze3A_448, %and3A_450 : i32
          %sub3A_452 = arith.subi %and3A_451, %mul3A_181 : i32
          %dma_start3A_453 = arith.constant 0 : i32
          %dma_start3A_454 = tpu.memref_slice %arg9[%sub3A_452, %dma_start3A_453] : memref<16x2048xf32, #tpu.memory_space<vmem>> -> memref<1x2048xf32, #tpu.memory_space<vmem>>
          %dma_start3A_455 = arith.constant 0 : i32
          %dma_start3A_456 = tpu.memref_slice %arg4[%shift_right_logical3A_449, %dma_start3A_455] : memref<16384x2048xf32, #tpu.memory_space<hbm>> -> memref<1x2048xf32, #tpu.memory_space<hbm>>
          %dma_start3A_457 = arith.constant 0 : i32
          %dma_start3A_458 = tpu.memref_slice %arg4[%shift_right_logical3A_449, %dma_start3A_457] : memref<16384x2048xf32, #tpu.memory_space<hbm>> -> memref<1x2048xf32, #tpu.memory_space<hbm>>
          %dma_start3A_459 = arith.constant 0 : i32
          %dma_start3A_460 = tpu.memref_slice %arg9[%sub3A_452, %dma_start3A_459] : memref<16x2048xf32, #tpu.memory_space<vmem>> -> memref<1x2048xf32, #tpu.memory_space<vmem>>
          tpu.enqueue_dma source(%dma_start3A_460 : memref<1x2048xf32, #tpu.memory_space<vmem>>) target(%dma_start3A_458 : memref<1x2048xf32, #tpu.memory_space<hbm>>) target_semaphore(%arg13 : memref<!tpu.dma_semaphore, #tpu.memory_space<semaphore_mem>>)
        } else {
        }
        %mul3A_367 = arith.constant 16 : i32
        %mul3A_368 = arith.muli %while3A_315, %mul3A_367 : i32
        %add3A_369 = arith.constant 6 : i32
        %add3A_370 = arith.addi %mul3A_368, %add3A_369 : i32
        %lt3A_371 = arith.cmpi slt, %add3A_370, %squeeze3A_220 : i32
        %convert_element_type3A_372 = arith.extui %lt3A_371 : i1 to i32
        %cond3A_373 = arith.constant 0 : i32
        %cond3A_374 = arith.cmpi ne, %convert_element_type3A_372, %cond3A_373 : i32
        scf.if %cond3A_374 {
          %slice3A_447 = vector.extract_strided_slice %get3A_318 {offsets = [6], sizes = [1], strides = [1]} : vector<16xi32> to vector<1xi32>
          %squeeze3A_448 = vector.extract %slice3A_447[0] : i32 from vector<1xi32>
          %shift_right_logical3A = arith.constant 7 : i32
          %shift_right_logical3A_449 = arith.shrui %squeeze3A_448, %shift_right_logical3A : i32
          %and3A_450 = arith.constant 127 : i32
          %and3A_451 = arith.andi %squeeze3A_448, %and3A_450 : i32
          %sub3A_452 = arith.subi %and3A_451, %mul3A_181 : i32
          %dma_start3A_453 = arith.constant 0 : i32
          %dma_start3A_454 = tpu.memref_slice %arg9[%sub3A_452, %dma_start3A_453] : memref<16x2048xf32, #tpu.memory_space<vmem>> -> memref<1x2048xf32, #tpu.memory_space<vmem>>
          %dma_start3A_455 = arith.constant 0 : i32
          %dma_start3A_456 = tpu.memref_slice %arg4[%shift_right_logical3A_449, %dma_start3A_455] : memref<16384x2048xf32, #tpu.memory_space<hbm>> -> memref<1x2048xf32, #tpu.memory_space<hbm>>
          %dma_start3A_457 = arith.constant 0 : i32
          %dma_start3A_458 = tpu.memref_slice %arg4[%shift_right_logical3A_449, %dma_start3A_457] : memref<16384x2048xf32, #tpu.memory_space<hbm>> -> memref<1x2048xf32, #tpu.memory_space<hbm>>
          %dma_start3A_459 = arith.constant 0 : i32
          %dma_start3A_460 = tpu.memref_slice %arg9[%sub3A_452, %dma_start3A_459] : memref<16x2048xf32, #tpu.memory_space<vmem>> -> memref<1x2048xf32, #tpu.memory_space<vmem>>
          tpu.enqueue_dma source(%dma_start3A_460 : memref<1x2048xf32, #tpu.memory_space<vmem>>) target(%dma_start3A_458 : memref<1x2048xf32, #tpu.memory_space<hbm>>) target_semaphore(%arg13 : memref<!tpu.dma_semaphore, #tpu.memory_space<semaphore_mem>>)
        } else {
        }
        %mul3A_375 = arith.constant 16 : i32
        %mul3A_376 = arith.muli %while3A_315, %mul3A_375 : i32
        %add3A_377 = arith.constant 7 : i32
        %add3A_378 = arith.addi %mul3A_376, %add3A_377 : i32
        %lt3A_379 = arith.cmpi slt, %add3A_378, %squeeze3A_220 : i32
        %convert_element_type3A_380 = arith.extui %lt3A_379 : i1 to i32
        %cond3A_381 = arith.constant 0 : i32
        %cond3A_382 = arith.cmpi ne, %convert_element_type3A_380, %cond3A_381 : i32
        scf.if %cond3A_382 {
          %slice3A_447 = vector.extract_strided_slice %get3A_318 {offsets = [7], sizes = [1], strides = [1]} : vector<16xi32> to vector<1xi32>
          %squeeze3A_448 = vector.extract %slice3A_447[0] : i32 from vector<1xi32>
          %shift_right_logical3A = arith.constant 7 : i32
          %shift_right_logical3A_449 = arith.shrui %squeeze3A_448, %shift_right_logical3A : i32
          %and3A_450 = arith.constant 127 : i32
          %and3A_451 = arith.andi %squeeze3A_448, %and3A_450 : i32
          %sub3A_452 = arith.subi %and3A_451, %mul3A_181 : i32
          %dma_start3A_453 = arith.constant 0 : i32
          %dma_start3A_454 = tpu.memref_slice %arg9[%sub3A_452, %dma_start3A_453] : memref<16x2048xf32, #tpu.memory_space<vmem>> -> memref<1x2048xf32, #tpu.memory_space<vmem>>
          %dma_start3A_455 = arith.constant 0 : i32
          %dma_start3A_456 = tpu.memref_slice %arg4[%shift_right_logical3A_449, %dma_start3A_455] : memref<16384x2048xf32, #tpu.memory_space<hbm>> -> memref<1x2048xf32, #tpu.memory_space<hbm>>
          %dma_start3A_457 = arith.constant 0 : i32
          %dma_start3A_458 = tpu.memref_slice %arg4[%shift_right_logical3A_449, %dma_start3A_457] : memref<16384x2048xf32, #tpu.memory_space<hbm>> -> memref<1x2048xf32, #tpu.memory_space<hbm>>
          %dma_start3A_459 = arith.constant 0 : i32
          %dma_start3A_460 = tpu.memref_slice %arg9[%sub3A_452, %dma_start3A_459] : memref<16x2048xf32, #tpu.memory_space<vmem>> -> memref<1x2048xf32, #tpu.memory_space<vmem>>
          tpu.enqueue_dma source(%dma_start3A_460 : memref<1x2048xf32, #tpu.memory_space<vmem>>) target(%dma_start3A_458 : memref<1x2048xf32, #tpu.memory_space<hbm>>) target_semaphore(%arg13 : memref<!tpu.dma_semaphore, #tpu.memory_space<semaphore_mem>>)
        } else {
        }
        %mul3A_383 = arith.constant 16 : i32
        %mul3A_384 = arith.muli %while3A_315, %mul3A_383 : i32
        %add3A_385 = arith.constant 8 : i32
        %add3A_386 = arith.addi %mul3A_384, %add3A_385 : i32
        %lt3A_387 = arith.cmpi slt, %add3A_386, %squeeze3A_220 : i32
        %convert_element_type3A_388 = arith.extui %lt3A_387 : i1 to i32
        %cond3A_389 = arith.constant 0 : i32
        %cond3A_390 = arith.cmpi ne, %convert_element_type3A_388, %cond3A_389 : i32
        scf.if %cond3A_390 {
          %slice3A_447 = vector.extract_strided_slice %get3A_318 {offsets = [8], sizes = [1], strides = [1]} : vector<16xi32> to vector<1xi32>
          %squeeze3A_448 = vector.extract %slice3A_447[0] : i32 from vector<1xi32>
          %shift_right_logical3A = arith.constant 7 : i32
          %shift_right_logical3A_449 = arith.shrui %squeeze3A_448, %shift_right_logical3A : i32
          %and3A_450 = arith.constant 127 : i32
          %and3A_451 = arith.andi %squeeze3A_448, %and3A_450 : i32
          %sub3A_452 = arith.subi %and3A_451, %mul3A_181 : i32
          %dma_start3A_453 = arith.constant 0 : i32
          %dma_start3A_454 = tpu.memref_slice %arg9[%sub3A_452, %dma_start3A_453] : memref<16x2048xf32, #tpu.memory_space<vmem>> -> memref<1x2048xf32, #tpu.memory_space<vmem>>
          %dma_start3A_455 = arith.constant 0 : i32
          %dma_start3A_456 = tpu.memref_slice %arg4[%shift_right_logical3A_449, %dma_start3A_455] : memref<16384x2048xf32, #tpu.memory_space<hbm>> -> memref<1x2048xf32, #tpu.memory_space<hbm>>
          %dma_start3A_457 = arith.constant 0 : i32
          %dma_start3A_458 = tpu.memref_slice %arg4[%shift_right_logical3A_449, %dma_start3A_457] : memref<16384x2048xf32, #tpu.memory_space<hbm>> -> memref<1x2048xf32, #tpu.memory_space<hbm>>
          %dma_start3A_459 = arith.constant 0 : i32
          %dma_start3A_460 = tpu.memref_slice %arg9[%sub3A_452, %dma_start3A_459] : memref<16x2048xf32, #tpu.memory_space<vmem>> -> memref<1x2048xf32, #tpu.memory_space<vmem>>
          tpu.enqueue_dma source(%dma_start3A_460 : memref<1x2048xf32, #tpu.memory_space<vmem>>) target(%dma_start3A_458 : memref<1x2048xf32, #tpu.memory_space<hbm>>) target_semaphore(%arg13 : memref<!tpu.dma_semaphore, #tpu.memory_space<semaphore_mem>>)
        } else {
        }
        %mul3A_391 = arith.constant 16 : i32
        %mul3A_392 = arith.muli %while3A_315, %mul3A_391 : i32
        %add3A_393 = arith.constant 9 : i32
        %add3A_394 = arith.addi %mul3A_392, %add3A_393 : i32
        %lt3A_395 = arith.cmpi slt, %add3A_394, %squeeze3A_220 : i32
        %convert_element_type3A_396 = arith.extui %lt3A_395 : i1 to i32
        %cond3A_397 = arith.constant 0 : i32
        %cond3A_398 = arith.cmpi ne, %convert_element_type3A_396, %cond3A_397 : i32
        scf.if %cond3A_398 {
          %slice3A_447 = vector.extract_strided_slice %get3A_318 {offsets = [9], sizes = [1], strides = [1]} : vector<16xi32> to vector<1xi32>
          %squeeze3A_448 = vector.extract %slice3A_447[0] : i32 from vector<1xi32>
          %shift_right_logical3A = arith.constant 7 : i32
          %shift_right_logical3A_449 = arith.shrui %squeeze3A_448, %shift_right_logical3A : i32
          %and3A_450 = arith.constant 127 : i32
          %and3A_451 = arith.andi %squeeze3A_448, %and3A_450 : i32
          %sub3A_452 = arith.subi %and3A_451, %mul3A_181 : i32
          %dma_start3A_453 = arith.constant 0 : i32
          %dma_start3A_454 = tpu.memref_slice %arg9[%sub3A_452, %dma_start3A_453] : memref<16x2048xf32, #tpu.memory_space<vmem>> -> memref<1x2048xf32, #tpu.memory_space<vmem>>
          %dma_start3A_455 = arith.constant 0 : i32
          %dma_start3A_456 = tpu.memref_slice %arg4[%shift_right_logical3A_449, %dma_start3A_455] : memref<16384x2048xf32, #tpu.memory_space<hbm>> -> memref<1x2048xf32, #tpu.memory_space<hbm>>
          %dma_start3A_457 = arith.constant 0 : i32
          %dma_start3A_458 = tpu.memref_slice %arg4[%shift_right_logical3A_449, %dma_start3A_457] : memref<16384x2048xf32, #tpu.memory_space<hbm>> -> memref<1x2048xf32, #tpu.memory_space<hbm>>
          %dma_start3A_459 = arith.constant 0 : i32
          %dma_start3A_460 = tpu.memref_slice %arg9[%sub3A_452, %dma_start3A_459] : memref<16x2048xf32, #tpu.memory_space<vmem>> -> memref<1x2048xf32, #tpu.memory_space<vmem>>
          tpu.enqueue_dma source(%dma_start3A_460 : memref<1x2048xf32, #tpu.memory_space<vmem>>) target(%dma_start3A_458 : memref<1x2048xf32, #tpu.memory_space<hbm>>) target_semaphore(%arg13 : memref<!tpu.dma_semaphore, #tpu.memory_space<semaphore_mem>>)
        } else {
        }
        %mul3A_399 = arith.constant 16 : i32
        %mul3A_400 = arith.muli %while3A_315, %mul3A_399 : i32
        %add3A_401 = arith.constant 10 : i32
        %add3A_402 = arith.addi %mul3A_400, %add3A_401 : i32
        %lt3A_403 = arith.cmpi slt, %add3A_402, %squeeze3A_220 : i32
        %convert_element_type3A_404 = arith.extui %lt3A_403 : i1 to i32
        %cond3A_405 = arith.constant 0 : i32
        %cond3A_406 = arith.cmpi ne, %convert_element_type3A_404, %cond3A_405 : i32
        scf.if %cond3A_406 {
          %slice3A_447 = vector.extract_strided_slice %get3A_318 {offsets = [10], sizes = [1], strides = [1]} : vector<16xi32> to vector<1xi32>
          %squeeze3A_448 = vector.extract %slice3A_447[0] : i32 from vector<1xi32>
          %shift_right_logical3A = arith.constant 7 : i32
          %shift_right_logical3A_449 = arith.shrui %squeeze3A_448, %shift_right_logical3A : i32
          %and3A_450 = arith.constant 127 : i32
          %and3A_451 = arith.andi %squeeze3A_448, %and3A_450 : i32
          %sub3A_452 = arith.subi %and3A_451, %mul3A_181 : i32
          %dma_start3A_453 = arith.constant 0 : i32
          %dma_start3A_454 = tpu.memref_slice %arg9[%sub3A_452, %dma_start3A_453] : memref<16x2048xf32, #tpu.memory_space<vmem>> -> memref<1x2048xf32, #tpu.memory_space<vmem>>
          %dma_start3A_455 = arith.constant 0 : i32
          %dma_start3A_456 = tpu.memref_slice %arg4[%shift_right_logical3A_449, %dma_start3A_455] : memref<16384x2048xf32, #tpu.memory_space<hbm>> -> memref<1x2048xf32, #tpu.memory_space<hbm>>
          %dma_start3A_457 = arith.constant 0 : i32
          %dma_start3A_458 = tpu.memref_slice %arg4[%shift_right_logical3A_449, %dma_start3A_457] : memref<16384x2048xf32, #tpu.memory_space<hbm>> -> memref<1x2048xf32, #tpu.memory_space<hbm>>
          %dma_start3A_459 = arith.constant 0 : i32
          %dma_start3A_460 = tpu.memref_slice %arg9[%sub3A_452, %dma_start3A_459] : memref<16x2048xf32, #tpu.memory_space<vmem>> -> memref<1x2048xf32, #tpu.memory_space<vmem>>
          tpu.enqueue_dma source(%dma_start3A_460 : memref<1x2048xf32, #tpu.memory_space<vmem>>) target(%dma_start3A_458 : memref<1x2048xf32, #tpu.memory_space<hbm>>) target_semaphore(%arg13 : memref<!tpu.dma_semaphore, #tpu.memory_space<semaphore_mem>>)
        } else {
        }
        %mul3A_407 = arith.constant 16 : i32
        %mul3A_408 = arith.muli %while3A_315, %mul3A_407 : i32
        %add3A_409 = arith.constant 11 : i32
        %add3A_410 = arith.addi %mul3A_408, %add3A_409 : i32
        %lt3A_411 = arith.cmpi slt, %add3A_410, %squeeze3A_220 : i32
        %convert_element_type3A_412 = arith.extui %lt3A_411 : i1 to i32
        %cond3A_413 = arith.constant 0 : i32
        %cond3A_414 = arith.cmpi ne, %convert_element_type3A_412, %cond3A_413 : i32
        scf.if %cond3A_414 {
          %slice3A_447 = vector.extract_strided_slice %get3A_318 {offsets = [11], sizes = [1], strides = [1]} : vector<16xi32> to vector<1xi32>
          %squeeze3A_448 = vector.extract %slice3A_447[0] : i32 from vector<1xi32>
          %shift_right_logical3A = arith.constant 7 : i32
          %shift_right_logical3A_449 = arith.shrui %squeeze3A_448, %shift_right_logical3A : i32
          %and3A_450 = arith.constant 127 : i32
          %and3A_451 = arith.andi %squeeze3A_448, %and3A_450 : i32
          %sub3A_452 = arith.subi %and3A_451, %mul3A_181 : i32
          %dma_start3A_453 = arith.constant 0 : i32
          %dma_start3A_454 = tpu.memref_slice %arg9[%sub3A_452, %dma_start3A_453] : memref<16x2048xf32, #tpu.memory_space<vmem>> -> memref<1x2048xf32, #tpu.memory_space<vmem>>
          %dma_start3A_455 = arith.constant 0 : i32
          %dma_start3A_456 = tpu.memref_slice %arg4[%shift_right_logical3A_449, %dma_start3A_455] : memref<16384x2048xf32, #tpu.memory_space<hbm>> -> memref<1x2048xf32, #tpu.memory_space<hbm>>
          %dma_start3A_457 = arith.constant 0 : i32
          %dma_start3A_458 = tpu.memref_slice %arg4[%shift_right_logical3A_449, %dma_start3A_457] : memref<16384x2048xf32, #tpu.memory_space<hbm>> -> memref<1x2048xf32, #tpu.memory_space<hbm>>
          %dma_start3A_459 = arith.constant 0 : i32
          %dma_start3A_460 = tpu.memref_slice %arg9[%sub3A_452, %dma_start3A_459] : memref<16x2048xf32, #tpu.memory_space<vmem>> -> memref<1x2048xf32, #tpu.memory_space<vmem>>
          tpu.enqueue_dma source(%dma_start3A_460 : memref<1x2048xf32, #tpu.memory_space<vmem>>) target(%dma_start3A_458 : memref<1x2048xf32, #tpu.memory_space<hbm>>) target_semaphore(%arg13 : memref<!tpu.dma_semaphore, #tpu.memory_space<semaphore_mem>>)
        } else {
        }
        %mul3A_415 = arith.constant 16 : i32
        %mul3A_416 = arith.muli %while3A_315, %mul3A_415 : i32
        %add3A_417 = arith.constant 12 : i32
        %add3A_418 = arith.addi %mul3A_416, %add3A_417 : i32
        %lt3A_419 = arith.cmpi slt, %add3A_418, %squeeze3A_220 : i32
        %convert_element_type3A_420 = arith.extui %lt3A_419 : i1 to i32
        %cond3A_421 = arith.constant 0 : i32
        %cond3A_422 = arith.cmpi ne, %convert_element_type3A_420, %cond3A_421 : i32
        scf.if %cond3A_422 {
          %slice3A_447 = vector.extract_strided_slice %get3A_318 {offsets = [12], sizes = [1], strides = [1]} : vector<16xi32> to vector<1xi32>
          %squeeze3A_448 = vector.extract %slice3A_447[0] : i32 from vector<1xi32>
          %shift_right_logical3A = arith.constant 7 : i32
          %shift_right_logical3A_449 = arith.shrui %squeeze3A_448, %shift_right_logical3A : i32
          %and3A_450 = arith.constant 127 : i32
          %and3A_451 = arith.andi %squeeze3A_448, %and3A_450 : i32
          %sub3A_452 = arith.subi %and3A_451, %mul3A_181 : i32
          %dma_start3A_453 = arith.constant 0 : i32
          %dma_start3A_454 = tpu.memref_slice %arg9[%sub3A_452, %dma_start3A_453] : memref<16x2048xf32, #tpu.memory_space<vmem>> -> memref<1x2048xf32, #tpu.memory_space<vmem>>
          %dma_start3A_455 = arith.constant 0 : i32
          %dma_start3A_456 = tpu.memref_slice %arg4[%shift_right_logical3A_449, %dma_start3A_455] : memref<16384x2048xf32, #tpu.memory_space<hbm>> -> memref<1x2048xf32, #tpu.memory_space<hbm>>
          %dma_start3A_457 = arith.constant 0 : i32
          %dma_start3A_458 = tpu.memref_slice %arg4[%shift_right_logical3A_449, %dma_start3A_457] : memref<16384x2048xf32, #tpu.memory_space<hbm>> -> memref<1x2048xf32, #tpu.memory_space<hbm>>
          %dma_start3A_459 = arith.constant 0 : i32
          %dma_start3A_460 = tpu.memref_slice %arg9[%sub3A_452, %dma_start3A_459] : memref<16x2048xf32, #tpu.memory_space<vmem>> -> memref<1x2048xf32, #tpu.memory_space<vmem>>
          tpu.enqueue_dma source(%dma_start3A_460 : memref<1x2048xf32, #tpu.memory_space<vmem>>) target(%dma_start3A_458 : memref<1x2048xf32, #tpu.memory_space<hbm>>) target_semaphore(%arg13 : memref<!tpu.dma_semaphore, #tpu.memory_space<semaphore_mem>>)
        } else {
        }
        %mul3A_423 = arith.constant 16 : i32
        %mul3A_424 = arith.muli %while3A_315, %mul3A_423 : i32
        %add3A_425 = arith.constant 13 : i32
        %add3A_426 = arith.addi %mul3A_424, %add3A_425 : i32
        %lt3A_427 = arith.cmpi slt, %add3A_426, %squeeze3A_220 : i32
        %convert_element_type3A_428 = arith.extui %lt3A_427 : i1 to i32
        %cond3A_429 = arith.constant 0 : i32
        %cond3A_430 = arith.cmpi ne, %convert_element_type3A_428, %cond3A_429 : i32
        scf.if %cond3A_430 {
          %slice3A_447 = vector.extract_strided_slice %get3A_318 {offsets = [13], sizes = [1], strides = [1]} : vector<16xi32> to vector<1xi32>
          %squeeze3A_448 = vector.extract %slice3A_447[0] : i32 from vector<1xi32>
          %shift_right_logical3A = arith.constant 7 : i32
          %shift_right_logical3A_449 = arith.shrui %squeeze3A_448, %shift_right_logical3A : i32
          %and3A_450 = arith.constant 127 : i32
          %and3A_451 = arith.andi %squeeze3A_448, %and3A_450 : i32
          %sub3A_452 = arith.subi %and3A_451, %mul3A_181 : i32
          %dma_start3A_453 = arith.constant 0 : i32
          %dma_start3A_454 = tpu.memref_slice %arg9[%sub3A_452, %dma_start3A_453] : memref<16x2048xf32, #tpu.memory_space<vmem>> -> memref<1x2048xf32, #tpu.memory_space<vmem>>
          %dma_start3A_455 = arith.constant 0 : i32
          %dma_start3A_456 = tpu.memref_slice %arg4[%shift_right_logical3A_449, %dma_start3A_455] : memref<16384x2048xf32, #tpu.memory_space<hbm>> -> memref<1x2048xf32, #tpu.memory_space<hbm>>
          %dma_start3A_457 = arith.constant 0 : i32
          %dma_start3A_458 = tpu.memref_slice %arg4[%shift_right_logical3A_449, %dma_start3A_457] : memref<16384x2048xf32, #tpu.memory_space<hbm>> -> memref<1x2048xf32, #tpu.memory_space<hbm>>
          %dma_start3A_459 = arith.constant 0 : i32
          %dma_start3A_460 = tpu.memref_slice %arg9[%sub3A_452, %dma_start3A_459] : memref<16x2048xf32, #tpu.memory_space<vmem>> -> memref<1x2048xf32, #tpu.memory_space<vmem>>
          tpu.enqueue_dma source(%dma_start3A_460 : memref<1x2048xf32, #tpu.memory_space<vmem>>) target(%dma_start3A_458 : memref<1x2048xf32, #tpu.memory_space<hbm>>) target_semaphore(%arg13 : memref<!tpu.dma_semaphore, #tpu.memory_space<semaphore_mem>>)
        } else {
        }
        %mul3A_431 = arith.constant 16 : i32
        %mul3A_432 = arith.muli %while3A_315, %mul3A_431 : i32
        %add3A_433 = arith.constant 14 : i32
        %add3A_434 = arith.addi %mul3A_432, %add3A_433 : i32
        %lt3A_435 = arith.cmpi slt, %add3A_434, %squeeze3A_220 : i32
        %convert_element_type3A_436 = arith.extui %lt3A_435 : i1 to i32
        %cond3A_437 = arith.constant 0 : i32
        %cond3A_438 = arith.cmpi ne, %convert_element_type3A_436, %cond3A_437 : i32
        scf.if %cond3A_438 {
          %slice3A_447 = vector.extract_strided_slice %get3A_318 {offsets = [14], sizes = [1], strides = [1]} : vector<16xi32> to vector<1xi32>
          %squeeze3A_448 = vector.extract %slice3A_447[0] : i32 from vector<1xi32>
          %shift_right_logical3A = arith.constant 7 : i32
          %shift_right_logical3A_449 = arith.shrui %squeeze3A_448, %shift_right_logical3A : i32
          %and3A_450 = arith.constant 127 : i32
          %and3A_451 = arith.andi %squeeze3A_448, %and3A_450 : i32
          %sub3A_452 = arith.subi %and3A_451, %mul3A_181 : i32
          %dma_start3A_453 = arith.constant 0 : i32
          %dma_start3A_454 = tpu.memref_slice %arg9[%sub3A_452, %dma_start3A_453] : memref<16x2048xf32, #tpu.memory_space<vmem>> -> memref<1x2048xf32, #tpu.memory_space<vmem>>
          %dma_start3A_455 = arith.constant 0 : i32
          %dma_start3A_456 = tpu.memref_slice %arg4[%shift_right_logical3A_449, %dma_start3A_455] : memref<16384x2048xf32, #tpu.memory_space<hbm>> -> memref<1x2048xf32, #tpu.memory_space<hbm>>
          %dma_start3A_457 = arith.constant 0 : i32
          %dma_start3A_458 = tpu.memref_slice %arg4[%shift_right_logical3A_449, %dma_start3A_457] : memref<16384x2048xf32, #tpu.memory_space<hbm>> -> memref<1x2048xf32, #tpu.memory_space<hbm>>
          %dma_start3A_459 = arith.constant 0 : i32
          %dma_start3A_460 = tpu.memref_slice %arg9[%sub3A_452, %dma_start3A_459] : memref<16x2048xf32, #tpu.memory_space<vmem>> -> memref<1x2048xf32, #tpu.memory_space<vmem>>
          tpu.enqueue_dma source(%dma_start3A_460 : memref<1x2048xf32, #tpu.memory_space<vmem>>) target(%dma_start3A_458 : memref<1x2048xf32, #tpu.memory_space<hbm>>) target_semaphore(%arg13 : memref<!tpu.dma_semaphore, #tpu.memory_space<semaphore_mem>>)
        } else {
        }
        %mul3A_439 = arith.constant 16 : i32
        %mul3A_440 = arith.muli %while3A_315, %mul3A_439 : i32
        %add3A_441 = arith.constant 15 : i32
        %add3A_442 = arith.addi %mul3A_440, %add3A_441 : i32
        %lt3A_443 = arith.cmpi slt, %add3A_442, %squeeze3A_220 : i32
        %convert_element_type3A_444 = arith.extui %lt3A_443 : i1 to i32
        %cond3A_445 = arith.constant 0 : i32
        %cond3A_446 = arith.cmpi ne, %convert_element_type3A_444, %cond3A_445 : i32
        scf.if %cond3A_446 {
          %slice3A_447 = vector.extract_strided_slice %get3A_318 {offsets = [15], sizes = [1], strides = [1]} : vector<16xi32> to vector<1xi32>
          %squeeze3A_448 = vector.extract %slice3A_447[0] : i32 from vector<1xi32>
          %shift_right_logical3A = arith.constant 7 : i32
          %shift_right_logical3A_449 = arith.shrui %squeeze3A_448, %shift_right_logical3A : i32
          %and3A_450 = arith.constant 127 : i32
          %and3A_451 = arith.andi %squeeze3A_448, %and3A_450 : i32
          %sub3A_452 = arith.subi %and3A_451, %mul3A_181 : i32
          %dma_start3A_453 = arith.constant 0 : i32
          %dma_start3A_454 = tpu.memref_slice %arg9[%sub3A_452, %dma_start3A_453] : memref<16x2048xf32, #tpu.memory_space<vmem>> -> memref<1x2048xf32, #tpu.memory_space<vmem>>
          %dma_start3A_455 = arith.constant 0 : i32
          %dma_start3A_456 = tpu.memref_slice %arg4[%shift_right_logical3A_449, %dma_start3A_455] : memref<16384x2048xf32, #tpu.memory_space<hbm>> -> memref<1x2048xf32, #tpu.memory_space<hbm>>
          %dma_start3A_457 = arith.constant 0 : i32
          %dma_start3A_458 = tpu.memref_slice %arg4[%shift_right_logical3A_449, %dma_start3A_457] : memref<16384x2048xf32, #tpu.memory_space<hbm>> -> memref<1x2048xf32, #tpu.memory_space<hbm>>
          %dma_start3A_459 = arith.constant 0 : i32
          %dma_start3A_460 = tpu.memref_slice %arg9[%sub3A_452, %dma_start3A_459] : memref<16x2048xf32, #tpu.memory_space<vmem>> -> memref<1x2048xf32, #tpu.memory_space<vmem>>
          tpu.enqueue_dma source(%dma_start3A_460 : memref<1x2048xf32, #tpu.memory_space<vmem>>) target(%dma_start3A_458 : memref<1x2048xf32, #tpu.memory_space<hbm>>) target_semaphore(%arg13 : memref<!tpu.dma_semaphore, #tpu.memory_space<semaphore_mem>>)
        } else {
        }
      }
      %jit3A_262 = arith.constant 16 : i32
      %div3A_263 = arith.divsi %squeeze3A_220, %jit3A_262 : i32
      %sign3A_264 = arith.constant 0 : i32
      %sign3A_265 = arith.cmpi sgt, %squeeze3A_220, %sign3A_264 : i32
      %sign3A_266 = arith.extui %sign3A_265 : i1 to i32
      %sign3A_267 = arith.constant 0 : i32
      %sign3A_268 = arith.cmpi slt, %squeeze3A_220, %sign3A_267 : i32
      %sign3A_269 = arith.extui %sign3A_268 : i1 to i32
      %sign3A_270 = arith.subi %sign3A_266, %sign3A_269 : i32
      %sign3A_271 = arith.constant 0 : i32
      %sign3A_272 = arith.cmpi sgt, %jit3A_262, %sign3A_271 : i32
      %sign3A_273 = arith.extui %sign3A_272 : i1 to i32
      %sign3A_274 = arith.constant 0 : i32
      %sign3A_275 = arith.cmpi slt, %jit3A_262, %sign3A_274 : i32
      %sign3A_276 = arith.extui %sign3A_275 : i1 to i32
      %sign3A_277 = arith.subi %sign3A_273, %sign3A_276 : i32
      %ne3A_278 = arith.cmpi ne, %sign3A_270, %sign3A_277 : i32
      %rem3A_279 = arith.remsi %squeeze3A_220, %jit3A_262 : i32
      %ne3A_280 = arith.constant 0 : i32
      %ne3A_281 = arith.cmpi ne, %rem3A_279, %ne3A_280 : i32
      %and3A_282 = arith.andi %ne3A_278, %ne3A_281 : i1
      %sub3A_283 = arith.constant 1 : i32
      %sub3A_284 = arith.subi %div3A_263, %sub3A_283 : i32
      %select_n3A_285 = arith.select %and3A_282, %sub3A_284, %div3A_263 : i32
      %while3A_286 = arith.constant 0 : i32
      %while3A_287 = arith.constant 0 : i32
      %while3A_288 = arith.subi %select_n3A_285, %while3A_287 : i32
      %while3A_289 = arith.addi %while3A_287, %while3A_288 : i32
      %while3A_290 = arith.constant 1 : i32
      %while3A_291 = arith.divsi %while3A_288, %while3A_290 : i32
      %while3A_292 = arith.muli %while3A_291, %while3A_290 : i32
      %while3A_293 = arith.addi %while3A_287, %while3A_292 : i32
      %while3A_294 = arith.constant 1 : i32
      scf.for %while3A_315 = %while3A_287 to %while3A_293 step %while3A_294  : i32 {
        %dma_wait3A_316 = arith.constant 0 : i32
        %dma_wait3A_317 = arith.constant 0 : i32
        %dma_wait3A_318 = tpu.memref_slice %arg3[%dma_wait3A_316, %dma_wait3A_317] : memref<4096x2048xf32, #tpu.memory_space<hbm>> -> memref<16x2048xf32, #tpu.memory_space<hbm>>
        %dma_wait3A_319 = arith.constant 0 : i32
        %dma_wait3A_320 = arith.constant 0 : i32
        %dma_wait3A_321 = tpu.memref_slice %arg3[%dma_wait3A_319, %dma_wait3A_320] : memref<4096x2048xf32, #tpu.memory_space<hbm>> -> memref<16x2048xf32, #tpu.memory_space<hbm>>
        tpu.wait_dma2 semaphore(%arg13 : memref<!tpu.dma_semaphore, #tpu.memory_space<semaphore_mem>>) src(%dma_wait3A_321 : memref<16x2048xf32, #tpu.memory_space<hbm>>) dst(%arg9 : memref<16x2048xf32, #tpu.memory_space<vmem>>)
      }
      %while3A_295 = arith.constant 1 : i32
      scf.for %while3A_315 = %while3A_293 to %while3A_289 step %while3A_295  : i32 {
        %dma_wait3A_316 = arith.constant 0 : i32
        %dma_wait3A_317 = arith.constant 0 : i32
        %dma_wait3A_318 = tpu.memref_slice %arg3[%dma_wait3A_316, %dma_wait3A_317] : memref<4096x2048xf32, #tpu.memory_space<hbm>> -> memref<16x2048xf32, #tpu.memory_space<hbm>>
        %dma_wait3A_319 = arith.constant 0 : i32
        %dma_wait3A_320 = arith.constant 0 : i32
        %dma_wait3A_321 = tpu.memref_slice %arg3[%dma_wait3A_319, %dma_wait3A_320] : memref<4096x2048xf32, #tpu.memory_space<hbm>> -> memref<16x2048xf32, #tpu.memory_space<hbm>>
        tpu.wait_dma2 semaphore(%arg13 : memref<!tpu.dma_semaphore, #tpu.memory_space<semaphore_mem>>) src(%dma_wait3A_321 : memref<16x2048xf32, #tpu.memory_space<hbm>>) dst(%arg9 : memref<16x2048xf32, #tpu.memory_space<vmem>>)
      }
      %and3A_296 = arith.constant 15 : i32
      %and3A_297 = arith.andi %squeeze3A_220, %and3A_296 : i32
      %while3A_298 = arith.constant 0 : i32
      %while3A_299 = arith.constant 0 : i32
      %while3A_300 = arith.subi %and3A_297, %while3A_299 : i32
      %while3A_301 = arith.addi %while3A_299, %while3A_300 : i32
      %while3A_302 = arith.constant 1 : i32
      %while3A_303 = arith.divsi %while3A_300, %while3A_302 : i32
      %while3A_304 = arith.muli %while3A_303, %while3A_302 : i32
      %while3A_305 = arith.addi %while3A_299, %while3A_304 : i32
      %while3A_306 = arith.constant 1 : i32
      scf.for %while3A_315 = %while3A_299 to %while3A_305 step %while3A_306  : i32 {
        %dma_wait3A_316 = arith.constant 0 : i32
        %dma_wait3A_317 = arith.constant 0 : i32
        %dma_wait3A_318 = tpu.memref_slice %arg9[%dma_wait3A_316, %dma_wait3A_317] : memref<16x2048xf32, #tpu.memory_space<vmem>> -> memref<1x2048xf32, #tpu.memory_space<vmem>>
        %dma_wait3A_319 = arith.constant 0 : i32
        %dma_wait3A_320 = arith.constant 0 : i32
        %dma_wait3A_321 = tpu.memref_slice %arg3[%dma_wait3A_319, %dma_wait3A_320] : memref<4096x2048xf32, #tpu.memory_space<hbm>> -> memref<1x2048xf32, #tpu.memory_space<hbm>>
        %dma_wait3A_322 = arith.constant 0 : i32
        %dma_wait3A_323 = arith.constant 0 : i32
        %dma_wait3A_324 = tpu.memref_slice %arg9[%dma_wait3A_322, %dma_wait3A_323] : memref<16x2048xf32, #tpu.memory_space<vmem>> -> memref<1x2048xf32, #tpu.memory_space<vmem>>
        %dma_wait3A_325 = arith.constant 0 : i32
        %dma_wait3A_326 = arith.constant 0 : i32
        %dma_wait3A_327 = tpu.memref_slice %arg3[%dma_wait3A_325, %dma_wait3A_326] : memref<4096x2048xf32, #tpu.memory_space<hbm>> -> memref<1x2048xf32, #tpu.memory_space<hbm>>
        tpu.wait_dma2 semaphore(%arg13 : memref<!tpu.dma_semaphore, #tpu.memory_space<semaphore_mem>>) src(%dma_wait3A_327 : memref<1x2048xf32, #tpu.memory_space<hbm>>) dst(%dma_wait3A_324 : memref<1x2048xf32, #tpu.memory_space<vmem>>)
      }
      %while3A_307 = arith.constant 1 : i32
      scf.for %while3A_315 = %while3A_305 to %while3A_301 step %while3A_307  : i32 {
        %dma_wait3A_316 = arith.constant 0 : i32
        %dma_wait3A_317 = arith.constant 0 : i32
        %dma_wait3A_318 = tpu.memref_slice %arg9[%dma_wait3A_316, %dma_wait3A_317] : memref<16x2048xf32, #tpu.memory_space<vmem>> -> memref<1x2048xf32, #tpu.memory_space<vmem>>
        %dma_wait3A_319 = arith.constant 0 : i32
        %dma_wait3A_320 = arith.constant 0 : i32
        %dma_wait3A_321 = tpu.memref_slice %arg3[%dma_wait3A_319, %dma_wait3A_320] : memref<4096x2048xf32, #tpu.memory_space<hbm>> -> memref<1x2048xf32, #tpu.memory_space<hbm>>
        %dma_wait3A_322 = arith.constant 0 : i32
        %dma_wait3A_323 = arith.constant 0 : i32
        %dma_wait3A_324 = tpu.memref_slice %arg9[%dma_wait3A_322, %dma_wait3A_323] : memref<16x2048xf32, #tpu.memory_space<vmem>> -> memref<1x2048xf32, #tpu.memory_space<vmem>>
        %dma_wait3A_325 = arith.constant 0 : i32
        %dma_wait3A_326 = arith.constant 0 : i32
        %dma_wait3A_327 = tpu.memref_slice %arg3[%dma_wait3A_325, %dma_wait3A_326] : memref<4096x2048xf32, #tpu.memory_space<hbm>> -> memref<1x2048xf32, #tpu.memory_space<hbm>>
        tpu.wait_dma2 semaphore(%arg13 : memref<!tpu.dma_semaphore, #tpu.memory_space<semaphore_mem>>) src(%dma_wait3A_327 : memref<1x2048xf32, #tpu.memory_space<hbm>>) dst(%dma_wait3A_324 : memref<1x2048xf32, #tpu.memory_space<vmem>>)
      }
      %add3A_308 = arith.constant 2 : i32
      %add3A_309 = arith.addi %add3A_179, %add3A_308 : i32
      %lt3A_310 = arith.constant 8 : i32
      %lt3A_311 = arith.cmpi slt, %add3A_309, %lt3A_310 : i32
      %convert_element_type3A_312 = arith.extui %lt3A_311 : i1 to i32
      %cond3A_313 = arith.constant 0 : i32
      %cond3A_314 = arith.cmpi ne, %convert_element_type3A_312, %cond3A_313 : i32
      scf.if %cond3A_314 {
        %add3A_315 = arith.constant 2 : i32
        %add3A_316 = arith.addi %add3A_179, %add3A_315 : i32
        %mul3A_317 = arith.constant 16 : i32
        %mul3A_318 = arith.muli %add3A_316, %mul3A_317 : i32
        %add3A_319 = arith.addi %mul3A_2, %mul3A_318 : i32
        %dma_start3A_320 = arith.constant 0 : i32
        %dma_start3A_321 = tpu.memref_slice %arg3[%add3A_319, %dma_start3A_320] : memref<4096x2048xf32, #tpu.memory_space<hbm>> -> memref<16x2048xf32, #tpu.memory_space<hbm>>
        %dma_start3A_322 = arith.constant 0 : i32
        %dma_start3A_323 = tpu.memref_slice %arg3[%add3A_319, %dma_start3A_322] : memref<4096x2048xf32, #tpu.memory_space<hbm>> -> memref<16x2048xf32, #tpu.memory_space<hbm>>
        tpu.enqueue_dma source(%dma_start3A_323 : memref<16x2048xf32, #tpu.memory_space<hbm>>) target(%arg9 : memref<16x2048xf32, #tpu.memory_space<vmem>>) target_semaphore(%arg12 : memref<!tpu.dma_semaphore, #tpu.memory_space<semaphore_mem>>)
      } else {
      }
    }
    %scan3A_48 = arith.constant 4 : i32
    return
  }
}

</mosaic_0001>

<sc_bundles>
// kernel: kernel.3.cloned.1.call-start
scs
__scs_entry_jumppad:
0x0: {  	(pc) =	sbr.rel $0x88, $3  }
0x1: {  	(tag) =	ssettag $0x0;
	lr =	simm.s32 $0x1  }
0x2: {  	[smem:$0x3F9F] =	sst lr;
	_ =	strace $0xD0000000  }
0x3: {  	_ = 	snop  }
0x4: {  	_ = 	snop  }
0x5: {  	_ = 	snop  }
0x6: {  	_ = 	snop  }
0x7: {  	_ = 	snop  }
__scs_overlays_trampoline_lowered:
0x8: {  	[smem:$0x3FAE] =	sst s0  }
0x9: {  	[smem:$0x3FAF] =	sst s1  }
0xa: {  	[smem:$0x3FB0] =	sst s2  }
0xb: {  	[smem:$0x3FB1] =	sst s3  }
0xc: {  	[smem:$0x3FB2] =	sst s4  }
0xd: {  	[smem:$0x3FB3] =	sst s5  }
0xe: {  	[smem:$0x3FB4] =	sst s6  }
0xf: {  	[smem:$0x3FB5] =	sst s7  }
0x10: {  	[smem:$0x3FB6] =	sst s8  }
0x11: {  	[smem:$0x3FB7] =	sst s9;
	s0 =	simm.s32 @!p0 $0x0  }
0x12: {  	s1 =	sld [smem:$0x3F9D];
	s0 =	simm.s32 @p0 $0x1  }
0x13: {  	[smem:$0x3FB8] =	sst s0;
	s0 =	simm.s32 @!p1 $0x0  }
0x14: {  	s2 =	sld [smem:$0x3F9C];
	s0 =	simm.s32 @p1 $0x1  }
0x15: {  	[smem:$0x3FB9] =	sst s0;
	s0 =	simm.s32 @!p2 $0x0  }
0x16: {  	s3 =	sld [smem:$0x3FDB];
	s0 =	simm.s32 @p2 $0x1  }
0x17: {  	s4 =	simm.s32 $0x1BF5;
	[smem:$0x3FBB] =	sst s0  }
0x18: {  	s0 =	sld [smem:$0x3F9E];
	_ =	swait.ge [sflag:s4], $0x0  }
0x19: {  	s7 =	sld [smem:$0x3F9F]  }
0x1a: {  	s8 =	sadd.s32 $0xFFFFE003, lr  }
0x1b: {  	s9 =	sadd.s32 $0xFFFFFEF7, lr;
	s5 =	simm.s32 $0xFFFFFFFF;
	p2 =	slt.u32 s8, $0xFFFFF086  }
0x1c: {  	p1 =	slt.u32 s9, $0xF7A;
	s5 =	simm.s32 @!p2 $0x0  }
0x1d: {  	s5 =	simm.s32 @p1 $0x1;
	p0 =	seq.s32 s7, s2  }
0x1e: {  	s7 =	smul.u32 @!p0 $0xF7A, s2;
	p2 =	seq.s32 @!p0 s5, $0x0  }
0x1f: {  	s9 =	smul.u32 $0xF7A, s1;
	s8 =	simm.s32 @!p0 $0x1BF5;
	p2 =	por !p2, p0  }
0x20: {  	[sflag:s8] =	ssyncset.s32 @!p0 $0xFFFFF086;
	s6 =	sadd.s32 @!p0 s3, s7;
	s7 =	simm.s32 @!p0 $0x108  }
0x21: {  	s3 =	sadd.s32 s3, s9;
	s6 =	sadd.s32 @!p0 $0x88, s6;
	s7 =	simm.s32 @p2 $0x1082  }
0x22: {  	[simem:s7], [sflag:s8] =	dma.local @!p0 [hbm:s6], $0xF7A  }
0x23: {  	s9 =	sor.u32 $0xD0000000, s2;
	s6 =	simm.s32 $0x108;
	_ =	swait.ge @!p0 [sflag:s8], $0x0  }
0x24: {  	s3 =	sadd.s32 $0x88, s3;
	s6 =	simm.s32 @!p1 $0x1082;
	[sflag:s4] =	ssyncset.s32 $0xFFFFF086  }
0x25: {  	[simem:s6], [sflag:s4] =	dma.local [hbm:s3], $0xF7A  }
0x26: {  	[smem:$0x3F9F] =	sst s1;
	(tag) =	ssettag s2;
	_ =	strace s9  }
0x27: {  	s1 =	sld [smem:$0x3FAF]  }
0x28: {  	s2 =	sld [smem:$0x3FB0]  }
0x29: {  	s4 =	sld [smem:$0x3FB2]  }
0x2a: {  	p0 =	seq.s32 s5, $0x0;
	s5 =	sld [smem:$0x3FB3]  }
0x2b: {  	s6 =	sld [smem:$0x3FB4]  }
0x2c: {  	s7 =	sld [smem:$0x3FB5]  }
0x2d: {  	s3 =	simm.s32 $0x108;
	s8 =	sld [smem:$0x3FB6]  }
0x2e: {  	s3 =	simm.s32 @!p0 $0x1082;
	s9 =	sld [smem:$0x3FB7]  }
0x2f: {  	lr =	sadd.s32 s0, s3;
	s0 =	sld [smem:$0x3FAE]  }
0x30: {  	s3 =	sld [smem:$0x3FB1]  }
0x31: {  	[smem:$0x3FBA] =	sst s10  }
0x32: {  	s10 =	sld [smem:$0x3FB8];
	_ =	sdelay $0x3  }
0x33: {  	p0 =	seq.s32 s10, $0x1;
	s10 =	sld [smem:$0x3FBA];
	_ =	sdelay $0x3  }
0x34: {  	[smem:$0x3FBA] =	sst s10  }
0x35: {  	s10 =	sld [smem:$0x3FB9];
	_ =	sdelay $0x3  }
0x36: {  	p1 =	seq.s32 s10, $0x1;
	s10 =	sld [smem:$0x3FBA];
	_ =	sdelay $0x3  }
0x37: {  	[smem:$0x3FBA] =	sst s10  }
0x38: {  	s10 =	sld [smem:$0x3FBB]  }
0x39: {  	_ = 	snop;
	(pc) =	sbr.ind lr, $3  }
0x3a: {  	_ = 	snop  }
0x3b: {  	_ = 	snop  }
0x3c: {  	p2 =	seq.s32 s10, $0x1;
	s10 =	sld [smem:$0x3FBA]  }
0x3d: {  	_ =	shalt  }
0x3e: {  	_ =	shalt  }
0x3f: {  	_ =	shalt  }
0x40: {  	_ =	shalt  }
0x41: {  	_ =	shalt  }
0x42: {  	_ =	shalt  }
0x43: {  	_ =	shalt  }
0x44: {  	_ =	shalt  }
0x45: {  	_ =	shalt  }
0x46: {  	_ =	shalt  }
0x47: {  	_ =	shalt  }
0x48: {  	_ =	shalt  }
0x49: {  	_ =	shalt  }
0x4a: {  	_ =	shalt  }
0x4b: {  	_ =	shalt  }
0x4c: {  	_ =	shalt  }
0x4d: {  	_ =	shalt  }
0x4e: {  	_ =	shalt  }
0x4f: {  	_ =	shalt  }
0x50: {  	_ =	shalt  }
0x51: {  	_ =	shalt  }
0x52: {  	_ =	shalt  }
0x53: {  	_ =	shalt  }
0x54: {  	_ =	shalt  }
0x55: {  	_ =	shalt  }
0x56: {  	_ =	shalt  }
0x57: {  	_ =	shalt  }
0x58: {  	_ =	shalt  }
0x59: {  	_ =	shalt  }
0x5a: {  	_ =	shalt  }
0x5b: {  	_ =	shalt  }
0x5c: {  	_ =	shalt  }
0x5d: {  	_ =	shalt  }
0x5e: {  	_ =	shalt  }
0x5f: {  	_ =	shalt  }
0x60: {  	_ =	shalt  }
0x61: {  	_ =	shalt  }
0x62: {  	_ =	shalt  }
0x63: {  	_ =	shalt  }
0x64: {  	_ =	shalt  }
0x65: {  	_ =	shalt  }
0x66: {  	_ =	shalt  }
0x67: {  	_ =	shalt  }
0x68: {  	_ =	shalt  }
0x69: {  	_ =	shalt  }
0x6a: {  	_ =	shalt  }
0x6b: {  	_ =	shalt  }
0x6c: {  	_ =	shalt  }
0x6d: {  	_ =	shalt  }
0x6e: {  	_ =	shalt  }
0x6f: {  	_ =	shalt  }
0x70: {  	_ =	shalt  }
0x71: {  	_ =	shalt  }
0x72: {  	_ =	shalt  }
0x73: {  	_ =	shalt  }
0x74: {  	_ =	shalt  }
0x75: {  	_ =	shalt  }
0x76: {  	_ =	shalt  }
0x77: {  	_ =	shalt  }
0x78: {  	_ =	shalt  }
0x79: {  	_ =	shalt  }
0x7a: {  	_ =	shalt  }
0x7b: {  	_ =	shalt  }
0x7c: {  	_ =	shalt  }
0x7d: {  	_ =	shalt  }
0x7e: {  	_ =	shalt  }
0x7f: {  	_ =	shalt  }
0x80: {  	_ =	shalt  }
0x81: {  	_ =	shalt  }
0x82: {  	_ =	shalt  }
0x83: {  	_ =	shalt  }
0x84: {  	_ =	shalt  }
0x85: {  	_ =	shalt  }
0x86: {  	_ =	shalt  }
0x87: {  	_ =	shalt  }
.Lfunc_end0:
.L_simem_size_0:
called_computation_lowered:
.L_overlay_start_0:
0x88: {  	s2 =	sld [smem:$0x3FD9]  }
0x89: {  	s3 =	sld [smem:$0x3FFE];
	_ =	sdelay $0x1  }
0x8a: {  	s1 =	srdreg.scid  }
0x8b: {  	s0 =	sand.u32 $0x1, s1  }
0x8c: {  	s18 =	sshll.u32 s0, $0xA;
	s2 =	sadd.s32 s3, s2  }
0x8d: {  	s2 =	sadd.s32 s2, s18  }
0x8e: {  	[smem:$0x3FC6] =	sst s2  }
0x8f: {  	_ = 	snop  }
0x90: {  	s2 =	sld [smem:$0x3FC9]  }
0x91: {  	s19 =	sld [smem:$0x3FC8]  }
0x92: {  	s4 =	sld [smem:$0x3FD0];
	(tm) =	ssettm $0x1  }
0x93: {  	s5 =	sld [smem:$0x3FFB];
	_ =	sdelay $0x3  }
0x94: {  	_ =	strace s5  }
0x95: {  	s5 =	sld [smem:$0x3FFC];
	_ =	sdelay $0x3  }
0x96: {  	_ =	strace s5  }
0x97: {  	s5 =	sld [smem:$0x3FFD];
	_ =	sdelay $0x3  }
0x98: {  	_ =	strace s5  }
0x99: {  	_ =	strace $0x8FFFFFFF  }
0x9a: {  	s20 =	sld [smem:$0x3FDB];
	_ =	sdelay $0x1  }
0x9b: {  	s6 =	simm.s32 $_scs_section_size  }
0x9c: {  	s7 =	simm.s32 $_size__tile_overlayer_lowered;
	s8 =	simm.s32 $_tile_overlayer_lowered  }
0x9d: {  	s23 =	simm.s32 $0x1BFF;
	s22 =	sshll.u32 s8, $0x1;
	s5 =	sadd.s32 s6, s20  }
0x9e: {  	s9 =	simm.s32 $0x0;
	s21 =	sshll.u32 s7, $0x1;
	s7 =	sadd.s32 s22, s5  }
0x9f: {  	[timem:s9], [sflag:s23] =	dma.local [hbm:s7], s21  }
0xa0: {  	_ =	swait.ge [sflag:s23], s21  }
0xa1: {  	s6 =	ssub.s32 $0x0, s21;
	[sflag:s23] =	ssyncset.done $0x0  }
0xa2: {  	[sflag:s23] =	ssyncadd.s32 s6;
	_ =	sdelay $0x1  }
0xa3: {  	s24 =	simm.s32 $0x1B8B  }
0xa4: {  	_ =	swait.ge [sflag:s24], $0x1  }
0xa5: {  	[sflag:s24] =	ssyncset.done $0x0  }
0xa6: {  	s25 =	simm.s32 $0x1B8E;
	[sflag:s24] =	ssyncadd.s32 $0xFFFFFFFF  }
0xa7: {  	s26 =	simm.s32 $execute0_lowered;
	[smem:$0x3FD2] =	sst s25  }
0xa8: {  	s6 =	sshll.u32 s26, $0x1;
	_ =	strace $0x80000046;
	[dreg:$0x1] =	wrdreg $0xFFFFFFFF  }
0xa9: {  	s28 =	simm.s32 $_size_execute0_lowered;
	s5 =	sadd.s32 s5, s6;
	[dreg:$0x0] =	wrdreg $0x0  }
0xaa: {  	s6 =	sshll.u32 s28, $0x1;
	[dreg:$0x2] =	wrdreg s5  }
0xab: {  	[dreg:$0x3] =	wrdreg s6  }
0xac: {  	[dreg:$0x4] =	wrdreg $0xC0  }
0xad: {  	_ =	task [dreg:s9], $0x5FFFF  }
0xae: {  	[dreg:$0x1] =	wrdreg $0xFFFFFFFF  }
0xaf: {  	[dreg:$0x0] =	wrdreg $0x60  }
0xb0: {  	[dreg:$0x2] =	wrdreg s2  }
0xb1: {  	[dreg:$0x3] =	wrdreg s19  }
0xb2: {  	[dreg:$0x4] =	wrdreg s4  }
0xb3: {  	[dreg:$0x5] =	wrdreg $0x9  }
0xb4: {  	_ =	task.clear_ibuf [dreg:s9], $0x6FFFF;
	_ =	strace $0x90000046  }
0xb5: {  	s29 =	simm.s32 $0x9;
	_ =	strace $0x80000048  }
0xb6: {  	_ =	swait.ge [sflag:s29], $0x1  }
0xb7: {  	[sflag:s29] =	ssyncadd.s32 $0xFFFFFFFF  }
0xb8: {  	_ =	strace $0x90000048  }
0xb9: {  	_ =	sfence  }
0xba: {  	s30 =	sld [smem:$0x0];
	_ =	sdelay $0x2  }
0xbb: {  	s31 =	sshll.u32 s1, $0xD;
	s1 =	sshrl.u32 s1, $0x2  }
0xbc: {  	s3 =	sand.u32 $0x4000, s31;
	s1 =	sadd.s32 s1, s30  }
0xbd: {  	s0 =	sor.u32 s3, s0;
	s1 =	sshll.u32 s1, $0x11  }
0xbe: {  	s0 =	sor.u32 s1, s0  }
0xbf: {  	s0 =	sadd.s32 $0x8F2B, s0  }
0xc0: {  	[sflag:s0] =	ssyncadd.remote.s32 $0x1  }
0xc1: {  	_ =	sfence.sel $0xFFFF  }
0xc2: {  	[dreg:$0x0] =	wrdreg $0xFFFFFFFF;
	(pc) =	sbr.abs _section_cstart, $3  }
0xc3: {  	[dreg:$0x1] =	wrdreg $0xFFFFFFFF  }
0xc4: {  	_ =	task.clear_ibuf [dreg:s9], $0x2FFFF;
	_ =	strace $0x9FFFFFFF  }
0xc5: {  	(tm) =	ssettm $0x7FFFFFFF  }
tec
execute0_lowered:
.L_overlay_start_1:
0x0: {  	(tag) =	ssettag $0x1  }
0x1: {  	s1 =	rddreg [dreg:$0x0];
	s2 =	srdreg.scid  }
0x2: {  	s5 =	rddreg [dreg:$0x1];
	s0 =	stileid.u32  }
0x3: {  	s3 =	rddreg [dreg:$0x2];
	s10 =	simm.s32 $0xC100;
	s11 =	simm.s32 $0x14100  }
0x4: {  	s12 =	simm.s32 $0x1;
	s14 =	simm.s32 $0x8080;
	s15 =	simm.s32 $0x2  }
0x5: {  	s16 =	simm.s32 $0x4;
	s17 =	simm.s32 $0x3;
	s6 =	sand.u32 $0x1, s2  }
0x6: {  	s18 =	simm.s32 $0x0;
	s4 =	sshll.u32 s0, $0x8;
	s7 =	sshll.u32 s6, $0x7  }
.Ltmp0:
0x7: {  	s6 =	ssub.s32 $0x2, s6;
	s13 =	sor.u32 s7, s4;
	(pc) =	sbr.rel .LBB2_1-.Ltmp0, $4  }
0x8: {  	v0 =	vlaneseq.u32;
	s4 =	simm.s32 $0x0;
	s8 =	sshrl.u32 s6, $0x1;
	s7 =	sshll.u32 s13, $0x8  }
0x9: {  	v1 =	vmul.u32 $0x80, v0;
	[smem:$0x7FF] =	sst s4;
	s9 =	ssub.s32 s6, s8;
	v2 =	vmov s13;
	s13 =	simm.s32 $0x4000  }
0xa: {  	v3 =	vimm.s32 $0x0;
	s5 =	sadd.s32 s5, s7;
	_ =	strace $0x80000047;
	s9 =	smax.u32 s9, $0x1  }
0xb: {  	v4 =	vor.u32 $0x80000, v1;
	v5 =	vor.u32 $0x100000, v1;
	v6 =	vor.u32 $0x180000, v1;
	s6 =	sadd.s32 $0x1000, s5;
	s7 =	sadd.s32 $0x2000, s5;
	s8 =	sadd.s32 $0x3000, s5  }
.LBB2_46:
0xc: {  	s18 =	sadd.s32 $0x1, s18  }
0xd: {  	p0 =	sne.s32 s18, s9  }
.Ltmp1:
0xe: {  	_ = 	snop;
	(pc) =	sbr.rel @!p0 .LBB2_47-.Ltmp1, $1  }
0xf: {  	_ =	sdelay $0x3  }
.LBB2_1:
0x10: {  	[tilespmem:s10], [sflag:$0x2] =	stream.linear.gather [hbm4b:s5+s4], $0x8000, $0x38;
	[tilespmem:$0x1C100] =	vst v63  }
0x11: {  	_ = 	snop  }
0x12: {  	[tilespmem:s11], [sflag:$0x3] =	stream.linear.gather [hbm4b:s6+s4], $0x8000, $0x38;
	[tilespmem:$0x1C100] =	vst v63  }
0x13: {  	_ = 	snop  }
0x14: {  	[tilespmem:s4], [sflag:$0x1] =	stream.linear.gather [hbm4b:s1+s4], $0x4000, $0x38;
	[tilespmem:$0x1C100] =	vst v63  }
0x15: {  	_ =	swait.ge [sflag:s12], $0x4000  }
0x16: {  	s19 =	simm.s32 $0x0;
	[sflag:s12] =	ssyncset.done $0x0  }
0x17: {  	s20 =	simm.s32 $0x0;
	s21 =	simm.s32 $0x0;
	v7 =	vimm.s32 $0x0;
	[sflag:s12] =	ssyncadd.s32 $0xFFFFC000  }
.LBB2_2:
0x18: {  	s22 =	sand.u32 $0x70, s19;
	s23 =	sand.u32 $0x3E00, s20  }
0x19: {  	s22 =	sor.u32 s22, s23  }
0x1a: {  	v8 =	vld [tilespmem:s22+$0x0];
	_ =	sdelay $0x4  }
0x1b: {  	v8 =	vsub.s32 v8, v2  }
0x1c: {  	vm0 =	vlt.u32 v8, $0x80  }
0x1d: {  	v9 =	vsel vm0, $0x1, v3  }
0x1e: {  	(xrf0) =	vadd.scan.msk.s32 $0xffff, v9;
	_ =	sdelay $0x4  }
0x1f: {  	v50 =	vsel vm0, $0xFFFFFFFF, v3  }
0x20: {  	v9 =	vadd.s32 v50, v7;
	v10, _, _ =	vpop (xrf0)  }
0x21: {  	v9 =	vadd.s32 v10, v9;
	_ =	sdelay $0x2  }
0x22: {  	v8 =	vor.u32 v1, v8  }
0x23: {  	v8 =	vadd.s32 s21, v8  }
0x24: {  	[tilespmem:v9+s13+$0x0] =	vst.idx.msk vm0, v8  }
0x25: {  	v8 =	vld [tilespmem:s22+$0x80];
	_ =	sdelay $0x4  }
0x26: {  	v8 =	vsub.s32 v8, v2  }
0x27: {  	vm1 =	vlt.u32 v8, $0x80  }
0x28: {  	v51 =	vsel vm1, $0x1, v3  }
0x29: {  	(xrf0) =	vadd.scan.msk.s32 $0xffff, v51;
	_ =	sdelay $0x2  }
0x2a: {  	v52 =	vmpcnt.ones.xlane vm0;
	_ =	sdelay $0x1  }
0x2b: {  	v7 =	vadd.s32 v7, v52;
	v53 =	vsel vm1, $0xFFFFFFFF, v3  }
0x2c: {  	v9 =	vadd.s32 v53, v7;
	v54, _, _ =	vpop (xrf0)  }
0x2d: {  	v9 =	vadd.s32 v54, v9;
	_ =	sdelay $0x2  }
0x2e: {  	v8 =	vor.u32 v4, v8  }
0x2f: {  	v8 =	vadd.s32 s21, v8  }
0x30: {  	[tilespmem:v9+s13+$0x0] =	vst.idx.msk vm1, v8  }
0x31: {  	v8 =	vld [tilespmem:s22+$0x100];
	_ =	sdelay $0x4  }
0x32: {  	v8 =	vsub.s32 v8, v2  }
0x33: {  	vm14 =	vlt.u32 v8, $0x80  }
0x34: {  	v55 =	vsel vm14, $0x1, v3  }
0x35: {  	(xrf0) =	vadd.scan.msk.s32 $0xffff, v55;
	_ =	sdelay $0x2  }
0x36: {  	v56 =	vmpcnt.ones.xlane vm1;
	_ =	sdelay $0x1  }
0x37: {  	v7 =	vadd.s32 v7, v56;
	v57 =	vsel vm14, $0xFFFFFFFF, v3  }
0x38: {  	v9 =	vadd.s32 v57, v7;
	v58, _, _ =	vpop (xrf0)  }
0x39: {  	v9 =	vadd.s32 v58, v9;
	_ =	sdelay $0x2  }
0x3a: {  	v8 =	vor.u32 v5, v8  }
0x3b: {  	v8 =	vadd.s32 s21, v8  }
0x3c: {  	[tilespmem:v9+s13+$0x0] =	vst.idx.msk vm14, v8  }
0x3d: {  	v8 =	vld [tilespmem:s22+$0x180];
	_ =	sdelay $0x4  }
0x3e: {  	v8 =	vsub.s32 v8, v2  }
0x3f: {  	vm15 =	vlt.u32 v8, $0x80  }
0x40: {  	v59 =	vsel vm15, $0x1, v3  }
0x41: {  	(xrf0) =	vadd.scan.msk.s32 $0xffff, v59;
	_ =	sdelay $0x2  }
0x42: {  	v60 =	vmpcnt.ones.xlane vm14;
	_ =	sdelay $0x1  }
0x43: {  	v7 =	vadd.s32 v7, v60;
	v61 =	vsel vm15, $0xFFFFFFFF, v3  }
0x44: {  	v9 =	vadd.s32 v61, v7;
	v62, _, _ =	vpop (xrf0)  }
0x45: {  	p0 =	sne.s32 s21, $0x7F800;
	v9 =	vadd.s32 v62, v9  }
.Ltmp2:
0x46: {  	_ = 	snop;
	(pc) =	sbr.rel @p0 .LBB2_2-.Ltmp2, $4  }
0x47: {  	_ = 	snop  }
0x48: {  	v8 =	vor.u32 v6, v8;
	v63 =	vmpcnt.ones.xlane vm15  }
0x49: {  	v8 =	vadd.s32 s21, v8  }
0x4a: {  	s20 =	sadd.s32 $0x40, s20;
	s19 =	sadd.s32 $0x10, s19;
	s21 =	sadd.s32 $0x800, s21;
	v7 =	vadd.s32 v7, v63;
	[tilespmem:v9+s13+$0x0] =	vst.idx.msk vm15, v8  }
0x4b: {  	(v2sf) =	vpush v7, $0x0;
	_ =	sdelay $0xe  }
0x4c: {  	s19 =	spop (v2sf)  }
0x4d: {  	s19 =	sadd.s32 $0xF, s19  }
0x4e: {  	s20 =	sand.u32 $0xF, s19  }
0x4f: {  	s31 =	sshra.s32 s19, $0x1F;
	p1 =	slt.s32 s19, $0x1;
	p0 =	sne.s32 s20, $0x0  }
0x50: {  	s20 =	sshrl.u32 s31, $0x1C;
	p0 =	por !p1, !p0  }
0x51: {  	s19 =	sadd.s32 s20, s19;
	s20 =	simm.s32 $0x1;
	p0 =	por !p0, !p0  }
0x52: {  	s19 =	sshra.s32 s19, $0x4;
	s20 =	simm.s32 @!p0 $0x0  }
0x53: {  	s19 =	ssub.s32 s19, s20  }
0x54: {  	v7 =	vbroadcast v7, $0x0;
	s20 =	simm.s32 $0x0;
	p0 =	slt.s32 s19, $0x1  }
.LBB2_4:
.Ltmp3:
0x55: {  	(pc) =	sbr.rel @p0 .LBB2_5-.Ltmp3, $4  }
0x56: {  	_ = 	snop  }
0x57: {  	s22 =	sshll.u32 s20, $0x5  }
0x58: {  	s21 =	sor.u32 $0x10, s22  }
0x59: {  	v8 =	vmov s21  }
0x5a: {  	p2 =	sne.s32 s19, $0x1  }
.Ltmp4:
0x5b: {  	_ = 	snop;
	(pc) =	sbr.rel @!p2 .LBB2_7-.Ltmp4, $3  }
0x5c: {  	_ =	sdelay $0x1  }
0x5d: {  	s24 =	simm.s32 $0x4000  }
0x5e: {  	v10 =	vmov s22;
	v13 =	vimm.s32 $0x0;
	s23 =	simm.s32 $0x0;
	p1 =	por $0x0, $0x0;
	v9 =	vld [tilespmem:s24+$0x0];
	s24 =	sadd.s32 $0xFFFFFFFF, s19  }
0x5f: {  	_ =	sdelay $0x3  }
0x60: {  	v11 =	vand.u32 $0x7F, v9  }
0x61: {  	vm0 =	vge.u32 v11, v10;
	vm1 =	vlt.u32 v11, v8;
	v11 =	vor.u32 s23, v0  }
0x62: {  	vm0 =	vmand vm0, vm1;
	vm15 =	vlt.s32 v11, v7  }
0x63: {  	vm0 =	vmand vm15, vm0  }
0x64: {  	v11 =	vsel vm0, $0x1, v3  }
0x65: {  	(xrf0) =	vadd.scan.msk.s32 $0xffff, v11;
	_ =	sdelay $0x4  }
0x66: {  	v11 =	vsel vm0, $0xFFFFFFFF, v3  }
0x67: {  	v11 =	vadd.s32 v11, v13;
	v12, _, _ =	vpop (xrf0)  }
0x68: {  	v11 =	vadd.s32 v12, v11  }
0x69: {  	p2 =	sne.s32 s24, $0x1  }
.Ltmp5:
0x6a: {  	_ = 	snop;
	(pc) =	sbr.rel @!p2 .LBB2_9-.Ltmp5, $3  }
0x6b: {  	v12 =	vmpcnt.ones.xlane vm0;
	_ =	sdelay $0x1  }
0x6c: {  	s25 =	simm.s32 $0x4010;
	v12 =	vadd.s32 v13, v12;
	[tilespmem:v11+s14+$0x0] =	vst.idx.msk vm0, v9  }
0x6d: {  	s26 =	sadd.s32 $0xFFFFFFFF, s24;
	p1 =	por $0x1, $0x1;
	s24 =	simm.s32 $0x0;
	v11 =	vmov v12;
	v9 =	vld [tilespmem:s25+$0x0]  }
.LBB2_10:
0x6e: {  	p2 =	sne.s32 s26, $0x1;
	_ =	sdelay $0x3  }
0x6f: {  	s24 =	sadd.s32 $0x10, s24;
	v13 =	vand.u32 $0x7F, v9  }
0x70: {  	vm0 =	vge.u32 v13, v10;
	vm1 =	vlt.u32 v13, v8;
	v13 =	vor.u32 s24, v0  }
0x71: {  	vm0 =	vmand vm0, vm1;
	vm1 =	vlt.s32 v13, v7  }
0x72: {  	vm0 =	vmand vm1, vm0  }
0x73: {  	v13 =	vsel vm0, $0x1, v3;
	v14 =	vmpcnt.ones.xlane vm0  }
0x74: {  	(xrf0) =	vadd.scan.msk.s32 $0xffff, v13  }
0x75: {  	v12 =	vadd.s32 v12, v14;
	_ =	sdelay $0x3  }
0x76: {  	v13 =	vsel vm0, $0xFFFFFFFF, v3  }
0x77: {  	v13 =	vadd.s32 v13, v11;
	v11 =	vmov v12;
	v14, _, _ =	vpop (xrf0)  }
0x78: {  	v13 =	vadd.s32 v14, v13;
	_ =	sdelay $0x1  }
.Ltmp6:
0x79: {  	(pc) =	sbr.rel @p2 .LBB2_10-.Ltmp6, $3  }
0x7a: {  	_ =	sdelay $0x1  }
0x7b: {  	s25 =	sadd.s32 $0x10, s25;
	[tilespmem:v13+s14+$0x0] =	vst.idx.msk vm0, v9  }
0x7c: {  	s26 =	sadd.s32 $0xFFFFFFFF, s26;
	v9 =	vld [tilespmem:s25+$0x0]  }
0x7d: {  	v13 =	vmov v12  }
.LBB2_12:
0x7e: {  	_ =	sdelay $0x1  }
0x7f: {  	s24 =	sadd.s32 @p1 $0x10, s24  }
0x80: {  	s23 =	smov.u32 @p1 s24;
	v12 =	vand.u32 $0x7F, v9  }
0x81: {  	vm0 =	vge.u32 v12, v10;
	vm1 =	vlt.u32 v12, v8;
	v10 =	vor.u32 s23, v0  }
0x82: {  	vm0 =	vmand vm0, vm1;
	vm15 =	vlt.s32 v10, v7  }
0x83: {  	vm0 =	vmand vm15, vm0  }
0x84: {  	v10 =	vsel vm0, $0x1, v3  }
0x85: {  	(xrf0) =	vadd.scan.msk.s32 $0xffff, v10;
	_ =	sdelay $0x4  }
0x86: {  	v10 =	vsel vm0, $0xFFFFFFFF, v3  }
0x87: {  	v10 =	vadd.s32 v10, v11;
	v11, _, _ =	vpop (xrf0)  }
0x88: {  	v11 =	vadd.s32 v11, v10  }
.Ltmp7:
0x89: {  	_ = 	snop;
	(pc) =	sbr.rel .LBB2_13-.Ltmp7, $3  }
0x8a: {  	_ = 	snop  }
0x8b: {  	v10 =	vmpcnt.ones.xlane vm0;
	_ =	sdelay $0x1  }
0x8c: {  	v10 =	vadd.s32 v13, v10;
	[tilespmem:v11+s14+$0x0] =	vst.idx.msk vm0, v9  }
.LBB2_5:
0x8d: {  	v10 =	vimm.s32 $0x0  }
.LBB2_13:
0x8e: {  	(v2sf) =	vpush v10, $0x0;
	_ =	sdelay $0xe  }
0x8f: {  	s23 =	spop (v2sf)  }
0x90: {  	s24 =	sadd.s32 $0xF, s23  }
0x91: {  	s25 =	sand.u32 $0xF, s24  }
0x92: {  	s31 =	sshra.s32 s24, $0x1F;
	p2 =	slt.s32 s24, $0x1;
	p1 =	sne.s32 s25, $0x0  }
0x93: {  	s25 =	sshrl.u32 s31, $0x1C;
	p1 =	por !p2, !p1  }
0x94: {  	s24 =	sadd.s32 s25, s24;
	s25 =	simm.s32 $0x1;
	p1 =	por !p1, !p1  }
0x95: {  	s24 =	sshra.s32 s24, $0x4;
	s25 =	simm.s32 @!p1 $0x0  }
0x96: {  	s24 =	ssub.s32 s24, s25  }
0x97: {  	p1 =	slt.s32 s24, $0x1  }
.Ltmp8:
0x98: {  	_ = 	snop;
	(pc) =	sbr.rel @p1 .LBB2_16-.Ltmp8, $4  }
0x99: {  	_ = 	snop  }
0x9a: {  	_ =	swait.ge [sflag:s15], $0x8000  }
0x9b: {  	[sflag:s15] =	ssyncset.done $0x0  }
0x9c: {  	[sflag:s15] =	ssyncadd.s32 $0xFFFF8000  }
0x9d: {  	s25 =	simm.s32 $0xF;
	s26 =	simm.s32 $0x8080  }
.LBB2_15:
0x9e: {  	v9 =	vld [tilespmem:s26+$0x0];
	_ =	sdelay $0x2  }
0x9f: {  	s28 =	sadd.s32 $0xFFFFFFF1, s25  }
0xa0: {  	p2 =	sge.s32 s28, s23  }
0xa1: {  	(v2sf) =	vpush @!p2 v9, $0x0;
	_ =	sdelay $0xe  }
0xa2: {  	s28 =	spop @!p2 (v2sf)  }
0xa3: {  	s29 =	sand.u32 @!p2 $0x78, s28  }
0xa4: {  	s30 =	sshll.u32 @!p2 s28, $0x7;
	s31 =	sshll.u32 @!p2 s28, $0x4;
	s29 =	ssub.s32 @!p2 s29, s22  }
0xa5: {  	s28 =	sand.u32 @!p2 $0x380, s28;
	s31 =	sand.u32 @!p2 $0xFFFFC000, s31;
	s29 =	sshll.u32 @!p2 s29, $0xD  }
0xa6: {  	s30 =	sand.u32 @!p2 $0x380, s30;
	s28 =	sor.u32 @!p2 s28, s31;
	s29 =	sshra.s32 @!p2 s29, $0x2  }
0xa7: {  	s28 =	sshrl.u32 @!p2 s28, $0x3;
	s29 =	sor.u32 @!p2 s30, s29  }
0xa8: {  	s31 =	simm.s32 @!p2 $0x0;
	s28 =	sadd.s32 @!p2 s3, s28;
	s30 =	sadd.s32 @!p2 $0xC100, s29  }
0xa9: {  	[hbm4b:s28+s31] =	stream.linear.scatter @!p2 [tilespmem:s30], [sflag:$0x4], $0x80, $0x38;
	[tilespmem:$0x1C100] =	vst v63  }
0xaa: {  	s2 =	sadd.s32 @!p2 $0x80, s28;
	s30 =	sadd.s32 @!p2 $0xC500, s29  }
0xab: {  	[hbm4b:s2+s31] =	stream.linear.scatter @!p2 [tilespmem:s30], [sflag:$0x4], $0x80, $0x38;
	[tilespmem:$0x1C100] =	vst v63  }
0xac: {  	s2 =	sadd.s32 @!p2 $0xC900, s29;
	s30 =	sadd.s32 @!p2 $0x100, s28  }
0xad: {  	[hbm4b:s30+s31] =	stream.linear.scatter @!p2 [tilespmem:s2], [sflag:$0x4], $0x80, $0x38;
	[tilespmem:$0x1C100] =	vst v63  }
0xae: {  	s2 =	sadd.s32 @!p2 $0xCD00, s29;
	s30 =	sadd.s32 @!p2 $0x180, s28  }
0xaf: {  	[hbm4b:s30+s31] =	stream.linear.scatter @!p2 [tilespmem:s2], [sflag:$0x4], $0x80, $0x38;
	[tilespmem:$0x1C100] =	vst v63  }
0xb0: {  	s2 =	sadd.s32 @!p2 $0xD100, s29;
	s30 =	sadd.s32 @!p2 $0x200, s28  }
0xb1: {  	[hbm4b:s30+s31] =	stream.linear.scatter @!p2 [tilespmem:s2], [sflag:$0x4], $0x80, $0x38;
	[tilespmem:$0x1C100] =	vst v63  }
0xb2: {  	s2 =	sadd.s32 @!p2 $0xD500, s29;
	s30 =	sadd.s32 @!p2 $0x280, s28  }
0xb3: {  	[hbm4b:s30+s31] =	stream.linear.scatter @!p2 [tilespmem:s2], [sflag:$0x4], $0x80, $0x38;
	[tilespmem:$0x1C100] =	vst v63  }
0xb4: {  	s2 =	sadd.s32 @!p2 $0xD900, s29;
	s30 =	sadd.s32 @!p2 $0x300, s28  }
0xb5: {  	[hbm4b:s30+s31] =	stream.linear.scatter @!p2 [tilespmem:s2], [sflag:$0x4], $0x80, $0x38;
	[tilespmem:$0x1C100] =	vst v63  }
0xb6: {  	s2 =	sadd.s32 @!p2 $0xDD00, s29;
	s30 =	sadd.s32 @!p2 $0x380, s28  }
0xb7: {  	[hbm4b:s30+s31] =	stream.linear.scatter @!p2 [tilespmem:s2], [sflag:$0x4], $0x80, $0x38;
	[tilespmem:$0x1C100] =	vst v63  }
0xb8: {  	s2 =	sadd.s32 $0xFFFFFFF2, s25  }
0xb9: {  	s30 =	sadd.s32 @!p2 $0xE100, s29;
	p1 =	sge.s32 s2, s23;
	s2 =	sadd.s32 @!p2 $0x400, s28  }
0xba: {  	[hbm4b:s2+s31] =	stream.linear.scatter @!p2 [tilespmem:s30], [sflag:$0x4], $0x80, $0x38;
	(v2sf) =	vpush @!p1 v9, $0x1;
	[tilespmem:$0x1C100] =	vst v63  }
0xbb: {  	s2 =	sadd.s32 @!p2 $0xE500, s29;
	s30 =	sadd.s32 @!p2 $0x480, s28  }
0xbc: {  	[hbm4b:s30+s31] =	stream.linear.scatter @!p2 [tilespmem:s2], [sflag:$0x4], $0x80, $0x38;
	[tilespmem:$0x1C100] =	vst v63  }
0xbd: {  	s2 =	sadd.s32 @!p2 $0xE900, s29;
	s30 =	sadd.s32 @!p2 $0x500, s28  }
0xbe: {  	[hbm4b:s30+s31] =	stream.linear.scatter @!p2 [tilespmem:s2], [sflag:$0x4], $0x80, $0x38;
	[tilespmem:$0x1C100] =	vst v63  }
0xbf: {  	s2 =	sadd.s32 @!p2 $0xED00, s29;
	s30 =	sadd.s32 @!p2 $0x580, s28  }
0xc0: {  	[hbm4b:s30+s31] =	stream.linear.scatter @!p2 [tilespmem:s2], [sflag:$0x4], $0x80, $0x38;
	[tilespmem:$0x1C100] =	vst v63  }
0xc1: {  	s2 =	sadd.s32 @!p2 $0xF100, s29;
	s30 =	sadd.s32 @!p2 $0x600, s28  }
0xc2: {  	[hbm4b:s30+s31] =	stream.linear.scatter @!p2 [tilespmem:s2], [sflag:$0x4], $0x80, $0x38;
	[tilespmem:$0x1C100] =	vst v63  }
0xc3: {  	s2 =	sadd.s32 @!p2 $0xF500, s29;
	s30 =	sadd.s32 @!p2 $0x680, s28  }
0xc4: {  	[hbm4b:s30+s31] =	stream.linear.scatter @!p2 [tilespmem:s2], [sflag:$0x4], $0x80, $0x38;
	[tilespmem:$0x1C100] =	vst v63  }
0xc5: {  	s2 =	sadd.s32 @!p2 $0xF900, s29;
	s30 =	sadd.s32 @!p2 $0x700, s28  }
0xc6: {  	[hbm4b:s30+s31] =	stream.linear.scatter @!p2 [tilespmem:s2], [sflag:$0x4], $0x80, $0x38;
	[tilespmem:$0x1C100] =	vst v63  }
0xc7: {  	s28 =	sadd.s32 @!p2 $0x780, s28;
	s2 =	sadd.s32 @!p2 $0xFD00, s29  }
0xc8: {  	[hbm4b:s28+s31] =	stream.linear.scatter @!p2 [tilespmem:s2], [sflag:$0x4], $0x80, $0x38;
	[tilespmem:$0x1C100] =	vst v63  }
0xc9: {  	s2 =	spop @!p1 (v2sf)  }
0xca: {  	s28 =	sand.u32 @!p1 $0x78, s2  }
0xcb: {  	s29 =	sshll.u32 @!p1 s2, $0x7;
	s30 =	sshll.u32 @!p1 s2, $0x4;
	s28 =	ssub.s32 @!p1 s28, s22  }
0xcc: {  	s2 =	sand.u32 @!p1 $0x380, s2;
	s30 =	sand.u32 @!p1 $0xFFFFC000, s30;
	s28 =	sshll.u32 @!p1 s28, $0xD  }
0xcd: {  	s29 =	sand.u32 @!p1 $0x380, s29;
	s2 =	sor.u32 @!p1 s2, s30;
	s28 =	sshra.s32 @!p1 s28, $0x2  }
0xce: {  	s2 =	sshrl.u32 @!p1 s2, $0x3;
	s28 =	sor.u32 @!p1 s29, s28  }
0xcf: {  	s30 =	simm.s32 @!p1 $0x0;
	s2 =	sadd.s32 @!p1 s3, s2;
	s29 =	sadd.s32 @!p1 $0xC100, s28  }
0xd0: {  	[hbm4b:s2+s30] =	stream.linear.scatter @!p1 [tilespmem:s29], [sflag:$0x4], $0x80, $0x38;
	[tilespmem:$0x1C100] =	vst v63  }
0xd1: {  	s31 =	sadd.s32 @!p1 $0x80, s2;
	s29 =	sadd.s32 @!p1 $0xC500, s28  }
0xd2: {  	[hbm4b:s31+s30] =	stream.linear.scatter @!p1 [tilespmem:s29], [sflag:$0x4], $0x80, $0x38;
	[tilespmem:$0x1C100] =	vst v63  }
0xd3: {  	s29 =	sadd.s32 @!p1 $0xC900, s28;
	s31 =	sadd.s32 @!p1 $0x100, s2  }
0xd4: {  	[hbm4b:s31+s30] =	stream.linear.scatter @!p1 [tilespmem:s29], [sflag:$0x4], $0x80, $0x38;
	[tilespmem:$0x1C100] =	vst v63  }
0xd5: {  	s29 =	sadd.s32 @!p1 $0xCD00, s28;
	s31 =	sadd.s32 @!p1 $0x180, s2  }
0xd6: {  	[hbm4b:s31+s30] =	stream.linear.scatter @!p1 [tilespmem:s29], [sflag:$0x4], $0x80, $0x38;
	[tilespmem:$0x1C100] =	vst v63  }
0xd7: {  	s29 =	sadd.s32 @!p1 $0xD100, s28;
	s31 =	sadd.s32 @!p1 $0x200, s2  }
0xd8: {  	[hbm4b:s31+s30] =	stream.linear.scatter @!p1 [tilespmem:s29], [sflag:$0x4], $0x80, $0x38;
	[tilespmem:$0x1C100] =	vst v63  }
0xd9: {  	s29 =	sadd.s32 @!p1 $0xD500, s28;
	s31 =	sadd.s32 @!p1 $0x280, s2  }
0xda: {  	[hbm4b:s31+s30] =	stream.linear.scatter @!p1 [tilespmem:s29], [sflag:$0x4], $0x80, $0x38;
	[tilespmem:$0x1C100] =	vst v63  }
0xdb: {  	s29 =	sadd.s32 @!p1 $0xD900, s28;
	s31 =	sadd.s32 @!p1 $0x300, s2  }
0xdc: {  	[hbm4b:s31+s30] =	stream.linear.scatter @!p1 [tilespmem:s29], [sflag:$0x4], $0x80, $0x38;
	[tilespmem:$0x1C100] =	vst v63  }
0xdd: {  	s29 =	sadd.s32 @!p1 $0xDD00, s28;
	s31 =	sadd.s32 @!p1 $0x380, s2  }
0xde: {  	[hbm4b:s31+s30] =	stream.linear.scatter @!p1 [tilespmem:s29], [sflag:$0x4], $0x80, $0x38;
	[tilespmem:$0x1C100] =	vst v63  }
0xdf: {  	s29 =	sadd.s32 $0xFFFFFFF3, s25  }
0xe0: {  	s31 =	sadd.s32 @!p1 $0xE100, s28;
	p2 =	sge.s32 s29, s23;
	s29 =	sadd.s32 @!p1 $0x400, s2  }
0xe1: {  	[hbm4b:s29+s30] =	stream.linear.scatter @!p1 [tilespmem:s31], [sflag:$0x4], $0x80, $0x38;
	(v2sf) =	vpush @!p2 v9, $0x2;
	[tilespmem:$0x1C100] =	vst v63  }
0xe2: {  	s29 =	sadd.s32 @!p1 $0xE500, s28;
	s31 =	sadd.s32 @!p1 $0x480, s2  }
0xe3: {  	[hbm4b:s31+s30] =	stream.linear.scatter @!p1 [tilespmem:s29], [sflag:$0x4], $0x80, $0x38;
	[tilespmem:$0x1C100] =	vst v63  }
0xe4: {  	s29 =	sadd.s32 @!p1 $0xE900, s28;
	s31 =	sadd.s32 @!p1 $0x500, s2  }
0xe5: {  	[hbm4b:s31+s30] =	stream.linear.scatter @!p1 [tilespmem:s29], [sflag:$0x4], $0x80, $0x38;
	[tilespmem:$0x1C100] =	vst v63  }
0xe6: {  	s29 =	sadd.s32 @!p1 $0xED00, s28;
	s31 =	sadd.s32 @!p1 $0x580, s2  }
0xe7: {  	[hbm4b:s31+s30] =	stream.linear.scatter @!p1 [tilespmem:s29], [sflag:$0x4], $0x80, $0x38;
	[tilespmem:$0x1C100] =	vst v63  }
0xe8: {  	s29 =	sadd.s32 @!p1 $0xF100, s28;
	s31 =	sadd.s32 @!p1 $0x600, s2  }
0xe9: {  	[hbm4b:s31+s30] =	stream.linear.scatter @!p1 [tilespmem:s29], [sflag:$0x4], $0x80, $0x38;
	[tilespmem:$0x1C100] =	vst v63  }
0xea: {  	s29 =	sadd.s32 @!p1 $0xF500, s28;
	s31 =	sadd.s32 @!p1 $0x680, s2  }
0xeb: {  	[hbm4b:s31+s30] =	stream.linear.scatter @!p1 [tilespmem:s29], [sflag:$0x4], $0x80, $0x38;
	[tilespmem:$0x1C100] =	vst v63  }
0xec: {  	s29 =	sadd.s32 @!p1 $0xF900, s28;
	s31 =	sadd.s32 @!p1 $0x700, s2  }
0xed: {  	[hbm4b:s31+s30] =	stream.linear.scatter @!p1 [tilespmem:s29], [sflag:$0x4], $0x80, $0x38;
	[tilespmem:$0x1C100] =	vst v63  }
0xee: {  	s28 =	sadd.s32 @!p1 $0xFD00, s28;
	s2 =	sadd.s32 @!p1 $0x780, s2  }
0xef: {  	[hbm4b:s2+s30] =	stream.linear.scatter @!p1 [tilespmem:s28], [sflag:$0x4], $0x80, $0x38;
	[tilespmem:$0x1C100] =	vst v63  }
0xf0: {  	s2 =	spop @!p2 (v2sf)  }
0xf1: {  	s28 =	sand.u32 @!p2 $0x78, s2  }
0xf2: {  	s29 =	sshll.u32 @!p2 s2, $0x7;
	s30 =	sshll.u32 @!p2 s2, $0x4;
	s28 =	ssub.s32 @!p2 s28, s22  }
0xf3: {  	s2 =	sand.u32 @!p2 $0x380, s2;
	s30 =	sand.u32 @!p2 $0xFFFFC000, s30;
	s28 =	sshll.u32 @!p2 s28, $0xD  }
0xf4: {  	s29 =	sand.u32 @!p2 $0x380, s29;
	s2 =	sor.u32 @!p2 s2, s30;
	s28 =	sshra.s32 @!p2 s28, $0x2  }
0xf5: {  	s2 =	sshrl.u32 @!p2 s2, $0x3;
	s28 =	sor.u32 @!p2 s29, s28  }
0xf6: {  	s30 =	simm.s32 @!p2 $0x0;
	s2 =	sadd.s32 @!p2 s3, s2;
	s29 =	sadd.s32 @!p2 $0xC100, s28  }
0xf7: {  	[hbm4b:s2+s30] =	stream.linear.scatter @!p2 [tilespmem:s29], [sflag:$0x4], $0x80, $0x38;
	[tilespmem:$0x1C100] =	vst v63  }
0xf8: {  	s31 =	sadd.s32 @!p2 $0x80, s2;
	s29 =	sadd.s32 @!p2 $0xC500, s28  }
0xf9: {  	[hbm4b:s31+s30] =	stream.linear.scatter @!p2 [tilespmem:s29], [sflag:$0x4], $0x80, $0x38;
	[tilespmem:$0x1C100] =	vst v63  }
0xfa: {  	s29 =	sadd.s32 @!p2 $0xC900, s28;
	s31 =	sadd.s32 @!p2 $0x100, s2  }
0xfb: {  	[hbm4b:s31+s30] =	stream.linear.scatter @!p2 [tilespmem:s29], [sflag:$0x4], $0x80, $0x38;
	[tilespmem:$0x1C100] =	vst v63  }
0xfc: {  	s29 =	sadd.s32 @!p2 $0xCD00, s28;
	s31 =	sadd.s32 @!p2 $0x180, s2  }
0xfd: {  	[hbm4b:s31+s30] =	stream.linear.scatter @!p2 [tilespmem:s29], [sflag:$0x4], $0x80, $0x38;
	[tilespmem:$0x1C100] =	vst v63  }
0xfe: {  	s29 =	sadd.s32 @!p2 $0xD100, s28;
	s31 =	sadd.s32 @!p2 $0x200, s2  }
0xff: {  	[hbm4b:s31+s30] =	stream.linear.scatter @!p2 [tilespmem:s29], [sflag:$0x4], $0x80, $0x38;
	[tilespmem:$0x1C100] =	vst v63  }
0x100: {  	s29 =	sadd.s32 @!p2 $0xD500, s28;
	s31 =	sadd.s32 @!p2 $0x280, s2  }
0x101: {  	[hbm4b:s31+s30] =	stream.linear.scatter @!p2 [tilespmem:s29], [sflag:$0x4], $0x80, $0x38;
	[tilespmem:$0x1C100] =	vst v63  }
0x102: {  	s29 =	sadd.s32 @!p2 $0xD900, s28;
	s31 =	sadd.s32 @!p2 $0x300, s2  }
0x103: {  	[hbm4b:s31+s30] =	stream.linear.scatter @!p2 [tilespmem:s29], [sflag:$0x4], $0x80, $0x38;
	[tilespmem:$0x1C100] =	vst v63  }
0x104: {  	s29 =	sadd.s32 @!p2 $0xDD00, s28;
	s31 =	sadd.s32 @!p2 $0x380, s2  }
0x105: {  	[hbm4b:s31+s30] =	stream.linear.scatter @!p2 [tilespmem:s29], [sflag:$0x4], $0x80, $0x38;
	[tilespmem:$0x1C100] =	vst v63  }
0x106: {  	s29 =	sadd.s32 $0xFFFFFFF4, s25  }
0x107: {  	s31 =	sadd.s32 @!p2 $0xE100, s28;
	p1 =	sge.s32 s29, s23;
	s29 =	sadd.s32 @!p2 $0x400, s2  }
0x108: {  	[hbm4b:s29+s30] =	stream.linear.scatter @!p2 [tilespmem:s31], [sflag:$0x4], $0x80, $0x38;
	(v2sf) =	vpush @!p1 v9, $0x3;
	[tilespmem:$0x1C100] =	vst v63  }
0x109: {  	s29 =	sadd.s32 @!p2 $0xE500, s28;
	s31 =	sadd.s32 @!p2 $0x480, s2  }
0x10a: {  	[hbm4b:s31+s30] =	stream.linear.scatter @!p2 [tilespmem:s29], [sflag:$0x4], $0x80, $0x38;
	[tilespmem:$0x1C100] =	vst v63  }
0x10b: {  	s29 =	sadd.s32 @!p2 $0xE900, s28;
	s31 =	sadd.s32 @!p2 $0x500, s2  }
0x10c: {  	[hbm4b:s31+s30] =	stream.linear.scatter @!p2 [tilespmem:s29], [sflag:$0x4], $0x80, $0x38;
	[tilespmem:$0x1C100] =	vst v63  }
0x10d: {  	s29 =	sadd.s32 @!p2 $0xED00, s28;
	s31 =	sadd.s32 @!p2 $0x580, s2  }
0x10e: {  	[hbm4b:s31+s30] =	stream.linear.scatter @!p2 [tilespmem:s29], [sflag:$0x4], $0x80, $0x38;
	[tilespmem:$0x1C100] =	vst v63  }
0x10f: {  	s29 =	sadd.s32 @!p2 $0xF100, s28;
	s31 =	sadd.s32 @!p2 $0x600, s2  }
0x110: {  	[hbm4b:s31+s30] =	stream.linear.scatter @!p2 [tilespmem:s29], [sflag:$0x4], $0x80, $0x38;
	[tilespmem:$0x1C100] =	vst v63  }
0x111: {  	s29 =	sadd.s32 @!p2 $0xF500, s28;
	s31 =	sadd.s32 @!p2 $0x680, s2  }
0x112: {  	[hbm4b:s31+s30] =	stream.linear.scatter @!p2 [tilespmem:s29], [sflag:$0x4], $0x80, $0x38;
	[tilespmem:$0x1C100] =	vst v63  }
0x113: {  	s29 =	sadd.s32 @!p2 $0xF900, s28;
	s31 =	sadd.s32 @!p2 $0x700, s2  }
0x114: {  	[hbm4b:s31+s30] =	stream.linear.scatter @!p2 [tilespmem:s29], [sflag:$0x4], $0x80, $0x38;
	[tilespmem:$0x1C100] =	vst v63  }
0x115: {  	s28 =	sadd.s32 @!p2 $0xFD00, s28;
	s2 =	sadd.s32 @!p2 $0x780, s2  }
0x116: {  	[hbm4b:s2+s30] =	stream.linear.scatter @!p2 [tilespmem:s28], [sflag:$0x4], $0x80, $0x38;
	[tilespmem:$0x1C100] =	vst v63  }
0x117: {  	s2 =	spop @!p1 (v2sf)  }
0x118: {  	s28 =	sand.u32 @!p1 $0x78, s2  }
0x119: {  	s29 =	sshll.u32 @!p1 s2, $0x7;
	s30 =	sshll.u32 @!p1 s2, $0x4;
	s28 =	ssub.s32 @!p1 s28, s22  }
0x11a: {  	s2 =	sand.u32 @!p1 $0x380, s2;
	s30 =	sand.u32 @!p1 $0xFFFFC000, s30;
	s28 =	sshll.u32 @!p1 s28, $0xD  }
0x11b: {  	s29 =	sand.u32 @!p1 $0x380, s29;
	s2 =	sor.u32 @!p1 s2, s30;
	s28 =	sshra.s32 @!p1 s28, $0x2  }
0x11c: {  	s2 =	sshrl.u32 @!p1 s2, $0x3;
	s28 =	sor.u32 @!p1 s29, s28  }
0x11d: {  	s30 =	simm.s32 @!p1 $0x0;
	s2 =	sadd.s32 @!p1 s3, s2;
	s29 =	sadd.s32 @!p1 $0xC100, s28  }
0x11e: {  	[hbm4b:s2+s30] =	stream.linear.scatter @!p1 [tilespmem:s29], [sflag:$0x4], $0x80, $0x38;
	[tilespmem:$0x1C100] =	vst v63  }
0x11f: {  	s31 =	sadd.s32 @!p1 $0x80, s2;
	s29 =	sadd.s32 @!p1 $0xC500, s28  }
0x120: {  	[hbm4b:s31+s30] =	stream.linear.scatter @!p1 [tilespmem:s29], [sflag:$0x4], $0x80, $0x38;
	[tilespmem:$0x1C100] =	vst v63  }
0x121: {  	s29 =	sadd.s32 @!p1 $0xC900, s28;
	s31 =	sadd.s32 @!p1 $0x100, s2  }
0x122: {  	[hbm4b:s31+s30] =	stream.linear.scatter @!p1 [tilespmem:s29], [sflag:$0x4], $0x80, $0x38;
	[tilespmem:$0x1C100] =	vst v63  }
0x123: {  	s29 =	sadd.s32 @!p1 $0xCD00, s28;
	s31 =	sadd.s32 @!p1 $0x180, s2  }
0x124: {  	[hbm4b:s31+s30] =	stream.linear.scatter @!p1 [tilespmem:s29], [sflag:$0x4], $0x80, $0x38;
	[tilespmem:$0x1C100] =	vst v63  }
0x125: {  	s29 =	sadd.s32 @!p1 $0xD100, s28;
	s31 =	sadd.s32 @!p1 $0x200, s2  }
0x126: {  	[hbm4b:s31+s30] =	stream.linear.scatter @!p1 [tilespmem:s29], [sflag:$0x4], $0x80, $0x38;
	[tilespmem:$0x1C100] =	vst v63  }
0x127: {  	s29 =	sadd.s32 @!p1 $0xD500, s28;
	s31 =	sadd.s32 @!p1 $0x280, s2  }
0x128: {  	[hbm4b:s31+s30] =	stream.linear.scatter @!p1 [tilespmem:s29], [sflag:$0x4], $0x80, $0x38;
	[tilespmem:$0x1C100] =	vst v63  }
0x129: {  	s29 =	sadd.s32 @!p1 $0xD900, s28;
	s31 =	sadd.s32 @!p1 $0x300, s2  }
0x12a: {  	[hbm4b:s31+s30] =	stream.linear.scatter @!p1 [tilespmem:s29], [sflag:$0x4], $0x80, $0x38;
	[tilespmem:$0x1C100] =	vst v63  }
0x12b: {  	s29 =	sadd.s32 @!p1 $0xDD00, s28;
	s31 =	sadd.s32 @!p1 $0x380, s2  }
0x12c: {  	[hbm4b:s31+s30] =	stream.linear.scatter @!p1 [tilespmem:s29], [sflag:$0x4], $0x80, $0x38;
	[tilespmem:$0x1C100] =	vst v63  }
0x12d: {  	s29 =	sadd.s32 $0xFFFFFFF5, s25  }
0x12e: {  	s31 =	sadd.s32 @!p1 $0xE100, s28;
	p2 =	sge.s32 s29, s23;
	s29 =	sadd.s32 @!p1 $0x400, s2  }
0x12f: {  	[hbm4b:s29+s30] =	stream.linear.scatter @!p1 [tilespmem:s31], [sflag:$0x4], $0x80, $0x38;
	(v2sf) =	vpush @!p2 v9, $0x4;
	[tilespmem:$0x1C100] =	vst v63  }
0x130: {  	s29 =	sadd.s32 @!p1 $0xE500, s28;
	s31 =	sadd.s32 @!p1 $0x480, s2  }
0x131: {  	[hbm4b:s31+s30] =	stream.linear.scatter @!p1 [tilespmem:s29], [sflag:$0x4], $0x80, $0x38;
	[tilespmem:$0x1C100] =	vst v63  }
0x132: {  	s29 =	sadd.s32 @!p1 $0xE900, s28;
	s31 =	sadd.s32 @!p1 $0x500, s2  }
0x133: {  	[hbm4b:s31+s30] =	stream.linear.scatter @!p1 [tilespmem:s29], [sflag:$0x4], $0x80, $0x38;
	[tilespmem:$0x1C100] =	vst v63  }
0x134: {  	s29 =	sadd.s32 @!p1 $0xED00, s28;
	s31 =	sadd.s32 @!p1 $0x580, s2  }
0x135: {  	[hbm4b:s31+s30] =	stream.linear.scatter @!p1 [tilespmem:s29], [sflag:$0x4], $0x80, $0x38;
	[tilespmem:$0x1C100] =	vst v63  }
0x136: {  	s29 =	sadd.s32 @!p1 $0xF100, s28;
	s31 =	sadd.s32 @!p1 $0x600, s2  }
0x137: {  	[hbm4b:s31+s30] =	stream.linear.scatter @!p1 [tilespmem:s29], [sflag:$0x4], $0x80, $0x38;
	[tilespmem:$0x1C100] =	vst v63  }
0x138: {  	s29 =	sadd.s32 @!p1 $0xF500, s28;
	s31 =	sadd.s32 @!p1 $0x680, s2  }
0x139: {  	[hbm4b:s31+s30] =	stream.linear.scatter @!p1 [tilespmem:s29], [sflag:$0x4], $0x80, $0x38;
	[tilespmem:$0x1C100] =	vst v63  }
0x13a: {  	s29 =	sadd.s32 @!p1 $0xF900, s28;
	s31 =	sadd.s32 @!p1 $0x700, s2  }
0x13b: {  	[hbm4b:s31+s30] =	stream.linear.scatter @!p1 [tilespmem:s29], [sflag:$0x4], $0x80, $0x38;
	[tilespmem:$0x1C100] =	vst v63  }
0x13c: {  	s28 =	sadd.s32 @!p1 $0xFD00, s28;
	s2 =	sadd.s32 @!p1 $0x780, s2  }
0x13d: {  	[hbm4b:s2+s30] =	stream.linear.scatter @!p1 [tilespmem:s28], [sflag:$0x4], $0x80, $0x38;
	[tilespmem:$0x1C100] =	vst v63  }
0x13e: {  	s2 =	spop @!p2 (v2sf)  }
0x13f: {  	s28 =	sand.u32 @!p2 $0x78, s2  }
0x140: {  	s29 =	sshll.u32 @!p2 s2, $0x7;
	s30 =	sshll.u32 @!p2 s2, $0x4;
	s28 =	ssub.s32 @!p2 s28, s22  }
0x141: {  	s2 =	sand.u32 @!p2 $0x380, s2;
	s30 =	sand.u32 @!p2 $0xFFFFC000, s30;
	s28 =	sshll.u32 @!p2 s28, $0xD  }
0x142: {  	s29 =	sand.u32 @!p2 $0x380, s29;
	s2 =	sor.u32 @!p2 s2, s30;
	s28 =	sshra.s32 @!p2 s28, $0x2  }
0x143: {  	s2 =	sshrl.u32 @!p2 s2, $0x3;
	s28 =	sor.u32 @!p2 s29, s28  }
0x144: {  	s30 =	simm.s32 @!p2 $0x0;
	s2 =	sadd.s32 @!p2 s3, s2;
	s29 =	sadd.s32 @!p2 $0xC100, s28  }
0x145: {  	[hbm4b:s2+s30] =	stream.linear.scatter @!p2 [tilespmem:s29], [sflag:$0x4], $0x80, $0x38;
	[tilespmem:$0x1C100] =	vst v63  }
0x146: {  	s31 =	sadd.s32 @!p2 $0x80, s2;
	s29 =	sadd.s32 @!p2 $0xC500, s28  }
0x147: {  	[hbm4b:s31+s30] =	stream.linear.scatter @!p2 [tilespmem:s29], [sflag:$0x4], $0x80, $0x38;
	[tilespmem:$0x1C100] =	vst v63  }
0x148: {  	s29 =	sadd.s32 @!p2 $0xC900, s28;
	s31 =	sadd.s32 @!p2 $0x100, s2  }
0x149: {  	[hbm4b:s31+s30] =	stream.linear.scatter @!p2 [tilespmem:s29], [sflag:$0x4], $0x80, $0x38;
	[tilespmem:$0x1C100] =	vst v63  }
0x14a: {  	s29 =	sadd.s32 @!p2 $0xCD00, s28;
	s31 =	sadd.s32 @!p2 $0x180, s2  }
0x14b: {  	[hbm4b:s31+s30] =	stream.linear.scatter @!p2 [tilespmem:s29], [sflag:$0x4], $0x80, $0x38;
	[tilespmem:$0x1C100] =	vst v63  }
0x14c: {  	s29 =	sadd.s32 @!p2 $0xD100, s28;
	s31 =	sadd.s32 @!p2 $0x200, s2  }
0x14d: {  	[hbm4b:s31+s30] =	stream.linear.scatter @!p2 [tilespmem:s29], [sflag:$0x4], $0x80, $0x38;
	[tilespmem:$0x1C100] =	vst v63  }
0x14e: {  	s29 =	sadd.s32 @!p2 $0xD500, s28;
	s31 =	sadd.s32 @!p2 $0x280, s2  }
0x14f: {  	[hbm4b:s31+s30] =	stream.linear.scatter @!p2 [tilespmem:s29], [sflag:$0x4], $0x80, $0x38;
	[tilespmem:$0x1C100] =	vst v63  }
0x150: {  	s29 =	sadd.s32 @!p2 $0xD900, s28;
	s31 =	sadd.s32 @!p2 $0x300, s2  }
0x151: {  	[hbm4b:s31+s30] =	stream.linear.scatter @!p2 [tilespmem:s29], [sflag:$0x4], $0x80, $0x38;
	[tilespmem:$0x1C100] =	vst v63  }
0x152: {  	s29 =	sadd.s32 @!p2 $0xDD00, s28;
	s31 =	sadd.s32 @!p2 $0x380, s2  }
0x153: {  	[hbm4b:s31+s30] =	stream.linear.scatter @!p2 [tilespmem:s29], [sflag:$0x4], $0x80, $0x38;
	[tilespmem:$0x1C100] =	vst v63  }
0x154: {  	s29 =	sadd.s32 $0xFFFFFFF6, s25  }
0x155: {  	s31 =	sadd.s32 @!p2 $0xE100, s28;
	p1 =	sge.s32 s29, s23;
	s29 =	sadd.s32 @!p2 $0x400, s2  }
0x156: {  	[hbm4b:s29+s30] =	stream.linear.scatter @!p2 [tilespmem:s31], [sflag:$0x4], $0x80, $0x38;
	(v2sf) =	vpush @!p1 v9, $0x5;
	[tilespmem:$0x1C100] =	vst v63  }
0x157: {  	s29 =	sadd.s32 @!p2 $0xE500, s28;
	s31 =	sadd.s32 @!p2 $0x480, s2  }
0x158: {  	[hbm4b:s31+s30] =	stream.linear.scatter @!p2 [tilespmem:s29], [sflag:$0x4], $0x80, $0x38;
	[tilespmem:$0x1C100] =	vst v63  }
0x159: {  	s29 =	sadd.s32 @!p2 $0xE900, s28;
	s31 =	sadd.s32 @!p2 $0x500, s2  }
0x15a: {  	[hbm4b:s31+s30] =	stream.linear.scatter @!p2 [tilespmem:s29], [sflag:$0x4], $0x80, $0x38;
	[tilespmem:$0x1C100] =	vst v63  }
0x15b: {  	s29 =	sadd.s32 @!p2 $0xED00, s28;
	s31 =	sadd.s32 @!p2 $0x580, s2  }
0x15c: {  	[hbm4b:s31+s30] =	stream.linear.scatter @!p2 [tilespmem:s29], [sflag:$0x4], $0x80, $0x38;
	[tilespmem:$0x1C100] =	vst v63  }
0x15d: {  	s29 =	sadd.s32 @!p2 $0xF100, s28;
	s31 =	sadd.s32 @!p2 $0x600, s2  }
0x15e: {  	[hbm4b:s31+s30] =	stream.linear.scatter @!p2 [tilespmem:s29], [sflag:$0x4], $0x80, $0x38;
	[tilespmem:$0x1C100] =	vst v63  }
0x15f: {  	s29 =	sadd.s32 @!p2 $0xF500, s28;
	s31 =	sadd.s32 @!p2 $0x680, s2  }
0x160: {  	[hbm4b:s31+s30] =	stream.linear.scatter @!p2 [tilespmem:s29], [sflag:$0x4], $0x80, $0x38;
	[tilespmem:$0x1C100] =	vst v63  }
0x161: {  	s29 =	sadd.s32 @!p2 $0xF900, s28;
	s31 =	sadd.s32 @!p2 $0x700, s2  }
0x162: {  	[hbm4b:s31+s30] =	stream.linear.scatter @!p2 [tilespmem:s29], [sflag:$0x4], $0x80, $0x38;
	[tilespmem:$0x1C100] =	vst v63  }
0x163: {  	s28 =	sadd.s32 @!p2 $0xFD00, s28;
	s2 =	sadd.s32 @!p2 $0x780, s2  }
0x164: {  	[hbm4b:s2+s30] =	stream.linear.scatter @!p2 [tilespmem:s28], [sflag:$0x4], $0x80, $0x38;
	[tilespmem:$0x1C100] =	vst v63  }
0x165: {  	s2 =	spop @!p1 (v2sf)  }
0x166: {  	s28 =	sand.u32 @!p1 $0x78, s2  }
0x167: {  	s29 =	sshll.u32 @!p1 s2, $0x7;
	s30 =	sshll.u32 @!p1 s2, $0x4;
	s28 =	ssub.s32 @!p1 s28, s22  }
0x168: {  	s2 =	sand.u32 @!p1 $0x380, s2;
	s30 =	sand.u32 @!p1 $0xFFFFC000, s30;
	s28 =	sshll.u32 @!p1 s28, $0xD  }
0x169: {  	s29 =	sand.u32 @!p1 $0x380, s29;
	s2 =	sor.u32 @!p1 s2, s30;
	s28 =	sshra.s32 @!p1 s28, $0x2  }
0x16a: {  	s2 =	sshrl.u32 @!p1 s2, $0x3;
	s28 =	sor.u32 @!p1 s29, s28  }
0x16b: {  	s30 =	simm.s32 @!p1 $0x0;
	s2 =	sadd.s32 @!p1 s3, s2;
	s29 =	sadd.s32 @!p1 $0xC100, s28  }
0x16c: {  	[hbm4b:s2+s30] =	stream.linear.scatter @!p1 [tilespmem:s29], [sflag:$0x4], $0x80, $0x38;
	[tilespmem:$0x1C100] =	vst v63  }
0x16d: {  	s31 =	sadd.s32 @!p1 $0x80, s2;
	s29 =	sadd.s32 @!p1 $0xC500, s28  }
0x16e: {  	[hbm4b:s31+s30] =	stream.linear.scatter @!p1 [tilespmem:s29], [sflag:$0x4], $0x80, $0x38;
	[tilespmem:$0x1C100] =	vst v63  }
0x16f: {  	s29 =	sadd.s32 @!p1 $0xC900, s28;
	s31 =	sadd.s32 @!p1 $0x100, s2  }
0x170: {  	[hbm4b:s31+s30] =	stream.linear.scatter @!p1 [tilespmem:s29], [sflag:$0x4], $0x80, $0x38;
	[tilespmem:$0x1C100] =	vst v63  }
0x171: {  	s29 =	sadd.s32 @!p1 $0xCD00, s28;
	s31 =	sadd.s32 @!p1 $0x180, s2  }
0x172: {  	[hbm4b:s31+s30] =	stream.linear.scatter @!p1 [tilespmem:s29], [sflag:$0x4], $0x80, $0x38;
	[tilespmem:$0x1C100] =	vst v63  }
0x173: {  	s29 =	sadd.s32 @!p1 $0xD100, s28;
	s31 =	sadd.s32 @!p1 $0x200, s2  }
0x174: {  	[hbm4b:s31+s30] =	stream.linear.scatter @!p1 [tilespmem:s29], [sflag:$0x4], $0x80, $0x38;
	[tilespmem:$0x1C100] =	vst v63  }
0x175: {  	s29 =	sadd.s32 @!p1 $0xD500, s28;
	s31 =	sadd.s32 @!p1 $0x280, s2  }
0x176: {  	[hbm4b:s31+s30] =	stream.linear.scatter @!p1 [tilespmem:s29], [sflag:$0x4], $0x80, $0x38;
	[tilespmem:$0x1C100] =	vst v63  }
0x177: {  	s29 =	sadd.s32 @!p1 $0xD900, s28;
	s31 =	sadd.s32 @!p1 $0x300, s2  }
0x178: {  	[hbm4b:s31+s30] =	stream.linear.scatter @!p1 [tilespmem:s29], [sflag:$0x4], $0x80, $0x38;
	[tilespmem:$0x1C100] =	vst v63  }
0x179: {  	s29 =	sadd.s32 @!p1 $0xDD00, s28;
	s31 =	sadd.s32 @!p1 $0x380, s2  }
0x17a: {  	[hbm4b:s31+s30] =	stream.linear.scatter @!p1 [tilespmem:s29], [sflag:$0x4], $0x80, $0x38;
	[tilespmem:$0x1C100] =	vst v63  }
0x17b: {  	s29 =	sadd.s32 $0xFFFFFFF7, s25  }
0x17c: {  	s31 =	sadd.s32 @!p1 $0xE100, s28;
	p2 =	sge.s32 s29, s23;
	s29 =	sadd.s32 @!p1 $0x400, s2  }
0x17d: {  	[hbm4b:s29+s30] =	stream.linear.scatter @!p1 [tilespmem:s31], [sflag:$0x4], $0x80, $0x38;
	(v2sf) =	vpush @!p2 v9, $0x6;
	[tilespmem:$0x1C100] =	vst v63  }
0x17e: {  	s29 =	sadd.s32 @!p1 $0xE500, s28;
	s31 =	sadd.s32 @!p1 $0x480, s2  }
0x17f: {  	[hbm4b:s31+s30] =	stream.linear.scatter @!p1 [tilespmem:s29], [sflag:$0x4], $0x80, $0x38;
	[tilespmem:$0x1C100] =	vst v63  }
0x180: {  	s29 =	sadd.s32 @!p1 $0xE900, s28;
	s31 =	sadd.s32 @!p1 $0x500, s2  }
0x181: {  	[hbm4b:s31+s30] =	stream.linear.scatter @!p1 [tilespmem:s29], [sflag:$0x4], $0x80, $0x38;
	[tilespmem:$0x1C100] =	vst v63  }
0x182: {  	s29 =	sadd.s32 @!p1 $0xED00, s28;
	s31 =	sadd.s32 @!p1 $0x580, s2  }
0x183: {  	[hbm4b:s31+s30] =	stream.linear.scatter @!p1 [tilespmem:s29], [sflag:$0x4], $0x80, $0x38;
	[tilespmem:$0x1C100] =	vst v63  }
0x184: {  	s29 =	sadd.s32 @!p1 $0xF100, s28;
	s31 =	sadd.s32 @!p1 $0x600, s2  }
0x185: {  	[hbm4b:s31+s30] =	stream.linear.scatter @!p1 [tilespmem:s29], [sflag:$0x4], $0x80, $0x38;
	[tilespmem:$0x1C100] =	vst v63  }
0x186: {  	s29 =	sadd.s32 @!p1 $0xF500, s28;
	s31 =	sadd.s32 @!p1 $0x680, s2  }
0x187: {  	[hbm4b:s31+s30] =	stream.linear.scatter @!p1 [tilespmem:s29], [sflag:$0x4], $0x80, $0x38;
	[tilespmem:$0x1C100] =	vst v63  }
0x188: {  	s29 =	sadd.s32 @!p1 $0xF900, s28;
	s31 =	sadd.s32 @!p1 $0x700, s2  }
0x189: {  	[hbm4b:s31+s30] =	stream.linear.scatter @!p1 [tilespmem:s29], [sflag:$0x4], $0x80, $0x38;
	[tilespmem:$0x1C100] =	vst v63  }
0x18a: {  	s28 =	sadd.s32 @!p1 $0xFD00, s28;
	s2 =	sadd.s32 @!p1 $0x780, s2  }
0x18b: {  	[hbm4b:s2+s30] =	stream.linear.scatter @!p1 [tilespmem:s28], [sflag:$0x4], $0x80, $0x38;
	[tilespmem:$0x1C100] =	vst v63  }
0x18c: {  	s2 =	spop @!p2 (v2sf)  }
0x18d: {  	s28 =	sand.u32 @!p2 $0x78, s2  }
0x18e: {  	s29 =	sshll.u32 @!p2 s2, $0x7;
	s30 =	sshll.u32 @!p2 s2, $0x4;
	s28 =	ssub.s32 @!p2 s28, s22  }
0x18f: {  	s2 =	sand.u32 @!p2 $0x380, s2;
	s30 =	sand.u32 @!p2 $0xFFFFC000, s30;
	s28 =	sshll.u32 @!p2 s28, $0xD  }
0x190: {  	s29 =	sand.u32 @!p2 $0x380, s29;
	s2 =	sor.u32 @!p2 s2, s30;
	s28 =	sshra.s32 @!p2 s28, $0x2  }
0x191: {  	s2 =	sshrl.u32 @!p2 s2, $0x3;
	s28 =	sor.u32 @!p2 s29, s28  }
0x192: {  	s30 =	simm.s32 @!p2 $0x0;
	s2 =	sadd.s32 @!p2 s3, s2;
	s29 =	sadd.s32 @!p2 $0xC100, s28  }
0x193: {  	[hbm4b:s2+s30] =	stream.linear.scatter @!p2 [tilespmem:s29], [sflag:$0x4], $0x80, $0x38;
	[tilespmem:$0x1C100] =	vst v63  }
0x194: {  	s31 =	sadd.s32 @!p2 $0x80, s2;
	s29 =	sadd.s32 @!p2 $0xC500, s28  }
0x195: {  	[hbm4b:s31+s30] =	stream.linear.scatter @!p2 [tilespmem:s29], [sflag:$0x4], $0x80, $0x38;
	[tilespmem:$0x1C100] =	vst v63  }
0x196: {  	s29 =	sadd.s32 @!p2 $0xC900, s28;
	s31 =	sadd.s32 @!p2 $0x100, s2  }
0x197: {  	[hbm4b:s31+s30] =	stream.linear.scatter @!p2 [tilespmem:s29], [sflag:$0x4], $0x80, $0x38;
	[tilespmem:$0x1C100] =	vst v63  }
0x198: {  	s29 =	sadd.s32 @!p2 $0xCD00, s28;
	s31 =	sadd.s32 @!p2 $0x180, s2  }
0x199: {  	[hbm4b:s31+s30] =	stream.linear.scatter @!p2 [tilespmem:s29], [sflag:$0x4], $0x80, $0x38;
	[tilespmem:$0x1C100] =	vst v63  }
0x19a: {  	s29 =	sadd.s32 @!p2 $0xD100, s28;
	s31 =	sadd.s32 @!p2 $0x200, s2  }
0x19b: {  	[hbm4b:s31+s30] =	stream.linear.scatter @!p2 [tilespmem:s29], [sflag:$0x4], $0x80, $0x38;
	[tilespmem:$0x1C100] =	vst v63  }
0x19c: {  	s29 =	sadd.s32 @!p2 $0xD500, s28;
	s31 =	sadd.s32 @!p2 $0x280, s2  }
0x19d: {  	[hbm4b:s31+s30] =	stream.linear.scatter @!p2 [tilespmem:s29], [sflag:$0x4], $0x80, $0x38;
	[tilespmem:$0x1C100] =	vst v63  }
0x19e: {  	s29 =	sadd.s32 @!p2 $0xD900, s28;
	s31 =	sadd.s32 @!p2 $0x300, s2  }
0x19f: {  	[hbm4b:s31+s30] =	stream.linear.scatter @!p2 [tilespmem:s29], [sflag:$0x4], $0x80, $0x38;
	[tilespmem:$0x1C100] =	vst v63  }
0x1a0: {  	s29 =	sadd.s32 @!p2 $0xDD00, s28;
	s31 =	sadd.s32 @!p2 $0x380, s2  }
0x1a1: {  	[hbm4b:s31+s30] =	stream.linear.scatter @!p2 [tilespmem:s29], [sflag:$0x4], $0x80, $0x38;
	[tilespmem:$0x1C100] =	vst v63  }
0x1a2: {  	s29 =	sadd.s32 $0xFFFFFFF8, s25  }
0x1a3: {  	s31 =	sadd.s32 @!p2 $0xE100, s28;
	p1 =	sge.s32 s29, s23;
	s29 =	sadd.s32 @!p2 $0x400, s2  }
0x1a4: {  	[hbm4b:s29+s30] =	stream.linear.scatter @!p2 [tilespmem:s31], [sflag:$0x4], $0x80, $0x38;
	(v2sf) =	vpush @!p1 v9, $0x7;
	[tilespmem:$0x1C100] =	vst v63  }
0x1a5: {  	s29 =	sadd.s32 @!p2 $0xE500, s28;
	s31 =	sadd.s32 @!p2 $0x480, s2  }
0x1a6: {  	[hbm4b:s31+s30] =	stream.linear.scatter @!p2 [tilespmem:s29], [sflag:$0x4], $0x80, $0x38;
	[tilespmem:$0x1C100] =	vst v63  }
0x1a7: {  	s29 =	sadd.s32 @!p2 $0xE900, s28;
	s31 =	sadd.s32 @!p2 $0x500, s2  }
0x1a8: {  	[hbm4b:s31+s30] =	stream.linear.scatter @!p2 [tilespmem:s29], [sflag:$0x4], $0x80, $0x38;
	[tilespmem:$0x1C100] =	vst v63  }
0x1a9: {  	s29 =	sadd.s32 @!p2 $0xED00, s28;
	s31 =	sadd.s32 @!p2 $0x580, s2  }
0x1aa: {  	[hbm4b:s31+s30] =	stream.linear.scatter @!p2 [tilespmem:s29], [sflag:$0x4], $0x80, $0x38;
	[tilespmem:$0x1C100] =	vst v63  }
0x1ab: {  	s29 =	sadd.s32 @!p2 $0xF100, s28;
	s31 =	sadd.s32 @!p2 $0x600, s2  }
0x1ac: {  	[hbm4b:s31+s30] =	stream.linear.scatter @!p2 [tilespmem:s29], [sflag:$0x4], $0x80, $0x38;
	[tilespmem:$0x1C100] =	vst v63  }
0x1ad: {  	s29 =	sadd.s32 @!p2 $0xF500, s28;
	s31 =	sadd.s32 @!p2 $0x680, s2  }
0x1ae: {  	[hbm4b:s31+s30] =	stream.linear.scatter @!p2 [tilespmem:s29], [sflag:$0x4], $0x80, $0x38;
	[tilespmem:$0x1C100] =	vst v63  }
0x1af: {  	s29 =	sadd.s32 @!p2 $0xF900, s28;
	s31 =	sadd.s32 @!p2 $0x700, s2  }
0x1b0: {  	[hbm4b:s31+s30] =	stream.linear.scatter @!p2 [tilespmem:s29], [sflag:$0x4], $0x80, $0x38;
	[tilespmem:$0x1C100] =	vst v63  }
0x1b1: {  	s28 =	sadd.s32 @!p2 $0xFD00, s28;
	s2 =	sadd.s32 @!p2 $0x780, s2  }
0x1b2: {  	[hbm4b:s2+s30] =	stream.linear.scatter @!p2 [tilespmem:s28], [sflag:$0x4], $0x80, $0x38;
	[tilespmem:$0x1C100] =	vst v63  }
0x1b3: {  	s2 =	spop @!p1 (v2sf)  }
0x1b4: {  	s28 =	sand.u32 @!p1 $0x78, s2  }
0x1b5: {  	s29 =	sshll.u32 @!p1 s2, $0x7;
	s30 =	sshll.u32 @!p1 s2, $0x4;
	s28 =	ssub.s32 @!p1 s28, s22  }
0x1b6: {  	s2 =	sand.u32 @!p1 $0x380, s2;
	s30 =	sand.u32 @!p1 $0xFFFFC000, s30;
	s28 =	sshll.u32 @!p1 s28, $0xD  }
0x1b7: {  	s29 =	sand.u32 @!p1 $0x380, s29;
	s2 =	sor.u32 @!p1 s2, s30;
	s28 =	sshra.s32 @!p1 s28, $0x2  }
0x1b8: {  	s2 =	sshrl.u32 @!p1 s2, $0x3;
	s28 =	sor.u32 @!p1 s29, s28  }
0x1b9: {  	s30 =	simm.s32 @!p1 $0x0;
	s2 =	sadd.s32 @!p1 s3, s2;
	s29 =	sadd.s32 @!p1 $0xC100, s28  }
0x1ba: {  	[hbm4b:s2+s30] =	stream.linear.scatter @!p1 [tilespmem:s29], [sflag:$0x4], $0x80, $0x38;
	[tilespmem:$0x1C100] =	vst v63  }
0x1bb: {  	s31 =	sadd.s32 @!p1 $0x80, s2;
	s29 =	sadd.s32 @!p1 $0xC500, s28  }
0x1bc: {  	[hbm4b:s31+s30] =	stream.linear.scatter @!p1 [tilespmem:s29], [sflag:$0x4], $0x80, $0x38;
	[tilespmem:$0x1C100] =	vst v63  }
0x1bd: {  	s29 =	sadd.s32 @!p1 $0xC900, s28;
	s31 =	sadd.s32 @!p1 $0x100, s2  }
0x1be: {  	[hbm4b:s31+s30] =	stream.linear.scatter @!p1 [tilespmem:s29], [sflag:$0x4], $0x80, $0x38;
	[tilespmem:$0x1C100] =	vst v63  }
0x1bf: {  	s29 =	sadd.s32 @!p1 $0xCD00, s28;
	s31 =	sadd.s32 @!p1 $0x180, s2  }
0x1c0: {  	[hbm4b:s31+s30] =	stream.linear.scatter @!p1 [tilespmem:s29], [sflag:$0x4], $0x80, $0x38;
	[tilespmem:$0x1C100] =	vst v63  }
0x1c1: {  	s29 =	sadd.s32 @!p1 $0xD100, s28;
	s31 =	sadd.s32 @!p1 $0x200, s2  }
0x1c2: {  	[hbm4b:s31+s30] =	stream.linear.scatter @!p1 [tilespmem:s29], [sflag:$0x4], $0x80, $0x38;
	[tilespmem:$0x1C100] =	vst v63  }
0x1c3: {  	s29 =	sadd.s32 @!p1 $0xD500, s28;
	s31 =	sadd.s32 @!p1 $0x280, s2  }
0x1c4: {  	[hbm4b:s31+s30] =	stream.linear.scatter @!p1 [tilespmem:s29], [sflag:$0x4], $0x80, $0x38;
	[tilespmem:$0x1C100] =	vst v63  }
0x1c5: {  	s29 =	sadd.s32 @!p1 $0xD900, s28;
	s31 =	sadd.s32 @!p1 $0x300, s2  }
0x1c6: {  	[hbm4b:s31+s30] =	stream.linear.scatter @!p1 [tilespmem:s29], [sflag:$0x4], $0x80, $0x38;
	[tilespmem:$0x1C100] =	vst v63  }
0x1c7: {  	s29 =	sadd.s32 @!p1 $0xDD00, s28;
	s31 =	sadd.s32 @!p1 $0x380, s2  }
0x1c8: {  	[hbm4b:s31+s30] =	stream.linear.scatter @!p1 [tilespmem:s29], [sflag:$0x4], $0x80, $0x38;
	[tilespmem:$0x1C100] =	vst v63  }
0x1c9: {  	s29 =	sadd.s32 $0xFFFFFFF9, s25  }
0x1ca: {  	s31 =	sadd.s32 @!p1 $0xE100, s28;
	p2 =	sge.s32 s29, s23;
	s29 =	sadd.s32 @!p1 $0x400, s2  }
0x1cb: {  	[hbm4b:s29+s30] =	stream.linear.scatter @!p1 [tilespmem:s31], [sflag:$0x4], $0x80, $0x38;
	(v2sf) =	vpush @!p2 v9, $0x8;
	[tilespmem:$0x1C100] =	vst v63  }
0x1cc: {  	s29 =	sadd.s32 @!p1 $0xE500, s28;
	s31 =	sadd.s32 @!p1 $0x480, s2  }
0x1cd: {  	[hbm4b:s31+s30] =	stream.linear.scatter @!p1 [tilespmem:s29], [sflag:$0x4], $0x80, $0x38;
	[tilespmem:$0x1C100] =	vst v63  }
0x1ce: {  	s29 =	sadd.s32 @!p1 $0xE900, s28;
	s31 =	sadd.s32 @!p1 $0x500, s2  }
0x1cf: {  	[hbm4b:s31+s30] =	stream.linear.scatter @!p1 [tilespmem:s29], [sflag:$0x4], $0x80, $0x38;
	[tilespmem:$0x1C100] =	vst v63  }
0x1d0: {  	s29 =	sadd.s32 @!p1 $0xED00, s28;
	s31 =	sadd.s32 @!p1 $0x580, s2  }
0x1d1: {  	[hbm4b:s31+s30] =	stream.linear.scatter @!p1 [tilespmem:s29], [sflag:$0x4], $0x80, $0x38;
	[tilespmem:$0x1C100] =	vst v63  }
0x1d2: {  	s29 =	sadd.s32 @!p1 $0xF100, s28;
	s31 =	sadd.s32 @!p1 $0x600, s2  }
0x1d3: {  	[hbm4b:s31+s30] =	stream.linear.scatter @!p1 [tilespmem:s29], [sflag:$0x4], $0x80, $0x38;
	[tilespmem:$0x1C100] =	vst v63  }
0x1d4: {  	s29 =	sadd.s32 @!p1 $0xF500, s28;
	s31 =	sadd.s32 @!p1 $0x680, s2  }
0x1d5: {  	[hbm4b:s31+s30] =	stream.linear.scatter @!p1 [tilespmem:s29], [sflag:$0x4], $0x80, $0x38;
	[tilespmem:$0x1C100] =	vst v63  }
0x1d6: {  	s29 =	sadd.s32 @!p1 $0xF900, s28;
	s31 =	sadd.s32 @!p1 $0x700, s2  }
0x1d7: {  	[hbm4b:s31+s30] =	stream.linear.scatter @!p1 [tilespmem:s29], [sflag:$0x4], $0x80, $0x38;
	[tilespmem:$0x1C100] =	vst v63  }
0x1d8: {  	s28 =	sadd.s32 @!p1 $0xFD00, s28;
	s2 =	sadd.s32 @!p1 $0x780, s2  }
0x1d9: {  	[hbm4b:s2+s30] =	stream.linear.scatter @!p1 [tilespmem:s28], [sflag:$0x4], $0x80, $0x38;
	[tilespmem:$0x1C100] =	vst v63  }
0x1da: {  	s2 =	spop @!p2 (v2sf)  }
0x1db: {  	s28 =	sand.u32 @!p2 $0x78, s2  }
0x1dc: {  	s29 =	sshll.u32 @!p2 s2, $0x7;
	s30 =	sshll.u32 @!p2 s2, $0x4;
	s28 =	ssub.s32 @!p2 s28, s22  }
0x1dd: {  	s2 =	sand.u32 @!p2 $0x380, s2;
	s30 =	sand.u32 @!p2 $0xFFFFC000, s30;
	s28 =	sshll.u32 @!p2 s28, $0xD  }
0x1de: {  	s29 =	sand.u32 @!p2 $0x380, s29;
	s2 =	sor.u32 @!p2 s2, s30;
	s28 =	sshra.s32 @!p2 s28, $0x2  }
0x1df: {  	s2 =	sshrl.u32 @!p2 s2, $0x3;
	s28 =	sor.u32 @!p2 s29, s28  }
0x1e0: {  	s30 =	simm.s32 @!p2 $0x0;
	s2 =	sadd.s32 @!p2 s3, s2;
	s29 =	sadd.s32 @!p2 $0xC100, s28  }
0x1e1: {  	[hbm4b:s2+s30] =	stream.linear.scatter @!p2 [tilespmem:s29], [sflag:$0x4], $0x80, $0x38;
	[tilespmem:$0x1C100] =	vst v63  }
0x1e2: {  	s31 =	sadd.s32 @!p2 $0x80, s2;
	s29 =	sadd.s32 @!p2 $0xC500, s28  }
0x1e3: {  	[hbm4b:s31+s30] =	stream.linear.scatter @!p2 [tilespmem:s29], [sflag:$0x4], $0x80, $0x38;
	[tilespmem:$0x1C100] =	vst v63  }
0x1e4: {  	s29 =	sadd.s32 @!p2 $0xC900, s28;
	s31 =	sadd.s32 @!p2 $0x100, s2  }
0x1e5: {  	[hbm4b:s31+s30] =	stream.linear.scatter @!p2 [tilespmem:s29], [sflag:$0x4], $0x80, $0x38;
	[tilespmem:$0x1C100] =	vst v63  }
0x1e6: {  	s29 =	sadd.s32 @!p2 $0xCD00, s28;
	s31 =	sadd.s32 @!p2 $0x180, s2  }
0x1e7: {  	[hbm4b:s31+s30] =	stream.linear.scatter @!p2 [tilespmem:s29], [sflag:$0x4], $0x80, $0x38;
	[tilespmem:$0x1C100] =	vst v63  }
0x1e8: {  	s29 =	sadd.s32 @!p2 $0xD100, s28;
	s31 =	sadd.s32 @!p2 $0x200, s2  }
0x1e9: {  	[hbm4b:s31+s30] =	stream.linear.scatter @!p2 [tilespmem:s29], [sflag:$0x4], $0x80, $0x38;
	[tilespmem:$0x1C100] =	vst v63  }
0x1ea: {  	s29 =	sadd.s32 @!p2 $0xD500, s28;
	s31 =	sadd.s32 @!p2 $0x280, s2  }
0x1eb: {  	[hbm4b:s31+s30] =	stream.linear.scatter @!p2 [tilespmem:s29], [sflag:$0x4], $0x80, $0x38;
	[tilespmem:$0x1C100] =	vst v63  }
0x1ec: {  	s29 =	sadd.s32 @!p2 $0xD900, s28;
	s31 =	sadd.s32 @!p2 $0x300, s2  }
0x1ed: {  	[hbm4b:s31+s30] =	stream.linear.scatter @!p2 [tilespmem:s29], [sflag:$0x4], $0x80, $0x38;
	[tilespmem:$0x1C100] =	vst v63  }
0x1ee: {  	s29 =	sadd.s32 @!p2 $0xDD00, s28;
	s31 =	sadd.s32 @!p2 $0x380, s2  }
0x1ef: {  	[hbm4b:s31+s30] =	stream.linear.scatter @!p2 [tilespmem:s29], [sflag:$0x4], $0x80, $0x38;
	[tilespmem:$0x1C100] =	vst v63  }
0x1f0: {  	s29 =	sadd.s32 $0xFFFFFFFA, s25  }
0x1f1: {  	s31 =	sadd.s32 @!p2 $0xE100, s28;
	p1 =	sge.s32 s29, s23;
	s29 =	sadd.s32 @!p2 $0x400, s2  }
0x1f2: {  	[hbm4b:s29+s30] =	stream.linear.scatter @!p2 [tilespmem:s31], [sflag:$0x4], $0x80, $0x38;
	(v2sf) =	vpush @!p1 v9, $0x9;
	[tilespmem:$0x1C100] =	vst v63  }
0x1f3: {  	s29 =	sadd.s32 @!p2 $0xE500, s28;
	s31 =	sadd.s32 @!p2 $0x480, s2  }
0x1f4: {  	[hbm4b:s31+s30] =	stream.linear.scatter @!p2 [tilespmem:s29], [sflag:$0x4], $0x80, $0x38;
	[tilespmem:$0x1C100] =	vst v63  }
0x1f5: {  	s29 =	sadd.s32 @!p2 $0xE900, s28;
	s31 =	sadd.s32 @!p2 $0x500, s2  }
0x1f6: {  	[hbm4b:s31+s30] =	stream.linear.scatter @!p2 [tilespmem:s29], [sflag:$0x4], $0x80, $0x38;
	[tilespmem:$0x1C100] =	vst v63  }
0x1f7: {  	s29 =	sadd.s32 @!p2 $0xED00, s28;
	s31 =	sadd.s32 @!p2 $0x580, s2  }
0x1f8: {  	[hbm4b:s31+s30] =	stream.linear.scatter @!p2 [tilespmem:s29], [sflag:$0x4], $0x80, $0x38;
	[tilespmem:$0x1C100] =	vst v63  }
0x1f9: {  	s29 =	sadd.s32 @!p2 $0xF100, s28;
	s31 =	sadd.s32 @!p2 $0x600, s2  }
0x1fa: {  	[hbm4b:s31+s30] =	stream.linear.scatter @!p2 [tilespmem:s29], [sflag:$0x4], $0x80, $0x38;
	[tilespmem:$0x1C100] =	vst v63  }
0x1fb: {  	s29 =	sadd.s32 @!p2 $0xF500, s28;
	s31 =	sadd.s32 @!p2 $0x680, s2  }
0x1fc: {  	[hbm4b:s31+s30] =	stream.linear.scatter @!p2 [tilespmem:s29], [sflag:$0x4], $0x80, $0x38;
	[tilespmem:$0x1C100] =	vst v63  }
0x1fd: {  	s29 =	sadd.s32 @!p2 $0xF900, s28;
	s31 =	sadd.s32 @!p2 $0x700, s2  }
0x1fe: {  	[hbm4b:s31+s30] =	stream.linear.scatter @!p2 [tilespmem:s29], [sflag:$0x4], $0x80, $0x38;
	[tilespmem:$0x1C100] =	vst v63  }
0x1ff: {  	s28 =	sadd.s32 @!p2 $0xFD00, s28;
	s2 =	sadd.s32 @!p2 $0x780, s2  }
0x200: {  	[hbm4b:s2+s30] =	stream.linear.scatter @!p2 [tilespmem:s28], [sflag:$0x4], $0x80, $0x38;
	[tilespmem:$0x1C100] =	vst v63  }
0x201: {  	s2 =	spop @!p1 (v2sf)  }
0x202: {  	s28 =	sand.u32 @!p1 $0x78, s2  }
0x203: {  	s29 =	sshll.u32 @!p1 s2, $0x7;
	s30 =	sshll.u32 @!p1 s2, $0x4;
	s28 =	ssub.s32 @!p1 s28, s22  }
0x204: {  	s2 =	sand.u32 @!p1 $0x380, s2;
	s30 =	sand.u32 @!p1 $0xFFFFC000, s30;
	s28 =	sshll.u32 @!p1 s28, $0xD  }
0x205: {  	s29 =	sand.u32 @!p1 $0x380, s29;
	s2 =	sor.u32 @!p1 s2, s30;
	s28 =	sshra.s32 @!p1 s28, $0x2  }
0x206: {  	s2 =	sshrl.u32 @!p1 s2, $0x3;
	s28 =	sor.u32 @!p1 s29, s28  }
0x207: {  	s30 =	simm.s32 @!p1 $0x0;
	s2 =	sadd.s32 @!p1 s3, s2;
	s29 =	sadd.s32 @!p1 $0xC100, s28  }
0x208: {  	[hbm4b:s2+s30] =	stream.linear.scatter @!p1 [tilespmem:s29], [sflag:$0x4], $0x80, $0x38;
	[tilespmem:$0x1C100] =	vst v63  }
0x209: {  	s31 =	sadd.s32 @!p1 $0x80, s2;
	s29 =	sadd.s32 @!p1 $0xC500, s28  }
0x20a: {  	[hbm4b:s31+s30] =	stream.linear.scatter @!p1 [tilespmem:s29], [sflag:$0x4], $0x80, $0x38;
	[tilespmem:$0x1C100] =	vst v63  }
0x20b: {  	s29 =	sadd.s32 @!p1 $0xC900, s28;
	s31 =	sadd.s32 @!p1 $0x100, s2  }
0x20c: {  	[hbm4b:s31+s30] =	stream.linear.scatter @!p1 [tilespmem:s29], [sflag:$0x4], $0x80, $0x38;
	[tilespmem:$0x1C100] =	vst v63  }
0x20d: {  	s29 =	sadd.s32 @!p1 $0xCD00, s28;
	s31 =	sadd.s32 @!p1 $0x180, s2  }
0x20e: {  	[hbm4b:s31+s30] =	stream.linear.scatter @!p1 [tilespmem:s29], [sflag:$0x4], $0x80, $0x38;
	[tilespmem:$0x1C100] =	vst v63  }
0x20f: {  	s29 =	sadd.s32 @!p1 $0xD100, s28;
	s31 =	sadd.s32 @!p1 $0x200, s2  }
0x210: {  	[hbm4b:s31+s30] =	stream.linear.scatter @!p1 [tilespmem:s29], [sflag:$0x4], $0x80, $0x38;
	[tilespmem:$0x1C100] =	vst v63  }
0x211: {  	s29 =	sadd.s32 @!p1 $0xD500, s28;
	s31 =	sadd.s32 @!p1 $0x280, s2  }
0x212: {  	[hbm4b:s31+s30] =	stream.linear.scatter @!p1 [tilespmem:s29], [sflag:$0x4], $0x80, $0x38;
	[tilespmem:$0x1C100] =	vst v63  }
0x213: {  	s29 =	sadd.s32 @!p1 $0xD900, s28;
	s31 =	sadd.s32 @!p1 $0x300, s2  }
0x214: {  	[hbm4b:s31+s30] =	stream.linear.scatter @!p1 [tilespmem:s29], [sflag:$0x4], $0x80, $0x38;
	[tilespmem:$0x1C100] =	vst v63  }
0x215: {  	s29 =	sadd.s32 @!p1 $0xDD00, s28;
	s31 =	sadd.s32 @!p1 $0x380, s2  }
0x216: {  	[hbm4b:s31+s30] =	stream.linear.scatter @!p1 [tilespmem:s29], [sflag:$0x4], $0x80, $0x38;
	[tilespmem:$0x1C100] =	vst v63  }
0x217: {  	s29 =	sadd.s32 $0xFFFFFFFB, s25  }
0x218: {  	s31 =	sadd.s32 @!p1 $0xE100, s28;
	p2 =	sge.s32 s29, s23;
	s29 =	sadd.s32 @!p1 $0x400, s2  }
0x219: {  	[hbm4b:s29+s30] =	stream.linear.scatter @!p1 [tilespmem:s31], [sflag:$0x4], $0x80, $0x38;
	(v2sf) =	vpush @!p2 v9, $0xA;
	[tilespmem:$0x1C100] =	vst v63  }
0x21a: {  	s29 =	sadd.s32 @!p1 $0xE500, s28;
	s31 =	sadd.s32 @!p1 $0x480, s2  }
0x21b: {  	[hbm4b:s31+s30] =	stream.linear.scatter @!p1 [tilespmem:s29], [sflag:$0x4], $0x80, $0x38;
	[tilespmem:$0x1C100] =	vst v63  }
0x21c: {  	s29 =	sadd.s32 @!p1 $0xE900, s28;
	s31 =	sadd.s32 @!p1 $0x500, s2  }
0x21d: {  	[hbm4b:s31+s30] =	stream.linear.scatter @!p1 [tilespmem:s29], [sflag:$0x4], $0x80, $0x38;
	[tilespmem:$0x1C100] =	vst v63  }
0x21e: {  	s29 =	sadd.s32 @!p1 $0xED00, s28;
	s31 =	sadd.s32 @!p1 $0x580, s2  }
0x21f: {  	[hbm4b:s31+s30] =	stream.linear.scatter @!p1 [tilespmem:s29], [sflag:$0x4], $0x80, $0x38;
	[tilespmem:$0x1C100] =	vst v63  }
0x220: {  	s29 =	sadd.s32 @!p1 $0xF100, s28;
	s31 =	sadd.s32 @!p1 $0x600, s2  }
0x221: {  	[hbm4b:s31+s30] =	stream.linear.scatter @!p1 [tilespmem:s29], [sflag:$0x4], $0x80, $0x38;
	[tilespmem:$0x1C100] =	vst v63  }
0x222: {  	s29 =	sadd.s32 @!p1 $0xF500, s28;
	s31 =	sadd.s32 @!p1 $0x680, s2  }
0x223: {  	[hbm4b:s31+s30] =	stream.linear.scatter @!p1 [tilespmem:s29], [sflag:$0x4], $0x80, $0x38;
	[tilespmem:$0x1C100] =	vst v63  }
0x224: {  	s29 =	sadd.s32 @!p1 $0xF900, s28;
	s31 =	sadd.s32 @!p1 $0x700, s2  }
0x225: {  	[hbm4b:s31+s30] =	stream.linear.scatter @!p1 [tilespmem:s29], [sflag:$0x4], $0x80, $0x38;
	[tilespmem:$0x1C100] =	vst v63  }
0x226: {  	s28 =	sadd.s32 @!p1 $0xFD00, s28;
	s2 =	sadd.s32 @!p1 $0x780, s2  }
0x227: {  	[hbm4b:s2+s30] =	stream.linear.scatter @!p1 [tilespmem:s28], [sflag:$0x4], $0x80, $0x38;
	[tilespmem:$0x1C100] =	vst v63  }
0x228: {  	s2 =	spop @!p2 (v2sf)  }
0x229: {  	s28 =	sand.u32 @!p2 $0x78, s2  }
0x22a: {  	s29 =	sshll.u32 @!p2 s2, $0x7;
	s30 =	sshll.u32 @!p2 s2, $0x4;
	s28 =	ssub.s32 @!p2 s28, s22  }
0x22b: {  	s2 =	sand.u32 @!p2 $0x380, s2;
	s30 =	sand.u32 @!p2 $0xFFFFC000, s30;
	s28 =	sshll.u32 @!p2 s28, $0xD  }
0x22c: {  	s29 =	sand.u32 @!p2 $0x380, s29;
	s2 =	sor.u32 @!p2 s2, s30;
	s28 =	sshra.s32 @!p2 s28, $0x2  }
0x22d: {  	s2 =	sshrl.u32 @!p2 s2, $0x3;
	s28 =	sor.u32 @!p2 s29, s28  }
0x22e: {  	s30 =	simm.s32 @!p2 $0x0;
	s2 =	sadd.s32 @!p2 s3, s2;
	s29 =	sadd.s32 @!p2 $0xC100, s28  }
0x22f: {  	[hbm4b:s2+s30] =	stream.linear.scatter @!p2 [tilespmem:s29], [sflag:$0x4], $0x80, $0x38;
	[tilespmem:$0x1C100] =	vst v63  }
0x230: {  	s31 =	sadd.s32 @!p2 $0x80, s2;
	s29 =	sadd.s32 @!p2 $0xC500, s28  }
0x231: {  	[hbm4b:s31+s30] =	stream.linear.scatter @!p2 [tilespmem:s29], [sflag:$0x4], $0x80, $0x38;
	[tilespmem:$0x1C100] =	vst v63  }
0x232: {  	s29 =	sadd.s32 @!p2 $0xC900, s28;
	s31 =	sadd.s32 @!p2 $0x100, s2  }
0x233: {  	[hbm4b:s31+s30] =	stream.linear.scatter @!p2 [tilespmem:s29], [sflag:$0x4], $0x80, $0x38;
	[tilespmem:$0x1C100] =	vst v63  }
0x234: {  	s29 =	sadd.s32 @!p2 $0xCD00, s28;
	s31 =	sadd.s32 @!p2 $0x180, s2  }
0x235: {  	[hbm4b:s31+s30] =	stream.linear.scatter @!p2 [tilespmem:s29], [sflag:$0x4], $0x80, $0x38;
	[tilespmem:$0x1C100] =	vst v63  }
0x236: {  	s29 =	sadd.s32 @!p2 $0xD100, s28;
	s31 =	sadd.s32 @!p2 $0x200, s2  }
0x237: {  	[hbm4b:s31+s30] =	stream.linear.scatter @!p2 [tilespmem:s29], [sflag:$0x4], $0x80, $0x38;
	[tilespmem:$0x1C100] =	vst v63  }
0x238: {  	s29 =	sadd.s32 @!p2 $0xD500, s28;
	s31 =	sadd.s32 @!p2 $0x280, s2  }
0x239: {  	[hbm4b:s31+s30] =	stream.linear.scatter @!p2 [tilespmem:s29], [sflag:$0x4], $0x80, $0x38;
	[tilespmem:$0x1C100] =	vst v63  }
0x23a: {  	s29 =	sadd.s32 @!p2 $0xD900, s28;
	s31 =	sadd.s32 @!p2 $0x300, s2  }
0x23b: {  	[hbm4b:s31+s30] =	stream.linear.scatter @!p2 [tilespmem:s29], [sflag:$0x4], $0x80, $0x38;
	[tilespmem:$0x1C100] =	vst v63  }
0x23c: {  	s29 =	sadd.s32 @!p2 $0xDD00, s28;
	s31 =	sadd.s32 @!p2 $0x380, s2  }
0x23d: {  	[hbm4b:s31+s30] =	stream.linear.scatter @!p2 [tilespmem:s29], [sflag:$0x4], $0x80, $0x38;
	[tilespmem:$0x1C100] =	vst v63  }
0x23e: {  	s29 =	sadd.s32 $0xFFFFFFFC, s25  }
0x23f: {  	s31 =	sadd.s32 @!p2 $0xE100, s28;
	p1 =	sge.s32 s29, s23;
	s29 =	sadd.s32 @!p2 $0x400, s2  }
0x240: {  	[hbm4b:s29+s30] =	stream.linear.scatter @!p2 [tilespmem:s31], [sflag:$0x4], $0x80, $0x38;
	(v2sf) =	vpush @!p1 v9, $0xB;
	[tilespmem:$0x1C100] =	vst v63  }
0x241: {  	s29 =	sadd.s32 @!p2 $0xE500, s28;
	s31 =	sadd.s32 @!p2 $0x480, s2  }
0x242: {  	[hbm4b:s31+s30] =	stream.linear.scatter @!p2 [tilespmem:s29], [sflag:$0x4], $0x80, $0x38;
	[tilespmem:$0x1C100] =	vst v63  }
0x243: {  	s29 =	sadd.s32 @!p2 $0xE900, s28;
	s31 =	sadd.s32 @!p2 $0x500, s2  }
0x244: {  	[hbm4b:s31+s30] =	stream.linear.scatter @!p2 [tilespmem:s29], [sflag:$0x4], $0x80, $0x38;
	[tilespmem:$0x1C100] =	vst v63  }
0x245: {  	s29 =	sadd.s32 @!p2 $0xED00, s28;
	s31 =	sadd.s32 @!p2 $0x580, s2  }
0x246: {  	[hbm4b:s31+s30] =	stream.linear.scatter @!p2 [tilespmem:s29], [sflag:$0x4], $0x80, $0x38;
	[tilespmem:$0x1C100] =	vst v63  }
0x247: {  	s29 =	sadd.s32 @!p2 $0xF100, s28;
	s31 =	sadd.s32 @!p2 $0x600, s2  }
0x248: {  	[hbm4b:s31+s30] =	stream.linear.scatter @!p2 [tilespmem:s29], [sflag:$0x4], $0x80, $0x38;
	[tilespmem:$0x1C100] =	vst v63  }
0x249: {  	s29 =	sadd.s32 @!p2 $0xF500, s28;
	s31 =	sadd.s32 @!p2 $0x680, s2  }
0x24a: {  	[hbm4b:s31+s30] =	stream.linear.scatter @!p2 [tilespmem:s29], [sflag:$0x4], $0x80, $0x38;
	[tilespmem:$0x1C100] =	vst v63  }
0x24b: {  	s29 =	sadd.s32 @!p2 $0xF900, s28;
	s31 =	sadd.s32 @!p2 $0x700, s2  }
0x24c: {  	[hbm4b:s31+s30] =	stream.linear.scatter @!p2 [tilespmem:s29], [sflag:$0x4], $0x80, $0x38;
	[tilespmem:$0x1C100] =	vst v63  }
0x24d: {  	s28 =	sadd.s32 @!p2 $0xFD00, s28;
	s2 =	sadd.s32 @!p2 $0x780, s2  }
0x24e: {  	[hbm4b:s2+s30] =	stream.linear.scatter @!p2 [tilespmem:s28], [sflag:$0x4], $0x80, $0x38;
	[tilespmem:$0x1C100] =	vst v63  }
0x24f: {  	s2 =	spop @!p1 (v2sf)  }
0x250: {  	s28 =	sand.u32 @!p1 $0x78, s2  }
0x251: {  	s29 =	sshll.u32 @!p1 s2, $0x7;
	s30 =	sshll.u32 @!p1 s2, $0x4;
	s28 =	ssub.s32 @!p1 s28, s22  }
0x252: {  	s2 =	sand.u32 @!p1 $0x380, s2;
	s30 =	sand.u32 @!p1 $0xFFFFC000, s30;
	s28 =	sshll.u32 @!p1 s28, $0xD  }
0x253: {  	s29 =	sand.u32 @!p1 $0x380, s29;
	s2 =	sor.u32 @!p1 s2, s30;
	s28 =	sshra.s32 @!p1 s28, $0x2  }
0x254: {  	s2 =	sshrl.u32 @!p1 s2, $0x3;
	s28 =	sor.u32 @!p1 s29, s28  }
0x255: {  	s30 =	simm.s32 @!p1 $0x0;
	s2 =	sadd.s32 @!p1 s3, s2;
	s29 =	sadd.s32 @!p1 $0xC100, s28  }
0x256: {  	[hbm4b:s2+s30] =	stream.linear.scatter @!p1 [tilespmem:s29], [sflag:$0x4], $0x80, $0x38;
	[tilespmem:$0x1C100] =	vst v63  }
0x257: {  	s31 =	sadd.s32 @!p1 $0x80, s2;
	s29 =	sadd.s32 @!p1 $0xC500, s28  }
0x258: {  	[hbm4b:s31+s30] =	stream.linear.scatter @!p1 [tilespmem:s29], [sflag:$0x4], $0x80, $0x38;
	[tilespmem:$0x1C100] =	vst v63  }
0x259: {  	s29 =	sadd.s32 @!p1 $0xC900, s28;
	s31 =	sadd.s32 @!p1 $0x100, s2  }
0x25a: {  	[hbm4b:s31+s30] =	stream.linear.scatter @!p1 [tilespmem:s29], [sflag:$0x4], $0x80, $0x38;
	[tilespmem:$0x1C100] =	vst v63  }
0x25b: {  	s29 =	sadd.s32 @!p1 $0xCD00, s28;
	s31 =	sadd.s32 @!p1 $0x180, s2  }
0x25c: {  	[hbm4b:s31+s30] =	stream.linear.scatter @!p1 [tilespmem:s29], [sflag:$0x4], $0x80, $0x38;
	[tilespmem:$0x1C100] =	vst v63  }
0x25d: {  	s29 =	sadd.s32 @!p1 $0xD100, s28;
	s31 =	sadd.s32 @!p1 $0x200, s2  }
0x25e: {  	[hbm4b:s31+s30] =	stream.linear.scatter @!p1 [tilespmem:s29], [sflag:$0x4], $0x80, $0x38;
	[tilespmem:$0x1C100] =	vst v63  }
0x25f: {  	s29 =	sadd.s32 @!p1 $0xD500, s28;
	s31 =	sadd.s32 @!p1 $0x280, s2  }
0x260: {  	[hbm4b:s31+s30] =	stream.linear.scatter @!p1 [tilespmem:s29], [sflag:$0x4], $0x80, $0x38;
	[tilespmem:$0x1C100] =	vst v63  }
0x261: {  	s29 =	sadd.s32 @!p1 $0xD900, s28;
	s31 =	sadd.s32 @!p1 $0x300, s2  }
0x262: {  	[hbm4b:s31+s30] =	stream.linear.scatter @!p1 [tilespmem:s29], [sflag:$0x4], $0x80, $0x38;
	[tilespmem:$0x1C100] =	vst v63  }
0x263: {  	s29 =	sadd.s32 @!p1 $0xDD00, s28;
	s31 =	sadd.s32 @!p1 $0x380, s2  }
0x264: {  	[hbm4b:s31+s30] =	stream.linear.scatter @!p1 [tilespmem:s29], [sflag:$0x4], $0x80, $0x38;
	[tilespmem:$0x1C100] =	vst v63  }
0x265: {  	s29 =	sadd.s32 $0xFFFFFFFD, s25  }
0x266: {  	s31 =	sadd.s32 @!p1 $0xE100, s28;
	p2 =	sge.s32 s29, s23;
	s29 =	sadd.s32 @!p1 $0x400, s2  }
0x267: {  	[hbm4b:s29+s30] =	stream.linear.scatter @!p1 [tilespmem:s31], [sflag:$0x4], $0x80, $0x38;
	(v2sf) =	vpush @!p2 v9, $0xC;
	[tilespmem:$0x1C100] =	vst v63  }
0x268: {  	s29 =	sadd.s32 @!p1 $0xE500, s28;
	s31 =	sadd.s32 @!p1 $0x480, s2  }
0x269: {  	[hbm4b:s31+s30] =	stream.linear.scatter @!p1 [tilespmem:s29], [sflag:$0x4], $0x80, $0x38;
	[tilespmem:$0x1C100] =	vst v63  }
0x26a: {  	s29 =	sadd.s32 @!p1 $0xE900, s28;
	s31 =	sadd.s32 @!p1 $0x500, s2  }
0x26b: {  	[hbm4b:s31+s30] =	stream.linear.scatter @!p1 [tilespmem:s29], [sflag:$0x4], $0x80, $0x38;
	[tilespmem:$0x1C100] =	vst v63  }
0x26c: {  	s29 =	sadd.s32 @!p1 $0xED00, s28;
	s31 =	sadd.s32 @!p1 $0x580, s2  }
0x26d: {  	[hbm4b:s31+s30] =	stream.linear.scatter @!p1 [tilespmem:s29], [sflag:$0x4], $0x80, $0x38;
	[tilespmem:$0x1C100] =	vst v63  }
0x26e: {  	s29 =	sadd.s32 @!p1 $0xF100, s28;
	s31 =	sadd.s32 @!p1 $0x600, s2  }
0x26f: {  	[hbm4b:s31+s30] =	stream.linear.scatter @!p1 [tilespmem:s29], [sflag:$0x4], $0x80, $0x38;
	[tilespmem:$0x1C100] =	vst v63  }
0x270: {  	s29 =	sadd.s32 @!p1 $0xF500, s28;
	s31 =	sadd.s32 @!p1 $0x680, s2  }
0x271: {  	[hbm4b:s31+s30] =	stream.linear.scatter @!p1 [tilespmem:s29], [sflag:$0x4], $0x80, $0x38;
	[tilespmem:$0x1C100] =	vst v63  }
0x272: {  	s29 =	sadd.s32 @!p1 $0xF900, s28;
	s31 =	sadd.s32 @!p1 $0x700, s2  }
0x273: {  	[hbm4b:s31+s30] =	stream.linear.scatter @!p1 [tilespmem:s29], [sflag:$0x4], $0x80, $0x38;
	[tilespmem:$0x1C100] =	vst v63  }
0x274: {  	s28 =	sadd.s32 @!p1 $0xFD00, s28;
	s2 =	sadd.s32 @!p1 $0x780, s2  }
0x275: {  	[hbm4b:s2+s30] =	stream.linear.scatter @!p1 [tilespmem:s28], [sflag:$0x4], $0x80, $0x38;
	[tilespmem:$0x1C100] =	vst v63  }
0x276: {  	s2 =	spop @!p2 (v2sf)  }
0x277: {  	s28 =	sand.u32 @!p2 $0x78, s2  }
0x278: {  	s29 =	sshll.u32 @!p2 s2, $0x7;
	s30 =	sshll.u32 @!p2 s2, $0x4;
	s28 =	ssub.s32 @!p2 s28, s22  }
0x279: {  	s2 =	sand.u32 @!p2 $0x380, s2;
	s30 =	sand.u32 @!p2 $0xFFFFC000, s30;
	s28 =	sshll.u32 @!p2 s28, $0xD  }
0x27a: {  	s29 =	sand.u32 @!p2 $0x380, s29;
	s2 =	sor.u32 @!p2 s2, s30;
	s28 =	sshra.s32 @!p2 s28, $0x2  }
0x27b: {  	s2 =	sshrl.u32 @!p2 s2, $0x3;
	s28 =	sor.u32 @!p2 s29, s28  }
0x27c: {  	s30 =	simm.s32 @!p2 $0x0;
	s2 =	sadd.s32 @!p2 s3, s2;
	s29 =	sadd.s32 @!p2 $0xC100, s28  }
0x27d: {  	[hbm4b:s2+s30] =	stream.linear.scatter @!p2 [tilespmem:s29], [sflag:$0x4], $0x80, $0x38;
	[tilespmem:$0x1C100] =	vst v63  }
0x27e: {  	s31 =	sadd.s32 @!p2 $0x80, s2;
	s29 =	sadd.s32 @!p2 $0xC500, s28  }
0x27f: {  	[hbm4b:s31+s30] =	stream.linear.scatter @!p2 [tilespmem:s29], [sflag:$0x4], $0x80, $0x38;
	[tilespmem:$0x1C100] =	vst v63  }
0x280: {  	s29 =	sadd.s32 @!p2 $0xC900, s28;
	s31 =	sadd.s32 @!p2 $0x100, s2  }
0x281: {  	[hbm4b:s31+s30] =	stream.linear.scatter @!p2 [tilespmem:s29], [sflag:$0x4], $0x80, $0x38;
	[tilespmem:$0x1C100] =	vst v63  }
0x282: {  	s29 =	sadd.s32 @!p2 $0xCD00, s28;
	s31 =	sadd.s32 @!p2 $0x180, s2  }
0x283: {  	[hbm4b:s31+s30] =	stream.linear.scatter @!p2 [tilespmem:s29], [sflag:$0x4], $0x80, $0x38;
	[tilespmem:$0x1C100] =	vst v63  }
0x284: {  	s29 =	sadd.s32 @!p2 $0xD100, s28;
	s31 =	sadd.s32 @!p2 $0x200, s2  }
0x285: {  	[hbm4b:s31+s30] =	stream.linear.scatter @!p2 [tilespmem:s29], [sflag:$0x4], $0x80, $0x38;
	[tilespmem:$0x1C100] =	vst v63  }
0x286: {  	s29 =	sadd.s32 @!p2 $0xD500, s28;
	s31 =	sadd.s32 @!p2 $0x280, s2  }
0x287: {  	[hbm4b:s31+s30] =	stream.linear.scatter @!p2 [tilespmem:s29], [sflag:$0x4], $0x80, $0x38;
	[tilespmem:$0x1C100] =	vst v63  }
0x288: {  	s29 =	sadd.s32 @!p2 $0xD900, s28;
	s31 =	sadd.s32 @!p2 $0x300, s2  }
0x289: {  	[hbm4b:s31+s30] =	stream.linear.scatter @!p2 [tilespmem:s29], [sflag:$0x4], $0x80, $0x38;
	[tilespmem:$0x1C100] =	vst v63  }
0x28a: {  	s29 =	sadd.s32 @!p2 $0xDD00, s28;
	s31 =	sadd.s32 @!p2 $0x380, s2  }
0x28b: {  	[hbm4b:s31+s30] =	stream.linear.scatter @!p2 [tilespmem:s29], [sflag:$0x4], $0x80, $0x38;
	[tilespmem:$0x1C100] =	vst v63  }
0x28c: {  	s29 =	sadd.s32 $0xFFFFFFFE, s25  }
0x28d: {  	s31 =	sadd.s32 @!p2 $0xE100, s28;
	p1 =	sge.s32 s29, s23;
	s29 =	sadd.s32 @!p2 $0x400, s2  }
0x28e: {  	[hbm4b:s29+s30] =	stream.linear.scatter @!p2 [tilespmem:s31], [sflag:$0x4], $0x80, $0x38;
	(v2sf) =	vpush @!p1 v9, $0xD;
	[tilespmem:$0x1C100] =	vst v63  }
0x28f: {  	s29 =	sadd.s32 @!p2 $0xE500, s28;
	s31 =	sadd.s32 @!p2 $0x480, s2  }
0x290: {  	[hbm4b:s31+s30] =	stream.linear.scatter @!p2 [tilespmem:s29], [sflag:$0x4], $0x80, $0x38;
	[tilespmem:$0x1C100] =	vst v63  }
0x291: {  	s29 =	sadd.s32 @!p2 $0xE900, s28;
	s31 =	sadd.s32 @!p2 $0x500, s2  }
0x292: {  	[hbm4b:s31+s30] =	stream.linear.scatter @!p2 [tilespmem:s29], [sflag:$0x4], $0x80, $0x38;
	[tilespmem:$0x1C100] =	vst v63  }
0x293: {  	s29 =	sadd.s32 @!p2 $0xED00, s28;
	s31 =	sadd.s32 @!p2 $0x580, s2  }
0x294: {  	[hbm4b:s31+s30] =	stream.linear.scatter @!p2 [tilespmem:s29], [sflag:$0x4], $0x80, $0x38;
	[tilespmem:$0x1C100] =	vst v63  }
0x295: {  	s29 =	sadd.s32 @!p2 $0xF100, s28;
	s31 =	sadd.s32 @!p2 $0x600, s2  }
0x296: {  	[hbm4b:s31+s30] =	stream.linear.scatter @!p2 [tilespmem:s29], [sflag:$0x4], $0x80, $0x38;
	[tilespmem:$0x1C100] =	vst v63  }
0x297: {  	s29 =	sadd.s32 @!p2 $0xF500, s28;
	s31 =	sadd.s32 @!p2 $0x680, s2  }
0x298: {  	[hbm4b:s31+s30] =	stream.linear.scatter @!p2 [tilespmem:s29], [sflag:$0x4], $0x80, $0x38;
	[tilespmem:$0x1C100] =	vst v63  }
0x299: {  	s29 =	sadd.s32 @!p2 $0xF900, s28;
	s31 =	sadd.s32 @!p2 $0x700, s2  }
0x29a: {  	[hbm4b:s31+s30] =	stream.linear.scatter @!p2 [tilespmem:s29], [sflag:$0x4], $0x80, $0x38;
	[tilespmem:$0x1C100] =	vst v63  }
0x29b: {  	s28 =	sadd.s32 @!p2 $0xFD00, s28;
	s2 =	sadd.s32 @!p2 $0x780, s2  }
0x29c: {  	[hbm4b:s2+s30] =	stream.linear.scatter @!p2 [tilespmem:s28], [sflag:$0x4], $0x80, $0x38;
	[tilespmem:$0x1C100] =	vst v63  }
0x29d: {  	s2 =	spop @!p1 (v2sf)  }
0x29e: {  	s28 =	sand.u32 @!p1 $0x78, s2  }
0x29f: {  	s29 =	sshll.u32 @!p1 s2, $0x7;
	s30 =	sshll.u32 @!p1 s2, $0x4;
	s28 =	ssub.s32 @!p1 s28, s22  }
0x2a0: {  	s2 =	sand.u32 @!p1 $0x380, s2;
	s30 =	sand.u32 @!p1 $0xFFFFC000, s30;
	s28 =	sshll.u32 @!p1 s28, $0xD  }
0x2a1: {  	s29 =	sand.u32 @!p1 $0x380, s29;
	s2 =	sor.u32 @!p1 s2, s30;
	s28 =	sshra.s32 @!p1 s28, $0x2  }
0x2a2: {  	s2 =	sshrl.u32 @!p1 s2, $0x3;
	s28 =	sor.u32 @!p1 s29, s28  }
0x2a3: {  	s30 =	simm.s32 @!p1 $0x0;
	s2 =	sadd.s32 @!p1 s3, s2;
	s29 =	sadd.s32 @!p1 $0xC100, s28  }
0x2a4: {  	[hbm4b:s2+s30] =	stream.linear.scatter @!p1 [tilespmem:s29], [sflag:$0x4], $0x80, $0x38;
	[tilespmem:$0x1C100] =	vst v63  }
0x2a5: {  	s31 =	sadd.s32 @!p1 $0x80, s2;
	s29 =	sadd.s32 @!p1 $0xC500, s28  }
0x2a6: {  	[hbm4b:s31+s30] =	stream.linear.scatter @!p1 [tilespmem:s29], [sflag:$0x4], $0x80, $0x38;
	[tilespmem:$0x1C100] =	vst v63  }
0x2a7: {  	s29 =	sadd.s32 @!p1 $0xC900, s28;
	s31 =	sadd.s32 @!p1 $0x100, s2  }
0x2a8: {  	[hbm4b:s31+s30] =	stream.linear.scatter @!p1 [tilespmem:s29], [sflag:$0x4], $0x80, $0x38;
	[tilespmem:$0x1C100] =	vst v63  }
0x2a9: {  	s29 =	sadd.s32 @!p1 $0xCD00, s28;
	s31 =	sadd.s32 @!p1 $0x180, s2  }
0x2aa: {  	[hbm4b:s31+s30] =	stream.linear.scatter @!p1 [tilespmem:s29], [sflag:$0x4], $0x80, $0x38;
	[tilespmem:$0x1C100] =	vst v63  }
0x2ab: {  	s29 =	sadd.s32 @!p1 $0xD100, s28;
	s31 =	sadd.s32 @!p1 $0x200, s2  }
0x2ac: {  	[hbm4b:s31+s30] =	stream.linear.scatter @!p1 [tilespmem:s29], [sflag:$0x4], $0x80, $0x38;
	[tilespmem:$0x1C100] =	vst v63  }
0x2ad: {  	s29 =	sadd.s32 @!p1 $0xD500, s28;
	s31 =	sadd.s32 @!p1 $0x280, s2  }
0x2ae: {  	[hbm4b:s31+s30] =	stream.linear.scatter @!p1 [tilespmem:s29], [sflag:$0x4], $0x80, $0x38;
	[tilespmem:$0x1C100] =	vst v63  }
0x2af: {  	s29 =	sadd.s32 @!p1 $0xD900, s28;
	s31 =	sadd.s32 @!p1 $0x300, s2  }
0x2b0: {  	[hbm4b:s31+s30] =	stream.linear.scatter @!p1 [tilespmem:s29], [sflag:$0x4], $0x80, $0x38;
	[tilespmem:$0x1C100] =	vst v63  }
0x2b1: {  	s29 =	sadd.s32 @!p1 $0xDD00, s28;
	s31 =	sadd.s32 @!p1 $0x380, s2  }
0x2b2: {  	[hbm4b:s31+s30] =	stream.linear.scatter @!p1 [tilespmem:s29], [sflag:$0x4], $0x80, $0x38;
	[tilespmem:$0x1C100] =	vst v63  }
0x2b3: {  	s29 =	sadd.s32 $0xFFFFFFFF, s25  }
0x2b4: {  	s31 =	sadd.s32 @!p1 $0xE100, s28;
	p2 =	sge.s32 s29, s23;
	s29 =	sadd.s32 @!p1 $0x400, s2  }
0x2b5: {  	[hbm4b:s29+s30] =	stream.linear.scatter @!p1 [tilespmem:s31], [sflag:$0x4], $0x80, $0x38;
	(v2sf) =	vpush @!p2 v9, $0xE;
	[tilespmem:$0x1C100] =	vst v63  }
0x2b6: {  	s29 =	sadd.s32 @!p1 $0xE500, s28;
	s31 =	sadd.s32 @!p1 $0x480, s2  }
0x2b7: {  	[hbm4b:s31+s30] =	stream.linear.scatter @!p1 [tilespmem:s29], [sflag:$0x4], $0x80, $0x38;
	[tilespmem:$0x1C100] =	vst v63  }
0x2b8: {  	s29 =	sadd.s32 @!p1 $0xE900, s28;
	s31 =	sadd.s32 @!p1 $0x500, s2  }
0x2b9: {  	[hbm4b:s31+s30] =	stream.linear.scatter @!p1 [tilespmem:s29], [sflag:$0x4], $0x80, $0x38;
	[tilespmem:$0x1C100] =	vst v63  }
0x2ba: {  	s29 =	sadd.s32 @!p1 $0xED00, s28;
	s31 =	sadd.s32 @!p1 $0x580, s2  }
0x2bb: {  	[hbm4b:s31+s30] =	stream.linear.scatter @!p1 [tilespmem:s29], [sflag:$0x4], $0x80, $0x38;
	[tilespmem:$0x1C100] =	vst v63  }
0x2bc: {  	s29 =	sadd.s32 @!p1 $0xF100, s28;
	s31 =	sadd.s32 @!p1 $0x600, s2  }
0x2bd: {  	[hbm4b:s31+s30] =	stream.linear.scatter @!p1 [tilespmem:s29], [sflag:$0x4], $0x80, $0x38;
	[tilespmem:$0x1C100] =	vst v63  }
0x2be: {  	s29 =	sadd.s32 @!p1 $0xF500, s28;
	s31 =	sadd.s32 @!p1 $0x680, s2  }
0x2bf: {  	[hbm4b:s31+s30] =	stream.linear.scatter @!p1 [tilespmem:s29], [sflag:$0x4], $0x80, $0x38;
	[tilespmem:$0x1C100] =	vst v63  }
0x2c0: {  	s29 =	sadd.s32 @!p1 $0xF900, s28;
	s31 =	sadd.s32 @!p1 $0x700, s2  }
0x2c1: {  	[hbm4b:s31+s30] =	stream.linear.scatter @!p1 [tilespmem:s29], [sflag:$0x4], $0x80, $0x38;
	[tilespmem:$0x1C100] =	vst v63  }
0x2c2: {  	s28 =	sadd.s32 @!p1 $0xFD00, s28;
	s2 =	sadd.s32 @!p1 $0x780, s2  }
0x2c3: {  	[hbm4b:s2+s30] =	stream.linear.scatter @!p1 [tilespmem:s28], [sflag:$0x4], $0x80, $0x38;
	[tilespmem:$0x1C100] =	vst v63  }
0x2c4: {  	s2 =	spop @!p2 (v2sf)  }
0x2c5: {  	s28 =	sand.u32 @!p2 $0x78, s2  }
0x2c6: {  	s29 =	sshll.u32 @!p2 s2, $0x7;
	s30 =	sshll.u32 @!p2 s2, $0x4;
	s28 =	ssub.s32 @!p2 s28, s22  }
0x2c7: {  	s2 =	sand.u32 @!p2 $0x380, s2;
	s30 =	sand.u32 @!p2 $0xFFFFC000, s30;
	s28 =	sshll.u32 @!p2 s28, $0xD  }
0x2c8: {  	s29 =	sand.u32 @!p2 $0x380, s29;
	s2 =	sor.u32 @!p2 s2, s30;
	s28 =	sshra.s32 @!p2 s28, $0x2  }
0x2c9: {  	s2 =	sshrl.u32 @!p2 s2, $0x3;
	s28 =	sor.u32 @!p2 s29, s28  }
0x2ca: {  	s30 =	simm.s32 @!p2 $0x0;
	s2 =	sadd.s32 @!p2 s3, s2;
	s29 =	sadd.s32 @!p2 $0xC100, s28  }
0x2cb: {  	[hbm4b:s2+s30] =	stream.linear.scatter @!p2 [tilespmem:s29], [sflag:$0x4], $0x80, $0x38;
	[tilespmem:$0x1C100] =	vst v63  }
0x2cc: {  	s31 =	sadd.s32 @!p2 $0x80, s2;
	s29 =	sadd.s32 @!p2 $0xC500, s28  }
0x2cd: {  	[hbm4b:s31+s30] =	stream.linear.scatter @!p2 [tilespmem:s29], [sflag:$0x4], $0x80, $0x38;
	[tilespmem:$0x1C100] =	vst v63  }
0x2ce: {  	s29 =	sadd.s32 @!p2 $0xC900, s28;
	s31 =	sadd.s32 @!p2 $0x100, s2  }
0x2cf: {  	[hbm4b:s31+s30] =	stream.linear.scatter @!p2 [tilespmem:s29], [sflag:$0x4], $0x80, $0x38;
	[tilespmem:$0x1C100] =	vst v63  }
0x2d0: {  	s29 =	sadd.s32 @!p2 $0xCD00, s28;
	s31 =	sadd.s32 @!p2 $0x180, s2  }
0x2d1: {  	[hbm4b:s31+s30] =	stream.linear.scatter @!p2 [tilespmem:s29], [sflag:$0x4], $0x80, $0x38;
	[tilespmem:$0x1C100] =	vst v63  }
0x2d2: {  	s29 =	sadd.s32 @!p2 $0xD100, s28;
	s31 =	sadd.s32 @!p2 $0x200, s2  }
0x2d3: {  	[hbm4b:s31+s30] =	stream.linear.scatter @!p2 [tilespmem:s29], [sflag:$0x4], $0x80, $0x38;
	[tilespmem:$0x1C100] =	vst v63  }
0x2d4: {  	s29 =	sadd.s32 @!p2 $0xD500, s28;
	s31 =	sadd.s32 @!p2 $0x280, s2  }
0x2d5: {  	[hbm4b:s31+s30] =	stream.linear.scatter @!p2 [tilespmem:s29], [sflag:$0x4], $0x80, $0x38;
	[tilespmem:$0x1C100] =	vst v63  }
0x2d6: {  	s29 =	sadd.s32 @!p2 $0xD900, s28;
	s31 =	sadd.s32 @!p2 $0x300, s2  }
0x2d7: {  	[hbm4b:s31+s30] =	stream.linear.scatter @!p2 [tilespmem:s29], [sflag:$0x4], $0x80, $0x38;
	[tilespmem:$0x1C100] =	vst v63  }
0x2d8: {  	s29 =	sadd.s32 @!p2 $0xDD00, s28;
	s31 =	sadd.s32 @!p2 $0x380, s2  }
0x2d9: {  	[hbm4b:s31+s30] =	stream.linear.scatter @!p2 [tilespmem:s29], [sflag:$0x4], $0x80, $0x38;
	[tilespmem:$0x1C100] =	vst v63  }
0x2da: {  	p1 =	sge.s32 s25, s23;
	s29 =	sadd.s32 @!p2 $0xE100, s28;
	s31 =	sadd.s32 @!p2 $0x400, s2  }
0x2db: {  	(v2sf) =	vpush @!p1 v9, $0xF;
	[hbm4b:s31+s30] =	stream.linear.scatter @!p2 [tilespmem:s29], [sflag:$0x4], $0x80, $0x38;
	[tilespmem:$0x1C100] =	vst v63  }
0x2dc: {  	s29 =	sadd.s32 @!p2 $0xE500, s28;
	s31 =	sadd.s32 @!p2 $0x480, s2  }
0x2dd: {  	[hbm4b:s31+s30] =	stream.linear.scatter @!p2 [tilespmem:s29], [sflag:$0x4], $0x80, $0x38;
	[tilespmem:$0x1C100] =	vst v63  }
0x2de: {  	s29 =	sadd.s32 @!p2 $0xE900, s28;
	s31 =	sadd.s32 @!p2 $0x500, s2  }
0x2df: {  	[hbm4b:s31+s30] =	stream.linear.scatter @!p2 [tilespmem:s29], [sflag:$0x4], $0x80, $0x38;
	[tilespmem:$0x1C100] =	vst v63  }
0x2e0: {  	s29 =	sadd.s32 @!p2 $0xED00, s28;
	s31 =	sadd.s32 @!p2 $0x580, s2  }
0x2e1: {  	[hbm4b:s31+s30] =	stream.linear.scatter @!p2 [tilespmem:s29], [sflag:$0x4], $0x80, $0x38;
	[tilespmem:$0x1C100] =	vst v63  }
0x2e2: {  	s29 =	sadd.s32 @!p2 $0xF100, s28;
	s31 =	sadd.s32 @!p2 $0x600, s2  }
0x2e3: {  	[hbm4b:s31+s30] =	stream.linear.scatter @!p2 [tilespmem:s29], [sflag:$0x4], $0x80, $0x38;
	[tilespmem:$0x1C100] =	vst v63  }
0x2e4: {  	s29 =	sadd.s32 @!p2 $0xF500, s28;
	s31 =	sadd.s32 @!p2 $0x680, s2  }
0x2e5: {  	[hbm4b:s31+s30] =	stream.linear.scatter @!p2 [tilespmem:s29], [sflag:$0x4], $0x80, $0x38;
	[tilespmem:$0x1C100] =	vst v63  }
0x2e6: {  	s29 =	sadd.s32 @!p2 $0xF900, s28;
	s31 =	sadd.s32 @!p2 $0x700, s2  }
0x2e7: {  	[hbm4b:s31+s30] =	stream.linear.scatter @!p2 [tilespmem:s29], [sflag:$0x4], $0x80, $0x38;
	[tilespmem:$0x1C100] =	vst v63  }
0x2e8: {  	s28 =	sadd.s32 @!p2 $0xFD00, s28;
	s2 =	sadd.s32 @!p2 $0x780, s2  }
0x2e9: {  	[hbm4b:s2+s30] =	stream.linear.scatter @!p2 [tilespmem:s28], [sflag:$0x4], $0x80, $0x38;
	[tilespmem:$0x1C100] =	vst v63  }
0x2ea: {  	s2 =	spop @!p1 (v2sf)  }
0x2eb: {  	s28 =	sand.u32 @!p1 $0x78, s2  }
0x2ec: {  	s29 =	sshll.u32 @!p1 s2, $0x7;
	s30 =	sshll.u32 @!p1 s2, $0x4;
	s28 =	ssub.s32 @!p1 s28, s22  }
0x2ed: {  	s2 =	sand.u32 @!p1 $0x380, s2;
	s30 =	sand.u32 @!p1 $0xFFFFC000, s30;
	s28 =	sshll.u32 @!p1 s28, $0xD  }
0x2ee: {  	s29 =	sand.u32 @!p1 $0x380, s29;
	s2 =	sor.u32 @!p1 s2, s30;
	s28 =	sshra.s32 @!p1 s28, $0x2  }
0x2ef: {  	s2 =	sshrl.u32 @!p1 s2, $0x3;
	s28 =	sor.u32 @!p1 s29, s28  }
0x2f0: {  	s30 =	simm.s32 @!p1 $0x0;
	s2 =	sadd.s32 @!p1 s3, s2;
	s29 =	sadd.s32 @!p1 $0xC100, s28  }
0x2f1: {  	[hbm4b:s2+s30] =	stream.linear.scatter @!p1 [tilespmem:s29], [sflag:$0x4], $0x80, $0x38;
	[tilespmem:$0x1C100] =	vst v63  }
0x2f2: {  	s31 =	sadd.s32 @!p1 $0x80, s2;
	s29 =	sadd.s32 @!p1 $0xC500, s28  }
0x2f3: {  	[hbm4b:s31+s30] =	stream.linear.scatter @!p1 [tilespmem:s29], [sflag:$0x4], $0x80, $0x38;
	[tilespmem:$0x1C100] =	vst v63  }
0x2f4: {  	s29 =	sadd.s32 @!p1 $0xC900, s28;
	s31 =	sadd.s32 @!p1 $0x100, s2  }
0x2f5: {  	[hbm4b:s31+s30] =	stream.linear.scatter @!p1 [tilespmem:s29], [sflag:$0x4], $0x80, $0x38;
	[tilespmem:$0x1C100] =	vst v63  }
0x2f6: {  	s29 =	sadd.s32 @!p1 $0xCD00, s28;
	s31 =	sadd.s32 @!p1 $0x180, s2  }
0x2f7: {  	[hbm4b:s31+s30] =	stream.linear.scatter @!p1 [tilespmem:s29], [sflag:$0x4], $0x80, $0x38;
	[tilespmem:$0x1C100] =	vst v63  }
0x2f8: {  	s29 =	sadd.s32 @!p1 $0xD100, s28;
	s31 =	sadd.s32 @!p1 $0x200, s2  }
0x2f9: {  	[hbm4b:s31+s30] =	stream.linear.scatter @!p1 [tilespmem:s29], [sflag:$0x4], $0x80, $0x38;
	[tilespmem:$0x1C100] =	vst v63  }
0x2fa: {  	s29 =	sadd.s32 @!p1 $0xD500, s28;
	s31 =	sadd.s32 @!p1 $0x280, s2  }
0x2fb: {  	[hbm4b:s31+s30] =	stream.linear.scatter @!p1 [tilespmem:s29], [sflag:$0x4], $0x80, $0x38;
	[tilespmem:$0x1C100] =	vst v63  }
0x2fc: {  	s29 =	sadd.s32 @!p1 $0xD900, s28;
	s31 =	sadd.s32 @!p1 $0x300, s2  }
0x2fd: {  	[hbm4b:s31+s30] =	stream.linear.scatter @!p1 [tilespmem:s29], [sflag:$0x4], $0x80, $0x38;
	[tilespmem:$0x1C100] =	vst v63  }
0x2fe: {  	s29 =	sadd.s32 @!p1 $0xDD00, s28;
	s31 =	sadd.s32 @!p1 $0x380, s2  }
0x2ff: {  	[hbm4b:s31+s30] =	stream.linear.scatter @!p1 [tilespmem:s29], [sflag:$0x4], $0x80, $0x38;
	[tilespmem:$0x1C100] =	vst v63  }
0x300: {  	s29 =	sadd.s32 @!p1 $0xE100, s28;
	s31 =	sadd.s32 @!p1 $0x400, s2  }
0x301: {  	[hbm4b:s31+s30] =	stream.linear.scatter @!p1 [tilespmem:s29], [sflag:$0x4], $0x80, $0x38;
	[tilespmem:$0x1C100] =	vst v63  }
0x302: {  	s29 =	sadd.s32 @!p1 $0xE500, s28;
	s31 =	sadd.s32 @!p1 $0x480, s2  }
0x303: {  	[hbm4b:s31+s30] =	stream.linear.scatter @!p1 [tilespmem:s29], [sflag:$0x4], $0x80, $0x38;
	[tilespmem:$0x1C100] =	vst v63  }
0x304: {  	s29 =	sadd.s32 @!p1 $0xE900, s28;
	s31 =	sadd.s32 @!p1 $0x500, s2  }
0x305: {  	[hbm4b:s31+s30] =	stream.linear.scatter @!p1 [tilespmem:s29], [sflag:$0x4], $0x80, $0x38;
	[tilespmem:$0x1C100] =	vst v63  }
0x306: {  	s29 =	sadd.s32 @!p1 $0xED00, s28;
	s31 =	sadd.s32 @!p1 $0x580, s2  }
0x307: {  	[hbm4b:s31+s30] =	stream.linear.scatter @!p1 [tilespmem:s29], [sflag:$0x4], $0x80, $0x38;
	[tilespmem:$0x1C100] =	vst v63  }
0x308: {  	s29 =	sadd.s32 @!p1 $0xF100, s28;
	s31 =	sadd.s32 @!p1 $0x600, s2  }
0x309: {  	[hbm4b:s31+s30] =	stream.linear.scatter @!p1 [tilespmem:s29], [sflag:$0x4], $0x80, $0x38;
	[tilespmem:$0x1C100] =	vst v63  }
0x30a: {  	s29 =	sadd.s32 @!p1 $0xF500, s28;
	s31 =	sadd.s32 @!p1 $0x680, s2  }
0x30b: {  	[hbm4b:s31+s30] =	stream.linear.scatter @!p1 [tilespmem:s29], [sflag:$0x4], $0x80, $0x38;
	[tilespmem:$0x1C100] =	vst v63  }
0x30c: {  	s29 =	sadd.s32 @!p1 $0xF900, s28;
	s31 =	sadd.s32 @!p1 $0x700, s2  }
0x30d: {  	[hbm4b:s31+s30] =	stream.linear.scatter @!p1 [tilespmem:s29], [sflag:$0x4], $0x80, $0x38;
	[tilespmem:$0x1C100] =	vst v63  }
0x30e: {  	s24 =	sadd.s32 $0xFFFFFFFF, s24;
	s28 =	sadd.s32 @!p1 $0xFD00, s28;
	s2 =	sadd.s32 @!p1 $0x780, s2  }
0x30f: {  	[hbm4b:s2+s30] =	stream.linear.scatter @!p1 [tilespmem:s28], [sflag:$0x4], $0x80, $0x38;
	[tilespmem:$0x1C100] =	vst v63  }
0x310: {  	p1 =	sne.s32 s24, $0x0  }
.Ltmp9:
0x311: {  	_ = 	snop;
	(pc) =	sbr.rel @p1 .LBB2_15-.Ltmp9, $2  }
0x312: {  	_ =	sdelay $0x2  }
0x313: {  	s26 =	sadd.s32 $0x10, s26;
	s25 =	sadd.s32 $0x10, s25  }
.LBB2_16:
0x314: {  	s24 =	sand.u32 $0xF, s23  }
0x315: {  	s2 =	sshra.s32 s23, $0x1F;
	p1 =	slt.s32 s23, $0x1;
	p2 =	sne.s32 s24, $0x0  }
0x316: {  	s2 =	sshrl.u32 s2, $0x1C;
	p1 =	por !p1, !p2  }
0x317: {  	s2 =	sadd.s32 s2, s23;
	s23 =	simm.s32 $0x1;
	p1 =	por !p1, !p1  }
0x318: {  	s2 =	sshra.s32 s2, $0x4;
	s23 =	simm.s32 @!p1 $0x0  }
0x319: {  	s23 =	ssub.s32 s2, s23  }
0x31a: {  	p1 =	sgt.s32 s23, $0x0  }
.Ltmp10:
0x31b: {  	_ = 	snop;
	(pc) =	sbr.rel @!p1 .LBB2_17-.Ltmp10, $1  }
0x31c: {  	_ =	sdelay $0x3  }
0x31d: {  	p1 =	seq.s32 s23, $0x1  }
.Ltmp11:
0x31e: {  	_ = 	snop;
	(pc) =	sbr.rel @p1 .LBB2_25-.Ltmp11, $3  }
0x31f: {  	_ =	sdelay $0x1  }
0x320: {  	_ =	swait.ge [sflag:s16], $0x8000  }
0x321: {  	s23 =	sadd.s32 $0xFFFFFFFF, s23;
	[sflag:s16] =	ssyncset.done $0x0  }
.LBB2_24:
0x322: {  	p1 =	seq.s32 s23, $0x1;
	s23 =	sadd.s32 $0xFFFFFFFF, s23;
	[sflag:s16] =	ssyncadd.s32 $0xFFFF8000  }
.Ltmp12:
0x323: {  	(pc) =	sbr.rel @!p1 .LBB2_24-.Ltmp12, $3  }
0x324: {  	_ =	sdelay $0x1  }
0x325: {  	_ =	swait.ge [sflag:s16], $0x8000  }
0x326: {  	[sflag:s16] =	ssyncset.done $0x0  }
.LBB2_25:
0x327: {  	[sflag:s16] =	ssyncadd.s32 $0xFFFF8000  }
.LBB2_17:
0x328: {  	p1 =	seq.s32 s24, $0x0  }
.Ltmp13:
0x329: {  	_ = 	snop;
	(pc) =	sbr.rel @p1 .LBB2_21-.Ltmp13, $1  }
0x32a: {  	_ =	sdelay $0x3  }
0x32b: {  	p1 =	sne.s32 s24, $0x1  }
.Ltmp14:
0x32c: {  	_ = 	snop;
	(pc) =	sbr.rel @!p1 .LBB2_20-.Ltmp14, $3  }
0x32d: {  	_ =	sdelay $0x1  }
0x32e: {  	_ =	swait.ge [sflag:s16], $0x800  }
0x32f: {  	s23 =	sadd.s32 $0xFFFFFFFF, s24;
	[sflag:s16] =	ssyncset.done $0x0  }
.LBB2_19:
0x330: {  	p1 =	sne.s32 s23, $0x1;
	s23 =	sadd.s32 $0xFFFFFFFF, s23;
	[sflag:s16] =	ssyncadd.s32 $0xFFFFF800  }
.Ltmp15:
0x331: {  	(pc) =	sbr.rel @p1 .LBB2_19-.Ltmp15, $3  }
0x332: {  	_ =	sdelay $0x1  }
0x333: {  	_ =	swait.ge [sflag:s16], $0x800  }
0x334: {  	[sflag:s16] =	ssyncset.done $0x0  }
.LBB2_20:
0x335: {  	[sflag:s16] =	ssyncadd.s32 $0xFFFFF800  }
.LBB2_21:
.Ltmp16:
0x336: {  	(pc) =	sbr.rel @p0 .LBB2_22-.Ltmp16, $4  }
0x337: {  	_ = 	snop  }
0x338: {  	s23 =	sshll.u32 s20, $0xD;
	p1 =	seq.s32 s20, $0x3  }
0x339: {  	s2 =	sadd.s32 @!p1 s23, s7;
	s24 =	simm.s32 @!p1 $0x0;
	s25 =	simm.s32 @!p1 $0xC100  }
0x33a: {  	[tilespmem:s25], [sflag:$0x2] =	stream.linear.gather @!p1 [hbm4b:s2+s24], $0x8000, $0x38;
	[tilespmem:$0x1C100] =	vst v63  }
0x33b: {  	p3 =	sne.s32 s19, $0x1  }
.Ltmp17:
0x33c: {  	_ = 	snop;
	(pc) =	sbr.rel @!p3 .LBB2_27-.Ltmp17, $3  }
0x33d: {  	_ =	sdelay $0x1  }
0x33e: {  	s2 =	sadd.s32 $0x20, s22;
	s24 =	simm.s32 $0x4000  }
0x33f: {  	v13 =	vimm.s32 $0x0;
	s22 =	simm.s32 $0x0;
	p2 =	por $0x0, $0x0;
	v10 =	vmov s2;
	v9 =	vld [tilespmem:s24+$0x0];
	s24 =	sadd.s32 $0xFFFFFFFF, s19  }
0x340: {  	_ =	sdelay $0x3  }
0x341: {  	v11 =	vand.u32 $0x7F, v9  }
0x342: {  	vm0 =	vge.u32 v11, v8;
	vm1 =	vlt.u32 v11, v10;
	v11 =	vor.u32 s22, v0  }
0x343: {  	vm0 =	vmand vm0, vm1;
	vm15 =	vlt.s32 v11, v7  }
0x344: {  	vm0 =	vmand vm15, vm0  }
0x345: {  	v11 =	vsel vm0, $0x1, v3  }
0x346: {  	(xrf0) =	vadd.scan.msk.s32 $0xffff, v11;
	_ =	sdelay $0x4  }
0x347: {  	v11 =	vsel vm0, $0xFFFFFFFF, v3  }
0x348: {  	v11 =	vadd.s32 v11, v13;
	v12, _, _ =	vpop (xrf0)  }
0x349: {  	v11 =	vadd.s32 v12, v11  }
0x34a: {  	p3 =	sne.s32 s24, $0x1  }
.Ltmp18:
0x34b: {  	_ = 	snop;
	(pc) =	sbr.rel @!p3 .LBB2_29-.Ltmp18, $3  }
0x34c: {  	v12 =	vmpcnt.ones.xlane vm0;
	_ =	sdelay $0x1  }
0x34d: {  	s25 =	simm.s32 $0x4010;
	v12 =	vadd.s32 v13, v12;
	[tilespmem:v11+s14+$0x0] =	vst.idx.msk vm0, v9  }
0x34e: {  	s26 =	sadd.s32 $0xFFFFFFFF, s24;
	p2 =	por $0x1, $0x1;
	s24 =	simm.s32 $0x0;
	v11 =	vmov v12;
	v9 =	vld [tilespmem:s25+$0x0]  }
.LBB2_30:
0x34f: {  	p3 =	sne.s32 s26, $0x1;
	_ =	sdelay $0x3  }
0x350: {  	s24 =	sadd.s32 $0x10, s24;
	v13 =	vand.u32 $0x7F, v9  }
0x351: {  	vm0 =	vge.u32 v13, v8;
	vm1 =	vlt.u32 v13, v10;
	v13 =	vor.u32 s24, v0  }
0x352: {  	vm0 =	vmand vm0, vm1;
	vm1 =	vlt.s32 v13, v7  }
0x353: {  	vm0 =	vmand vm1, vm0  }
0x354: {  	v13 =	vsel vm0, $0x1, v3;
	v14 =	vmpcnt.ones.xlane vm0  }
0x355: {  	(xrf0) =	vadd.scan.msk.s32 $0xffff, v13  }
0x356: {  	v12 =	vadd.s32 v12, v14;
	_ =	sdelay $0x3  }
0x357: {  	v13 =	vsel vm0, $0xFFFFFFFF, v3  }
0x358: {  	v13 =	vadd.s32 v13, v11;
	v11 =	vmov v12;
	v14, _, _ =	vpop (xrf0)  }
0x359: {  	v13 =	vadd.s32 v14, v13;
	_ =	sdelay $0x1  }
.Ltmp19:
0x35a: {  	(pc) =	sbr.rel @p3 .LBB2_30-.Ltmp19, $3  }
0x35b: {  	_ =	sdelay $0x1  }
0x35c: {  	s25 =	sadd.s32 $0x10, s25;
	[tilespmem:v13+s14+$0x0] =	vst.idx.msk vm0, v9  }
0x35d: {  	s26 =	sadd.s32 $0xFFFFFFFF, s26;
	v9 =	vld [tilespmem:s25+$0x0]  }
0x35e: {  	v13 =	vmov v12  }
.LBB2_32:
0x35f: {  	_ =	sdelay $0x1  }
0x360: {  	s2 =	sadd.s32 @p2 $0x10, s24  }
0x361: {  	s22 =	smov.u32 @p2 s2;
	v12 =	vand.u32 $0x7F, v9  }
0x362: {  	vm0 =	vge.u32 v12, v8;
	vm1 =	vlt.u32 v12, v10;
	v8 =	vor.u32 s22, v0  }
0x363: {  	vm0 =	vmand vm0, vm1;
	vm15 =	vlt.s32 v8, v7  }
0x364: {  	vm0 =	vmand vm15, vm0  }
0x365: {  	v8 =	vsel vm0, $0x1, v3  }
0x366: {  	(xrf0) =	vadd.scan.msk.s32 $0xffff, v8;
	_ =	sdelay $0x4  }
0x367: {  	v8 =	vsel vm0, $0xFFFFFFFF, v3  }
0x368: {  	v8 =	vadd.s32 v8, v11;
	v10, _, _ =	vpop (xrf0)  }
0x369: {  	v10 =	vadd.s32 v10, v8  }
.Ltmp20:
0x36a: {  	_ = 	snop;
	(pc) =	sbr.rel .LBB2_33-.Ltmp20, $3  }
0x36b: {  	_ = 	snop  }
0x36c: {  	v8 =	vmpcnt.ones.xlane vm0;
	_ =	sdelay $0x1  }
0x36d: {  	v8 =	vadd.s32 v13, v8;
	[tilespmem:v10+s14+$0x0] =	vst.idx.msk vm0, v9  }
.LBB2_22:
0x36e: {  	v8 =	vimm.s32 $0x0  }
.LBB2_33:
0x36f: {  	(v2sf) =	vpush v8, $0x0;
	_ =	sdelay $0xe  }
0x370: {  	s22 =	spop (v2sf)  }
0x371: {  	s2 =	sadd.s32 $0xF, s22  }
0x372: {  	s24 =	sand.u32 $0xF, s2  }
0x373: {  	s31 =	sshra.s32 s2, $0x1F;
	p3 =	slt.s32 s2, $0x1;
	p2 =	sne.s32 s24, $0x0  }
0x374: {  	s24 =	sshrl.u32 s31, $0x1C;
	p2 =	por !p3, !p2  }
0x375: {  	s2 =	sadd.s32 s24, s2;
	s24 =	simm.s32 $0x1;
	p2 =	por !p2, !p2  }
0x376: {  	s2 =	sshra.s32 s2, $0x4;
	s24 =	simm.s32 @!p2 $0x0  }
0x377: {  	s24 =	ssub.s32 s2, s24  }
0x378: {  	p2 =	slt.s32 s24, $0x1  }
.Ltmp21:
0x379: {  	_ = 	snop;
	(pc) =	sbr.rel @p2 .LBB2_36-.Ltmp21, $4  }
0x37a: {  	_ = 	snop  }
0x37b: {  	_ =	swait.ge [sflag:s17], $0x8000  }
0x37c: {  	[sflag:s17] =	ssyncset.done $0x0  }
0x37d: {  	[sflag:s17] =	ssyncadd.s32 $0xFFFF8000  }
0x37e: {  	s25 =	simm.s32 $0xF;
	s26 =	simm.s32 $0x8080  }
.LBB2_35:
0x37f: {  	v8 =	vld [tilespmem:s26+$0x0];
	_ =	sdelay $0x2  }
0x380: {  	s2 =	sadd.s32 $0xFFFFFFF1, s25  }
0x381: {  	p3 =	sge.s32 s2, s22  }
0x382: {  	(v2sf) =	vpush @!p3 v8, $0x0;
	_ =	sdelay $0xe  }
0x383: {  	s2 =	spop @!p3 (v2sf)  }
0x384: {  	s28 =	sand.u32 @!p3 $0x78, s2  }
0x385: {  	s29 =	sshll.u32 @!p3 s2, $0x7;
	s30 =	sshll.u32 @!p3 s2, $0x4;
	s28 =	ssub.s32 @!p3 s28, s21  }
0x386: {  	s2 =	sand.u32 @!p3 $0x380, s2;
	s30 =	sand.u32 @!p3 $0xFFFFC000, s30;
	s28 =	sshll.u32 @!p3 s28, $0xD  }
0x387: {  	s29 =	sand.u32 @!p3 $0x380, s29;
	s2 =	sor.u32 @!p3 s2, s30;
	s28 =	sshra.s32 @!p3 s28, $0x2  }
0x388: {  	s2 =	sshrl.u32 @!p3 s2, $0x3;
	s28 =	sor.u32 @!p3 s29, s28  }
0x389: {  	s2 =	sadd.s32 @!p3 s3, s2;
	s29 =	simm.s32 @!p3 $0x0;
	s28 =	sadd.s32 @!p3 $0x14100, s28  }
0x38a: {  	[hbm4b:s2+s29] =	stream.linear.scatter @!p3 [tilespmem:s28], [sflag:$0x4], $0x80, $0x38;
	[tilespmem:$0x1C100] =	vst v63  }
0x38b: {  	s31 =	sadd.s32 @!p3 $0x80, s2;
	s30 =	sadd.s32 @!p3 $0x400, s28  }
0x38c: {  	[hbm4b:s31+s29] =	stream.linear.scatter @!p3 [tilespmem:s30], [sflag:$0x4], $0x80, $0x38;
	[tilespmem:$0x1C100] =	vst v63  }
0x38d: {  	s30 =	sadd.s32 @!p3 $0x800, s28;
	s31 =	sadd.s32 @!p3 $0x100, s2  }
0x38e: {  	[hbm4b:s31+s29] =	stream.linear.scatter @!p3 [tilespmem:s30], [sflag:$0x4], $0x80, $0x38;
	[tilespmem:$0x1C100] =	vst v63  }
0x38f: {  	s30 =	sadd.s32 @!p3 $0xC00, s28;
	s31 =	sadd.s32 @!p3 $0x180, s2  }
0x390: {  	[hbm4b:s31+s29] =	stream.linear.scatter @!p3 [tilespmem:s30], [sflag:$0x4], $0x80, $0x38;
	[tilespmem:$0x1C100] =	vst v63  }
0x391: {  	s30 =	sadd.s32 @!p3 $0x1000, s28;
	s31 =	sadd.s32 @!p3 $0x200, s2  }
0x392: {  	[hbm4b:s31+s29] =	stream.linear.scatter @!p3 [tilespmem:s30], [sflag:$0x4], $0x80, $0x38;
	[tilespmem:$0x1C100] =	vst v63  }
0x393: {  	s30 =	sadd.s32 @!p3 $0x1400, s28;
	s31 =	sadd.s32 @!p3 $0x280, s2  }
0x394: {  	[hbm4b:s31+s29] =	stream.linear.scatter @!p3 [tilespmem:s30], [sflag:$0x4], $0x80, $0x38;
	[tilespmem:$0x1C100] =	vst v63  }
0x395: {  	s30 =	sadd.s32 @!p3 $0x1800, s28;
	s31 =	sadd.s32 @!p3 $0x300, s2  }
0x396: {  	[hbm4b:s31+s29] =	stream.linear.scatter @!p3 [tilespmem:s30], [sflag:$0x4], $0x80, $0x38;
	[tilespmem:$0x1C100] =	vst v63  }
0x397: {  	s30 =	sadd.s32 @!p3 $0x1C00, s28;
	s31 =	sadd.s32 @!p3 $0x380, s2  }
0x398: {  	[hbm4b:s31+s29] =	stream.linear.scatter @!p3 [tilespmem:s30], [sflag:$0x4], $0x80, $0x38;
	[tilespmem:$0x1C100] =	vst v63  }
0x399: {  	s30 =	sadd.s32 $0xFFFFFFF2, s25  }
0x39a: {  	s31 =	sadd.s32 @!p3 $0x2000, s28;
	p2 =	sge.s32 s30, s22;
	s30 =	sadd.s32 @!p3 $0x400, s2  }
0x39b: {  	[hbm4b:s30+s29] =	stream.linear.scatter @!p3 [tilespmem:s31], [sflag:$0x4], $0x80, $0x38;
	(v2sf) =	vpush @!p2 v8, $0x1;
	[tilespmem:$0x1C100] =	vst v63  }
0x39c: {  	s30 =	sadd.s32 @!p3 $0x2400, s28;
	s31 =	sadd.s32 @!p3 $0x480, s2  }
0x39d: {  	[hbm4b:s31+s29] =	stream.linear.scatter @!p3 [tilespmem:s30], [sflag:$0x4], $0x80, $0x38;
	[tilespmem:$0x1C100] =	vst v63  }
0x39e: {  	s30 =	sadd.s32 @!p3 $0x2800, s28;
	s31 =	sadd.s32 @!p3 $0x500, s2  }
0x39f: {  	[hbm4b:s31+s29] =	stream.linear.scatter @!p3 [tilespmem:s30], [sflag:$0x4], $0x80, $0x38;
	[tilespmem:$0x1C100] =	vst v63  }
0x3a0: {  	s30 =	sadd.s32 @!p3 $0x2C00, s28;
	s31 =	sadd.s32 @!p3 $0x580, s2  }
0x3a1: {  	[hbm4b:s31+s29] =	stream.linear.scatter @!p3 [tilespmem:s30], [sflag:$0x4], $0x80, $0x38;
	[tilespmem:$0x1C100] =	vst v63  }
0x3a2: {  	s30 =	sadd.s32 @!p3 $0x3000, s28;
	s31 =	sadd.s32 @!p3 $0x600, s2  }
0x3a3: {  	[hbm4b:s31+s29] =	stream.linear.scatter @!p3 [tilespmem:s30], [sflag:$0x4], $0x80, $0x38;
	[tilespmem:$0x1C100] =	vst v63  }
0x3a4: {  	s30 =	sadd.s32 @!p3 $0x3400, s28;
	s31 =	sadd.s32 @!p3 $0x680, s2  }
0x3a5: {  	[hbm4b:s31+s29] =	stream.linear.scatter @!p3 [tilespmem:s30], [sflag:$0x4], $0x80, $0x38;
	[tilespmem:$0x1C100] =	vst v63  }
0x3a6: {  	s30 =	sadd.s32 @!p3 $0x3800, s28;
	s31 =	sadd.s32 @!p3 $0x700, s2  }
0x3a7: {  	[hbm4b:s31+s29] =	stream.linear.scatter @!p3 [tilespmem:s30], [sflag:$0x4], $0x80, $0x38;
	[tilespmem:$0x1C100] =	vst v63  }
0x3a8: {  	s28 =	sadd.s32 @!p3 $0x3C00, s28;
	s2 =	sadd.s32 @!p3 $0x780, s2  }
0x3a9: {  	[hbm4b:s2+s29] =	stream.linear.scatter @!p3 [tilespmem:s28], [sflag:$0x4], $0x80, $0x38;
	[tilespmem:$0x1C100] =	vst v63  }
0x3aa: {  	s2 =	spop @!p2 (v2sf)  }
0x3ab: {  	s28 =	sand.u32 @!p2 $0x78, s2  }
0x3ac: {  	s29 =	sshll.u32 @!p2 s2, $0x7;
	s30 =	sshll.u32 @!p2 s2, $0x4;
	s28 =	ssub.s32 @!p2 s28, s21  }
0x3ad: {  	s2 =	sand.u32 @!p2 $0x380, s2;
	s30 =	sand.u32 @!p2 $0xFFFFC000, s30;
	s28 =	sshll.u32 @!p2 s28, $0xD  }
0x3ae: {  	s29 =	sand.u32 @!p2 $0x380, s29;
	s2 =	sor.u32 @!p2 s2, s30;
	s28 =	sshra.s32 @!p2 s28, $0x2  }
0x3af: {  	s2 =	sshrl.u32 @!p2 s2, $0x3;
	s28 =	sor.u32 @!p2 s29, s28  }
0x3b0: {  	s2 =	sadd.s32 @!p2 s3, s2;
	s29 =	simm.s32 @!p2 $0x0;
	s28 =	sadd.s32 @!p2 $0x14100, s28  }
0x3b1: {  	[hbm4b:s2+s29] =	stream.linear.scatter @!p2 [tilespmem:s28], [sflag:$0x4], $0x80, $0x38;
	[tilespmem:$0x1C100] =	vst v63  }
0x3b2: {  	s31 =	sadd.s32 @!p2 $0x80, s2;
	s30 =	sadd.s32 @!p2 $0x400, s28  }
0x3b3: {  	[hbm4b:s31+s29] =	stream.linear.scatter @!p2 [tilespmem:s30], [sflag:$0x4], $0x80, $0x38;
	[tilespmem:$0x1C100] =	vst v63  }
0x3b4: {  	s30 =	sadd.s32 @!p2 $0x800, s28;
	s31 =	sadd.s32 @!p2 $0x100, s2  }
0x3b5: {  	[hbm4b:s31+s29] =	stream.linear.scatter @!p2 [tilespmem:s30], [sflag:$0x4], $0x80, $0x38;
	[tilespmem:$0x1C100] =	vst v63  }
0x3b6: {  	s30 =	sadd.s32 @!p2 $0xC00, s28;
	s31 =	sadd.s32 @!p2 $0x180, s2  }
0x3b7: {  	[hbm4b:s31+s29] =	stream.linear.scatter @!p2 [tilespmem:s30], [sflag:$0x4], $0x80, $0x38;
	[tilespmem:$0x1C100] =	vst v63  }
0x3b8: {  	s30 =	sadd.s32 @!p2 $0x1000, s28;
	s31 =	sadd.s32 @!p2 $0x200, s2  }
0x3b9: {  	[hbm4b:s31+s29] =	stream.linear.scatter @!p2 [tilespmem:s30], [sflag:$0x4], $0x80, $0x38;
	[tilespmem:$0x1C100] =	vst v63  }
0x3ba: {  	s30 =	sadd.s32 @!p2 $0x1400, s28;
	s31 =	sadd.s32 @!p2 $0x280, s2  }
0x3bb: {  	[hbm4b:s31+s29] =	stream.linear.scatter @!p2 [tilespmem:s30], [sflag:$0x4], $0x80, $0x38;
	[tilespmem:$0x1C100] =	vst v63  }
0x3bc: {  	s30 =	sadd.s32 @!p2 $0x1800, s28;
	s31 =	sadd.s32 @!p2 $0x300, s2  }
0x3bd: {  	[hbm4b:s31+s29] =	stream.linear.scatter @!p2 [tilespmem:s30], [sflag:$0x4], $0x80, $0x38;
	[tilespmem:$0x1C100] =	vst v63  }
0x3be: {  	s30 =	sadd.s32 @!p2 $0x1C00, s28;
	s31 =	sadd.s32 @!p2 $0x380, s2  }
0x3bf: {  	[hbm4b:s31+s29] =	stream.linear.scatter @!p2 [tilespmem:s30], [sflag:$0x4], $0x80, $0x38;
	[tilespmem:$0x1C100] =	vst v63  }
0x3c0: {  	s30 =	sadd.s32 $0xFFFFFFF3, s25  }
0x3c1: {  	s31 =	sadd.s32 @!p2 $0x2000, s28;
	p3 =	sge.s32 s30, s22;
	s30 =	sadd.s32 @!p2 $0x400, s2  }
0x3c2: {  	[hbm4b:s30+s29] =	stream.linear.scatter @!p2 [tilespmem:s31], [sflag:$0x4], $0x80, $0x38;
	(v2sf) =	vpush @!p3 v8, $0x2;
	[tilespmem:$0x1C100] =	vst v63  }
0x3c3: {  	s30 =	sadd.s32 @!p2 $0x2400, s28;
	s31 =	sadd.s32 @!p2 $0x480, s2  }
0x3c4: {  	[hbm4b:s31+s29] =	stream.linear.scatter @!p2 [tilespmem:s30], [sflag:$0x4], $0x80, $0x38;
	[tilespmem:$0x1C100] =	vst v63  }
0x3c5: {  	s30 =	sadd.s32 @!p2 $0x2800, s28;
	s31 =	sadd.s32 @!p2 $0x500, s2  }
0x3c6: {  	[hbm4b:s31+s29] =	stream.linear.scatter @!p2 [tilespmem:s30], [sflag:$0x4], $0x80, $0x38;
	[tilespmem:$0x1C100] =	vst v63  }
0x3c7: {  	s30 =	sadd.s32 @!p2 $0x2C00, s28;
	s31 =	sadd.s32 @!p2 $0x580, s2  }
0x3c8: {  	[hbm4b:s31+s29] =	stream.linear.scatter @!p2 [tilespmem:s30], [sflag:$0x4], $0x80, $0x38;
	[tilespmem:$0x1C100] =	vst v63  }
0x3c9: {  	s30 =	sadd.s32 @!p2 $0x3000, s28;
	s31 =	sadd.s32 @!p2 $0x600, s2  }
0x3ca: {  	[hbm4b:s31+s29] =	stream.linear.scatter @!p2 [tilespmem:s30], [sflag:$0x4], $0x80, $0x38;
	[tilespmem:$0x1C100] =	vst v63  }
0x3cb: {  	s30 =	sadd.s32 @!p2 $0x3400, s28;
	s31 =	sadd.s32 @!p2 $0x680, s2  }
0x3cc: {  	[hbm4b:s31+s29] =	stream.linear.scatter @!p2 [tilespmem:s30], [sflag:$0x4], $0x80, $0x38;
	[tilespmem:$0x1C100] =	vst v63  }
0x3cd: {  	s30 =	sadd.s32 @!p2 $0x3800, s28;
	s31 =	sadd.s32 @!p2 $0x700, s2  }
0x3ce: {  	[hbm4b:s31+s29] =	stream.linear.scatter @!p2 [tilespmem:s30], [sflag:$0x4], $0x80, $0x38;
	[tilespmem:$0x1C100] =	vst v63  }
0x3cf: {  	s28 =	sadd.s32 @!p2 $0x3C00, s28;
	s2 =	sadd.s32 @!p2 $0x780, s2  }
0x3d0: {  	[hbm4b:s2+s29] =	stream.linear.scatter @!p2 [tilespmem:s28], [sflag:$0x4], $0x80, $0x38;
	[tilespmem:$0x1C100] =	vst v63  }
0x3d1: {  	s2 =	spop @!p3 (v2sf)  }
0x3d2: {  	s28 =	sand.u32 @!p3 $0x78, s2  }
0x3d3: {  	s29 =	sshll.u32 @!p3 s2, $0x7;
	s30 =	sshll.u32 @!p3 s2, $0x4;
	s28 =	ssub.s32 @!p3 s28, s21  }
0x3d4: {  	s2 =	sand.u32 @!p3 $0x380, s2;
	s30 =	sand.u32 @!p3 $0xFFFFC000, s30;
	s28 =	sshll.u32 @!p3 s28, $0xD  }
0x3d5: {  	s29 =	sand.u32 @!p3 $0x380, s29;
	s2 =	sor.u32 @!p3 s2, s30;
	s28 =	sshra.s32 @!p3 s28, $0x2  }
0x3d6: {  	s2 =	sshrl.u32 @!p3 s2, $0x3;
	s28 =	sor.u32 @!p3 s29, s28  }
0x3d7: {  	s2 =	sadd.s32 @!p3 s3, s2;
	s29 =	simm.s32 @!p3 $0x0;
	s28 =	sadd.s32 @!p3 $0x14100, s28  }
0x3d8: {  	[hbm4b:s2+s29] =	stream.linear.scatter @!p3 [tilespmem:s28], [sflag:$0x4], $0x80, $0x38;
	[tilespmem:$0x1C100] =	vst v63  }
0x3d9: {  	s31 =	sadd.s32 @!p3 $0x80, s2;
	s30 =	sadd.s32 @!p3 $0x400, s28  }
0x3da: {  	[hbm4b:s31+s29] =	stream.linear.scatter @!p3 [tilespmem:s30], [sflag:$0x4], $0x80, $0x38;
	[tilespmem:$0x1C100] =	vst v63  }
0x3db: {  	s30 =	sadd.s32 @!p3 $0x800, s28;
	s31 =	sadd.s32 @!p3 $0x100, s2  }
0x3dc: {  	[hbm4b:s31+s29] =	stream.linear.scatter @!p3 [tilespmem:s30], [sflag:$0x4], $0x80, $0x38;
	[tilespmem:$0x1C100] =	vst v63  }
0x3dd: {  	s30 =	sadd.s32 @!p3 $0xC00, s28;
	s31 =	sadd.s32 @!p3 $0x180, s2  }
0x3de: {  	[hbm4b:s31+s29] =	stream.linear.scatter @!p3 [tilespmem:s30], [sflag:$0x4], $0x80, $0x38;
	[tilespmem:$0x1C100] =	vst v63  }
0x3df: {  	s30 =	sadd.s32 @!p3 $0x1000, s28;
	s31 =	sadd.s32 @!p3 $0x200, s2  }
0x3e0: {  	[hbm4b:s31+s29] =	stream.linear.scatter @!p3 [tilespmem:s30], [sflag:$0x4], $0x80, $0x38;
	[tilespmem:$0x1C100] =	vst v63  }
0x3e1: {  	s30 =	sadd.s32 @!p3 $0x1400, s28;
	s31 =	sadd.s32 @!p3 $0x280, s2  }
0x3e2: {  	[hbm4b:s31+s29] =	stream.linear.scatter @!p3 [tilespmem:s30], [sflag:$0x4], $0x80, $0x38;
	[tilespmem:$0x1C100] =	vst v63  }
0x3e3: {  	s30 =	sadd.s32 @!p3 $0x1800, s28;
	s31 =	sadd.s32 @!p3 $0x300, s2  }
0x3e4: {  	[hbm4b:s31+s29] =	stream.linear.scatter @!p3 [tilespmem:s30], [sflag:$0x4], $0x80, $0x38;
	[tilespmem:$0x1C100] =	vst v63  }
0x3e5: {  	s30 =	sadd.s32 @!p3 $0x1C00, s28;
	s31 =	sadd.s32 @!p3 $0x380, s2  }
0x3e6: {  	[hbm4b:s31+s29] =	stream.linear.scatter @!p3 [tilespmem:s30], [sflag:$0x4], $0x80, $0x38;
	[tilespmem:$0x1C100] =	vst v63  }
0x3e7: {  	s30 =	sadd.s32 $0xFFFFFFF4, s25  }
0x3e8: {  	s31 =	sadd.s32 @!p3 $0x2000, s28;
	p2 =	sge.s32 s30, s22;
	s30 =	sadd.s32 @!p3 $0x400, s2  }
0x3e9: {  	[hbm4b:s30+s29] =	stream.linear.scatter @!p3 [tilespmem:s31], [sflag:$0x4], $0x80, $0x38;
	(v2sf) =	vpush @!p2 v8, $0x3;
	[tilespmem:$0x1C100] =	vst v63  }
0x3ea: {  	s30 =	sadd.s32 @!p3 $0x2400, s28;
	s31 =	sadd.s32 @!p3 $0x480, s2  }
0x3eb: {  	[hbm4b:s31+s29] =	stream.linear.scatter @!p3 [tilespmem:s30], [sflag:$0x4], $0x80, $0x38;
	[tilespmem:$0x1C100] =	vst v63  }
0x3ec: {  	s30 =	sadd.s32 @!p3 $0x2800, s28;
	s31 =	sadd.s32 @!p3 $0x500, s2  }
0x3ed: {  	[hbm4b:s31+s29] =	stream.linear.scatter @!p3 [tilespmem:s30], [sflag:$0x4], $0x80, $0x38;
	[tilespmem:$0x1C100] =	vst v63  }
0x3ee: {  	s30 =	sadd.s32 @!p3 $0x2C00, s28;
	s31 =	sadd.s32 @!p3 $0x580, s2  }
0x3ef: {  	[hbm4b:s31+s29] =	stream.linear.scatter @!p3 [tilespmem:s30], [sflag:$0x4], $0x80, $0x38;
	[tilespmem:$0x1C100] =	vst v63  }
0x3f0: {  	s30 =	sadd.s32 @!p3 $0x3000, s28;
	s31 =	sadd.s32 @!p3 $0x600, s2  }
0x3f1: {  	[hbm4b:s31+s29] =	stream.linear.scatter @!p3 [tilespmem:s30], [sflag:$0x4], $0x80, $0x38;
	[tilespmem:$0x1C100] =	vst v63  }
0x3f2: {  	s30 =	sadd.s32 @!p3 $0x3400, s28;
	s31 =	sadd.s32 @!p3 $0x680, s2  }
0x3f3: {  	[hbm4b:s31+s29] =	stream.linear.scatter @!p3 [tilespmem:s30], [sflag:$0x4], $0x80, $0x38;
	[tilespmem:$0x1C100] =	vst v63  }
0x3f4: {  	s30 =	sadd.s32 @!p3 $0x3800, s28;
	s31 =	sadd.s32 @!p3 $0x700, s2  }
0x3f5: {  	[hbm4b:s31+s29] =	stream.linear.scatter @!p3 [tilespmem:s30], [sflag:$0x4], $0x80, $0x38;
	[tilespmem:$0x1C100] =	vst v63  }
0x3f6: {  	s28 =	sadd.s32 @!p3 $0x3C00, s28;
	s2 =	sadd.s32 @!p3 $0x780, s2  }
0x3f7: {  	[hbm4b:s2+s29] =	stream.linear.scatter @!p3 [tilespmem:s28], [sflag:$0x4], $0x80, $0x38;
	[tilespmem:$0x1C100] =	vst v63  }
0x3f8: {  	s2 =	spop @!p2 (v2sf)  }
0x3f9: {  	s28 =	sand.u32 @!p2 $0x78, s2  }
0x3fa: {  	s29 =	sshll.u32 @!p2 s2, $0x7;
	s30 =	sshll.u32 @!p2 s2, $0x4;
	s28 =	ssub.s32 @!p2 s28, s21  }
0x3fb: {  	s2 =	sand.u32 @!p2 $0x380, s2;
	s30 =	sand.u32 @!p2 $0xFFFFC000, s30;
	s28 =	sshll.u32 @!p2 s28, $0xD  }
0x3fc: {  	s29 =	sand.u32 @!p2 $0x380, s29;
	s2 =	sor.u32 @!p2 s2, s30;
	s28 =	sshra.s32 @!p2 s28, $0x2  }
0x3fd: {  	s2 =	sshrl.u32 @!p2 s2, $0x3;
	s28 =	sor.u32 @!p2 s29, s28  }
0x3fe: {  	s2 =	sadd.s32 @!p2 s3, s2;
	s29 =	simm.s32 @!p2 $0x0;
	s28 =	sadd.s32 @!p2 $0x14100, s28  }
0x3ff: {  	[hbm4b:s2+s29] =	stream.linear.scatter @!p2 [tilespmem:s28], [sflag:$0x4], $0x80, $0x38;
	[tilespmem:$0x1C100] =	vst v63  }
0x400: {  	s31 =	sadd.s32 @!p2 $0x80, s2;
	s30 =	sadd.s32 @!p2 $0x400, s28  }
0x401: {  	[hbm4b:s31+s29] =	stream.linear.scatter @!p2 [tilespmem:s30], [sflag:$0x4], $0x80, $0x38;
	[tilespmem:$0x1C100] =	vst v63  }
0x402: {  	s30 =	sadd.s32 @!p2 $0x800, s28;
	s31 =	sadd.s32 @!p2 $0x100, s2  }
0x403: {  	[hbm4b:s31+s29] =	stream.linear.scatter @!p2 [tilespmem:s30], [sflag:$0x4], $0x80, $0x38;
	[tilespmem:$0x1C100] =	vst v63  }
0x404: {  	s30 =	sadd.s32 @!p2 $0xC00, s28;
	s31 =	sadd.s32 @!p2 $0x180, s2  }
0x405: {  	[hbm4b:s31+s29] =	stream.linear.scatter @!p2 [tilespmem:s30], [sflag:$0x4], $0x80, $0x38;
	[tilespmem:$0x1C100] =	vst v63  }
0x406: {  	s30 =	sadd.s32 @!p2 $0x1000, s28;
	s31 =	sadd.s32 @!p2 $0x200, s2  }
0x407: {  	[hbm4b:s31+s29] =	stream.linear.scatter @!p2 [tilespmem:s30], [sflag:$0x4], $0x80, $0x38;
	[tilespmem:$0x1C100] =	vst v63  }
0x408: {  	s30 =	sadd.s32 @!p2 $0x1400, s28;
	s31 =	sadd.s32 @!p2 $0x280, s2  }
0x409: {  	[hbm4b:s31+s29] =	stream.linear.scatter @!p2 [tilespmem:s30], [sflag:$0x4], $0x80, $0x38;
	[tilespmem:$0x1C100] =	vst v63  }
0x40a: {  	s30 =	sadd.s32 @!p2 $0x1800, s28;
	s31 =	sadd.s32 @!p2 $0x300, s2  }
0x40b: {  	[hbm4b:s31+s29] =	stream.linear.scatter @!p2 [tilespmem:s30], [sflag:$0x4], $0x80, $0x38;
	[tilespmem:$0x1C100] =	vst v63  }
0x40c: {  	s30 =	sadd.s32 @!p2 $0x1C00, s28;
	s31 =	sadd.s32 @!p2 $0x380, s2  }
0x40d: {  	[hbm4b:s31+s29] =	stream.linear.scatter @!p2 [tilespmem:s30], [sflag:$0x4], $0x80, $0x38;
	[tilespmem:$0x1C100] =	vst v63  }
0x40e: {  	s30 =	sadd.s32 $0xFFFFFFF5, s25  }
0x40f: {  	s31 =	sadd.s32 @!p2 $0x2000, s28;
	p3 =	sge.s32 s30, s22;
	s30 =	sadd.s32 @!p2 $0x400, s2  }
0x410: {  	[hbm4b:s30+s29] =	stream.linear.scatter @!p2 [tilespmem:s31], [sflag:$0x4], $0x80, $0x38;
	(v2sf) =	vpush @!p3 v8, $0x4;
	[tilespmem:$0x1C100] =	vst v63  }
0x411: {  	s30 =	sadd.s32 @!p2 $0x2400, s28;
	s31 =	sadd.s32 @!p2 $0x480, s2  }
0x412: {  	[hbm4b:s31+s29] =	stream.linear.scatter @!p2 [tilespmem:s30], [sflag:$0x4], $0x80, $0x38;
	[tilespmem:$0x1C100] =	vst v63  }
0x413: {  	s30 =	sadd.s32 @!p2 $0x2800, s28;
	s31 =	sadd.s32 @!p2 $0x500, s2  }
0x414: {  	[hbm4b:s31+s29] =	stream.linear.scatter @!p2 [tilespmem:s30], [sflag:$0x4], $0x80, $0x38;
	[tilespmem:$0x1C100] =	vst v63  }
0x415: {  	s30 =	sadd.s32 @!p2 $0x2C00, s28;
	s31 =	sadd.s32 @!p2 $0x580, s2  }
0x416: {  	[hbm4b:s31+s29] =	stream.linear.scatter @!p2 [tilespmem:s30], [sflag:$0x4], $0x80, $0x38;
	[tilespmem:$0x1C100] =	vst v63  }
0x417: {  	s30 =	sadd.s32 @!p2 $0x3000, s28;
	s31 =	sadd.s32 @!p2 $0x600, s2  }
0x418: {  	[hbm4b:s31+s29] =	stream.linear.scatter @!p2 [tilespmem:s30], [sflag:$0x4], $0x80, $0x38;
	[tilespmem:$0x1C100] =	vst v63  }
0x419: {  	s30 =	sadd.s32 @!p2 $0x3400, s28;
	s31 =	sadd.s32 @!p2 $0x680, s2  }
0x41a: {  	[hbm4b:s31+s29] =	stream.linear.scatter @!p2 [tilespmem:s30], [sflag:$0x4], $0x80, $0x38;
	[tilespmem:$0x1C100] =	vst v63  }
0x41b: {  	s30 =	sadd.s32 @!p2 $0x3800, s28;
	s31 =	sadd.s32 @!p2 $0x700, s2  }
0x41c: {  	[hbm4b:s31+s29] =	stream.linear.scatter @!p2 [tilespmem:s30], [sflag:$0x4], $0x80, $0x38;
	[tilespmem:$0x1C100] =	vst v63  }
0x41d: {  	s28 =	sadd.s32 @!p2 $0x3C00, s28;
	s2 =	sadd.s32 @!p2 $0x780, s2  }
0x41e: {  	[hbm4b:s2+s29] =	stream.linear.scatter @!p2 [tilespmem:s28], [sflag:$0x4], $0x80, $0x38;
	[tilespmem:$0x1C100] =	vst v63  }
0x41f: {  	s2 =	spop @!p3 (v2sf)  }
0x420: {  	s28 =	sand.u32 @!p3 $0x78, s2  }
0x421: {  	s29 =	sshll.u32 @!p3 s2, $0x7;
	s30 =	sshll.u32 @!p3 s2, $0x4;
	s28 =	ssub.s32 @!p3 s28, s21  }
0x422: {  	s2 =	sand.u32 @!p3 $0x380, s2;
	s30 =	sand.u32 @!p3 $0xFFFFC000, s30;
	s28 =	sshll.u32 @!p3 s28, $0xD  }
0x423: {  	s29 =	sand.u32 @!p3 $0x380, s29;
	s2 =	sor.u32 @!p3 s2, s30;
	s28 =	sshra.s32 @!p3 s28, $0x2  }
0x424: {  	s2 =	sshrl.u32 @!p3 s2, $0x3;
	s28 =	sor.u32 @!p3 s29, s28  }
0x425: {  	s2 =	sadd.s32 @!p3 s3, s2;
	s29 =	simm.s32 @!p3 $0x0;
	s28 =	sadd.s32 @!p3 $0x14100, s28  }
0x426: {  	[hbm4b:s2+s29] =	stream.linear.scatter @!p3 [tilespmem:s28], [sflag:$0x4], $0x80, $0x38;
	[tilespmem:$0x1C100] =	vst v63  }
0x427: {  	s31 =	sadd.s32 @!p3 $0x80, s2;
	s30 =	sadd.s32 @!p3 $0x400, s28  }
0x428: {  	[hbm4b:s31+s29] =	stream.linear.scatter @!p3 [tilespmem:s30], [sflag:$0x4], $0x80, $0x38;
	[tilespmem:$0x1C100] =	vst v63  }
0x429: {  	s30 =	sadd.s32 @!p3 $0x800, s28;
	s31 =	sadd.s32 @!p3 $0x100, s2  }
0x42a: {  	[hbm4b:s31+s29] =	stream.linear.scatter @!p3 [tilespmem:s30], [sflag:$0x4], $0x80, $0x38;
	[tilespmem:$0x1C100] =	vst v63  }
0x42b: {  	s30 =	sadd.s32 @!p3 $0xC00, s28;
	s31 =	sadd.s32 @!p3 $0x180, s2  }
0x42c: {  	[hbm4b:s31+s29] =	stream.linear.scatter @!p3 [tilespmem:s30], [sflag:$0x4], $0x80, $0x38;
	[tilespmem:$0x1C100] =	vst v63  }
0x42d: {  	s30 =	sadd.s32 @!p3 $0x1000, s28;
	s31 =	sadd.s32 @!p3 $0x200, s2  }
0x42e: {  	[hbm4b:s31+s29] =	stream.linear.scatter @!p3 [tilespmem:s30], [sflag:$0x4], $0x80, $0x38;
	[tilespmem:$0x1C100] =	vst v63  }
0x42f: {  	s30 =	sadd.s32 @!p3 $0x1400, s28;
	s31 =	sadd.s32 @!p3 $0x280, s2  }
0x430: {  	[hbm4b:s31+s29] =	stream.linear.scatter @!p3 [tilespmem:s30], [sflag:$0x4], $0x80, $0x38;
	[tilespmem:$0x1C100] =	vst v63  }
0x431: {  	s30 =	sadd.s32 @!p3 $0x1800, s28;
	s31 =	sadd.s32 @!p3 $0x300, s2  }
0x432: {  	[hbm4b:s31+s29] =	stream.linear.scatter @!p3 [tilespmem:s30], [sflag:$0x4], $0x80, $0x38;
	[tilespmem:$0x1C100] =	vst v63  }
0x433: {  	s30 =	sadd.s32 @!p3 $0x1C00, s28;
	s31 =	sadd.s32 @!p3 $0x380, s2  }
0x434: {  	[hbm4b:s31+s29] =	stream.linear.scatter @!p3 [tilespmem:s30], [sflag:$0x4], $0x80, $0x38;
	[tilespmem:$0x1C100] =	vst v63  }
0x435: {  	s30 =	sadd.s32 $0xFFFFFFF6, s25  }
0x436: {  	s31 =	sadd.s32 @!p3 $0x2000, s28;
	p2 =	sge.s32 s30, s22;
	s30 =	sadd.s32 @!p3 $0x400, s2  }
0x437: {  	[hbm4b:s30+s29] =	stream.linear.scatter @!p3 [tilespmem:s31], [sflag:$0x4], $0x80, $0x38;
	(v2sf) =	vpush @!p2 v8, $0x5;
	[tilespmem:$0x1C100] =	vst v63  }
0x438: {  	s30 =	sadd.s32 @!p3 $0x2400, s28;
	s31 =	sadd.s32 @!p3 $0x480, s2  }
0x439: {  	[hbm4b:s31+s29] =	stream.linear.scatter @!p3 [tilespmem:s30], [sflag:$0x4], $0x80, $0x38;
	[tilespmem:$0x1C100] =	vst v63  }
0x43a: {  	s30 =	sadd.s32 @!p3 $0x2800, s28;
	s31 =	sadd.s32 @!p3 $0x500, s2  }
0x43b: {  	[hbm4b:s31+s29] =	stream.linear.scatter @!p3 [tilespmem:s30], [sflag:$0x4], $0x80, $0x38;
	[tilespmem:$0x1C100] =	vst v63  }
0x43c: {  	s30 =	sadd.s32 @!p3 $0x2C00, s28;
	s31 =	sadd.s32 @!p3 $0x580, s2  }
0x43d: {  	[hbm4b:s31+s29] =	stream.linear.scatter @!p3 [tilespmem:s30], [sflag:$0x4], $0x80, $0x38;
	[tilespmem:$0x1C100] =	vst v63  }
0x43e: {  	s30 =	sadd.s32 @!p3 $0x3000, s28;
	s31 =	sadd.s32 @!p3 $0x600, s2  }
0x43f: {  	[hbm4b:s31+s29] =	stream.linear.scatter @!p3 [tilespmem:s30], [sflag:$0x4], $0x80, $0x38;
	[tilespmem:$0x1C100] =	vst v63  }
0x440: {  	s30 =	sadd.s32 @!p3 $0x3400, s28;
	s31 =	sadd.s32 @!p3 $0x680, s2  }
0x441: {  	[hbm4b:s31+s29] =	stream.linear.scatter @!p3 [tilespmem:s30], [sflag:$0x4], $0x80, $0x38;
	[tilespmem:$0x1C100] =	vst v63  }
0x442: {  	s30 =	sadd.s32 @!p3 $0x3800, s28;
	s31 =	sadd.s32 @!p3 $0x700, s2  }
0x443: {  	[hbm4b:s31+s29] =	stream.linear.scatter @!p3 [tilespmem:s30], [sflag:$0x4], $0x80, $0x38;
	[tilespmem:$0x1C100] =	vst v63  }
0x444: {  	s28 =	sadd.s32 @!p3 $0x3C00, s28;
	s2 =	sadd.s32 @!p3 $0x780, s2  }
0x445: {  	[hbm4b:s2+s29] =	stream.linear.scatter @!p3 [tilespmem:s28], [sflag:$0x4], $0x80, $0x38;
	[tilespmem:$0x1C100] =	vst v63  }
0x446: {  	s2 =	spop @!p2 (v2sf)  }
0x447: {  	s28 =	sand.u32 @!p2 $0x78, s2  }
0x448: {  	s29 =	sshll.u32 @!p2 s2, $0x7;
	s30 =	sshll.u32 @!p2 s2, $0x4;
	s28 =	ssub.s32 @!p2 s28, s21  }
0x449: {  	s2 =	sand.u32 @!p2 $0x380, s2;
	s30 =	sand.u32 @!p2 $0xFFFFC000, s30;
	s28 =	sshll.u32 @!p2 s28, $0xD  }
0x44a: {  	s29 =	sand.u32 @!p2 $0x380, s29;
	s2 =	sor.u32 @!p2 s2, s30;
	s28 =	sshra.s32 @!p2 s28, $0x2  }
0x44b: {  	s2 =	sshrl.u32 @!p2 s2, $0x3;
	s28 =	sor.u32 @!p2 s29, s28  }
0x44c: {  	s2 =	sadd.s32 @!p2 s3, s2;
	s29 =	simm.s32 @!p2 $0x0;
	s28 =	sadd.s32 @!p2 $0x14100, s28  }
0x44d: {  	[hbm4b:s2+s29] =	stream.linear.scatter @!p2 [tilespmem:s28], [sflag:$0x4], $0x80, $0x38;
	[tilespmem:$0x1C100] =	vst v63  }
0x44e: {  	s31 =	sadd.s32 @!p2 $0x80, s2;
	s30 =	sadd.s32 @!p2 $0x400, s28  }
0x44f: {  	[hbm4b:s31+s29] =	stream.linear.scatter @!p2 [tilespmem:s30], [sflag:$0x4], $0x80, $0x38;
	[tilespmem:$0x1C100] =	vst v63  }
0x450: {  	s30 =	sadd.s32 @!p2 $0x800, s28;
	s31 =	sadd.s32 @!p2 $0x100, s2  }
0x451: {  	[hbm4b:s31+s29] =	stream.linear.scatter @!p2 [tilespmem:s30], [sflag:$0x4], $0x80, $0x38;
	[tilespmem:$0x1C100] =	vst v63  }
0x452: {  	s30 =	sadd.s32 @!p2 $0xC00, s28;
	s31 =	sadd.s32 @!p2 $0x180, s2  }
0x453: {  	[hbm4b:s31+s29] =	stream.linear.scatter @!p2 [tilespmem:s30], [sflag:$0x4], $0x80, $0x38;
	[tilespmem:$0x1C100] =	vst v63  }
0x454: {  	s30 =	sadd.s32 @!p2 $0x1000, s28;
	s31 =	sadd.s32 @!p2 $0x200, s2  }
0x455: {  	[hbm4b:s31+s29] =	stream.linear.scatter @!p2 [tilespmem:s30], [sflag:$0x4], $0x80, $0x38;
	[tilespmem:$0x1C100] =	vst v63  }
0x456: {  	s30 =	sadd.s32 @!p2 $0x1400, s28;
	s31 =	sadd.s32 @!p2 $0x280, s2  }
0x457: {  	[hbm4b:s31+s29] =	stream.linear.scatter @!p2 [tilespmem:s30], [sflag:$0x4], $0x80, $0x38;
	[tilespmem:$0x1C100] =	vst v63  }
0x458: {  	s30 =	sadd.s32 @!p2 $0x1800, s28;
	s31 =	sadd.s32 @!p2 $0x300, s2  }
0x459: {  	[hbm4b:s31+s29] =	stream.linear.scatter @!p2 [tilespmem:s30], [sflag:$0x4], $0x80, $0x38;
	[tilespmem:$0x1C100] =	vst v63  }
0x45a: {  	s30 =	sadd.s32 @!p2 $0x1C00, s28;
	s31 =	sadd.s32 @!p2 $0x380, s2  }
0x45b: {  	[hbm4b:s31+s29] =	stream.linear.scatter @!p2 [tilespmem:s30], [sflag:$0x4], $0x80, $0x38;
	[tilespmem:$0x1C100] =	vst v63  }
0x45c: {  	s30 =	sadd.s32 $0xFFFFFFF7, s25  }
0x45d: {  	s31 =	sadd.s32 @!p2 $0x2000, s28;
	p3 =	sge.s32 s30, s22;
	s30 =	sadd.s32 @!p2 $0x400, s2  }
0x45e: {  	[hbm4b:s30+s29] =	stream.linear.scatter @!p2 [tilespmem:s31], [sflag:$0x4], $0x80, $0x38;
	(v2sf) =	vpush @!p3 v8, $0x6;
	[tilespmem:$0x1C100] =	vst v63  }
0x45f: {  	s30 =	sadd.s32 @!p2 $0x2400, s28;
	s31 =	sadd.s32 @!p2 $0x480, s2  }
0x460: {  	[hbm4b:s31+s29] =	stream.linear.scatter @!p2 [tilespmem:s30], [sflag:$0x4], $0x80, $0x38;
	[tilespmem:$0x1C100] =	vst v63  }
0x461: {  	s30 =	sadd.s32 @!p2 $0x2800, s28;
	s31 =	sadd.s32 @!p2 $0x500, s2  }
0x462: {  	[hbm4b:s31+s29] =	stream.linear.scatter @!p2 [tilespmem:s30], [sflag:$0x4], $0x80, $0x38;
	[tilespmem:$0x1C100] =	vst v63  }
0x463: {  	s30 =	sadd.s32 @!p2 $0x2C00, s28;
	s31 =	sadd.s32 @!p2 $0x580, s2  }
0x464: {  	[hbm4b:s31+s29] =	stream.linear.scatter @!p2 [tilespmem:s30], [sflag:$0x4], $0x80, $0x38;
	[tilespmem:$0x1C100] =	vst v63  }
0x465: {  	s30 =	sadd.s32 @!p2 $0x3000, s28;
	s31 =	sadd.s32 @!p2 $0x600, s2  }
0x466: {  	[hbm4b:s31+s29] =	stream.linear.scatter @!p2 [tilespmem:s30], [sflag:$0x4], $0x80, $0x38;
	[tilespmem:$0x1C100] =	vst v63  }
0x467: {  	s30 =	sadd.s32 @!p2 $0x3400, s28;
	s31 =	sadd.s32 @!p2 $0x680, s2  }
0x468: {  	[hbm4b:s31+s29] =	stream.linear.scatter @!p2 [tilespmem:s30], [sflag:$0x4], $0x80, $0x38;
	[tilespmem:$0x1C100] =	vst v63  }
0x469: {  	s30 =	sadd.s32 @!p2 $0x3800, s28;
	s31 =	sadd.s32 @!p2 $0x700, s2  }
0x46a: {  	[hbm4b:s31+s29] =	stream.linear.scatter @!p2 [tilespmem:s30], [sflag:$0x4], $0x80, $0x38;
	[tilespmem:$0x1C100] =	vst v63  }
0x46b: {  	s28 =	sadd.s32 @!p2 $0x3C00, s28;
	s2 =	sadd.s32 @!p2 $0x780, s2  }
0x46c: {  	[hbm4b:s2+s29] =	stream.linear.scatter @!p2 [tilespmem:s28], [sflag:$0x4], $0x80, $0x38;
	[tilespmem:$0x1C100] =	vst v63  }
0x46d: {  	s2 =	spop @!p3 (v2sf)  }
0x46e: {  	s28 =	sand.u32 @!p3 $0x78, s2  }
0x46f: {  	s29 =	sshll.u32 @!p3 s2, $0x7;
	s30 =	sshll.u32 @!p3 s2, $0x4;
	s28 =	ssub.s32 @!p3 s28, s21  }
0x470: {  	s2 =	sand.u32 @!p3 $0x380, s2;
	s30 =	sand.u32 @!p3 $0xFFFFC000, s30;
	s28 =	sshll.u32 @!p3 s28, $0xD  }
0x471: {  	s29 =	sand.u32 @!p3 $0x380, s29;
	s2 =	sor.u32 @!p3 s2, s30;
	s28 =	sshra.s32 @!p3 s28, $0x2  }
0x472: {  	s2 =	sshrl.u32 @!p3 s2, $0x3;
	s28 =	sor.u32 @!p3 s29, s28  }
0x473: {  	s2 =	sadd.s32 @!p3 s3, s2;
	s29 =	simm.s32 @!p3 $0x0;
	s28 =	sadd.s32 @!p3 $0x14100, s28  }
0x474: {  	[hbm4b:s2+s29] =	stream.linear.scatter @!p3 [tilespmem:s28], [sflag:$0x4], $0x80, $0x38;
	[tilespmem:$0x1C100] =	vst v63  }
0x475: {  	s31 =	sadd.s32 @!p3 $0x80, s2;
	s30 =	sadd.s32 @!p3 $0x400, s28  }
0x476: {  	[hbm4b:s31+s29] =	stream.linear.scatter @!p3 [tilespmem:s30], [sflag:$0x4], $0x80, $0x38;
	[tilespmem:$0x1C100] =	vst v63  }
0x477: {  	s30 =	sadd.s32 @!p3 $0x800, s28;
	s31 =	sadd.s32 @!p3 $0x100, s2  }
0x478: {  	[hbm4b:s31+s29] =	stream.linear.scatter @!p3 [tilespmem:s30], [sflag:$0x4], $0x80, $0x38;
	[tilespmem:$0x1C100] =	vst v63  }
0x479: {  	s30 =	sadd.s32 @!p3 $0xC00, s28;
	s31 =	sadd.s32 @!p3 $0x180, s2  }
0x47a: {  	[hbm4b:s31+s29] =	stream.linear.scatter @!p3 [tilespmem:s30], [sflag:$0x4], $0x80, $0x38;
	[tilespmem:$0x1C100] =	vst v63  }
0x47b: {  	s30 =	sadd.s32 @!p3 $0x1000, s28;
	s31 =	sadd.s32 @!p3 $0x200, s2  }
0x47c: {  	[hbm4b:s31+s29] =	stream.linear.scatter @!p3 [tilespmem:s30], [sflag:$0x4], $0x80, $0x38;
	[tilespmem:$0x1C100] =	vst v63  }
0x47d: {  	s30 =	sadd.s32 @!p3 $0x1400, s28;
	s31 =	sadd.s32 @!p3 $0x280, s2  }
0x47e: {  	[hbm4b:s31+s29] =	stream.linear.scatter @!p3 [tilespmem:s30], [sflag:$0x4], $0x80, $0x38;
	[tilespmem:$0x1C100] =	vst v63  }
0x47f: {  	s30 =	sadd.s32 @!p3 $0x1800, s28;
	s31 =	sadd.s32 @!p3 $0x300, s2  }
0x480: {  	[hbm4b:s31+s29] =	stream.linear.scatter @!p3 [tilespmem:s30], [sflag:$0x4], $0x80, $0x38;
	[tilespmem:$0x1C100] =	vst v63  }
0x481: {  	s30 =	sadd.s32 @!p3 $0x1C00, s28;
	s31 =	sadd.s32 @!p3 $0x380, s2  }
0x482: {  	[hbm4b:s31+s29] =	stream.linear.scatter @!p3 [tilespmem:s30], [sflag:$0x4], $0x80, $0x38;
	[tilespmem:$0x1C100] =	vst v63  }
0x483: {  	s30 =	sadd.s32 $0xFFFFFFF8, s25  }
0x484: {  	s31 =	sadd.s32 @!p3 $0x2000, s28;
	p2 =	sge.s32 s30, s22;
	s30 =	sadd.s32 @!p3 $0x400, s2  }
0x485: {  	[hbm4b:s30+s29] =	stream.linear.scatter @!p3 [tilespmem:s31], [sflag:$0x4], $0x80, $0x38;
	(v2sf) =	vpush @!p2 v8, $0x7;
	[tilespmem:$0x1C100] =	vst v63  }
0x486: {  	s30 =	sadd.s32 @!p3 $0x2400, s28;
	s31 =	sadd.s32 @!p3 $0x480, s2  }
0x487: {  	[hbm4b:s31+s29] =	stream.linear.scatter @!p3 [tilespmem:s30], [sflag:$0x4], $0x80, $0x38;
	[tilespmem:$0x1C100] =	vst v63  }
0x488: {  	s30 =	sadd.s32 @!p3 $0x2800, s28;
	s31 =	sadd.s32 @!p3 $0x500, s2  }
0x489: {  	[hbm4b:s31+s29] =	stream.linear.scatter @!p3 [tilespmem:s30], [sflag:$0x4], $0x80, $0x38;
	[tilespmem:$0x1C100] =	vst v63  }
0x48a: {  	s30 =	sadd.s32 @!p3 $0x2C00, s28;
	s31 =	sadd.s32 @!p3 $0x580, s2  }
0x48b: {  	[hbm4b:s31+s29] =	stream.linear.scatter @!p3 [tilespmem:s30], [sflag:$0x4], $0x80, $0x38;
	[tilespmem:$0x1C100] =	vst v63  }
0x48c: {  	s30 =	sadd.s32 @!p3 $0x3000, s28;
	s31 =	sadd.s32 @!p3 $0x600, s2  }
0x48d: {  	[hbm4b:s31+s29] =	stream.linear.scatter @!p3 [tilespmem:s30], [sflag:$0x4], $0x80, $0x38;
	[tilespmem:$0x1C100] =	vst v63  }
0x48e: {  	s30 =	sadd.s32 @!p3 $0x3400, s28;
	s31 =	sadd.s32 @!p3 $0x680, s2  }
0x48f: {  	[hbm4b:s31+s29] =	stream.linear.scatter @!p3 [tilespmem:s30], [sflag:$0x4], $0x80, $0x38;
	[tilespmem:$0x1C100] =	vst v63  }
0x490: {  	s30 =	sadd.s32 @!p3 $0x3800, s28;
	s31 =	sadd.s32 @!p3 $0x700, s2  }
0x491: {  	[hbm4b:s31+s29] =	stream.linear.scatter @!p3 [tilespmem:s30], [sflag:$0x4], $0x80, $0x38;
	[tilespmem:$0x1C100] =	vst v63  }
0x492: {  	s28 =	sadd.s32 @!p3 $0x3C00, s28;
	s2 =	sadd.s32 @!p3 $0x780, s2  }
0x493: {  	[hbm4b:s2+s29] =	stream.linear.scatter @!p3 [tilespmem:s28], [sflag:$0x4], $0x80, $0x38;
	[tilespmem:$0x1C100] =	vst v63  }
0x494: {  	s2 =	spop @!p2 (v2sf)  }
0x495: {  	s28 =	sand.u32 @!p2 $0x78, s2  }
0x496: {  	s29 =	sshll.u32 @!p2 s2, $0x7;
	s30 =	sshll.u32 @!p2 s2, $0x4;
	s28 =	ssub.s32 @!p2 s28, s21  }
0x497: {  	s2 =	sand.u32 @!p2 $0x380, s2;
	s30 =	sand.u32 @!p2 $0xFFFFC000, s30;
	s28 =	sshll.u32 @!p2 s28, $0xD  }
0x498: {  	s29 =	sand.u32 @!p2 $0x380, s29;
	s2 =	sor.u32 @!p2 s2, s30;
	s28 =	sshra.s32 @!p2 s28, $0x2  }
0x499: {  	s2 =	sshrl.u32 @!p2 s2, $0x3;
	s28 =	sor.u32 @!p2 s29, s28  }
0x49a: {  	s2 =	sadd.s32 @!p2 s3, s2;
	s29 =	simm.s32 @!p2 $0x0;
	s28 =	sadd.s32 @!p2 $0x14100, s28  }
0x49b: {  	[hbm4b:s2+s29] =	stream.linear.scatter @!p2 [tilespmem:s28], [sflag:$0x4], $0x80, $0x38;
	[tilespmem:$0x1C100] =	vst v63  }
0x49c: {  	s31 =	sadd.s32 @!p2 $0x80, s2;
	s30 =	sadd.s32 @!p2 $0x400, s28  }
0x49d: {  	[hbm4b:s31+s29] =	stream.linear.scatter @!p2 [tilespmem:s30], [sflag:$0x4], $0x80, $0x38;
	[tilespmem:$0x1C100] =	vst v63  }
0x49e: {  	s30 =	sadd.s32 @!p2 $0x800, s28;
	s31 =	sadd.s32 @!p2 $0x100, s2  }
0x49f: {  	[hbm4b:s31+s29] =	stream.linear.scatter @!p2 [tilespmem:s30], [sflag:$0x4], $0x80, $0x38;
	[tilespmem:$0x1C100] =	vst v63  }
0x4a0: {  	s30 =	sadd.s32 @!p2 $0xC00, s28;
	s31 =	sadd.s32 @!p2 $0x180, s2  }
0x4a1: {  	[hbm4b:s31+s29] =	stream.linear.scatter @!p2 [tilespmem:s30], [sflag:$0x4], $0x80, $0x38;
	[tilespmem:$0x1C100] =	vst v63  }
0x4a2: {  	s30 =	sadd.s32 @!p2 $0x1000, s28;
	s31 =	sadd.s32 @!p2 $0x200, s2  }
0x4a3: {  	[hbm4b:s31+s29] =	stream.linear.scatter @!p2 [tilespmem:s30], [sflag:$0x4], $0x80, $0x38;
	[tilespmem:$0x1C100] =	vst v63  }
0x4a4: {  	s30 =	sadd.s32 @!p2 $0x1400, s28;
	s31 =	sadd.s32 @!p2 $0x280, s2  }
0x4a5: {  	[hbm4b:s31+s29] =	stream.linear.scatter @!p2 [tilespmem:s30], [sflag:$0x4], $0x80, $0x38;
	[tilespmem:$0x1C100] =	vst v63  }
0x4a6: {  	s30 =	sadd.s32 @!p2 $0x1800, s28;
	s31 =	sadd.s32 @!p2 $0x300, s2  }
0x4a7: {  	[hbm4b:s31+s29] =	stream.linear.scatter @!p2 [tilespmem:s30], [sflag:$0x4], $0x80, $0x38;
	[tilespmem:$0x1C100] =	vst v63  }
0x4a8: {  	s30 =	sadd.s32 @!p2 $0x1C00, s28;
	s31 =	sadd.s32 @!p2 $0x380, s2  }
0x4a9: {  	[hbm4b:s31+s29] =	stream.linear.scatter @!p2 [tilespmem:s30], [sflag:$0x4], $0x80, $0x38;
	[tilespmem:$0x1C100] =	vst v63  }
0x4aa: {  	s30 =	sadd.s32 $0xFFFFFFF9, s25  }
0x4ab: {  	s31 =	sadd.s32 @!p2 $0x2000, s28;
	p3 =	sge.s32 s30, s22;
	s30 =	sadd.s32 @!p2 $0x400, s2  }
0x4ac: {  	[hbm4b:s30+s29] =	stream.linear.scatter @!p2 [tilespmem:s31], [sflag:$0x4], $0x80, $0x38;
	(v2sf) =	vpush @!p3 v8, $0x8;
	[tilespmem:$0x1C100] =	vst v63  }
0x4ad: {  	s30 =	sadd.s32 @!p2 $0x2400, s28;
	s31 =	sadd.s32 @!p2 $0x480, s2  }
0x4ae: {  	[hbm4b:s31+s29] =	stream.linear.scatter @!p2 [tilespmem:s30], [sflag:$0x4], $0x80, $0x38;
	[tilespmem:$0x1C100] =	vst v63  }
0x4af: {  	s30 =	sadd.s32 @!p2 $0x2800, s28;
	s31 =	sadd.s32 @!p2 $0x500, s2  }
0x4b0: {  	[hbm4b:s31+s29] =	stream.linear.scatter @!p2 [tilespmem:s30], [sflag:$0x4], $0x80, $0x38;
	[tilespmem:$0x1C100] =	vst v63  }
0x4b1: {  	s30 =	sadd.s32 @!p2 $0x2C00, s28;
	s31 =	sadd.s32 @!p2 $0x580, s2  }
0x4b2: {  	[hbm4b:s31+s29] =	stream.linear.scatter @!p2 [tilespmem:s30], [sflag:$0x4], $0x80, $0x38;
	[tilespmem:$0x1C100] =	vst v63  }
0x4b3: {  	s30 =	sadd.s32 @!p2 $0x3000, s28;
	s31 =	sadd.s32 @!p2 $0x600, s2  }
0x4b4: {  	[hbm4b:s31+s29] =	stream.linear.scatter @!p2 [tilespmem:s30], [sflag:$0x4], $0x80, $0x38;
	[tilespmem:$0x1C100] =	vst v63  }
0x4b5: {  	s30 =	sadd.s32 @!p2 $0x3400, s28;
	s31 =	sadd.s32 @!p2 $0x680, s2  }
0x4b6: {  	[hbm4b:s31+s29] =	stream.linear.scatter @!p2 [tilespmem:s30], [sflag:$0x4], $0x80, $0x38;
	[tilespmem:$0x1C100] =	vst v63  }
0x4b7: {  	s30 =	sadd.s32 @!p2 $0x3800, s28;
	s31 =	sadd.s32 @!p2 $0x700, s2  }
0x4b8: {  	[hbm4b:s31+s29] =	stream.linear.scatter @!p2 [tilespmem:s30], [sflag:$0x4], $0x80, $0x38;
	[tilespmem:$0x1C100] =	vst v63  }
0x4b9: {  	s28 =	sadd.s32 @!p2 $0x3C00, s28;
	s2 =	sadd.s32 @!p2 $0x780, s2  }
0x4ba: {  	[hbm4b:s2+s29] =	stream.linear.scatter @!p2 [tilespmem:s28], [sflag:$0x4], $0x80, $0x38;
	[tilespmem:$0x1C100] =	vst v63  }
0x4bb: {  	s2 =	spop @!p3 (v2sf)  }
0x4bc: {  	s28 =	sand.u32 @!p3 $0x78, s2  }
0x4bd: {  	s29 =	sshll.u32 @!p3 s2, $0x7;
	s30 =	sshll.u32 @!p3 s2, $0x4;
	s28 =	ssub.s32 @!p3 s28, s21  }
0x4be: {  	s2 =	sand.u32 @!p3 $0x380, s2;
	s30 =	sand.u32 @!p3 $0xFFFFC000, s30;
	s28 =	sshll.u32 @!p3 s28, $0xD  }
0x4bf: {  	s29 =	sand.u32 @!p3 $0x380, s29;
	s2 =	sor.u32 @!p3 s2, s30;
	s28 =	sshra.s32 @!p3 s28, $0x2  }
0x4c0: {  	s2 =	sshrl.u32 @!p3 s2, $0x3;
	s28 =	sor.u32 @!p3 s29, s28  }
0x4c1: {  	s2 =	sadd.s32 @!p3 s3, s2;
	s29 =	simm.s32 @!p3 $0x0;
	s28 =	sadd.s32 @!p3 $0x14100, s28  }
0x4c2: {  	[hbm4b:s2+s29] =	stream.linear.scatter @!p3 [tilespmem:s28], [sflag:$0x4], $0x80, $0x38;
	[tilespmem:$0x1C100] =	vst v63  }
0x4c3: {  	s31 =	sadd.s32 @!p3 $0x80, s2;
	s30 =	sadd.s32 @!p3 $0x400, s28  }
0x4c4: {  	[hbm4b:s31+s29] =	stream.linear.scatter @!p3 [tilespmem:s30], [sflag:$0x4], $0x80, $0x38;
	[tilespmem:$0x1C100] =	vst v63  }
0x4c5: {  	s30 =	sadd.s32 @!p3 $0x800, s28;
	s31 =	sadd.s32 @!p3 $0x100, s2  }
0x4c6: {  	[hbm4b:s31+s29] =	stream.linear.scatter @!p3 [tilespmem:s30], [sflag:$0x4], $0x80, $0x38;
	[tilespmem:$0x1C100] =	vst v63  }
0x4c7: {  	s30 =	sadd.s32 @!p3 $0xC00, s28;
	s31 =	sadd.s32 @!p3 $0x180, s2  }
0x4c8: {  	[hbm4b:s31+s29] =	stream.linear.scatter @!p3 [tilespmem:s30], [sflag:$0x4], $0x80, $0x38;
	[tilespmem:$0x1C100] =	vst v63  }
0x4c9: {  	s30 =	sadd.s32 @!p3 $0x1000, s28;
	s31 =	sadd.s32 @!p3 $0x200, s2  }
0x4ca: {  	[hbm4b:s31+s29] =	stream.linear.scatter @!p3 [tilespmem:s30], [sflag:$0x4], $0x80, $0x38;
	[tilespmem:$0x1C100] =	vst v63  }
0x4cb: {  	s30 =	sadd.s32 @!p3 $0x1400, s28;
	s31 =	sadd.s32 @!p3 $0x280, s2  }
0x4cc: {  	[hbm4b:s31+s29] =	stream.linear.scatter @!p3 [tilespmem:s30], [sflag:$0x4], $0x80, $0x38;
	[tilespmem:$0x1C100] =	vst v63  }
0x4cd: {  	s30 =	sadd.s32 @!p3 $0x1800, s28;
	s31 =	sadd.s32 @!p3 $0x300, s2  }
0x4ce: {  	[hbm4b:s31+s29] =	stream.linear.scatter @!p3 [tilespmem:s30], [sflag:$0x4], $0x80, $0x38;
	[tilespmem:$0x1C100] =	vst v63  }
0x4cf: {  	s30 =	sadd.s32 @!p3 $0x1C00, s28;
	s31 =	sadd.s32 @!p3 $0x380, s2  }
0x4d0: {  	[hbm4b:s31+s29] =	stream.linear.scatter @!p3 [tilespmem:s30], [sflag:$0x4], $0x80, $0x38;
	[tilespmem:$0x1C100] =	vst v63  }
0x4d1: {  	s30 =	sadd.s32 $0xFFFFFFFA, s25  }
0x4d2: {  	s31 =	sadd.s32 @!p3 $0x2000, s28;
	p2 =	sge.s32 s30, s22;
	s30 =	sadd.s32 @!p3 $0x400, s2  }
0x4d3: {  	[hbm4b:s30+s29] =	stream.linear.scatter @!p3 [tilespmem:s31], [sflag:$0x4], $0x80, $0x38;
	(v2sf) =	vpush @!p2 v8, $0x9;
	[tilespmem:$0x1C100] =	vst v63  }
0x4d4: {  	s30 =	sadd.s32 @!p3 $0x2400, s28;
	s31 =	sadd.s32 @!p3 $0x480, s2  }
0x4d5: {  	[hbm4b:s31+s29] =	stream.linear.scatter @!p3 [tilespmem:s30], [sflag:$0x4], $0x80, $0x38;
	[tilespmem:$0x1C100] =	vst v63  }
0x4d6: {  	s30 =	sadd.s32 @!p3 $0x2800, s28;
	s31 =	sadd.s32 @!p3 $0x500, s2  }
0x4d7: {  	[hbm4b:s31+s29] =	stream.linear.scatter @!p3 [tilespmem:s30], [sflag:$0x4], $0x80, $0x38;
	[tilespmem:$0x1C100] =	vst v63  }
0x4d8: {  	s30 =	sadd.s32 @!p3 $0x2C00, s28;
	s31 =	sadd.s32 @!p3 $0x580, s2  }
0x4d9: {  	[hbm4b:s31+s29] =	stream.linear.scatter @!p3 [tilespmem:s30], [sflag:$0x4], $0x80, $0x38;
	[tilespmem:$0x1C100] =	vst v63  }
0x4da: {  	s30 =	sadd.s32 @!p3 $0x3000, s28;
	s31 =	sadd.s32 @!p3 $0x600, s2  }
0x4db: {  	[hbm4b:s31+s29] =	stream.linear.scatter @!p3 [tilespmem:s30], [sflag:$0x4], $0x80, $0x38;
	[tilespmem:$0x1C100] =	vst v63  }
0x4dc: {  	s30 =	sadd.s32 @!p3 $0x3400, s28;
	s31 =	sadd.s32 @!p3 $0x680, s2  }
0x4dd: {  	[hbm4b:s31+s29] =	stream.linear.scatter @!p3 [tilespmem:s30], [sflag:$0x4], $0x80, $0x38;
	[tilespmem:$0x1C100] =	vst v63  }
0x4de: {  	s30 =	sadd.s32 @!p3 $0x3800, s28;
	s31 =	sadd.s32 @!p3 $0x700, s2  }
0x4df: {  	[hbm4b:s31+s29] =	stream.linear.scatter @!p3 [tilespmem:s30], [sflag:$0x4], $0x80, $0x38;
	[tilespmem:$0x1C100] =	vst v63  }
0x4e0: {  	s28 =	sadd.s32 @!p3 $0x3C00, s28;
	s2 =	sadd.s32 @!p3 $0x780, s2  }
0x4e1: {  	[hbm4b:s2+s29] =	stream.linear.scatter @!p3 [tilespmem:s28], [sflag:$0x4], $0x80, $0x38;
	[tilespmem:$0x1C100] =	vst v63  }
0x4e2: {  	s2 =	spop @!p2 (v2sf)  }
0x4e3: {  	s28 =	sand.u32 @!p2 $0x78, s2  }
0x4e4: {  	s29 =	sshll.u32 @!p2 s2, $0x7;
	s30 =	sshll.u32 @!p2 s2, $0x4;
	s28 =	ssub.s32 @!p2 s28, s21  }
0x4e5: {  	s2 =	sand.u32 @!p2 $0x380, s2;
	s30 =	sand.u32 @!p2 $0xFFFFC000, s30;
	s28 =	sshll.u32 @!p2 s28, $0xD  }
0x4e6: {  	s29 =	sand.u32 @!p2 $0x380, s29;
	s2 =	sor.u32 @!p2 s2, s30;
	s28 =	sshra.s32 @!p2 s28, $0x2  }
0x4e7: {  	s2 =	sshrl.u32 @!p2 s2, $0x3;
	s28 =	sor.u32 @!p2 s29, s28  }
0x4e8: {  	s2 =	sadd.s32 @!p2 s3, s2;
	s29 =	simm.s32 @!p2 $0x0;
	s28 =	sadd.s32 @!p2 $0x14100, s28  }
0x4e9: {  	[hbm4b:s2+s29] =	stream.linear.scatter @!p2 [tilespmem:s28], [sflag:$0x4], $0x80, $0x38;
	[tilespmem:$0x1C100] =	vst v63  }
0x4ea: {  	s31 =	sadd.s32 @!p2 $0x80, s2;
	s30 =	sadd.s32 @!p2 $0x400, s28  }
0x4eb: {  	[hbm4b:s31+s29] =	stream.linear.scatter @!p2 [tilespmem:s30], [sflag:$0x4], $0x80, $0x38;
	[tilespmem:$0x1C100] =	vst v63  }
0x4ec: {  	s30 =	sadd.s32 @!p2 $0x800, s28;
	s31 =	sadd.s32 @!p2 $0x100, s2  }
0x4ed: {  	[hbm4b:s31+s29] =	stream.linear.scatter @!p2 [tilespmem:s30], [sflag:$0x4], $0x80, $0x38;
	[tilespmem:$0x1C100] =	vst v63  }
0x4ee: {  	s30 =	sadd.s32 @!p2 $0xC00, s28;
	s31 =	sadd.s32 @!p2 $0x180, s2  }
0x4ef: {  	[hbm4b:s31+s29] =	stream.linear.scatter @!p2 [tilespmem:s30], [sflag:$0x4], $0x80, $0x38;
	[tilespmem:$0x1C100] =	vst v63  }
0x4f0: {  	s30 =	sadd.s32 @!p2 $0x1000, s28;
	s31 =	sadd.s32 @!p2 $0x200, s2  }
0x4f1: {  	[hbm4b:s31+s29] =	stream.linear.scatter @!p2 [tilespmem:s30], [sflag:$0x4], $0x80, $0x38;
	[tilespmem:$0x1C100] =	vst v63  }
0x4f2: {  	s30 =	sadd.s32 @!p2 $0x1400, s28;
	s31 =	sadd.s32 @!p2 $0x280, s2  }
0x4f3: {  	[hbm4b:s31+s29] =	stream.linear.scatter @!p2 [tilespmem:s30], [sflag:$0x4], $0x80, $0x38;
	[tilespmem:$0x1C100] =	vst v63  }
0x4f4: {  	s30 =	sadd.s32 @!p2 $0x1800, s28;
	s31 =	sadd.s32 @!p2 $0x300, s2  }
0x4f5: {  	[hbm4b:s31+s29] =	stream.linear.scatter @!p2 [tilespmem:s30], [sflag:$0x4], $0x80, $0x38;
	[tilespmem:$0x1C100] =	vst v63  }
0x4f6: {  	s30 =	sadd.s32 @!p2 $0x1C00, s28;
	s31 =	sadd.s32 @!p2 $0x380, s2  }
0x4f7: {  	[hbm4b:s31+s29] =	stream.linear.scatter @!p2 [tilespmem:s30], [sflag:$0x4], $0x80, $0x38;
	[tilespmem:$0x1C100] =	vst v63  }
0x4f8: {  	s30 =	sadd.s32 $0xFFFFFFFB, s25  }
0x4f9: {  	s31 =	sadd.s32 @!p2 $0x2000, s28;
	p3 =	sge.s32 s30, s22;
	s30 =	sadd.s32 @!p2 $0x400, s2  }
0x4fa: {  	[hbm4b:s30+s29] =	stream.linear.scatter @!p2 [tilespmem:s31], [sflag:$0x4], $0x80, $0x38;
	(v2sf) =	vpush @!p3 v8, $0xA;
	[tilespmem:$0x1C100] =	vst v63  }
0x4fb: {  	s30 =	sadd.s32 @!p2 $0x2400, s28;
	s31 =	sadd.s32 @!p2 $0x480, s2  }
0x4fc: {  	[hbm4b:s31+s29] =	stream.linear.scatter @!p2 [tilespmem:s30], [sflag:$0x4], $0x80, $0x38;
	[tilespmem:$0x1C100] =	vst v63  }
0x4fd: {  	s30 =	sadd.s32 @!p2 $0x2800, s28;
	s31 =	sadd.s32 @!p2 $0x500, s2  }
0x4fe: {  	[hbm4b:s31+s29] =	stream.linear.scatter @!p2 [tilespmem:s30], [sflag:$0x4], $0x80, $0x38;
	[tilespmem:$0x1C100] =	vst v63  }
0x4ff: {  	s30 =	sadd.s32 @!p2 $0x2C00, s28;
	s31 =	sadd.s32 @!p2 $0x580, s2  }
0x500: {  	[hbm4b:s31+s29] =	stream.linear.scatter @!p2 [tilespmem:s30], [sflag:$0x4], $0x80, $0x38;
	[tilespmem:$0x1C100] =	vst v63  }
0x501: {  	s30 =	sadd.s32 @!p2 $0x3000, s28;
	s31 =	sadd.s32 @!p2 $0x600, s2  }
0x502: {  	[hbm4b:s31+s29] =	stream.linear.scatter @!p2 [tilespmem:s30], [sflag:$0x4], $0x80, $0x38;
	[tilespmem:$0x1C100] =	vst v63  }
0x503: {  	s30 =	sadd.s32 @!p2 $0x3400, s28;
	s31 =	sadd.s32 @!p2 $0x680, s2  }
0x504: {  	[hbm4b:s31+s29] =	stream.linear.scatter @!p2 [tilespmem:s30], [sflag:$0x4], $0x80, $0x38;
	[tilespmem:$0x1C100] =	vst v63  }
0x505: {  	s30 =	sadd.s32 @!p2 $0x3800, s28;
	s31 =	sadd.s32 @!p2 $0x700, s2  }
0x506: {  	[hbm4b:s31+s29] =	stream.linear.scatter @!p2 [tilespmem:s30], [sflag:$0x4], $0x80, $0x38;
	[tilespmem:$0x1C100] =	vst v63  }
0x507: {  	s28 =	sadd.s32 @!p2 $0x3C00, s28;
	s2 =	sadd.s32 @!p2 $0x780, s2  }
0x508: {  	[hbm4b:s2+s29] =	stream.linear.scatter @!p2 [tilespmem:s28], [sflag:$0x4], $0x80, $0x38;
	[tilespmem:$0x1C100] =	vst v63  }
0x509: {  	s2 =	spop @!p3 (v2sf)  }
0x50a: {  	s28 =	sand.u32 @!p3 $0x78, s2  }
0x50b: {  	s29 =	sshll.u32 @!p3 s2, $0x7;
	s30 =	sshll.u32 @!p3 s2, $0x4;
	s28 =	ssub.s32 @!p3 s28, s21  }
0x50c: {  	s2 =	sand.u32 @!p3 $0x380, s2;
	s30 =	sand.u32 @!p3 $0xFFFFC000, s30;
	s28 =	sshll.u32 @!p3 s28, $0xD  }
0x50d: {  	s29 =	sand.u32 @!p3 $0x380, s29;
	s2 =	sor.u32 @!p3 s2, s30;
	s28 =	sshra.s32 @!p3 s28, $0x2  }
0x50e: {  	s2 =	sshrl.u32 @!p3 s2, $0x3;
	s28 =	sor.u32 @!p3 s29, s28  }
0x50f: {  	s2 =	sadd.s32 @!p3 s3, s2;
	s29 =	simm.s32 @!p3 $0x0;
	s28 =	sadd.s32 @!p3 $0x14100, s28  }
0x510: {  	[hbm4b:s2+s29] =	stream.linear.scatter @!p3 [tilespmem:s28], [sflag:$0x4], $0x80, $0x38;
	[tilespmem:$0x1C100] =	vst v63  }
0x511: {  	s31 =	sadd.s32 @!p3 $0x80, s2;
	s30 =	sadd.s32 @!p3 $0x400, s28  }
0x512: {  	[hbm4b:s31+s29] =	stream.linear.scatter @!p3 [tilespmem:s30], [sflag:$0x4], $0x80, $0x38;
	[tilespmem:$0x1C100] =	vst v63  }
0x513: {  	s30 =	sadd.s32 @!p3 $0x800, s28;
	s31 =	sadd.s32 @!p3 $0x100, s2  }
0x514: {  	[hbm4b:s31+s29] =	stream.linear.scatter @!p3 [tilespmem:s30], [sflag:$0x4], $0x80, $0x38;
	[tilespmem:$0x1C100] =	vst v63  }
0x515: {  	s30 =	sadd.s32 @!p3 $0xC00, s28;
	s31 =	sadd.s32 @!p3 $0x180, s2  }
0x516: {  	[hbm4b:s31+s29] =	stream.linear.scatter @!p3 [tilespmem:s30], [sflag:$0x4], $0x80, $0x38;
	[tilespmem:$0x1C100] =	vst v63  }
0x517: {  	s30 =	sadd.s32 @!p3 $0x1000, s28;
	s31 =	sadd.s32 @!p3 $0x200, s2  }
0x518: {  	[hbm4b:s31+s29] =	stream.linear.scatter @!p3 [tilespmem:s30], [sflag:$0x4], $0x80, $0x38;
	[tilespmem:$0x1C100] =	vst v63  }
0x519: {  	s30 =	sadd.s32 @!p3 $0x1400, s28;
	s31 =	sadd.s32 @!p3 $0x280, s2  }
0x51a: {  	[hbm4b:s31+s29] =	stream.linear.scatter @!p3 [tilespmem:s30], [sflag:$0x4], $0x80, $0x38;
	[tilespmem:$0x1C100] =	vst v63  }
0x51b: {  	s30 =	sadd.s32 @!p3 $0x1800, s28;
	s31 =	sadd.s32 @!p3 $0x300, s2  }
0x51c: {  	[hbm4b:s31+s29] =	stream.linear.scatter @!p3 [tilespmem:s30], [sflag:$0x4], $0x80, $0x38;
	[tilespmem:$0x1C100] =	vst v63  }
0x51d: {  	s30 =	sadd.s32 @!p3 $0x1C00, s28;
	s31 =	sadd.s32 @!p3 $0x380, s2  }
0x51e: {  	[hbm4b:s31+s29] =	stream.linear.scatter @!p3 [tilespmem:s30], [sflag:$0x4], $0x80, $0x38;
	[tilespmem:$0x1C100] =	vst v63  }
0x51f: {  	s30 =	sadd.s32 $0xFFFFFFFC, s25  }
0x520: {  	s31 =	sadd.s32 @!p3 $0x2000, s28;
	p2 =	sge.s32 s30, s22;
	s30 =	sadd.s32 @!p3 $0x400, s2  }
0x521: {  	[hbm4b:s30+s29] =	stream.linear.scatter @!p3 [tilespmem:s31], [sflag:$0x4], $0x80, $0x38;
	(v2sf) =	vpush @!p2 v8, $0xB;
	[tilespmem:$0x1C100] =	vst v63  }
0x522: {  	s30 =	sadd.s32 @!p3 $0x2400, s28;
	s31 =	sadd.s32 @!p3 $0x480, s2  }
0x523: {  	[hbm4b:s31+s29] =	stream.linear.scatter @!p3 [tilespmem:s30], [sflag:$0x4], $0x80, $0x38;
	[tilespmem:$0x1C100] =	vst v63  }
0x524: {  	s30 =	sadd.s32 @!p3 $0x2800, s28;
	s31 =	sadd.s32 @!p3 $0x500, s2  }
0x525: {  	[hbm4b:s31+s29] =	stream.linear.scatter @!p3 [tilespmem:s30], [sflag:$0x4], $0x80, $0x38;
	[tilespmem:$0x1C100] =	vst v63  }
0x526: {  	s30 =	sadd.s32 @!p3 $0x2C00, s28;
	s31 =	sadd.s32 @!p3 $0x580, s2  }
0x527: {  	[hbm4b:s31+s29] =	stream.linear.scatter @!p3 [tilespmem:s30], [sflag:$0x4], $0x80, $0x38;
	[tilespmem:$0x1C100] =	vst v63  }
0x528: {  	s30 =	sadd.s32 @!p3 $0x3000, s28;
	s31 =	sadd.s32 @!p3 $0x600, s2  }
0x529: {  	[hbm4b:s31+s29] =	stream.linear.scatter @!p3 [tilespmem:s30], [sflag:$0x4], $0x80, $0x38;
	[tilespmem:$0x1C100] =	vst v63  }
0x52a: {  	s30 =	sadd.s32 @!p3 $0x3400, s28;
	s31 =	sadd.s32 @!p3 $0x680, s2  }
0x52b: {  	[hbm4b:s31+s29] =	stream.linear.scatter @!p3 [tilespmem:s30], [sflag:$0x4], $0x80, $0x38;
	[tilespmem:$0x1C100] =	vst v63  }
0x52c: {  	s30 =	sadd.s32 @!p3 $0x3800, s28;
	s31 =	sadd.s32 @!p3 $0x700, s2  }
0x52d: {  	[hbm4b:s31+s29] =	stream.linear.scatter @!p3 [tilespmem:s30], [sflag:$0x4], $0x80, $0x38;
	[tilespmem:$0x1C100] =	vst v63  }
0x52e: {  	s28 =	sadd.s32 @!p3 $0x3C00, s28;
	s2 =	sadd.s32 @!p3 $0x780, s2  }
0x52f: {  	[hbm4b:s2+s29] =	stream.linear.scatter @!p3 [tilespmem:s28], [sflag:$0x4], $0x80, $0x38;
	[tilespmem:$0x1C100] =	vst v63  }
0x530: {  	s2 =	spop @!p2 (v2sf)  }
0x531: {  	s28 =	sand.u32 @!p2 $0x78, s2  }
0x532: {  	s29 =	sshll.u32 @!p2 s2, $0x7;
	s30 =	sshll.u32 @!p2 s2, $0x4;
	s28 =	ssub.s32 @!p2 s28, s21  }
0x533: {  	s2 =	sand.u32 @!p2 $0x380, s2;
	s30 =	sand.u32 @!p2 $0xFFFFC000, s30;
	s28 =	sshll.u32 @!p2 s28, $0xD  }
0x534: {  	s29 =	sand.u32 @!p2 $0x380, s29;
	s2 =	sor.u32 @!p2 s2, s30;
	s28 =	sshra.s32 @!p2 s28, $0x2  }
0x535: {  	s2 =	sshrl.u32 @!p2 s2, $0x3;
	s28 =	sor.u32 @!p2 s29, s28  }
0x536: {  	s2 =	sadd.s32 @!p2 s3, s2;
	s29 =	simm.s32 @!p2 $0x0;
	s28 =	sadd.s32 @!p2 $0x14100, s28  }
0x537: {  	[hbm4b:s2+s29] =	stream.linear.scatter @!p2 [tilespmem:s28], [sflag:$0x4], $0x80, $0x38;
	[tilespmem:$0x1C100] =	vst v63  }
0x538: {  	s31 =	sadd.s32 @!p2 $0x80, s2;
	s30 =	sadd.s32 @!p2 $0x400, s28  }
0x539: {  	[hbm4b:s31+s29] =	stream.linear.scatter @!p2 [tilespmem:s30], [sflag:$0x4], $0x80, $0x38;
	[tilespmem:$0x1C100] =	vst v63  }
0x53a: {  	s30 =	sadd.s32 @!p2 $0x800, s28;
	s31 =	sadd.s32 @!p2 $0x100, s2  }
0x53b: {  	[hbm4b:s31+s29] =	stream.linear.scatter @!p2 [tilespmem:s30], [sflag:$0x4], $0x80, $0x38;
	[tilespmem:$0x1C100] =	vst v63  }
0x53c: {  	s30 =	sadd.s32 @!p2 $0xC00, s28;
	s31 =	sadd.s32 @!p2 $0x180, s2  }
0x53d: {  	[hbm4b:s31+s29] =	stream.linear.scatter @!p2 [tilespmem:s30], [sflag:$0x4], $0x80, $0x38;
	[tilespmem:$0x1C100] =	vst v63  }
0x53e: {  	s30 =	sadd.s32 @!p2 $0x1000, s28;
	s31 =	sadd.s32 @!p2 $0x200, s2  }
0x53f: {  	[hbm4b:s31+s29] =	stream.linear.scatter @!p2 [tilespmem:s30], [sflag:$0x4], $0x80, $0x38;
	[tilespmem:$0x1C100] =	vst v63  }
0x540: {  	s30 =	sadd.s32 @!p2 $0x1400, s28;
	s31 =	sadd.s32 @!p2 $0x280, s2  }
0x541: {  	[hbm4b:s31+s29] =	stream.linear.scatter @!p2 [tilespmem:s30], [sflag:$0x4], $0x80, $0x38;
	[tilespmem:$0x1C100] =	vst v63  }
0x542: {  	s30 =	sadd.s32 @!p2 $0x1800, s28;
	s31 =	sadd.s32 @!p2 $0x300, s2  }
0x543: {  	[hbm4b:s31+s29] =	stream.linear.scatter @!p2 [tilespmem:s30], [sflag:$0x4], $0x80, $0x38;
	[tilespmem:$0x1C100] =	vst v63  }
0x544: {  	s30 =	sadd.s32 @!p2 $0x1C00, s28;
	s31 =	sadd.s32 @!p2 $0x380, s2  }
0x545: {  	[hbm4b:s31+s29] =	stream.linear.scatter @!p2 [tilespmem:s30], [sflag:$0x4], $0x80, $0x38;
	[tilespmem:$0x1C100] =	vst v63  }
0x546: {  	s30 =	sadd.s32 $0xFFFFFFFD, s25  }
0x547: {  	s31 =	sadd.s32 @!p2 $0x2000, s28;
	p3 =	sge.s32 s30, s22;
	s30 =	sadd.s32 @!p2 $0x400, s2  }
0x548: {  	[hbm4b:s30+s29] =	stream.linear.scatter @!p2 [tilespmem:s31], [sflag:$0x4], $0x80, $0x38;
	(v2sf) =	vpush @!p3 v8, $0xC;
	[tilespmem:$0x1C100] =	vst v63  }
0x549: {  	s30 =	sadd.s32 @!p2 $0x2400, s28;
	s31 =	sadd.s32 @!p2 $0x480, s2  }
0x54a: {  	[hbm4b:s31+s29] =	stream.linear.scatter @!p2 [tilespmem:s30], [sflag:$0x4], $0x80, $0x38;
	[tilespmem:$0x1C100] =	vst v63  }
0x54b: {  	s30 =	sadd.s32 @!p2 $0x2800, s28;
	s31 =	sadd.s32 @!p2 $0x500, s2  }
0x54c: {  	[hbm4b:s31+s29] =	stream.linear.scatter @!p2 [tilespmem:s30], [sflag:$0x4], $0x80, $0x38;
	[tilespmem:$0x1C100] =	vst v63  }
0x54d: {  	s30 =	sadd.s32 @!p2 $0x2C00, s28;
	s31 =	sadd.s32 @!p2 $0x580, s2  }
0x54e: {  	[hbm4b:s31+s29] =	stream.linear.scatter @!p2 [tilespmem:s30], [sflag:$0x4], $0x80, $0x38;
	[tilespmem:$0x1C100] =	vst v63  }
0x54f: {  	s30 =	sadd.s32 @!p2 $0x3000, s28;
	s31 =	sadd.s32 @!p2 $0x600, s2  }
0x550: {  	[hbm4b:s31+s29] =	stream.linear.scatter @!p2 [tilespmem:s30], [sflag:$0x4], $0x80, $0x38;
	[tilespmem:$0x1C100] =	vst v63  }
0x551: {  	s30 =	sadd.s32 @!p2 $0x3400, s28;
	s31 =	sadd.s32 @!p2 $0x680, s2  }
0x552: {  	[hbm4b:s31+s29] =	stream.linear.scatter @!p2 [tilespmem:s30], [sflag:$0x4], $0x80, $0x38;
	[tilespmem:$0x1C100] =	vst v63  }
0x553: {  	s30 =	sadd.s32 @!p2 $0x3800, s28;
	s31 =	sadd.s32 @!p2 $0x700, s2  }
0x554: {  	[hbm4b:s31+s29] =	stream.linear.scatter @!p2 [tilespmem:s30], [sflag:$0x4], $0x80, $0x38;
	[tilespmem:$0x1C100] =	vst v63  }
0x555: {  	s28 =	sadd.s32 @!p2 $0x3C00, s28;
	s2 =	sadd.s32 @!p2 $0x780, s2  }
0x556: {  	[hbm4b:s2+s29] =	stream.linear.scatter @!p2 [tilespmem:s28], [sflag:$0x4], $0x80, $0x38;
	[tilespmem:$0x1C100] =	vst v63  }
0x557: {  	s2 =	spop @!p3 (v2sf)  }
0x558: {  	s28 =	sand.u32 @!p3 $0x78, s2  }
0x559: {  	s29 =	sshll.u32 @!p3 s2, $0x7;
	s30 =	sshll.u32 @!p3 s2, $0x4;
	s28 =	ssub.s32 @!p3 s28, s21  }
0x55a: {  	s2 =	sand.u32 @!p3 $0x380, s2;
	s30 =	sand.u32 @!p3 $0xFFFFC000, s30;
	s28 =	sshll.u32 @!p3 s28, $0xD  }
0x55b: {  	s29 =	sand.u32 @!p3 $0x380, s29;
	s2 =	sor.u32 @!p3 s2, s30;
	s28 =	sshra.s32 @!p3 s28, $0x2  }
0x55c: {  	s2 =	sshrl.u32 @!p3 s2, $0x3;
	s28 =	sor.u32 @!p3 s29, s28  }
0x55d: {  	s2 =	sadd.s32 @!p3 s3, s2;
	s29 =	simm.s32 @!p3 $0x0;
	s28 =	sadd.s32 @!p3 $0x14100, s28  }
0x55e: {  	[hbm4b:s2+s29] =	stream.linear.scatter @!p3 [tilespmem:s28], [sflag:$0x4], $0x80, $0x38;
	[tilespmem:$0x1C100] =	vst v63  }
0x55f: {  	s31 =	sadd.s32 @!p3 $0x80, s2;
	s30 =	sadd.s32 @!p3 $0x400, s28  }
0x560: {  	[hbm4b:s31+s29] =	stream.linear.scatter @!p3 [tilespmem:s30], [sflag:$0x4], $0x80, $0x38;
	[tilespmem:$0x1C100] =	vst v63  }
0x561: {  	s30 =	sadd.s32 @!p3 $0x800, s28;
	s31 =	sadd.s32 @!p3 $0x100, s2  }
0x562: {  	[hbm4b:s31+s29] =	stream.linear.scatter @!p3 [tilespmem:s30], [sflag:$0x4], $0x80, $0x38;
	[tilespmem:$0x1C100] =	vst v63  }
0x563: {  	s30 =	sadd.s32 @!p3 $0xC00, s28;
	s31 =	sadd.s32 @!p3 $0x180, s2  }
0x564: {  	[hbm4b:s31+s29] =	stream.linear.scatter @!p3 [tilespmem:s30], [sflag:$0x4], $0x80, $0x38;
	[tilespmem:$0x1C100] =	vst v63  }
0x565: {  	s30 =	sadd.s32 @!p3 $0x1000, s28;
	s31 =	sadd.s32 @!p3 $0x200, s2  }
0x566: {  	[hbm4b:s31+s29] =	stream.linear.scatter @!p3 [tilespmem:s30], [sflag:$0x4], $0x80, $0x38;
	[tilespmem:$0x1C100] =	vst v63  }
0x567: {  	s30 =	sadd.s32 @!p3 $0x1400, s28;
	s31 =	sadd.s32 @!p3 $0x280, s2  }
0x568: {  	[hbm4b:s31+s29] =	stream.linear.scatter @!p3 [tilespmem:s30], [sflag:$0x4], $0x80, $0x38;
	[tilespmem:$0x1C100] =	vst v63  }
0x569: {  	s30 =	sadd.s32 @!p3 $0x1800, s28;
	s31 =	sadd.s32 @!p3 $0x300, s2  }
0x56a: {  	[hbm4b:s31+s29] =	stream.linear.scatter @!p3 [tilespmem:s30], [sflag:$0x4], $0x80, $0x38;
	[tilespmem:$0x1C100] =	vst v63  }
0x56b: {  	s30 =	sadd.s32 @!p3 $0x1C00, s28;
	s31 =	sadd.s32 @!p3 $0x380, s2  }
0x56c: {  	[hbm4b:s31+s29] =	stream.linear.scatter @!p3 [tilespmem:s30], [sflag:$0x4], $0x80, $0x38;
	[tilespmem:$0x1C100] =	vst v63  }
0x56d: {  	s30 =	sadd.s32 $0xFFFFFFFE, s25  }
0x56e: {  	s31 =	sadd.s32 @!p3 $0x2000, s28;
	p2 =	sge.s32 s30, s22;
	s30 =	sadd.s32 @!p3 $0x400, s2  }
0x56f: {  	[hbm4b:s30+s29] =	stream.linear.scatter @!p3 [tilespmem:s31], [sflag:$0x4], $0x80, $0x38;
	(v2sf) =	vpush @!p2 v8, $0xD;
	[tilespmem:$0x1C100] =	vst v63  }
0x570: {  	s30 =	sadd.s32 @!p3 $0x2400, s28;
	s31 =	sadd.s32 @!p3 $0x480, s2  }
0x571: {  	[hbm4b:s31+s29] =	stream.linear.scatter @!p3 [tilespmem:s30], [sflag:$0x4], $0x80, $0x38;
	[tilespmem:$0x1C100] =	vst v63  }
0x572: {  	s30 =	sadd.s32 @!p3 $0x2800, s28;
	s31 =	sadd.s32 @!p3 $0x500, s2  }
0x573: {  	[hbm4b:s31+s29] =	stream.linear.scatter @!p3 [tilespmem:s30], [sflag:$0x4], $0x80, $0x38;
	[tilespmem:$0x1C100] =	vst v63  }
0x574: {  	s30 =	sadd.s32 @!p3 $0x2C00, s28;
	s31 =	sadd.s32 @!p3 $0x580, s2  }
0x575: {  	[hbm4b:s31+s29] =	stream.linear.scatter @!p3 [tilespmem:s30], [sflag:$0x4], $0x80, $0x38;
	[tilespmem:$0x1C100] =	vst v63  }
0x576: {  	s30 =	sadd.s32 @!p3 $0x3000, s28;
	s31 =	sadd.s32 @!p3 $0x600, s2  }
0x577: {  	[hbm4b:s31+s29] =	stream.linear.scatter @!p3 [tilespmem:s30], [sflag:$0x4], $0x80, $0x38;
	[tilespmem:$0x1C100] =	vst v63  }
0x578: {  	s30 =	sadd.s32 @!p3 $0x3400, s28;
	s31 =	sadd.s32 @!p3 $0x680, s2  }
0x579: {  	[hbm4b:s31+s29] =	stream.linear.scatter @!p3 [tilespmem:s30], [sflag:$0x4], $0x80, $0x38;
	[tilespmem:$0x1C100] =	vst v63  }
0x57a: {  	s30 =	sadd.s32 @!p3 $0x3800, s28;
	s31 =	sadd.s32 @!p3 $0x700, s2  }
0x57b: {  	[hbm4b:s31+s29] =	stream.linear.scatter @!p3 [tilespmem:s30], [sflag:$0x4], $0x80, $0x38;
	[tilespmem:$0x1C100] =	vst v63  }
0x57c: {  	s28 =	sadd.s32 @!p3 $0x3C00, s28;
	s2 =	sadd.s32 @!p3 $0x780, s2  }
0x57d: {  	[hbm4b:s2+s29] =	stream.linear.scatter @!p3 [tilespmem:s28], [sflag:$0x4], $0x80, $0x38;
	[tilespmem:$0x1C100] =	vst v63  }
0x57e: {  	s2 =	spop @!p2 (v2sf)  }
0x57f: {  	s28 =	sand.u32 @!p2 $0x78, s2  }
0x580: {  	s29 =	sshll.u32 @!p2 s2, $0x7;
	s30 =	sshll.u32 @!p2 s2, $0x4;
	s28 =	ssub.s32 @!p2 s28, s21  }
0x581: {  	s2 =	sand.u32 @!p2 $0x380, s2;
	s30 =	sand.u32 @!p2 $0xFFFFC000, s30;
	s28 =	sshll.u32 @!p2 s28, $0xD  }
0x582: {  	s29 =	sand.u32 @!p2 $0x380, s29;
	s2 =	sor.u32 @!p2 s2, s30;
	s28 =	sshra.s32 @!p2 s28, $0x2  }
0x583: {  	s2 =	sshrl.u32 @!p2 s2, $0x3;
	s28 =	sor.u32 @!p2 s29, s28  }
0x584: {  	s2 =	sadd.s32 @!p2 s3, s2;
	s29 =	simm.s32 @!p2 $0x0;
	s28 =	sadd.s32 @!p2 $0x14100, s28  }
0x585: {  	[hbm4b:s2+s29] =	stream.linear.scatter @!p2 [tilespmem:s28], [sflag:$0x4], $0x80, $0x38;
	[tilespmem:$0x1C100] =	vst v63  }
0x586: {  	s31 =	sadd.s32 @!p2 $0x80, s2;
	s30 =	sadd.s32 @!p2 $0x400, s28  }
0x587: {  	[hbm4b:s31+s29] =	stream.linear.scatter @!p2 [tilespmem:s30], [sflag:$0x4], $0x80, $0x38;
	[tilespmem:$0x1C100] =	vst v63  }
0x588: {  	s30 =	sadd.s32 @!p2 $0x800, s28;
	s31 =	sadd.s32 @!p2 $0x100, s2  }
0x589: {  	[hbm4b:s31+s29] =	stream.linear.scatter @!p2 [tilespmem:s30], [sflag:$0x4], $0x80, $0x38;
	[tilespmem:$0x1C100] =	vst v63  }
0x58a: {  	s30 =	sadd.s32 @!p2 $0xC00, s28;
	s31 =	sadd.s32 @!p2 $0x180, s2  }
0x58b: {  	[hbm4b:s31+s29] =	stream.linear.scatter @!p2 [tilespmem:s30], [sflag:$0x4], $0x80, $0x38;
	[tilespmem:$0x1C100] =	vst v63  }
0x58c: {  	s30 =	sadd.s32 @!p2 $0x1000, s28;
	s31 =	sadd.s32 @!p2 $0x200, s2  }
0x58d: {  	[hbm4b:s31+s29] =	stream.linear.scatter @!p2 [tilespmem:s30], [sflag:$0x4], $0x80, $0x38;
	[tilespmem:$0x1C100] =	vst v63  }
0x58e: {  	s30 =	sadd.s32 @!p2 $0x1400, s28;
	s31 =	sadd.s32 @!p2 $0x280, s2  }
0x58f: {  	[hbm4b:s31+s29] =	stream.linear.scatter @!p2 [tilespmem:s30], [sflag:$0x4], $0x80, $0x38;
	[tilespmem:$0x1C100] =	vst v63  }
0x590: {  	s30 =	sadd.s32 @!p2 $0x1800, s28;
	s31 =	sadd.s32 @!p2 $0x300, s2  }
0x591: {  	[hbm4b:s31+s29] =	stream.linear.scatter @!p2 [tilespmem:s30], [sflag:$0x4], $0x80, $0x38;
	[tilespmem:$0x1C100] =	vst v63  }
0x592: {  	s30 =	sadd.s32 @!p2 $0x1C00, s28;
	s31 =	sadd.s32 @!p2 $0x380, s2  }
0x593: {  	[hbm4b:s31+s29] =	stream.linear.scatter @!p2 [tilespmem:s30], [sflag:$0x4], $0x80, $0x38;
	[tilespmem:$0x1C100] =	vst v63  }
0x594: {  	s30 =	sadd.s32 $0xFFFFFFFF, s25  }
0x595: {  	s31 =	sadd.s32 @!p2 $0x2000, s28;
	p3 =	sge.s32 s30, s22;
	s30 =	sadd.s32 @!p2 $0x400, s2  }
0x596: {  	[hbm4b:s30+s29] =	stream.linear.scatter @!p2 [tilespmem:s31], [sflag:$0x4], $0x80, $0x38;
	(v2sf) =	vpush @!p3 v8, $0xE;
	[tilespmem:$0x1C100] =	vst v63  }
0x597: {  	s30 =	sadd.s32 @!p2 $0x2400, s28;
	s31 =	sadd.s32 @!p2 $0x480, s2  }
0x598: {  	[hbm4b:s31+s29] =	stream.linear.scatter @!p2 [tilespmem:s30], [sflag:$0x4], $0x80, $0x38;
	[tilespmem:$0x1C100] =	vst v63  }
0x599: {  	s30 =	sadd.s32 @!p2 $0x2800, s28;
	s31 =	sadd.s32 @!p2 $0x500, s2  }
0x59a: {  	[hbm4b:s31+s29] =	stream.linear.scatter @!p2 [tilespmem:s30], [sflag:$0x4], $0x80, $0x38;
	[tilespmem:$0x1C100] =	vst v63  }
0x59b: {  	s30 =	sadd.s32 @!p2 $0x2C00, s28;
	s31 =	sadd.s32 @!p2 $0x580, s2  }
0x59c: {  	[hbm4b:s31+s29] =	stream.linear.scatter @!p2 [tilespmem:s30], [sflag:$0x4], $0x80, $0x38;
	[tilespmem:$0x1C100] =	vst v63  }
0x59d: {  	s30 =	sadd.s32 @!p2 $0x3000, s28;
	s31 =	sadd.s32 @!p2 $0x600, s2  }
0x59e: {  	[hbm4b:s31+s29] =	stream.linear.scatter @!p2 [tilespmem:s30], [sflag:$0x4], $0x80, $0x38;
	[tilespmem:$0x1C100] =	vst v63  }
0x59f: {  	s30 =	sadd.s32 @!p2 $0x3400, s28;
	s31 =	sadd.s32 @!p2 $0x680, s2  }
0x5a0: {  	[hbm4b:s31+s29] =	stream.linear.scatter @!p2 [tilespmem:s30], [sflag:$0x4], $0x80, $0x38;
	[tilespmem:$0x1C100] =	vst v63  }
0x5a1: {  	s30 =	sadd.s32 @!p2 $0x3800, s28;
	s31 =	sadd.s32 @!p2 $0x700, s2  }
0x5a2: {  	[hbm4b:s31+s29] =	stream.linear.scatter @!p2 [tilespmem:s30], [sflag:$0x4], $0x80, $0x38;
	[tilespmem:$0x1C100] =	vst v63  }
0x5a3: {  	s28 =	sadd.s32 @!p2 $0x3C00, s28;
	s2 =	sadd.s32 @!p2 $0x780, s2  }
0x5a4: {  	[hbm4b:s2+s29] =	stream.linear.scatter @!p2 [tilespmem:s28], [sflag:$0x4], $0x80, $0x38;
	[tilespmem:$0x1C100] =	vst v63  }
0x5a5: {  	s2 =	spop @!p3 (v2sf)  }
0x5a6: {  	s28 =	sand.u32 @!p3 $0x78, s2  }
0x5a7: {  	s29 =	sshll.u32 @!p3 s2, $0x7;
	s30 =	sshll.u32 @!p3 s2, $0x4;
	s28 =	ssub.s32 @!p3 s28, s21  }
0x5a8: {  	s2 =	sand.u32 @!p3 $0x380, s2;
	s30 =	sand.u32 @!p3 $0xFFFFC000, s30;
	s28 =	sshll.u32 @!p3 s28, $0xD  }
0x5a9: {  	s29 =	sand.u32 @!p3 $0x380, s29;
	s2 =	sor.u32 @!p3 s2, s30;
	s28 =	sshra.s32 @!p3 s28, $0x2  }
0x5aa: {  	s2 =	sshrl.u32 @!p3 s2, $0x3;
	s28 =	sor.u32 @!p3 s29, s28  }
0x5ab: {  	s2 =	sadd.s32 @!p3 s3, s2;
	s29 =	simm.s32 @!p3 $0x0;
	s28 =	sadd.s32 @!p3 $0x14100, s28  }
0x5ac: {  	[hbm4b:s2+s29] =	stream.linear.scatter @!p3 [tilespmem:s28], [sflag:$0x4], $0x80, $0x38;
	[tilespmem:$0x1C100] =	vst v63  }
0x5ad: {  	s31 =	sadd.s32 @!p3 $0x80, s2;
	s30 =	sadd.s32 @!p3 $0x400, s28  }
0x5ae: {  	[hbm4b:s31+s29] =	stream.linear.scatter @!p3 [tilespmem:s30], [sflag:$0x4], $0x80, $0x38;
	[tilespmem:$0x1C100] =	vst v63  }
0x5af: {  	s30 =	sadd.s32 @!p3 $0x800, s28;
	s31 =	sadd.s32 @!p3 $0x100, s2  }
0x5b0: {  	[hbm4b:s31+s29] =	stream.linear.scatter @!p3 [tilespmem:s30], [sflag:$0x4], $0x80, $0x38;
	[tilespmem:$0x1C100] =	vst v63  }
0x5b1: {  	s30 =	sadd.s32 @!p3 $0xC00, s28;
	s31 =	sadd.s32 @!p3 $0x180, s2  }
0x5b2: {  	[hbm4b:s31+s29] =	stream.linear.scatter @!p3 [tilespmem:s30], [sflag:$0x4], $0x80, $0x38;
	[tilespmem:$0x1C100] =	vst v63  }
0x5b3: {  	s30 =	sadd.s32 @!p3 $0x1000, s28;
	s31 =	sadd.s32 @!p3 $0x200, s2  }
0x5b4: {  	[hbm4b:s31+s29] =	stream.linear.scatter @!p3 [tilespmem:s30], [sflag:$0x4], $0x80, $0x38;
	[tilespmem:$0x1C100] =	vst v63  }
0x5b5: {  	s30 =	sadd.s32 @!p3 $0x1400, s28;
	s31 =	sadd.s32 @!p3 $0x280, s2  }
0x5b6: {  	[hbm4b:s31+s29] =	stream.linear.scatter @!p3 [tilespmem:s30], [sflag:$0x4], $0x80, $0x38;
	[tilespmem:$0x1C100] =	vst v63  }
0x5b7: {  	s30 =	sadd.s32 @!p3 $0x1800, s28;
	s31 =	sadd.s32 @!p3 $0x300, s2  }
0x5b8: {  	[hbm4b:s31+s29] =	stream.linear.scatter @!p3 [tilespmem:s30], [sflag:$0x4], $0x80, $0x38;
	[tilespmem:$0x1C100] =	vst v63  }
0x5b9: {  	s30 =	sadd.s32 @!p3 $0x1C00, s28;
	s31 =	sadd.s32 @!p3 $0x380, s2  }
0x5ba: {  	[hbm4b:s31+s29] =	stream.linear.scatter @!p3 [tilespmem:s30], [sflag:$0x4], $0x80, $0x38;
	[tilespmem:$0x1C100] =	vst v63  }
0x5bb: {  	p2 =	sge.s32 s25, s22;
	s30 =	sadd.s32 @!p3 $0x2000, s28;
	s31 =	sadd.s32 @!p3 $0x400, s2  }
0x5bc: {  	(v2sf) =	vpush @!p2 v8, $0xF;
	[hbm4b:s31+s29] =	stream.linear.scatter @!p3 [tilespmem:s30], [sflag:$0x4], $0x80, $0x38;
	[tilespmem:$0x1C100] =	vst v63  }
0x5bd: {  	s30 =	sadd.s32 @!p3 $0x2400, s28;
	s31 =	sadd.s32 @!p3 $0x480, s2  }
0x5be: {  	[hbm4b:s31+s29] =	stream.linear.scatter @!p3 [tilespmem:s30], [sflag:$0x4], $0x80, $0x38;
	[tilespmem:$0x1C100] =	vst v63  }
0x5bf: {  	s30 =	sadd.s32 @!p3 $0x2800, s28;
	s31 =	sadd.s32 @!p3 $0x500, s2  }
0x5c0: {  	[hbm4b:s31+s29] =	stream.linear.scatter @!p3 [tilespmem:s30], [sflag:$0x4], $0x80, $0x38;
	[tilespmem:$0x1C100] =	vst v63  }
0x5c1: {  	s30 =	sadd.s32 @!p3 $0x2C00, s28;
	s31 =	sadd.s32 @!p3 $0x580, s2  }
0x5c2: {  	[hbm4b:s31+s29] =	stream.linear.scatter @!p3 [tilespmem:s30], [sflag:$0x4], $0x80, $0x38;
	[tilespmem:$0x1C100] =	vst v63  }
0x5c3: {  	s30 =	sadd.s32 @!p3 $0x3000, s28;
	s31 =	sadd.s32 @!p3 $0x600, s2  }
0x5c4: {  	[hbm4b:s31+s29] =	stream.linear.scatter @!p3 [tilespmem:s30], [sflag:$0x4], $0x80, $0x38;
	[tilespmem:$0x1C100] =	vst v63  }
0x5c5: {  	s30 =	sadd.s32 @!p3 $0x3400, s28;
	s31 =	sadd.s32 @!p3 $0x680, s2  }
0x5c6: {  	[hbm4b:s31+s29] =	stream.linear.scatter @!p3 [tilespmem:s30], [sflag:$0x4], $0x80, $0x38;
	[tilespmem:$0x1C100] =	vst v63  }
0x5c7: {  	s30 =	sadd.s32 @!p3 $0x3800, s28;
	s31 =	sadd.s32 @!p3 $0x700, s2  }
0x5c8: {  	[hbm4b:s31+s29] =	stream.linear.scatter @!p3 [tilespmem:s30], [sflag:$0x4], $0x80, $0x38;
	[tilespmem:$0x1C100] =	vst v63  }
0x5c9: {  	s28 =	sadd.s32 @!p3 $0x3C00, s28;
	s2 =	sadd.s32 @!p3 $0x780, s2  }
0x5ca: {  	[hbm4b:s2+s29] =	stream.linear.scatter @!p3 [tilespmem:s28], [sflag:$0x4], $0x80, $0x38;
	[tilespmem:$0x1C100] =	vst v63  }
0x5cb: {  	s2 =	spop @!p2 (v2sf)  }
0x5cc: {  	s28 =	sand.u32 @!p2 $0x78, s2  }
0x5cd: {  	s29 =	sshll.u32 @!p2 s2, $0x7;
	s30 =	sshll.u32 @!p2 s2, $0x4;
	s28 =	ssub.s32 @!p2 s28, s21  }
0x5ce: {  	s2 =	sand.u32 @!p2 $0x380, s2;
	s30 =	sand.u32 @!p2 $0xFFFFC000, s30;
	s28 =	sshll.u32 @!p2 s28, $0xD  }
0x5cf: {  	s29 =	sand.u32 @!p2 $0x380, s29;
	s2 =	sor.u32 @!p2 s2, s30;
	s28 =	sshra.s32 @!p2 s28, $0x2  }
0x5d0: {  	s2 =	sshrl.u32 @!p2 s2, $0x3;
	s28 =	sor.u32 @!p2 s29, s28  }
0x5d1: {  	s2 =	sadd.s32 @!p2 s3, s2;
	s29 =	simm.s32 @!p2 $0x0;
	s28 =	sadd.s32 @!p2 $0x14100, s28  }
0x5d2: {  	[hbm4b:s2+s29] =	stream.linear.scatter @!p2 [tilespmem:s28], [sflag:$0x4], $0x80, $0x38;
	[tilespmem:$0x1C100] =	vst v63  }
0x5d3: {  	s31 =	sadd.s32 @!p2 $0x80, s2;
	s30 =	sadd.s32 @!p2 $0x400, s28  }
0x5d4: {  	[hbm4b:s31+s29] =	stream.linear.scatter @!p2 [tilespmem:s30], [sflag:$0x4], $0x80, $0x38;
	[tilespmem:$0x1C100] =	vst v63  }
0x5d5: {  	s30 =	sadd.s32 @!p2 $0x800, s28;
	s31 =	sadd.s32 @!p2 $0x100, s2  }
0x5d6: {  	[hbm4b:s31+s29] =	stream.linear.scatter @!p2 [tilespmem:s30], [sflag:$0x4], $0x80, $0x38;
	[tilespmem:$0x1C100] =	vst v63  }
0x5d7: {  	s30 =	sadd.s32 @!p2 $0xC00, s28;
	s31 =	sadd.s32 @!p2 $0x180, s2  }
0x5d8: {  	[hbm4b:s31+s29] =	stream.linear.scatter @!p2 [tilespmem:s30], [sflag:$0x4], $0x80, $0x38;
	[tilespmem:$0x1C100] =	vst v63  }
0x5d9: {  	s30 =	sadd.s32 @!p2 $0x1000, s28;
	s31 =	sadd.s32 @!p2 $0x200, s2  }
0x5da: {  	[hbm4b:s31+s29] =	stream.linear.scatter @!p2 [tilespmem:s30], [sflag:$0x4], $0x80, $0x38;
	[tilespmem:$0x1C100] =	vst v63  }
0x5db: {  	s30 =	sadd.s32 @!p2 $0x1400, s28;
	s31 =	sadd.s32 @!p2 $0x280, s2  }
0x5dc: {  	[hbm4b:s31+s29] =	stream.linear.scatter @!p2 [tilespmem:s30], [sflag:$0x4], $0x80, $0x38;
	[tilespmem:$0x1C100] =	vst v63  }
0x5dd: {  	s30 =	sadd.s32 @!p2 $0x1800, s28;
	s31 =	sadd.s32 @!p2 $0x300, s2  }
0x5de: {  	[hbm4b:s31+s29] =	stream.linear.scatter @!p2 [tilespmem:s30], [sflag:$0x4], $0x80, $0x38;
	[tilespmem:$0x1C100] =	vst v63  }
0x5df: {  	s30 =	sadd.s32 @!p2 $0x1C00, s28;
	s31 =	sadd.s32 @!p2 $0x380, s2  }
0x5e0: {  	[hbm4b:s31+s29] =	stream.linear.scatter @!p2 [tilespmem:s30], [sflag:$0x4], $0x80, $0x38;
	[tilespmem:$0x1C100] =	vst v63  }
0x5e1: {  	s30 =	sadd.s32 @!p2 $0x2000, s28;
	s31 =	sadd.s32 @!p2 $0x400, s2  }
0x5e2: {  	[hbm4b:s31+s29] =	stream.linear.scatter @!p2 [tilespmem:s30], [sflag:$0x4], $0x80, $0x38;
	[tilespmem:$0x1C100] =	vst v63  }
0x5e3: {  	s30 =	sadd.s32 @!p2 $0x2400, s28;
	s31 =	sadd.s32 @!p2 $0x480, s2  }
0x5e4: {  	[hbm4b:s31+s29] =	stream.linear.scatter @!p2 [tilespmem:s30], [sflag:$0x4], $0x80, $0x38;
	[tilespmem:$0x1C100] =	vst v63  }
0x5e5: {  	s30 =	sadd.s32 @!p2 $0x2800, s28;
	s31 =	sadd.s32 @!p2 $0x500, s2  }
0x5e6: {  	[hbm4b:s31+s29] =	stream.linear.scatter @!p2 [tilespmem:s30], [sflag:$0x4], $0x80, $0x38;
	[tilespmem:$0x1C100] =	vst v63  }
0x5e7: {  	s30 =	sadd.s32 @!p2 $0x2C00, s28;
	s31 =	sadd.s32 @!p2 $0x580, s2  }
0x5e8: {  	[hbm4b:s31+s29] =	stream.linear.scatter @!p2 [tilespmem:s30], [sflag:$0x4], $0x80, $0x38;
	[tilespmem:$0x1C100] =	vst v63  }
0x5e9: {  	s30 =	sadd.s32 @!p2 $0x3000, s28;
	s31 =	sadd.s32 @!p2 $0x600, s2  }
0x5ea: {  	[hbm4b:s31+s29] =	stream.linear.scatter @!p2 [tilespmem:s30], [sflag:$0x4], $0x80, $0x38;
	[tilespmem:$0x1C100] =	vst v63  }
0x5eb: {  	s30 =	sadd.s32 @!p2 $0x3400, s28;
	s31 =	sadd.s32 @!p2 $0x680, s2  }
0x5ec: {  	[hbm4b:s31+s29] =	stream.linear.scatter @!p2 [tilespmem:s30], [sflag:$0x4], $0x80, $0x38;
	[tilespmem:$0x1C100] =	vst v63  }
0x5ed: {  	s30 =	sadd.s32 @!p2 $0x3800, s28;
	s31 =	sadd.s32 @!p2 $0x700, s2  }
0x5ee: {  	[hbm4b:s31+s29] =	stream.linear.scatter @!p2 [tilespmem:s30], [sflag:$0x4], $0x80, $0x38;
	[tilespmem:$0x1C100] =	vst v63  }
0x5ef: {  	s24 =	sadd.s32 $0xFFFFFFFF, s24;
	s28 =	sadd.s32 @!p2 $0x3C00, s28;
	s2 =	sadd.s32 @!p2 $0x780, s2  }
0x5f0: {  	[hbm4b:s2+s29] =	stream.linear.scatter @!p2 [tilespmem:s28], [sflag:$0x4], $0x80, $0x38;
	[tilespmem:$0x1C100] =	vst v63  }
0x5f1: {  	p2 =	sne.s32 s24, $0x0  }
.Ltmp22:
0x5f2: {  	_ = 	snop;
	(pc) =	sbr.rel @p2 .LBB2_35-.Ltmp22, $2  }
0x5f3: {  	_ =	sdelay $0x2  }
0x5f4: {  	s26 =	sadd.s32 $0x10, s26;
	s25 =	sadd.s32 $0x10, s25  }
.LBB2_36:
0x5f5: {  	s21 =	sand.u32 $0xF, s22  }
0x5f6: {  	s2 =	sshra.s32 s22, $0x1F;
	p2 =	slt.s32 s22, $0x1;
	p3 =	sne.s32 s21, $0x0  }
0x5f7: {  	s2 =	sshrl.u32 s2, $0x1C;
	p2 =	por !p2, !p3  }
0x5f8: {  	s2 =	sadd.s32 s2, s22;
	s22 =	simm.s32 $0x1;
	p2 =	por !p2, !p2  }
0x5f9: {  	s2 =	sshra.s32 s2, $0x4;
	s22 =	simm.s32 @!p2 $0x0  }
0x5fa: {  	s22 =	ssub.s32 s2, s22  }
0x5fb: {  	p2 =	sgt.s32 s22, $0x0  }
.Ltmp23:
0x5fc: {  	_ = 	snop;
	(pc) =	sbr.rel @!p2 .LBB2_37-.Ltmp23, $1  }
0x5fd: {  	_ =	sdelay $0x3  }
0x5fe: {  	p2 =	seq.s32 s22, $0x1  }
.Ltmp24:
0x5ff: {  	_ = 	snop;
	(pc) =	sbr.rel @p2 .LBB2_45-.Ltmp24, $3  }
0x600: {  	_ =	sdelay $0x1  }
0x601: {  	_ =	swait.ge [sflag:s16], $0x8000  }
0x602: {  	s22 =	sadd.s32 $0xFFFFFFFF, s22;
	[sflag:s16] =	ssyncset.done $0x0  }
.LBB2_44:
0x603: {  	p2 =	seq.s32 s22, $0x1;
	s22 =	sadd.s32 $0xFFFFFFFF, s22;
	[sflag:s16] =	ssyncadd.s32 $0xFFFF8000  }
.Ltmp25:
0x604: {  	(pc) =	sbr.rel @!p2 .LBB2_44-.Ltmp25, $3  }
0x605: {  	_ =	sdelay $0x1  }
0x606: {  	_ =	swait.ge [sflag:s16], $0x8000  }
0x607: {  	[sflag:s16] =	ssyncset.done $0x0  }
.LBB2_45:
0x608: {  	[sflag:s16] =	ssyncadd.s32 $0xFFFF8000  }
.LBB2_37:
0x609: {  	p2 =	seq.s32 s21, $0x0  }
.Ltmp26:
0x60a: {  	_ = 	snop;
	(pc) =	sbr.rel @p2 .LBB2_41-.Ltmp26, $1  }
0x60b: {  	_ =	sdelay $0x3  }
0x60c: {  	p2 =	sne.s32 s21, $0x1  }
.Ltmp27:
0x60d: {  	_ = 	snop;
	(pc) =	sbr.rel @!p2 .LBB2_40-.Ltmp27, $3  }
0x60e: {  	_ =	sdelay $0x1  }
0x60f: {  	_ =	swait.ge [sflag:s16], $0x800  }
0x610: {  	s21 =	sadd.s32 $0xFFFFFFFF, s21;
	[sflag:s16] =	ssyncset.done $0x0  }
.LBB2_39:
0x611: {  	p2 =	sne.s32 s21, $0x1;
	s21 =	sadd.s32 $0xFFFFFFFF, s21;
	[sflag:s16] =	ssyncadd.s32 $0xFFFFF800  }
.Ltmp28:
0x612: {  	(pc) =	sbr.rel @p2 .LBB2_39-.Ltmp28, $3  }
0x613: {  	_ =	sdelay $0x1  }
0x614: {  	_ =	swait.ge [sflag:s16], $0x800  }
0x615: {  	[sflag:s16] =	ssyncset.done $0x0  }
.LBB2_40:
0x616: {  	[sflag:s16] =	ssyncadd.s32 $0xFFFFF800  }
.LBB2_41:
.Ltmp29:
0x617: {  	(pc) =	sbr.rel @p1 .LBB2_46-.Ltmp29, $1  }
0x618: {  	_ =	sdelay $0x3  }
.Ltmp30:
0x619: {  	(pc) =	sbr.rel .LBB2_4-.Ltmp30, $3  }
0x61a: {  	_ =	sdelay $0x1  }
0x61b: {  	s2 =	sadd.s32 s23, s8;
	s20 =	sadd.s32 $0x1, s20  }
0x61c: {  	[tilespmem:s11], [sflag:$0x3] =	stream.linear.gather [hbm4b:s2+s4], $0x8000, $0x38;
	[tilespmem:$0x1C100] =	vst v63  }
.LBB2_7:
.Ltmp31:
0x61d: {  	(pc) =	sbr.rel .LBB2_12-.Ltmp31, $2  }
0x61e: {  	_ =	sdelay $0x2  }
0x61f: {  	s24 =	simm.s32 $0x0;
	v11 =	vimm.s32 $0x0  }
.LBB2_27:
.Ltmp32:
0x620: {  	(pc) =	sbr.rel .LBB2_32-.Ltmp32, $2  }
0x621: {  	_ =	sdelay $0x2  }
0x622: {  	s24 =	simm.s32 $0x0;
	v11 =	vimm.s32 $0x0  }
.LBB2_9:
.Ltmp33:
0x623: {  	(pc) =	sbr.rel .LBB2_12-.Ltmp33, $2  }
0x624: {  	_ =	sdelay $0x2  }
0x625: {  	s24 =	simm.s32 $0x0;
	v13 =	vmov v12;
	v11 =	vmov v12  }
.LBB2_29:
.Ltmp34:
0x626: {  	(pc) =	sbr.rel .LBB2_32-.Ltmp34, $2  }
0x627: {  	_ =	sdelay $0x2  }
0x628: {  	s24 =	simm.s32 $0x0;
	v13 =	vmov v12;
	v11 =	vmov v12  }
.LBB2_47:
0x629: {  	_ =	sfence.sel $0x180000  }
0x62a: {  	[bflag:$0x0] =	sbarrier.arrive $0xFFFF  }
0x62b: {  	_ =	strace $0x90000047  }
0x62c: {  	[bflag:$0x2] =	sbarrier.arrive $0xFFFF  }
0x62d: {  	p0 =	sne.s32 s0, $0x0;
	s0 =	rddreg [dreg:$0x3]  }
0x62e: {  	s0 =	sadd.s32 @!p0 $0x100000, s0  }
0x62f: {  	[sflag:s0] =	ssyncadd.tile.s32 @!p0 $0x1;
	_ =	shalt  }
.Lfunc_end2:
_tile_overlayer_lowered:
.L_overlay_start_2:
0x630: {  	(tag) =	ssettag $0x2  }
0x631: {  	s0 =	rddreg [dreg:$0x0];
	s2 =	stileid.u32  }
0x632: {  	s1 =	rddreg [dreg:$0x1];
	p0 =	sne.s32 s2, $0x0  }
0x633: {  	s3 =	rddreg [dreg:$0x2];
	[bflag:$0x3] =	sbarrier.arrive $0xFFFF;
	s2 =	simm.s32 @!p0 $0x1C05  }
0x634: {  	[timem:s3], [sflag:s2] =	dma.local @!p0 [hbm:s0], s1  }
0x635: {  	s0 =	simm.s32 @!p0 $0x5  }
0x636: {  	_ =	swait.ge @!p0 [sflag:s0], s1  }
0x637: {  	s1 =	ssub.s32 @!p0 $0x0, s1;
	[sflag:s0] =	ssyncset.done @!p0 $0x0  }
0x638: {  	[sflag:s0] =	ssyncadd.s32 @!p0 s1  }
0x639: {  	[bflag:$0x3] =	sbarrier.arrive $0xFFFF  }
0x63a: {  	_ =	shalt  }

</sc_bundles>
